<compile_context>
chip_gen: v7x
topology: tpu7x:2x2x1
jax: 0.10.2.dev20260603
libtpu: 0.0.44.dev20260713+nightly
codegen_flags: <defaults>
</compile_context>

<pallas_src>
import functools

import jax
import jax.numpy as jnp
from jax import lax
from jax.experimental import pallas as pl
from jax.experimental.pallas import tpu as pltpu
from jax.experimental.pallas import tpu_sc as plsc

_N = 10000
_E = 160000
_NTILES = 16
_EPT = _E // _NTILES
_CK = 80
_NCH = _EPT // _CK
_RB = 2000
_ZR = 640


def _dot(a, b):
    return jax.lax.dot_general(
        a.astype(jnp.bfloat16), b.astype(jnp.bfloat16),
        (((1,), (0,)), ((), ())),
        preferred_element_type=jnp.float32)


def _make_agg(d2):
    ck, nch = _CK, _NCH
    mesh = plsc.VectorSubcoreMesh(core_axis_name="c", subcore_axis_name="s")

    @functools.partial(
        pl.kernel,
        out_type=(jax.ShapeDtypeStruct((_N, d2), jnp.float32),
                  jax.ShapeDtypeStruct((_N, d2), jnp.float32)),
        mesh=mesh,
        scratch_types=[
            pltpu.VMEM((_EPT,), jnp.int32),
            pltpu.VMEM((nch, ck), jnp.int32),
            pltpu.VMEM((ck, d2), jnp.float32),
            pltpu.VMEM_SHARED((_N, d2), jnp.float32),
            pltpu.SemaphoreType.DMA,
        ],
        compiler_params=pltpu.CompilerParams(use_tc_tiling_on_sc=False),
    )
    def agg(h0, h1, rows2, cols, zeros, out0, out1,
            cols_v, rows_v, gbuf, acc, gsem):
        c = lax.axis_index("c")
        s = lax.axis_index("s")
        base = jnp.minimum(s * _ZR, _N - _ZR)

        pltpu.sync_copy(zeros.at[pl.ds(base, _ZR)], acc.at[pl.ds(base, _ZR)])
        pltpu.sync_copy(cols.at[pl.ds(s * _EPT, _EPT)], cols_v)
        pltpu.sync_copy(rows2.at[s], rows_v)
        plsc.subcore_barrier()

        def loop(h):
            def body(j, carry):
                off = pl.multiple_of(j * ck, 8)
                idx = cols_v.at[pl.ds(off, ck)]
                pltpu.async_copy(h.at[idx], gbuf, gsem).wait()
                pltpu.sync_copy(gbuf, acc.at[rows_v.at[j]], add=True)
                return carry
            lax.fori_loop(0, nch, body, 0)

        pl.when(c == 0)(lambda: loop(h0))
        pl.when(c == 1)(lambda: loop(h1))
        plsc.subcore_barrier()

        def wb(out):
            pltpu.sync_copy(acc.at[pl.ds(base, _ZR)], out.at[pl.ds(base, _ZR)])
        pl.when(c == 0)(lambda: wb(out0))
        pl.when(c == 1)(lambda: wb(out1))

    return agg


def _bn_relu(z, g, be):
    m = jnp.mean(z, axis=0, keepdims=True)
    v = jnp.mean((z - m) ** 2, axis=0, keepdims=True)
    return jnp.maximum((z - m) * jax.lax.rsqrt(v + 1e-5) * g + be, 0.0)


def _matmul_split(h, w, nslabs):
    k = h.shape[1]
    dout = w.shape[1]
    ds_ = dout // nslabs

    def body(h_ref, w_ref, *out_refs):
        z = _dot(h_ref[...], w_ref[...])
        for t, o in enumerate(out_refs):
            o[...] = z[:, t * ds_:(t + 1) * ds_]

    return pl.pallas_call(
        body,
        grid=(_N // _RB,),
        in_specs=[
            pl.BlockSpec((_RB, k), lambda i: (i, 0)),
            pl.BlockSpec((k, dout), lambda i: (0, 0)),
        ],
        out_specs=tuple(pl.BlockSpec((_RB, ds_), lambda i: (i, 0))
                        for _ in range(nslabs)),
        out_shape=tuple(jax.ShapeDtypeStruct((_N, ds_), jnp.float32)
                        for _ in range(nslabs)),
    )(h, w)


def _matmul(h, w):
    k = h.shape[1]
    dout = w.shape[1]

    def body(h_ref, w_ref, out_ref):
        out_ref[...] = _dot(h_ref[...], w_ref[...])

    return pl.pallas_call(
        body,
        grid=(_N // _RB,),
        in_specs=[
            pl.BlockSpec((_RB, k), lambda i: (i, 0)),
            pl.BlockSpec((k, dout), lambda i: (0, 0)),
        ],
        out_specs=pl.BlockSpec((_RB, dout), lambda i: (i, 0)),
        out_shape=jax.ShapeDtypeStruct((_N, dout), jnp.float32),
    )(h, w)


def _bn_merge2(a0, a1, g, be):
    d2 = a0.shape[1]
    dout = 2 * d2

    def body(a0_ref, a1_ref, g_ref, be_ref, out_ref):
        out_ref[:, :d2] = _bn_relu(a0_ref[...], g_ref[:, :d2], be_ref[:, :d2])
        out_ref[:, d2:] = _bn_relu(a1_ref[...], g_ref[:, d2:], be_ref[:, d2:])

    return pl.pallas_call(
        body,
        out_shape=jax.ShapeDtypeStruct((_N, dout), jnp.float32),
    )(a0, a1, g, be)


def _bn_merge_stack(a_stack, g, be):
    nslabs = a_stack.shape[0]
    d2 = a_stack.shape[2]
    dout = nslabs * d2

    def body(a_ref, g_ref, be_ref, out_ref):
        out_ref[...] = _bn_relu(a_ref[0], g_ref[...], be_ref[...])

    return pl.pallas_call(
        body,
        grid=(nslabs,),
        in_specs=[
            pl.BlockSpec((1, _N, d2), lambda i: (i, 0, 0)),
            pl.BlockSpec((1, d2), lambda i: (0, i)),
            pl.BlockSpec((1, d2), lambda i: (0, i)),
        ],
        out_specs=pl.BlockSpec((_N, d2), lambda i: (0, i)),
        out_shape=jax.ShapeDtypeStruct((_N, dout), jnp.float32),
    )(a_stack, g, be)


def _bn_relu_call(z, g, be):
    dout = z.shape[1]
    bw = min(dout, 128)
    nb = dout // bw

    def body(z_ref, g_ref, be_ref, out_ref):
        out_ref[...] = _bn_relu(z_ref[...], g_ref[...], be_ref[...])

    return pl.pallas_call(
        body,
        grid=(nb,),
        in_specs=[
            pl.BlockSpec((_N, bw), lambda i: (0, i)),
            pl.BlockSpec((1, bw), lambda i: (0, i)),
            pl.BlockSpec((1, bw), lambda i: (0, i)),
        ],
        out_specs=pl.BlockSpec((_N, bw), lambda i: (0, i)),
        out_shape=jax.ShapeDtypeStruct((_N, dout), jnp.float32),
    )(z, g, be)


def _head(h, fc, fc4):
    r = lambda a: a.reshape(1, -1)
    for p in fc:
        h = _bn_relu_call(_matmul(h, p['W']), r(p['g']), r(p['be']))

    def out_body(h_ref, w, b, out_ref):
        out_ref[...] = _dot(h_ref[...], w[...]) + b[...]

    return pl.pallas_call(
        out_body, out_shape=jax.ShapeDtypeStruct((_N, 5), jnp.float32),
    )(h, fc4['W'], r(fc4['b']))


def kernel(features, edge_index, params):
    rows2 = edge_index[0].reshape(_NTILES, _NCH, _CK)
    cols = edge_index[1]

    gcn = params['gcn']
    zeros = jnp.zeros((_N, 128), jnp.float32)
    r = lambda a: a.reshape(1, -1)

    h = features
    for l in range(6):
        w = gcn[l]['W']
        dout = w.shape[1]
        g, be = r(gcn[l]['g']), r(gcn[l]['be'])
        if dout <= 256:
            d2 = dout // 2
            z0, z1 = _matmul_split(h, w, 2)
            a0, a1 = _make_agg(d2)(z0, z1, rows2, cols, zeros[:, :d2])
            h = _bn_merge2(a0, a1, g, be)
        else:
            z0, z1, z2, z3 = _matmul_split(h, w, 4)
            agg = _make_agg(128)
            a0, a1 = agg(z0, z1, rows2, cols, zeros)
            a2, a3 = agg(z2, z3, rows2, cols, zeros)
            h = _bn_merge_stack(jnp.stack([a0, a1, a2, a3]), g, be)

    return _head(h, params['fc'], params['fc4'])

# --- scband reference (transcript-rebuilt; emitter-appended) ---
"""Pipeline reference for scband-my-gcn-1-6038724018515 (READ-ONLY COPY).

The authoritative reference and input builder live on the scoring server;
editing this copy changes nothing except your own understanding.
"""

import jax, jax.numpy as jnp
import numpy as np

N = 10000
E = 160000
GCN_DIMS = [3, 16, 32, 64, 128, 256, 512]
FC_DIMS = [512, 256, 128, 64]
OUT = 5


def setup_inputs(seed: int = 0) -> dict:
    key = jax.random.key(seed)
    x = jax.random.normal(jax.random.fold_in(key, 0), (N, GCN_DIMS[0]), dtype=jnp.float32)
    edge_index = jax.random.randint(jax.random.fold_in(key, 1), (2, E), 0, N, dtype=jnp.int32)
    gcn = []
    for i in range(6):
        din, dout = GCN_DIMS[i], GCN_DIMS[i + 1]
        k = jax.random.fold_in(key, 100 + i)
        gcn.append({
            'W': jax.random.normal(k, (din, dout), dtype=jnp.float32) * np.sqrt(2.0 / din),
            'b': jax.random.uniform(jax.random.fold_in(k, 1), (dout,), dtype=jnp.float32),
            'g': jnp.ones((dout,), dtype=jnp.float32),
            'be': jnp.zeros((dout,), dtype=jnp.float32),
        })
    fc = []
    for i in range(3):
        din, dout = FC_DIMS[i], FC_DIMS[i + 1]
        k = jax.random.fold_in(key, 200 + i)
        fc.append({
            'W': jax.random.normal(k, (din, dout), dtype=jnp.float32) * np.sqrt(2.0 / din),
            'b': jnp.zeros((dout,), dtype=jnp.float32),
            'g': jnp.ones((dout,), dtype=jnp.float32),
            'be': jnp.zeros((dout,), dtype=jnp.float32),
        })
    k = jax.random.fold_in(key, 300)
    fc4 = {
        'W': jax.random.normal(k, (FC_DIMS[3], OUT), dtype=jnp.float32) * np.sqrt(2.0 / FC_DIMS[3]),
        'b': jnp.zeros((OUT,), dtype=jnp.float32),
    }
    params = {'gcn': gcn, 'fc': fc, 'fc4': fc4}
    return {'features': x, 'edge_index': edge_index, 'params': params}


def _bn(h, g, be):
    m = jnp.mean(h, axis=0)
    v = jnp.var(h, axis=0)
    return (h - m) / jnp.sqrt(v + 1e-5) * g + be


def _gcn(h, edge_index, W, b):
    support = h @ W
    msgs = jnp.take(support, edge_index[1], axis=0)
    agg = jax.ops.segment_sum(msgs, edge_index[0], num_segments=N)
    return agg + b


def reference(features, edge_index, params):
    h = features
    for p in params['gcn']:
        h = jax.nn.relu(_bn(_gcn(h, edge_index, p['W'], p['b']), p['g'], p['be']))
    for p in params['fc']:
        h = jax.nn.relu(_bn(h @ p['W'] + p['b'], p['g'], p['be']))
    h = h @ params['fc4']['W'] + params['fc4']['b']
    return h

if __name__ == "__main__":
    import jax
    _d = setup_inputs()
    print(jax.jit(kernel)(*tuple(_d.values())))

</pallas_src>

<mosaic_0001>
#map = affine_map<(d0, d1) -> (0, 0)>
#map1 = affine_map<(d0, d1) -> (0, 0, 0)>
#map2 = affine_map<(d0, d1) -> (0)>
module attributes {stable_mosaic.version = 14 : i64} {
  func.func @agg(%arg0: i32, %arg1: i32, %arg2: memref<10000x32xf32, #tpu.memory_space<hbm>>, %arg3: memref<10000x32xf32, #tpu.memory_space<hbm>>, %arg4: memref<16x125x80xi32, #tpu.memory_space<hbm>>, %arg5: memref<160000xi32, #tpu.memory_space<hbm>>, %arg6: memref<10000x32xf32, #tpu.memory_space<hbm>>, %arg7: memref<10000x32xf32, #tpu.memory_space<hbm>>, %arg8: memref<10000x32xf32, #tpu.memory_space<hbm>>, %arg9: memref<10000xi32, #tpu.memory_space<vmem>>, %arg10: memref<125x80xi32, #tpu.memory_space<vmem>>, %arg11: memref<80x32xf32, #tpu.memory_space<vmem>>, %arg12: memref<10000x32xf32, #tpu.memory_space<vmem_shared>>, %arg13: memref<!tpu.dma_semaphore, #tpu.memory_space<semaphore_mem>>) attributes {dimension_semantics = [#tpu.dimension_semantics<core_parallel>, #tpu.dimension_semantics<subcore_parallel>], iteration_bounds = array<i64: 2, 16>, scalar_prefetch = 0 : i64, scratch_operands = 5 : i64, tpu.core_type = #tpu.core_type<sc_vector_subcore>, window_params = [{transform_indices = #map}, {transform_indices = #map}, {transform_indices = #map1}, {transform_indices = #map2}, {transform_indices = #map}, {transform_indices = #map}, {transform_indices = #map}]} {
    %mul3A = arith.constant 640 : i32
    %mul3A_0 = arith.muli %arg1, %mul3A : i32
    %min3A = arith.constant 9360 : i32
    %min3A_1 = arith.minsi %mul3A_0, %min3A : i32
    "tpu.region"() ({
      %run_scoped3A = tpu.sem_alloc : memref<!tpu.dma_semaphore, #tpu.memory_space<semaphore_mem>>
      %dma_start3A = arith.constant 0 : i32
      %dma_start3A_22 = tpu.memref_slice %arg12[%min3A_1, %dma_start3A] : memref<10000x32xf32, #tpu.memory_space<vmem_shared>> -> memref<640x32xf32, #tpu.memory_space<vmem_shared>>
      %dma_start3A_23 = arith.constant 0 : i32
      %dma_start3A_24 = tpu.memref_slice %arg6[%min3A_1, %dma_start3A_23] : memref<10000x32xf32, #tpu.memory_space<hbm>> -> memref<640x32xf32, #tpu.memory_space<hbm>>
      tpu.enqueue_dma source(%dma_start3A_24 : memref<640x32xf32, #tpu.memory_space<hbm>>) target(%dma_start3A_22 : memref<640x32xf32, #tpu.memory_space<vmem_shared>>) target_semaphore(%run_scoped3A : memref<!tpu.dma_semaphore, #tpu.memory_space<semaphore_mem>>)
      %dma_wait3A = arith.constant 0 : i32
      %dma_wait3A_25 = tpu.memref_slice %arg12[%min3A_1, %dma_wait3A] : memref<10000x32xf32, #tpu.memory_space<vmem_shared>> -> memref<640x32xf32, #tpu.memory_space<vmem_shared>>
      %dma_wait3A_26 = arith.constant 0 : i32
      %dma_wait3A_27 = tpu.memref_slice %arg6[%min3A_1, %dma_wait3A_26] : memref<10000x32xf32, #tpu.memory_space<hbm>> -> memref<640x32xf32, #tpu.memory_space<hbm>>
      tpu.wait_dma2 semaphore(%run_scoped3A : memref<!tpu.dma_semaphore, #tpu.memory_space<semaphore_mem>>) src(%dma_wait3A_27 : memref<640x32xf32, #tpu.memory_space<hbm>>) dst(%dma_wait3A_25 : memref<640x32xf32, #tpu.memory_space<vmem_shared>>)
      tpu.yield
    }) : () -> ()
    %mul3A_2 = arith.constant 10000 : i32
    %mul3A_3 = arith.muli %arg1, %mul3A_2 : i32
    "tpu.region"() ({
      %run_scoped3A = tpu.sem_alloc : memref<!tpu.dma_semaphore, #tpu.memory_space<semaphore_mem>>
      %dma_start3A = tpu.memref_slice %arg5[%mul3A_3] : memref<160000xi32, #tpu.memory_space<hbm>> -> memref<10000xi32, #tpu.memory_space<hbm>>
      %dma_start3A_22 = tpu.memref_slice %arg5[%mul3A_3] : memref<160000xi32, #tpu.memory_space<hbm>> -> memref<10000xi32, #tpu.memory_space<hbm>>
      tpu.enqueue_dma source(%dma_start3A_22 : memref<10000xi32, #tpu.memory_space<hbm>>) target(%arg9 : memref<10000xi32, #tpu.memory_space<vmem>>) target_semaphore(%run_scoped3A : memref<!tpu.dma_semaphore, #tpu.memory_space<semaphore_mem>>)
      %dma_wait3A = tpu.memref_slice %arg5[%mul3A_3] : memref<160000xi32, #tpu.memory_space<hbm>> -> memref<10000xi32, #tpu.memory_space<hbm>>
      %dma_wait3A_23 = tpu.memref_slice %arg5[%mul3A_3] : memref<160000xi32, #tpu.memory_space<hbm>> -> memref<10000xi32, #tpu.memory_space<hbm>>
      tpu.wait_dma2 semaphore(%run_scoped3A : memref<!tpu.dma_semaphore, #tpu.memory_space<semaphore_mem>>) src(%dma_wait3A_23 : memref<10000xi32, #tpu.memory_space<hbm>>) dst(%arg9 : memref<10000xi32, #tpu.memory_space<vmem>>)
      tpu.yield
    }) : () -> ()
    "tpu.region"() ({
      %run_scoped3A = tpu.sem_alloc : memref<!tpu.dma_semaphore, #tpu.memory_space<semaphore_mem>>
      %dma_start3A = arith.constant 0 : i32
      %dma_start3A_22 = arith.constant 0 : i32
      %dma_start3A_23 = tpu.memref_slice %arg4[%arg1, %dma_start3A, %dma_start3A_22] : memref<16x125x80xi32, #tpu.memory_space<hbm>> -> memref<1x125x80xi32, #tpu.memory_space<hbm>>
      %dma_start3A_24 = tpu.memref_squeeze %dma_start3A_23 : memref<1x125x80xi32, #tpu.memory_space<hbm>> -> memref<125x80xi32, #tpu.memory_space<hbm>>
      %dma_start3A_25 = arith.constant 0 : i32
      %dma_start3A_26 = arith.constant 0 : i32
      %dma_start3A_27 = tpu.memref_slice %arg4[%arg1, %dma_start3A_25, %dma_start3A_26] : memref<16x125x80xi32, #tpu.memory_space<hbm>> -> memref<1x125x80xi32, #tpu.memory_space<hbm>>
      %dma_start3A_28 = tpu.memref_squeeze %dma_start3A_27 : memref<1x125x80xi32, #tpu.memory_space<hbm>> -> memref<125x80xi32, #tpu.memory_space<hbm>>
      tpu.enqueue_dma source(%dma_start3A_28 : memref<125x80xi32, #tpu.memory_space<hbm>>) target(%arg10 : memref<125x80xi32, #tpu.memory_space<vmem>>) target_semaphore(%run_scoped3A : memref<!tpu.dma_semaphore, #tpu.memory_space<semaphore_mem>>)
      %dma_wait3A = arith.constant 0 : i32
      %dma_wait3A_29 = arith.constant 0 : i32
      %dma_wait3A_30 = tpu.memref_slice %arg4[%arg1, %dma_wait3A, %dma_wait3A_29] : memref<16x125x80xi32, #tpu.memory_space<hbm>> -> memref<1x125x80xi32, #tpu.memory_space<hbm>>
      %dma_wait3A_31 = tpu.memref_squeeze %dma_wait3A_30 : memref<1x125x80xi32, #tpu.memory_space<hbm>> -> memref<125x80xi32, #tpu.memory_space<hbm>>
      %dma_wait3A_32 = arith.constant 0 : i32
      %dma_wait3A_33 = arith.constant 0 : i32
      %dma_wait3A_34 = tpu.memref_slice %arg4[%arg1, %dma_wait3A_32, %dma_wait3A_33] : memref<16x125x80xi32, #tpu.memory_space<hbm>> -> memref<1x125x80xi32, #tpu.memory_space<hbm>>
      %dma_wait3A_35 = tpu.memref_squeeze %dma_wait3A_34 : memref<1x125x80xi32, #tpu.memory_space<hbm>> -> memref<125x80xi32, #tpu.memory_space<hbm>>
      tpu.wait_dma2 semaphore(%run_scoped3A : memref<!tpu.dma_semaphore, #tpu.memory_space<semaphore_mem>>) src(%dma_wait3A_35 : memref<125x80xi32, #tpu.memory_space<hbm>>) dst(%arg10 : memref<125x80xi32, #tpu.memory_space<vmem>>)
      tpu.yield
    }) : () -> ()
    %barrier3A = arith.constant 0 : index
    tpu.barrier barrier_id(%barrier3A)
    %eq3A = arith.constant 0 : i32
    %eq3A_4 = arith.cmpi eq, %arg0, %eq3A : i32
    %convert_element_type3A = arith.extui %eq3A_4 : i1 to i32
    %cond3A = arith.constant 0 : i32
    %cond3A_5 = arith.cmpi ne, %convert_element_type3A, %cond3A : i32
    scf.if %cond3A_5 {
      %scan3A = arith.constant 0 : i32
      %scan3A_22 = arith.constant 0 : i32
      %scan3A_23 = arith.constant 125 : i32
      %scan3A_24 = arith.addi %scan3A_22, %scan3A_23 : i32
      %scan3A_25 = arith.constant 1 : i32
      scf.for %scan3A_27 = %scan3A_22 to %scan3A_24 step %scan3A_25  : i32 {
        %mul3A_28 = arith.constant 80 : i32
        %mul3A_29 = arith.muli %scan3A_27, %mul3A_28 : i32
        %multiple_of3A = tpu.assume_multiple %mul3A_29, 8 : i32
        %dma_start3A = tpu.memref_slice %arg9[%multiple_of3A] : memref<10000xi32, #tpu.memory_space<vmem>> -> memref<80xi32, #tpu.memory_space<vmem>>
        %dma_start3A_30 = arith.constant 0 : i32
        %dma_start3A_31 = arith.constant 0 : i32
        %dma_start3A_32 = tpu.memref_slice %arg2[%dma_start3A_30, %dma_start3A_31] : memref<10000x32xf32, #tpu.memory_space<hbm>> -> memref<10000x32xf32, #tpu.memory_space<hbm>>
        tpu.enqueue_indirect_dma source(%dma_start3A_32 : memref<10000x32xf32, #tpu.memory_space<hbm>>) target(%arg11 : memref<80x32xf32, #tpu.memory_space<vmem>>) offsets(%dma_start3A : memref<80xi32, #tpu.memory_space<vmem>>) semaphore(%arg13 : memref<!tpu.dma_semaphore, #tpu.memory_space<semaphore_mem>>)
        %dma_wait3A = tpu.memref_slice %arg9[%multiple_of3A] : memref<10000xi32, #tpu.memory_space<vmem>> -> memref<80xi32, #tpu.memory_space<vmem>>
        %dma_wait3A_33 = arith.constant 0 : i32
        %dma_wait3A_34 = arith.constant 0 : i32
        %dma_wait3A_35 = tpu.memref_slice %arg2[%dma_wait3A_33, %dma_wait3A_34] : memref<10000x32xf32, #tpu.memory_space<hbm>> -> memref<10000x32xf32, #tpu.memory_space<hbm>>
        tpu.wait_indirect_dma semaphore(%arg13 : memref<!tpu.dma_semaphore, #tpu.memory_space<semaphore_mem>>) src(%dma_wait3A_35 : memref<10000x32xf32, #tpu.memory_space<hbm>>) dst(%arg11 : memref<80x32xf32, #tpu.memory_space<vmem>>)
        "tpu.region"() ({
          %run_scoped3A = tpu.sem_alloc : memref<!tpu.dma_semaphore, #tpu.memory_space<semaphore_mem>>
          %dma_start3A_36 = arith.constant 0 : i32
          %dma_start3A_37 = tpu.memref_slice %arg10[%scan3A_27, %dma_start3A_36] : memref<125x80xi32, #tpu.memory_space<vmem>> -> memref<1x80xi32, #tpu.memory_space<vmem>>
          %dma_start3A_38 = tpu.memref_squeeze %dma_start3A_37 : memref<1x80xi32, #tpu.memory_space<vmem>> -> memref<80xi32, #tpu.memory_space<vmem>>
          %dma_start3A_39 = arith.constant 0 : i32
          %dma_start3A_40 = arith.constant 0 : i32
          %dma_start3A_41 = tpu.memref_slice %arg12[%dma_start3A_39, %dma_start3A_40] : memref<10000x32xf32, #tpu.memory_space<vmem_shared>> -> memref<10000x32xf32, #tpu.memory_space<vmem_shared>>
          tpu.enqueue_indirect_dma source(%arg11 : memref<80x32xf32, #tpu.memory_space<vmem>>) target(%dma_start3A_41 : memref<10000x32xf32, #tpu.memory_space<vmem_shared>>) offsets(%dma_start3A_38 : memref<80xi32, #tpu.memory_space<vmem>>) semaphore(%run_scoped3A : memref<!tpu.dma_semaphore, #tpu.memory_space<semaphore_mem>>) {add = true}
          %dma_wait3A_42 = arith.constant 0 : i32
          %dma_wait3A_43 = tpu.memref_slice %arg10[%scan3A_27, %dma_wait3A_42] : memref<125x80xi32, #tpu.memory_space<vmem>> -> memref<1x80xi32, #tpu.memory_space<vmem>>
          %dma_wait3A_44 = tpu.memref_squeeze %dma_wait3A_43 : memref<1x80xi32, #tpu.memory_space<vmem>> -> memref<80xi32, #tpu.memory_space<vmem>>
          %dma_wait3A_45 = arith.constant 0 : i32
          %dma_wait3A_46 = arith.constant 0 : i32
          %dma_wait3A_47 = tpu.memref_slice %arg12[%dma_wait3A_45, %dma_wait3A_46] : memref<10000x32xf32, #tpu.memory_space<vmem_shared>> -> memref<10000x32xf32, #tpu.memory_space<vmem_shared>>
          tpu.wait_indirect_dma semaphore(%run_scoped3A : memref<!tpu.dma_semaphore, #tpu.memory_space<semaphore_mem>>) src(%arg11 : memref<80x32xf32, #tpu.memory_space<vmem>>) dst(%dma_wait3A_47 : memref<10000x32xf32, #tpu.memory_space<vmem_shared>>)
          tpu.yield
        }) : () -> ()
      }
      %scan3A_26 = arith.constant 125 : i32
    } else {
    }
    %eq3A_6 = arith.constant 1 : i32
    %eq3A_7 = arith.cmpi eq, %arg0, %eq3A_6 : i32
    %convert_element_type3A_8 = arith.extui %eq3A_7 : i1 to i32
    %cond3A_9 = arith.constant 0 : i32
    %cond3A_10 = arith.cmpi ne, %convert_element_type3A_8, %cond3A_9 : i32
    scf.if %cond3A_10 {
      %scan3A = arith.constant 0 : i32
      %scan3A_22 = arith.constant 0 : i32
      %scan3A_23 = arith.constant 125 : i32
      %scan3A_24 = arith.addi %scan3A_22, %scan3A_23 : i32
      %scan3A_25 = arith.constant 1 : i32
      scf.for %scan3A_27 = %scan3A_22 to %scan3A_24 step %scan3A_25  : i32 {
        %mul3A_28 = arith.constant 80 : i32
        %mul3A_29 = arith.muli %scan3A_27, %mul3A_28 : i32
        %multiple_of3A = tpu.assume_multiple %mul3A_29, 8 : i32
        %dma_start3A = tpu.memref_slice %arg9[%multiple_of3A] : memref<10000xi32, #tpu.memory_space<vmem>> -> memref<80xi32, #tpu.memory_space<vmem>>
        %dma_start3A_30 = arith.constant 0 : i32
        %dma_start3A_31 = arith.constant 0 : i32
        %dma_start3A_32 = tpu.memref_slice %arg3[%dma_start3A_30, %dma_start3A_31] : memref<10000x32xf32, #tpu.memory_space<hbm>> -> memref<10000x32xf32, #tpu.memory_space<hbm>>
        tpu.enqueue_indirect_dma source(%dma_start3A_32 : memref<10000x32xf32, #tpu.memory_space<hbm>>) target(%arg11 : memref<80x32xf32, #tpu.memory_space<vmem>>) offsets(%dma_start3A : memref<80xi32, #tpu.memory_space<vmem>>) semaphore(%arg13 : memref<!tpu.dma_semaphore, #tpu.memory_space<semaphore_mem>>)
        %dma_wait3A = tpu.memref_slice %arg9[%multiple_of3A] : memref<10000xi32, #tpu.memory_space<vmem>> -> memref<80xi32, #tpu.memory_space<vmem>>
        %dma_wait3A_33 = arith.constant 0 : i32
        %dma_wait3A_34 = arith.constant 0 : i32
        %dma_wait3A_35 = tpu.memref_slice %arg3[%dma_wait3A_33, %dma_wait3A_34] : memref<10000x32xf32, #tpu.memory_space<hbm>> -> memref<10000x32xf32, #tpu.memory_space<hbm>>
        tpu.wait_indirect_dma semaphore(%arg13 : memref<!tpu.dma_semaphore, #tpu.memory_space<semaphore_mem>>) src(%dma_wait3A_35 : memref<10000x32xf32, #tpu.memory_space<hbm>>) dst(%arg11 : memref<80x32xf32, #tpu.memory_space<vmem>>)
        "tpu.region"() ({
          %run_scoped3A = tpu.sem_alloc : memref<!tpu.dma_semaphore, #tpu.memory_space<semaphore_mem>>
          %dma_start3A_36 = arith.constant 0 : i32
          %dma_start3A_37 = tpu.memref_slice %arg10[%scan3A_27, %dma_start3A_36] : memref<125x80xi32, #tpu.memory_space<vmem>> -> memref<1x80xi32, #tpu.memory_space<vmem>>
          %dma_start3A_38 = tpu.memref_squeeze %dma_start3A_37 : memref<1x80xi32, #tpu.memory_space<vmem>> -> memref<80xi32, #tpu.memory_space<vmem>>
          %dma_start3A_39 = arith.constant 0 : i32
          %dma_start3A_40 = arith.constant 0 : i32
          %dma_start3A_41 = tpu.memref_slice %arg12[%dma_start3A_39, %dma_start3A_40] : memref<10000x32xf32, #tpu.memory_space<vmem_shared>> -> memref<10000x32xf32, #tpu.memory_space<vmem_shared>>
          tpu.enqueue_indirect_dma source(%arg11 : memref<80x32xf32, #tpu.memory_space<vmem>>) target(%dma_start3A_41 : memref<10000x32xf32, #tpu.memory_space<vmem_shared>>) offsets(%dma_start3A_38 : memref<80xi32, #tpu.memory_space<vmem>>) semaphore(%run_scoped3A : memref<!tpu.dma_semaphore, #tpu.memory_space<semaphore_mem>>) {add = true}
          %dma_wait3A_42 = arith.constant 0 : i32
          %dma_wait3A_43 = tpu.memref_slice %arg10[%scan3A_27, %dma_wait3A_42] : memref<125x80xi32, #tpu.memory_space<vmem>> -> memref<1x80xi32, #tpu.memory_space<vmem>>
          %dma_wait3A_44 = tpu.memref_squeeze %dma_wait3A_43 : memref<1x80xi32, #tpu.memory_space<vmem>> -> memref<80xi32, #tpu.memory_space<vmem>>
          %dma_wait3A_45 = arith.constant 0 : i32
          %dma_wait3A_46 = arith.constant 0 : i32
          %dma_wait3A_47 = tpu.memref_slice %arg12[%dma_wait3A_45, %dma_wait3A_46] : memref<10000x32xf32, #tpu.memory_space<vmem_shared>> -> memref<10000x32xf32, #tpu.memory_space<vmem_shared>>
          tpu.wait_indirect_dma semaphore(%run_scoped3A : memref<!tpu.dma_semaphore, #tpu.memory_space<semaphore_mem>>) src(%arg11 : memref<80x32xf32, #tpu.memory_space<vmem>>) dst(%dma_wait3A_47 : memref<10000x32xf32, #tpu.memory_space<vmem_shared>>)
          tpu.yield
        }) : () -> ()
      }
      %scan3A_26 = arith.constant 125 : i32
    } else {
    }
    %barrier3A_11 = arith.constant 0 : index
    tpu.barrier barrier_id(%barrier3A_11)
    %eq3A_12 = arith.constant 0 : i32
    %eq3A_13 = arith.cmpi eq, %arg0, %eq3A_12 : i32
    %convert_element_type3A_14 = arith.extui %eq3A_13 : i1 to i32
    %cond3A_15 = arith.constant 0 : i32
    %cond3A_16 = arith.cmpi ne, %convert_element_type3A_14, %cond3A_15 : i32
    scf.if %cond3A_16 {
      "tpu.region"() ({
        %run_scoped3A = tpu.sem_alloc : memref<!tpu.dma_semaphore, #tpu.memory_space<semaphore_mem>>
        %dma_start3A = arith.constant 0 : i32
        %dma_start3A_22 = tpu.memref_slice %arg7[%min3A_1, %dma_start3A] : memref<10000x32xf32, #tpu.memory_space<hbm>> -> memref<640x32xf32, #tpu.memory_space<hbm>>
        %dma_start3A_23 = arith.constant 0 : i32
        %dma_start3A_24 = tpu.memref_slice %arg12[%min3A_1, %dma_start3A_23] : memref<10000x32xf32, #tpu.memory_space<vmem_shared>> -> memref<640x32xf32, #tpu.memory_space<vmem_shared>>
        tpu.enqueue_dma source(%dma_start3A_24 : memref<640x32xf32, #tpu.memory_space<vmem_shared>>) target(%dma_start3A_22 : memref<640x32xf32, #tpu.memory_space<hbm>>) target_semaphore(%run_scoped3A : memref<!tpu.dma_semaphore, #tpu.memory_space<semaphore_mem>>)
        %dma_wait3A = arith.constant 0 : i32
        %dma_wait3A_25 = tpu.memref_slice %arg7[%min3A_1, %dma_wait3A] : memref<10000x32xf32, #tpu.memory_space<hbm>> -> memref<640x32xf32, #tpu.memory_space<hbm>>
        %dma_wait3A_26 = arith.constant 0 : i32
        %dma_wait3A_27 = tpu.memref_slice %arg12[%min3A_1, %dma_wait3A_26] : memref<10000x32xf32, #tpu.memory_space<vmem_shared>> -> memref<640x32xf32, #tpu.memory_space<vmem_shared>>
        tpu.wait_dma2 semaphore(%run_scoped3A : memref<!tpu.dma_semaphore, #tpu.memory_space<semaphore_mem>>) src(%dma_wait3A_27 : memref<640x32xf32, #tpu.memory_space<vmem_shared>>) dst(%dma_wait3A_25 : memref<640x32xf32, #tpu.memory_space<hbm>>)
        tpu.yield
      }) : () -> ()
    } else {
    }
    %eq3A_17 = arith.constant 1 : i32
    %eq3A_18 = arith.cmpi eq, %arg0, %eq3A_17 : i32
    %convert_element_type3A_19 = arith.extui %eq3A_18 : i1 to i32
    %cond3A_20 = arith.constant 0 : i32
    %cond3A_21 = arith.cmpi ne, %convert_element_type3A_19, %cond3A_20 : i32
    scf.if %cond3A_21 {
      "tpu.region"() ({
        %run_scoped3A = tpu.sem_alloc : memref<!tpu.dma_semaphore, #tpu.memory_space<semaphore_mem>>
        %dma_start3A = arith.constant 0 : i32
        %dma_start3A_22 = tpu.memref_slice %arg8[%min3A_1, %dma_start3A] : memref<10000x32xf32, #tpu.memory_space<hbm>> -> memref<640x32xf32, #tpu.memory_space<hbm>>
        %dma_start3A_23 = arith.constant 0 : i32
        %dma_start3A_24 = tpu.memref_slice %arg12[%min3A_1, %dma_start3A_23] : memref<10000x32xf32, #tpu.memory_space<vmem_shared>> -> memref<640x32xf32, #tpu.memory_space<vmem_shared>>
        tpu.enqueue_dma source(%dma_start3A_24 : memref<640x32xf32, #tpu.memory_space<vmem_shared>>) target(%dma_start3A_22 : memref<640x32xf32, #tpu.memory_space<hbm>>) target_semaphore(%run_scoped3A : memref<!tpu.dma_semaphore, #tpu.memory_space<semaphore_mem>>)
        %dma_wait3A = arith.constant 0 : i32
        %dma_wait3A_25 = tpu.memref_slice %arg8[%min3A_1, %dma_wait3A] : memref<10000x32xf32, #tpu.memory_space<hbm>> -> memref<640x32xf32, #tpu.memory_space<hbm>>
        %dma_wait3A_26 = arith.constant 0 : i32
        %dma_wait3A_27 = tpu.memref_slice %arg12[%min3A_1, %dma_wait3A_26] : memref<10000x32xf32, #tpu.memory_space<vmem_shared>> -> memref<640x32xf32, #tpu.memory_space<vmem_shared>>
        tpu.wait_dma2 semaphore(%run_scoped3A : memref<!tpu.dma_semaphore, #tpu.memory_space<semaphore_mem>>) src(%dma_wait3A_27 : memref<640x32xf32, #tpu.memory_space<vmem_shared>>) dst(%dma_wait3A_25 : memref<640x32xf32, #tpu.memory_space<hbm>>)
        tpu.yield
      }) : () -> ()
    } else {
    }
    return
  }
}

#map = affine_map<(d0, d1) -> (0, 0)>
#map1 = affine_map<(d0, d1) -> (0, 0, 0)>
#map2 = affine_map<(d0, d1) -> (0)>
module attributes {stable_mosaic.version = 14 : i64} {
  func.func @agg(%arg0: i32, %arg1: i32, %arg2: memref<10000x8xf32, #tpu.memory_space<hbm>>, %arg3: memref<10000x8xf32, #tpu.memory_space<hbm>>, %arg4: memref<16x125x80xi32, #tpu.memory_space<hbm>>, %arg5: memref<160000xi32, #tpu.memory_space<hbm>>, %arg6: memref<10000x8xf32, #tpu.memory_space<hbm>>, %arg7: memref<10000x8xf32, #tpu.memory_space<hbm>>, %arg8: memref<10000x8xf32, #tpu.memory_space<hbm>>, %arg9: memref<10000xi32, #tpu.memory_space<vmem>>, %arg10: memref<125x80xi32, #tpu.memory_space<vmem>>, %arg11: memref<80x8xf32, #tpu.memory_space<vmem>>, %arg12: memref<10000x8xf32, #tpu.memory_space<vmem_shared>>, %arg13: memref<!tpu.dma_semaphore, #tpu.memory_space<semaphore_mem>>) attributes {dimension_semantics = [#tpu.dimension_semantics<core_parallel>, #tpu.dimension_semantics<subcore_parallel>], iteration_bounds = array<i64: 2, 16>, scalar_prefetch = 0 : i64, scratch_operands = 5 : i64, tpu.core_type = #tpu.core_type<sc_vector_subcore>, window_params = [{transform_indices = #map}, {transform_indices = #map}, {transform_indices = #map1}, {transform_indices = #map2}, {transform_indices = #map}, {transform_indices = #map}, {transform_indices = #map}]} {
    %mul3A = arith.constant 640 : i32
    %mul3A_0 = arith.muli %arg1, %mul3A : i32
    %min3A = arith.constant 9360 : i32
    %min3A_1 = arith.minsi %mul3A_0, %min3A : i32
    "tpu.region"() ({
      %run_scoped3A = tpu.sem_alloc : memref<!tpu.dma_semaphore, #tpu.memory_space<semaphore_mem>>
      %dma_start3A = arith.constant 0 : i32
      %dma_start3A_22 = tpu.memref_slice %arg12[%min3A_1, %dma_start3A] : memref<10000x8xf32, #tpu.memory_space<vmem_shared>> -> memref<640x8xf32, #tpu.memory_space<vmem_shared>>
      %dma_start3A_23 = arith.constant 0 : i32
      %dma_start3A_24 = tpu.memref_slice %arg6[%min3A_1, %dma_start3A_23] : memref<10000x8xf32, #tpu.memory_space<hbm>> -> memref<640x8xf32, #tpu.memory_space<hbm>>
      tpu.enqueue_dma source(%dma_start3A_24 : memref<640x8xf32, #tpu.memory_space<hbm>>) target(%dma_start3A_22 : memref<640x8xf32, #tpu.memory_space<vmem_shared>>) target_semaphore(%run_scoped3A : memref<!tpu.dma_semaphore, #tpu.memory_space<semaphore_mem>>)
      %dma_wait3A = arith.constant 0 : i32
      %dma_wait3A_25 = tpu.memref_slice %arg12[%min3A_1, %dma_wait3A] : memref<10000x8xf32, #tpu.memory_space<vmem_shared>> -> memref<640x8xf32, #tpu.memory_space<vmem_shared>>
      %dma_wait3A_26 = arith.constant 0 : i32
      %dma_wait3A_27 = tpu.memref_slice %arg6[%min3A_1, %dma_wait3A_26] : memref<10000x8xf32, #tpu.memory_space<hbm>> -> memref<640x8xf32, #tpu.memory_space<hbm>>
      tpu.wait_dma2 semaphore(%run_scoped3A : memref<!tpu.dma_semaphore, #tpu.memory_space<semaphore_mem>>) src(%dma_wait3A_27 : memref<640x8xf32, #tpu.memory_space<hbm>>) dst(%dma_wait3A_25 : memref<640x8xf32, #tpu.memory_space<vmem_shared>>)
      tpu.yield
    }) : () -> ()
    %mul3A_2 = arith.constant 10000 : i32
    %mul3A_3 = arith.muli %arg1, %mul3A_2 : i32
    "tpu.region"() ({
      %run_scoped3A = tpu.sem_alloc : memref<!tpu.dma_semaphore, #tpu.memory_space<semaphore_mem>>
      %dma_start3A = tpu.memref_slice %arg5[%mul3A_3] : memref<160000xi32, #tpu.memory_space<hbm>> -> memref<10000xi32, #tpu.memory_space<hbm>>
      %dma_start3A_22 = tpu.memref_slice %arg5[%mul3A_3] : memref<160000xi32, #tpu.memory_space<hbm>> -> memref<10000xi32, #tpu.memory_space<hbm>>
      tpu.enqueue_dma source(%dma_start3A_22 : memref<10000xi32, #tpu.memory_space<hbm>>) target(%arg9 : memref<10000xi32, #tpu.memory_space<vmem>>) target_semaphore(%run_scoped3A : memref<!tpu.dma_semaphore, #tpu.memory_space<semaphore_mem>>)
      %dma_wait3A = tpu.memref_slice %arg5[%mul3A_3] : memref<160000xi32, #tpu.memory_space<hbm>> -> memref<10000xi32, #tpu.memory_space<hbm>>
      %dma_wait3A_23 = tpu.memref_slice %arg5[%mul3A_3] : memref<160000xi32, #tpu.memory_space<hbm>> -> memref<10000xi32, #tpu.memory_space<hbm>>
      tpu.wait_dma2 semaphore(%run_scoped3A : memref<!tpu.dma_semaphore, #tpu.memory_space<semaphore_mem>>) src(%dma_wait3A_23 : memref<10000xi32, #tpu.memory_space<hbm>>) dst(%arg9 : memref<10000xi32, #tpu.memory_space<vmem>>)
      tpu.yield
    }) : () -> ()
    "tpu.region"() ({
      %run_scoped3A = tpu.sem_alloc : memref<!tpu.dma_semaphore, #tpu.memory_space<semaphore_mem>>
      %dma_start3A = arith.constant 0 : i32
      %dma_start3A_22 = arith.constant 0 : i32
      %dma_start3A_23 = tpu.memref_slice %arg4[%arg1, %dma_start3A, %dma_start3A_22] : memref<16x125x80xi32, #tpu.memory_space<hbm>> -> memref<1x125x80xi32, #tpu.memory_space<hbm>>
      %dma_start3A_24 = tpu.memref_squeeze %dma_start3A_23 : memref<1x125x80xi32, #tpu.memory_space<hbm>> -> memref<125x80xi32, #tpu.memory_space<hbm>>
      %dma_start3A_25 = arith.constant 0 : i32
      %dma_start3A_26 = arith.constant 0 : i32
      %dma_start3A_27 = tpu.memref_slice %arg4[%arg1, %dma_start3A_25, %dma_start3A_26] : memref<16x125x80xi32, #tpu.memory_space<hbm>> -> memref<1x125x80xi32, #tpu.memory_space<hbm>>
      %dma_start3A_28 = tpu.memref_squeeze %dma_start3A_27 : memref<1x125x80xi32, #tpu.memory_space<hbm>> -> memref<125x80xi32, #tpu.memory_space<hbm>>
      tpu.enqueue_dma source(%dma_start3A_28 : memref<125x80xi32, #tpu.memory_space<hbm>>) target(%arg10 : memref<125x80xi32, #tpu.memory_space<vmem>>) target_semaphore(%run_scoped3A : memref<!tpu.dma_semaphore, #tpu.memory_space<semaphore_mem>>)
      %dma_wait3A = arith.constant 0 : i32
      %dma_wait3A_29 = arith.constant 0 : i32
      %dma_wait3A_30 = tpu.memref_slice %arg4[%arg1, %dma_wait3A, %dma_wait3A_29] : memref<16x125x80xi32, #tpu.memory_space<hbm>> -> memref<1x125x80xi32, #tpu.memory_space<hbm>>
      %dma_wait3A_31 = tpu.memref_squeeze %dma_wait3A_30 : memref<1x125x80xi32, #tpu.memory_space<hbm>> -> memref<125x80xi32, #tpu.memory_space<hbm>>
      %dma_wait3A_32 = arith.constant 0 : i32
      %dma_wait3A_33 = arith.constant 0 : i32
      %dma_wait3A_34 = tpu.memref_slice %arg4[%arg1, %dma_wait3A_32, %dma_wait3A_33] : memref<16x125x80xi32, #tpu.memory_space<hbm>> -> memref<1x125x80xi32, #tpu.memory_space<hbm>>
      %dma_wait3A_35 = tpu.memref_squeeze %dma_wait3A_34 : memref<1x125x80xi32, #tpu.memory_space<hbm>> -> memref<125x80xi32, #tpu.memory_space<hbm>>
      tpu.wait_dma2 semaphore(%run_scoped3A : memref<!tpu.dma_semaphore, #tpu.memory_space<semaphore_mem>>) src(%dma_wait3A_35 : memref<125x80xi32, #tpu.memory_space<hbm>>) dst(%arg10 : memref<125x80xi32, #tpu.memory_space<vmem>>)
      tpu.yield
    }) : () -> ()
    %barrier3A = arith.constant 0 : index
    tpu.barrier barrier_id(%barrier3A)
    %eq3A = arith.constant 0 : i32
    %eq3A_4 = arith.cmpi eq, %arg0, %eq3A : i32
    %convert_element_type3A = arith.extui %eq3A_4 : i1 to i32
    %cond3A = arith.constant 0 : i32
    %cond3A_5 = arith.cmpi ne, %convert_element_type3A, %cond3A : i32
    scf.if %cond3A_5 {
      %scan3A = arith.constant 0 : i32
      %scan3A_22 = arith.constant 0 : i32
      %scan3A_23 = arith.constant 125 : i32
      %scan3A_24 = arith.addi %scan3A_22, %scan3A_23 : i32
      %scan3A_25 = arith.constant 1 : i32
      scf.for %scan3A_27 = %scan3A_22 to %scan3A_24 step %scan3A_25  : i32 {
        %mul3A_28 = arith.constant 80 : i32
        %mul3A_29 = arith.muli %scan3A_27, %mul3A_28 : i32
        %multiple_of3A = tpu.assume_multiple %mul3A_29, 8 : i32
        %dma_start3A = tpu.memref_slice %arg9[%multiple_of3A] : memref<10000xi32, #tpu.memory_space<vmem>> -> memref<80xi32, #tpu.memory_space<vmem>>
        %dma_start3A_30 = arith.constant 0 : i32
        %dma_start3A_31 = arith.constant 0 : i32
        %dma_start3A_32 = tpu.memref_slice %arg2[%dma_start3A_30, %dma_start3A_31] : memref<10000x8xf32, #tpu.memory_space<hbm>> -> memref<10000x8xf32, #tpu.memory_space<hbm>>
        tpu.enqueue_indirect_dma source(%dma_start3A_32 : memref<10000x8xf32, #tpu.memory_space<hbm>>) target(%arg11 : memref<80x8xf32, #tpu.memory_space<vmem>>) offsets(%dma_start3A : memref<80xi32, #tpu.memory_space<vmem>>) semaphore(%arg13 : memref<!tpu.dma_semaphore, #tpu.memory_space<semaphore_mem>>)
        %dma_wait3A = tpu.memref_slice %arg9[%multiple_of3A] : memref<10000xi32, #tpu.memory_space<vmem>> -> memref<80xi32, #tpu.memory_space<vmem>>
        %dma_wait3A_33 = arith.constant 0 : i32
        %dma_wait3A_34 = arith.constant 0 : i32
        %dma_wait3A_35 = tpu.memref_slice %arg2[%dma_wait3A_33, %dma_wait3A_34] : memref<10000x8xf32, #tpu.memory_space<hbm>> -> memref<10000x8xf32, #tpu.memory_space<hbm>>
        tpu.wait_indirect_dma semaphore(%arg13 : memref<!tpu.dma_semaphore, #tpu.memory_space<semaphore_mem>>) src(%dma_wait3A_35 : memref<10000x8xf32, #tpu.memory_space<hbm>>) dst(%arg11 : memref<80x8xf32, #tpu.memory_space<vmem>>)
        "tpu.region"() ({
          %run_scoped3A = tpu.sem_alloc : memref<!tpu.dma_semaphore, #tpu.memory_space<semaphore_mem>>
          %dma_start3A_36 = arith.constant 0 : i32
          %dma_start3A_37 = tpu.memref_slice %arg10[%scan3A_27, %dma_start3A_36] : memref<125x80xi32, #tpu.memory_space<vmem>> -> memref<1x80xi32, #tpu.memory_space<vmem>>
          %dma_start3A_38 = tpu.memref_squeeze %dma_start3A_37 : memref<1x80xi32, #tpu.memory_space<vmem>> -> memref<80xi32, #tpu.memory_space<vmem>>
          %dma_start3A_39 = arith.constant 0 : i32
          %dma_start3A_40 = arith.constant 0 : i32
          %dma_start3A_41 = tpu.memref_slice %arg12[%dma_start3A_39, %dma_start3A_40] : memref<10000x8xf32, #tpu.memory_space<vmem_shared>> -> memref<10000x8xf32, #tpu.memory_space<vmem_shared>>
          tpu.enqueue_indirect_dma source(%arg11 : memref<80x8xf32, #tpu.memory_space<vmem>>) target(%dma_start3A_41 : memref<10000x8xf32, #tpu.memory_space<vmem_shared>>) offsets(%dma_start3A_38 : memref<80xi32, #tpu.memory_space<vmem>>) semaphore(%run_scoped3A : memref<!tpu.dma_semaphore, #tpu.memory_space<semaphore_mem>>) {add = true}
          %dma_wait3A_42 = arith.constant 0 : i32
          %dma_wait3A_43 = tpu.memref_slice %arg10[%scan3A_27, %dma_wait3A_42] : memref<125x80xi32, #tpu.memory_space<vmem>> -> memref<1x80xi32, #tpu.memory_space<vmem>>
          %dma_wait3A_44 = tpu.memref_squeeze %dma_wait3A_43 : memref<1x80xi32, #tpu.memory_space<vmem>> -> memref<80xi32, #tpu.memory_space<vmem>>
          %dma_wait3A_45 = arith.constant 0 : i32
          %dma_wait3A_46 = arith.constant 0 : i32
          %dma_wait3A_47 = tpu.memref_slice %arg12[%dma_wait3A_45, %dma_wait3A_46] : memref<10000x8xf32, #tpu.memory_space<vmem_shared>> -> memref<10000x8xf32, #tpu.memory_space<vmem_shared>>
          tpu.wait_indirect_dma semaphore(%run_scoped3A : memref<!tpu.dma_semaphore, #tpu.memory_space<semaphore_mem>>) src(%arg11 : memref<80x8xf32, #tpu.memory_space<vmem>>) dst(%dma_wait3A_47 : memref<10000x8xf32, #tpu.memory_space<vmem_shared>>)
          tpu.yield
        }) : () -> ()
      }
      %scan3A_26 = arith.constant 125 : i32
    } else {
    }
    %eq3A_6 = arith.constant 1 : i32
    %eq3A_7 = arith.cmpi eq, %arg0, %eq3A_6 : i32
    %convert_element_type3A_8 = arith.extui %eq3A_7 : i1 to i32
    %cond3A_9 = arith.constant 0 : i32
    %cond3A_10 = arith.cmpi ne, %convert_element_type3A_8, %cond3A_9 : i32
    scf.if %cond3A_10 {
      %scan3A = arith.constant 0 : i32
      %scan3A_22 = arith.constant 0 : i32
      %scan3A_23 = arith.constant 125 : i32
      %scan3A_24 = arith.addi %scan3A_22, %scan3A_23 : i32
      %scan3A_25 = arith.constant 1 : i32
      scf.for %scan3A_27 = %scan3A_22 to %scan3A_24 step %scan3A_25  : i32 {
        %mul3A_28 = arith.constant 80 : i32
        %mul3A_29 = arith.muli %scan3A_27, %mul3A_28 : i32
        %multiple_of3A = tpu.assume_multiple %mul3A_29, 8 : i32
        %dma_start3A = tpu.memref_slice %arg9[%multiple_of3A] : memref<10000xi32, #tpu.memory_space<vmem>> -> memref<80xi32, #tpu.memory_space<vmem>>
        %dma_start3A_30 = arith.constant 0 : i32
        %dma_start3A_31 = arith.constant 0 : i32
        %dma_start3A_32 = tpu.memref_slice %arg3[%dma_start3A_30, %dma_start3A_31] : memref<10000x8xf32, #tpu.memory_space<hbm>> -> memref<10000x8xf32, #tpu.memory_space<hbm>>
        tpu.enqueue_indirect_dma source(%dma_start3A_32 : memref<10000x8xf32, #tpu.memory_space<hbm>>) target(%arg11 : memref<80x8xf32, #tpu.memory_space<vmem>>) offsets(%dma_start3A : memref<80xi32, #tpu.memory_space<vmem>>) semaphore(%arg13 : memref<!tpu.dma_semaphore, #tpu.memory_space<semaphore_mem>>)
        %dma_wait3A = tpu.memref_slice %arg9[%multiple_of3A] : memref<10000xi32, #tpu.memory_space<vmem>> -> memref<80xi32, #tpu.memory_space<vmem>>
        %dma_wait3A_33 = arith.constant 0 : i32
        %dma_wait3A_34 = arith.constant 0 : i32
        %dma_wait3A_35 = tpu.memref_slice %arg3[%dma_wait3A_33, %dma_wait3A_34] : memref<10000x8xf32, #tpu.memory_space<hbm>> -> memref<10000x8xf32, #tpu.memory_space<hbm>>
        tpu.wait_indirect_dma semaphore(%arg13 : memref<!tpu.dma_semaphore, #tpu.memory_space<semaphore_mem>>) src(%dma_wait3A_35 : memref<10000x8xf32, #tpu.memory_space<hbm>>) dst(%arg11 : memref<80x8xf32, #tpu.memory_space<vmem>>)
        "tpu.region"() ({
          %run_scoped3A = tpu.sem_alloc : memref<!tpu.dma_semaphore, #tpu.memory_space<semaphore_mem>>
          %dma_start3A_36 = arith.constant 0 : i32
          %dma_start3A_37 = tpu.memref_slice %arg10[%scan3A_27, %dma_start3A_36] : memref<125x80xi32, #tpu.memory_space<vmem>> -> memref<1x80xi32, #tpu.memory_space<vmem>>
          %dma_start3A_38 = tpu.memref_squeeze %dma_start3A_37 : memref<1x80xi32, #tpu.memory_space<vmem>> -> memref<80xi32, #tpu.memory_space<vmem>>
          %dma_start3A_39 = arith.constant 0 : i32
          %dma_start3A_40 = arith.constant 0 : i32
          %dma_start3A_41 = tpu.memref_slice %arg12[%dma_start3A_39, %dma_start3A_40] : memref<10000x8xf32, #tpu.memory_space<vmem_shared>> -> memref<10000x8xf32, #tpu.memory_space<vmem_shared>>
          tpu.enqueue_indirect_dma source(%arg11 : memref<80x8xf32, #tpu.memory_space<vmem>>) target(%dma_start3A_41 : memref<10000x8xf32, #tpu.memory_space<vmem_shared>>) offsets(%dma_start3A_38 : memref<80xi32, #tpu.memory_space<vmem>>) semaphore(%run_scoped3A : memref<!tpu.dma_semaphore, #tpu.memory_space<semaphore_mem>>) {add = true}
          %dma_wait3A_42 = arith.constant 0 : i32
          %dma_wait3A_43 = tpu.memref_slice %arg10[%scan3A_27, %dma_wait3A_42] : memref<125x80xi32, #tpu.memory_space<vmem>> -> memref<1x80xi32, #tpu.memory_space<vmem>>
          %dma_wait3A_44 = tpu.memref_squeeze %dma_wait3A_43 : memref<1x80xi32, #tpu.memory_space<vmem>> -> memref<80xi32, #tpu.memory_space<vmem>>
          %dma_wait3A_45 = arith.constant 0 : i32
          %dma_wait3A_46 = arith.constant 0 : i32
          %dma_wait3A_47 = tpu.memref_slice %arg12[%dma_wait3A_45, %dma_wait3A_46] : memref<10000x8xf32, #tpu.memory_space<vmem_shared>> -> memref<10000x8xf32, #tpu.memory_space<vmem_shared>>
          tpu.wait_indirect_dma semaphore(%run_scoped3A : memref<!tpu.dma_semaphore, #tpu.memory_space<semaphore_mem>>) src(%arg11 : memref<80x8xf32, #tpu.memory_space<vmem>>) dst(%dma_wait3A_47 : memref<10000x8xf32, #tpu.memory_space<vmem_shared>>)
          tpu.yield
        }) : () -> ()
      }
      %scan3A_26 = arith.constant 125 : i32
    } else {
    }
    %barrier3A_11 = arith.constant 0 : index
    tpu.barrier barrier_id(%barrier3A_11)
    %eq3A_12 = arith.constant 0 : i32
    %eq3A_13 = arith.cmpi eq, %arg0, %eq3A_12 : i32
    %convert_element_type3A_14 = arith.extui %eq3A_13 : i1 to i32
    %cond3A_15 = arith.constant 0 : i32
    %cond3A_16 = arith.cmpi ne, %convert_element_type3A_14, %cond3A_15 : i32
    scf.if %cond3A_16 {
      "tpu.region"() ({
        %run_scoped3A = tpu.sem_alloc : memref<!tpu.dma_semaphore, #tpu.memory_space<semaphore_mem>>
        %dma_start3A = arith.constant 0 : i32
        %dma_start3A_22 = tpu.memref_slice %arg7[%min3A_1, %dma_start3A] : memref<10000x8xf32, #tpu.memory_space<hbm>> -> memref<640x8xf32, #tpu.memory_space<hbm>>
        %dma_start3A_23 = arith.constant 0 : i32
        %dma_start3A_24 = tpu.memref_slice %arg12[%min3A_1, %dma_start3A_23] : memref<10000x8xf32, #tpu.memory_space<vmem_shared>> -> memref<640x8xf32, #tpu.memory_space<vmem_shared>>
        tpu.enqueue_dma source(%dma_start3A_24 : memref<640x8xf32, #tpu.memory_space<vmem_shared>>) target(%dma_start3A_22 : memref<640x8xf32, #tpu.memory_space<hbm>>) target_semaphore(%run_scoped3A : memref<!tpu.dma_semaphore, #tpu.memory_space<semaphore_mem>>)
        %dma_wait3A = arith.constant 0 : i32
        %dma_wait3A_25 = tpu.memref_slice %arg7[%min3A_1, %dma_wait3A] : memref<10000x8xf32, #tpu.memory_space<hbm>> -> memref<640x8xf32, #tpu.memory_space<hbm>>
        %dma_wait3A_26 = arith.constant 0 : i32
        %dma_wait3A_27 = tpu.memref_slice %arg12[%min3A_1, %dma_wait3A_26] : memref<10000x8xf32, #tpu.memory_space<vmem_shared>> -> memref<640x8xf32, #tpu.memory_space<vmem_shared>>
        tpu.wait_dma2 semaphore(%run_scoped3A : memref<!tpu.dma_semaphore, #tpu.memory_space<semaphore_mem>>) src(%dma_wait3A_27 : memref<640x8xf32, #tpu.memory_space<vmem_shared>>) dst(%dma_wait3A_25 : memref<640x8xf32, #tpu.memory_space<hbm>>)
        tpu.yield
      }) : () -> ()
    } else {
    }
    %eq3A_17 = arith.constant 1 : i32
    %eq3A_18 = arith.cmpi eq, %arg0, %eq3A_17 : i32
    %convert_element_type3A_19 = arith.extui %eq3A_18 : i1 to i32
    %cond3A_20 = arith.constant 0 : i32
    %cond3A_21 = arith.cmpi ne, %convert_element_type3A_19, %cond3A_20 : i32
    scf.if %cond3A_21 {
      "tpu.region"() ({
        %run_scoped3A = tpu.sem_alloc : memref<!tpu.dma_semaphore, #tpu.memory_space<semaphore_mem>>
        %dma_start3A = arith.constant 0 : i32
        %dma_start3A_22 = tpu.memref_slice %arg8[%min3A_1, %dma_start3A] : memref<10000x8xf32, #tpu.memory_space<hbm>> -> memref<640x8xf32, #tpu.memory_space<hbm>>
        %dma_start3A_23 = arith.constant 0 : i32
        %dma_start3A_24 = tpu.memref_slice %arg12[%min3A_1, %dma_start3A_23] : memref<10000x8xf32, #tpu.memory_space<vmem_shared>> -> memref<640x8xf32, #tpu.memory_space<vmem_shared>>
        tpu.enqueue_dma source(%dma_start3A_24 : memref<640x8xf32, #tpu.memory_space<vmem_shared>>) target(%dma_start3A_22 : memref<640x8xf32, #tpu.memory_space<hbm>>) target_semaphore(%run_scoped3A : memref<!tpu.dma_semaphore, #tpu.memory_space<semaphore_mem>>)
        %dma_wait3A = arith.constant 0 : i32
        %dma_wait3A_25 = tpu.memref_slice %arg8[%min3A_1, %dma_wait3A] : memref<10000x8xf32, #tpu.memory_space<hbm>> -> memref<640x8xf32, #tpu.memory_space<hbm>>
        %dma_wait3A_26 = arith.constant 0 : i32
        %dma_wait3A_27 = tpu.memref_slice %arg12[%min3A_1, %dma_wait3A_26] : memref<10000x8xf32, #tpu.memory_space<vmem_shared>> -> memref<640x8xf32, #tpu.memory_space<vmem_shared>>
        tpu.wait_dma2 semaphore(%run_scoped3A : memref<!tpu.dma_semaphore, #tpu.memory_space<semaphore_mem>>) src(%dma_wait3A_27 : memref<640x8xf32, #tpu.memory_space<vmem_shared>>) dst(%dma_wait3A_25 : memref<640x8xf32, #tpu.memory_space<hbm>>)
        tpu.yield
      }) : () -> ()
    } else {
    }
    return
  }
}

#map = affine_map<(d0, d1) -> (0, 0)>
#map1 = affine_map<(d0, d1) -> (0, 0, 0)>
#map2 = affine_map<(d0, d1) -> (0)>
module attributes {stable_mosaic.version = 14 : i64} {
  func.func @agg(%arg0: i32, %arg1: i32, %arg2: memref<10000x64xf32, #tpu.memory_space<hbm>>, %arg3: memref<10000x64xf32, #tpu.memory_space<hbm>>, %arg4: memref<16x125x80xi32, #tpu.memory_space<hbm>>, %arg5: memref<160000xi32, #tpu.memory_space<hbm>>, %arg6: memref<10000x64xf32, #tpu.memory_space<hbm>>, %arg7: memref<10000x64xf32, #tpu.memory_space<hbm>>, %arg8: memref<10000x64xf32, #tpu.memory_space<hbm>>, %arg9: memref<10000xi32, #tpu.memory_space<vmem>>, %arg10: memref<125x80xi32, #tpu.memory_space<vmem>>, %arg11: memref<80x64xf32, #tpu.memory_space<vmem>>, %arg12: memref<10000x64xf32, #tpu.memory_space<vmem_shared>>, %arg13: memref<!tpu.dma_semaphore, #tpu.memory_space<semaphore_mem>>) attributes {dimension_semantics = [#tpu.dimension_semantics<core_parallel>, #tpu.dimension_semantics<subcore_parallel>], iteration_bounds = array<i64: 2, 16>, scalar_prefetch = 0 : i64, scratch_operands = 5 : i64, tpu.core_type = #tpu.core_type<sc_vector_subcore>, window_params = [{transform_indices = #map}, {transform_indices = #map}, {transform_indices = #map1}, {transform_indices = #map2}, {transform_indices = #map}, {transform_indices = #map}, {transform_indices = #map}]} {
    %mul3A = arith.constant 640 : i32
    %mul3A_0 = arith.muli %arg1, %mul3A : i32
    %min3A = arith.constant 9360 : i32
    %min3A_1 = arith.minsi %mul3A_0, %min3A : i32
    "tpu.region"() ({
      %run_scoped3A = tpu.sem_alloc : memref<!tpu.dma_semaphore, #tpu.memory_space<semaphore_mem>>
      %dma_start3A = arith.constant 0 : i32
      %dma_start3A_22 = tpu.memref_slice %arg12[%min3A_1, %dma_start3A] : memref<10000x64xf32, #tpu.memory_space<vmem_shared>> -> memref<640x64xf32, #tpu.memory_space<vmem_shared>>
      %dma_start3A_23 = arith.constant 0 : i32
      %dma_start3A_24 = tpu.memref_slice %arg6[%min3A_1, %dma_start3A_23] : memref<10000x64xf32, #tpu.memory_space<hbm>> -> memref<640x64xf32, #tpu.memory_space<hbm>>
      tpu.enqueue_dma source(%dma_start3A_24 : memref<640x64xf32, #tpu.memory_space<hbm>>) target(%dma_start3A_22 : memref<640x64xf32, #tpu.memory_space<vmem_shared>>) target_semaphore(%run_scoped3A : memref<!tpu.dma_semaphore, #tpu.memory_space<semaphore_mem>>)
      %dma_wait3A = arith.constant 0 : i32
      %dma_wait3A_25 = tpu.memref_slice %arg12[%min3A_1, %dma_wait3A] : memref<10000x64xf32, #tpu.memory_space<vmem_shared>> -> memref<640x64xf32, #tpu.memory_space<vmem_shared>>
      %dma_wait3A_26 = arith.constant 0 : i32
      %dma_wait3A_27 = tpu.memref_slice %arg6[%min3A_1, %dma_wait3A_26] : memref<10000x64xf32, #tpu.memory_space<hbm>> -> memref<640x64xf32, #tpu.memory_space<hbm>>
      tpu.wait_dma2 semaphore(%run_scoped3A : memref<!tpu.dma_semaphore, #tpu.memory_space<semaphore_mem>>) src(%dma_wait3A_27 : memref<640x64xf32, #tpu.memory_space<hbm>>) dst(%dma_wait3A_25 : memref<640x64xf32, #tpu.memory_space<vmem_shared>>)
      tpu.yield
    }) : () -> ()
    %mul3A_2 = arith.constant 10000 : i32
    %mul3A_3 = arith.muli %arg1, %mul3A_2 : i32
    "tpu.region"() ({
      %run_scoped3A = tpu.sem_alloc : memref<!tpu.dma_semaphore, #tpu.memory_space<semaphore_mem>>
      %dma_start3A = tpu.memref_slice %arg5[%mul3A_3] : memref<160000xi32, #tpu.memory_space<hbm>> -> memref<10000xi32, #tpu.memory_space<hbm>>
      %dma_start3A_22 = tpu.memref_slice %arg5[%mul3A_3] : memref<160000xi32, #tpu.memory_space<hbm>> -> memref<10000xi32, #tpu.memory_space<hbm>>
      tpu.enqueue_dma source(%dma_start3A_22 : memref<10000xi32, #tpu.memory_space<hbm>>) target(%arg9 : memref<10000xi32, #tpu.memory_space<vmem>>) target_semaphore(%run_scoped3A : memref<!tpu.dma_semaphore, #tpu.memory_space<semaphore_mem>>)
      %dma_wait3A = tpu.memref_slice %arg5[%mul3A_3] : memref<160000xi32, #tpu.memory_space<hbm>> -> memref<10000xi32, #tpu.memory_space<hbm>>
      %dma_wait3A_23 = tpu.memref_slice %arg5[%mul3A_3] : memref<160000xi32, #tpu.memory_space<hbm>> -> memref<10000xi32, #tpu.memory_space<hbm>>
      tpu.wait_dma2 semaphore(%run_scoped3A : memref<!tpu.dma_semaphore, #tpu.memory_space<semaphore_mem>>) src(%dma_wait3A_23 : memref<10000xi32, #tpu.memory_space<hbm>>) dst(%arg9 : memref<10000xi32, #tpu.memory_space<vmem>>)
      tpu.yield
    }) : () -> ()
    "tpu.region"() ({
      %run_scoped3A = tpu.sem_alloc : memref<!tpu.dma_semaphore, #tpu.memory_space<semaphore_mem>>
      %dma_start3A = arith.constant 0 : i32
      %dma_start3A_22 = arith.constant 0 : i32
      %dma_start3A_23 = tpu.memref_slice %arg4[%arg1, %dma_start3A, %dma_start3A_22] : memref<16x125x80xi32, #tpu.memory_space<hbm>> -> memref<1x125x80xi32, #tpu.memory_space<hbm>>
      %dma_start3A_24 = tpu.memref_squeeze %dma_start3A_23 : memref<1x125x80xi32, #tpu.memory_space<hbm>> -> memref<125x80xi32, #tpu.memory_space<hbm>>
      %dma_start3A_25 = arith.constant 0 : i32
      %dma_start3A_26 = arith.constant 0 : i32
      %dma_start3A_27 = tpu.memref_slice %arg4[%arg1, %dma_start3A_25, %dma_start3A_26] : memref<16x125x80xi32, #tpu.memory_space<hbm>> -> memref<1x125x80xi32, #tpu.memory_space<hbm>>
      %dma_start3A_28 = tpu.memref_squeeze %dma_start3A_27 : memref<1x125x80xi32, #tpu.memory_space<hbm>> -> memref<125x80xi32, #tpu.memory_space<hbm>>
      tpu.enqueue_dma source(%dma_start3A_28 : memref<125x80xi32, #tpu.memory_space<hbm>>) target(%arg10 : memref<125x80xi32, #tpu.memory_space<vmem>>) target_semaphore(%run_scoped3A : memref<!tpu.dma_semaphore, #tpu.memory_space<semaphore_mem>>)
      %dma_wait3A = arith.constant 0 : i32
      %dma_wait3A_29 = arith.constant 0 : i32
      %dma_wait3A_30 = tpu.memref_slice %arg4[%arg1, %dma_wait3A, %dma_wait3A_29] : memref<16x125x80xi32, #tpu.memory_space<hbm>> -> memref<1x125x80xi32, #tpu.memory_space<hbm>>
      %dma_wait3A_31 = tpu.memref_squeeze %dma_wait3A_30 : memref<1x125x80xi32, #tpu.memory_space<hbm>> -> memref<125x80xi32, #tpu.memory_space<hbm>>
      %dma_wait3A_32 = arith.constant 0 : i32
      %dma_wait3A_33 = arith.constant 0 : i32
      %dma_wait3A_34 = tpu.memref_slice %arg4[%arg1, %dma_wait3A_32, %dma_wait3A_33] : memref<16x125x80xi32, #tpu.memory_space<hbm>> -> memref<1x125x80xi32, #tpu.memory_space<hbm>>
      %dma_wait3A_35 = tpu.memref_squeeze %dma_wait3A_34 : memref<1x125x80xi32, #tpu.memory_space<hbm>> -> memref<125x80xi32, #tpu.memory_space<hbm>>
      tpu.wait_dma2 semaphore(%run_scoped3A : memref<!tpu.dma_semaphore, #tpu.memory_space<semaphore_mem>>) src(%dma_wait3A_35 : memref<125x80xi32, #tpu.memory_space<hbm>>) dst(%arg10 : memref<125x80xi32, #tpu.memory_space<vmem>>)
      tpu.yield
    }) : () -> ()
    %barrier3A = arith.constant 0 : index
    tpu.barrier barrier_id(%barrier3A)
    %eq3A = arith.constant 0 : i32
    %eq3A_4 = arith.cmpi eq, %arg0, %eq3A : i32
    %convert_element_type3A = arith.extui %eq3A_4 : i1 to i32
    %cond3A = arith.constant 0 : i32
    %cond3A_5 = arith.cmpi ne, %convert_element_type3A, %cond3A : i32
    scf.if %cond3A_5 {
      %scan3A = arith.constant 0 : i32
      %scan3A_22 = arith.constant 0 : i32
      %scan3A_23 = arith.constant 125 : i32
      %scan3A_24 = arith.addi %scan3A_22, %scan3A_23 : i32
      %scan3A_25 = arith.constant 1 : i32
      scf.for %scan3A_27 = %scan3A_22 to %scan3A_24 step %scan3A_25  : i32 {
        %mul3A_28 = arith.constant 80 : i32
        %mul3A_29 = arith.muli %scan3A_27, %mul3A_28 : i32
        %multiple_of3A = tpu.assume_multiple %mul3A_29, 8 : i32
        %dma_start3A = tpu.memref_slice %arg9[%multiple_of3A] : memref<10000xi32, #tpu.memory_space<vmem>> -> memref<80xi32, #tpu.memory_space<vmem>>
        %dma_start3A_30 = arith.constant 0 : i32
        %dma_start3A_31 = arith.constant 0 : i32
        %dma_start3A_32 = tpu.memref_slice %arg2[%dma_start3A_30, %dma_start3A_31] : memref<10000x64xf32, #tpu.memory_space<hbm>> -> memref<10000x64xf32, #tpu.memory_space<hbm>>
        tpu.enqueue_indirect_dma source(%dma_start3A_32 : memref<10000x64xf32, #tpu.memory_space<hbm>>) target(%arg11 : memref<80x64xf32, #tpu.memory_space<vmem>>) offsets(%dma_start3A : memref<80xi32, #tpu.memory_space<vmem>>) semaphore(%arg13 : memref<!tpu.dma_semaphore, #tpu.memory_space<semaphore_mem>>)
        %dma_wait3A = tpu.memref_slice %arg9[%multiple_of3A] : memref<10000xi32, #tpu.memory_space<vmem>> -> memref<80xi32, #tpu.memory_space<vmem>>
        %dma_wait3A_33 = arith.constant 0 : i32
        %dma_wait3A_34 = arith.constant 0 : i32
        %dma_wait3A_35 = tpu.memref_slice %arg2[%dma_wait3A_33, %dma_wait3A_34] : memref<10000x64xf32, #tpu.memory_space<hbm>> -> memref<10000x64xf32, #tpu.memory_space<hbm>>
        tpu.wait_indirect_dma semaphore(%arg13 : memref<!tpu.dma_semaphore, #tpu.memory_space<semaphore_mem>>) src(%dma_wait3A_35 : memref<10000x64xf32, #tpu.memory_space<hbm>>) dst(%arg11 : memref<80x64xf32, #tpu.memory_space<vmem>>)
        "tpu.region"() ({
          %run_scoped3A = tpu.sem_alloc : memref<!tpu.dma_semaphore, #tpu.memory_space<semaphore_mem>>
          %dma_start3A_36 = arith.constant 0 : i32
          %dma_start3A_37 = tpu.memref_slice %arg10[%scan3A_27, %dma_start3A_36] : memref<125x80xi32, #tpu.memory_space<vmem>> -> memref<1x80xi32, #tpu.memory_space<vmem>>
          %dma_start3A_38 = tpu.memref_squeeze %dma_start3A_37 : memref<1x80xi32, #tpu.memory_space<vmem>> -> memref<80xi32, #tpu.memory_space<vmem>>
          %dma_start3A_39 = arith.constant 0 : i32
          %dma_start3A_40 = arith.constant 0 : i32
          %dma_start3A_41 = tpu.memref_slice %arg12[%dma_start3A_39, %dma_start3A_40] : memref<10000x64xf32, #tpu.memory_space<vmem_shared>> -> memref<10000x64xf32, #tpu.memory_space<vmem_shared>>
          tpu.enqueue_indirect_dma source(%arg11 : memref<80x64xf32, #tpu.memory_space<vmem>>) target(%dma_start3A_41 : memref<10000x64xf32, #tpu.memory_space<vmem_shared>>) offsets(%dma_start3A_38 : memref<80xi32, #tpu.memory_space<vmem>>) semaphore(%run_scoped3A : memref<!tpu.dma_semaphore, #tpu.memory_space<semaphore_mem>>) {add = true}
          %dma_wait3A_42 = arith.constant 0 : i32
          %dma_wait3A_43 = tpu.memref_slice %arg10[%scan3A_27, %dma_wait3A_42] : memref<125x80xi32, #tpu.memory_space<vmem>> -> memref<1x80xi32, #tpu.memory_space<vmem>>
          %dma_wait3A_44 = tpu.memref_squeeze %dma_wait3A_43 : memref<1x80xi32, #tpu.memory_space<vmem>> -> memref<80xi32, #tpu.memory_space<vmem>>
          %dma_wait3A_45 = arith.constant 0 : i32
          %dma_wait3A_46 = arith.constant 0 : i32
          %dma_wait3A_47 = tpu.memref_slice %arg12[%dma_wait3A_45, %dma_wait3A_46] : memref<10000x64xf32, #tpu.memory_space<vmem_shared>> -> memref<10000x64xf32, #tpu.memory_space<vmem_shared>>
          tpu.wait_indirect_dma semaphore(%run_scoped3A : memref<!tpu.dma_semaphore, #tpu.memory_space<semaphore_mem>>) src(%arg11 : memref<80x64xf32, #tpu.memory_space<vmem>>) dst(%dma_wait3A_47 : memref<10000x64xf32, #tpu.memory_space<vmem_shared>>)
          tpu.yield
        }) : () -> ()
      }
      %scan3A_26 = arith.constant 125 : i32
    } else {
    }
    %eq3A_6 = arith.constant 1 : i32
    %eq3A_7 = arith.cmpi eq, %arg0, %eq3A_6 : i32
    %convert_element_type3A_8 = arith.extui %eq3A_7 : i1 to i32
    %cond3A_9 = arith.constant 0 : i32
    %cond3A_10 = arith.cmpi ne, %convert_element_type3A_8, %cond3A_9 : i32
    scf.if %cond3A_10 {
      %scan3A = arith.constant 0 : i32
      %scan3A_22 = arith.constant 0 : i32
      %scan3A_23 = arith.constant 125 : i32
      %scan3A_24 = arith.addi %scan3A_22, %scan3A_23 : i32
      %scan3A_25 = arith.constant 1 : i32
      scf.for %scan3A_27 = %scan3A_22 to %scan3A_24 step %scan3A_25  : i32 {
        %mul3A_28 = arith.constant 80 : i32
        %mul3A_29 = arith.muli %scan3A_27, %mul3A_28 : i32
        %multiple_of3A = tpu.assume_multiple %mul3A_29, 8 : i32
        %dma_start3A = tpu.memref_slice %arg9[%multiple_of3A] : memref<10000xi32, #tpu.memory_space<vmem>> -> memref<80xi32, #tpu.memory_space<vmem>>
        %dma_start3A_30 = arith.constant 0 : i32
        %dma_start3A_31 = arith.constant 0 : i32
        %dma_start3A_32 = tpu.memref_slice %arg3[%dma_start3A_30, %dma_start3A_31] : memref<10000x64xf32, #tpu.memory_space<hbm>> -> memref<10000x64xf32, #tpu.memory_space<hbm>>
        tpu.enqueue_indirect_dma source(%dma_start3A_32 : memref<10000x64xf32, #tpu.memory_space<hbm>>) target(%arg11 : memref<80x64xf32, #tpu.memory_space<vmem>>) offsets(%dma_start3A : memref<80xi32, #tpu.memory_space<vmem>>) semaphore(%arg13 : memref<!tpu.dma_semaphore, #tpu.memory_space<semaphore_mem>>)
        %dma_wait3A = tpu.memref_slice %arg9[%multiple_of3A] : memref<10000xi32, #tpu.memory_space<vmem>> -> memref<80xi32, #tpu.memory_space<vmem>>
        %dma_wait3A_33 = arith.constant 0 : i32
        %dma_wait3A_34 = arith.constant 0 : i32
        %dma_wait3A_35 = tpu.memref_slice %arg3[%dma_wait3A_33, %dma_wait3A_34] : memref<10000x64xf32, #tpu.memory_space<hbm>> -> memref<10000x64xf32, #tpu.memory_space<hbm>>
        tpu.wait_indirect_dma semaphore(%arg13 : memref<!tpu.dma_semaphore, #tpu.memory_space<semaphore_mem>>) src(%dma_wait3A_35 : memref<10000x64xf32, #tpu.memory_space<hbm>>) dst(%arg11 : memref<80x64xf32, #tpu.memory_space<vmem>>)
        "tpu.region"() ({
          %run_scoped3A = tpu.sem_alloc : memref<!tpu.dma_semaphore, #tpu.memory_space<semaphore_mem>>
          %dma_start3A_36 = arith.constant 0 : i32
          %dma_start3A_37 = tpu.memref_slice %arg10[%scan3A_27, %dma_start3A_36] : memref<125x80xi32, #tpu.memory_space<vmem>> -> memref<1x80xi32, #tpu.memory_space<vmem>>
          %dma_start3A_38 = tpu.memref_squeeze %dma_start3A_37 : memref<1x80xi32, #tpu.memory_space<vmem>> -> memref<80xi32, #tpu.memory_space<vmem>>
          %dma_start3A_39 = arith.constant 0 : i32
          %dma_start3A_40 = arith.constant 0 : i32
          %dma_start3A_41 = tpu.memref_slice %arg12[%dma_start3A_39, %dma_start3A_40] : memref<10000x64xf32, #tpu.memory_space<vmem_shared>> -> memref<10000x64xf32, #tpu.memory_space<vmem_shared>>
          tpu.enqueue_indirect_dma source(%arg11 : memref<80x64xf32, #tpu.memory_space<vmem>>) target(%dma_start3A_41 : memref<10000x64xf32, #tpu.memory_space<vmem_shared>>) offsets(%dma_start3A_38 : memref<80xi32, #tpu.memory_space<vmem>>) semaphore(%run_scoped3A : memref<!tpu.dma_semaphore, #tpu.memory_space<semaphore_mem>>) {add = true}
          %dma_wait3A_42 = arith.constant 0 : i32
          %dma_wait3A_43 = tpu.memref_slice %arg10[%scan3A_27, %dma_wait3A_42] : memref<125x80xi32, #tpu.memory_space<vmem>> -> memref<1x80xi32, #tpu.memory_space<vmem>>
          %dma_wait3A_44 = tpu.memref_squeeze %dma_wait3A_43 : memref<1x80xi32, #tpu.memory_space<vmem>> -> memref<80xi32, #tpu.memory_space<vmem>>
          %dma_wait3A_45 = arith.constant 0 : i32
          %dma_wait3A_46 = arith.constant 0 : i32
          %dma_wait3A_47 = tpu.memref_slice %arg12[%dma_wait3A_45, %dma_wait3A_46] : memref<10000x64xf32, #tpu.memory_space<vmem_shared>> -> memref<10000x64xf32, #tpu.memory_space<vmem_shared>>
          tpu.wait_indirect_dma semaphore(%run_scoped3A : memref<!tpu.dma_semaphore, #tpu.memory_space<semaphore_mem>>) src(%arg11 : memref<80x64xf32, #tpu.memory_space<vmem>>) dst(%dma_wait3A_47 : memref<10000x64xf32, #tpu.memory_space<vmem_shared>>)
          tpu.yield
        }) : () -> ()
      }
      %scan3A_26 = arith.constant 125 : i32
    } else {
    }
    %barrier3A_11 = arith.constant 0 : index
    tpu.barrier barrier_id(%barrier3A_11)
    %eq3A_12 = arith.constant 0 : i32
    %eq3A_13 = arith.cmpi eq, %arg0, %eq3A_12 : i32
    %convert_element_type3A_14 = arith.extui %eq3A_13 : i1 to i32
    %cond3A_15 = arith.constant 0 : i32
    %cond3A_16 = arith.cmpi ne, %convert_element_type3A_14, %cond3A_15 : i32
    scf.if %cond3A_16 {
      "tpu.region"() ({
        %run_scoped3A = tpu.sem_alloc : memref<!tpu.dma_semaphore, #tpu.memory_space<semaphore_mem>>
        %dma_start3A = arith.constant 0 : i32
        %dma_start3A_22 = tpu.memref_slice %arg7[%min3A_1, %dma_start3A] : memref<10000x64xf32, #tpu.memory_space<hbm>> -> memref<640x64xf32, #tpu.memory_space<hbm>>
        %dma_start3A_23 = arith.constant 0 : i32
        %dma_start3A_24 = tpu.memref_slice %arg12[%min3A_1, %dma_start3A_23] : memref<10000x64xf32, #tpu.memory_space<vmem_shared>> -> memref<640x64xf32, #tpu.memory_space<vmem_shared>>
        tpu.enqueue_dma source(%dma_start3A_24 : memref<640x64xf32, #tpu.memory_space<vmem_shared>>) target(%dma_start3A_22 : memref<640x64xf32, #tpu.memory_space<hbm>>) target_semaphore(%run_scoped3A : memref<!tpu.dma_semaphore, #tpu.memory_space<semaphore_mem>>)
        %dma_wait3A = arith.constant 0 : i32
        %dma_wait3A_25 = tpu.memref_slice %arg7[%min3A_1, %dma_wait3A] : memref<10000x64xf32, #tpu.memory_space<hbm>> -> memref<640x64xf32, #tpu.memory_space<hbm>>
        %dma_wait3A_26 = arith.constant 0 : i32
        %dma_wait3A_27 = tpu.memref_slice %arg12[%min3A_1, %dma_wait3A_26] : memref<10000x64xf32, #tpu.memory_space<vmem_shared>> -> memref<640x64xf32, #tpu.memory_space<vmem_shared>>
        tpu.wait_dma2 semaphore(%run_scoped3A : memref<!tpu.dma_semaphore, #tpu.memory_space<semaphore_mem>>) src(%dma_wait3A_27 : memref<640x64xf32, #tpu.memory_space<vmem_shared>>) dst(%dma_wait3A_25 : memref<640x64xf32, #tpu.memory_space<hbm>>)
        tpu.yield
      }) : () -> ()
    } else {
    }
    %eq3A_17 = arith.constant 1 : i32
    %eq3A_18 = arith.cmpi eq, %arg0, %eq3A_17 : i32
    %convert_element_type3A_19 = arith.extui %eq3A_18 : i1 to i32
    %cond3A_20 = arith.constant 0 : i32
    %cond3A_21 = arith.cmpi ne, %convert_element_type3A_19, %cond3A_20 : i32
    scf.if %cond3A_21 {
      "tpu.region"() ({
        %run_scoped3A = tpu.sem_alloc : memref<!tpu.dma_semaphore, #tpu.memory_space<semaphore_mem>>
        %dma_start3A = arith.constant 0 : i32
        %dma_start3A_22 = tpu.memref_slice %arg8[%min3A_1, %dma_start3A] : memref<10000x64xf32, #tpu.memory_space<hbm>> -> memref<640x64xf32, #tpu.memory_space<hbm>>
        %dma_start3A_23 = arith.constant 0 : i32
        %dma_start3A_24 = tpu.memref_slice %arg12[%min3A_1, %dma_start3A_23] : memref<10000x64xf32, #tpu.memory_space<vmem_shared>> -> memref<640x64xf32, #tpu.memory_space<vmem_shared>>
        tpu.enqueue_dma source(%dma_start3A_24 : memref<640x64xf32, #tpu.memory_space<vmem_shared>>) target(%dma_start3A_22 : memref<640x64xf32, #tpu.memory_space<hbm>>) target_semaphore(%run_scoped3A : memref<!tpu.dma_semaphore, #tpu.memory_space<semaphore_mem>>)
        %dma_wait3A = arith.constant 0 : i32
        %dma_wait3A_25 = tpu.memref_slice %arg8[%min3A_1, %dma_wait3A] : memref<10000x64xf32, #tpu.memory_space<hbm>> -> memref<640x64xf32, #tpu.memory_space<hbm>>
        %dma_wait3A_26 = arith.constant 0 : i32
        %dma_wait3A_27 = tpu.memref_slice %arg12[%min3A_1, %dma_wait3A_26] : memref<10000x64xf32, #tpu.memory_space<vmem_shared>> -> memref<640x64xf32, #tpu.memory_space<vmem_shared>>
        tpu.wait_dma2 semaphore(%run_scoped3A : memref<!tpu.dma_semaphore, #tpu.memory_space<semaphore_mem>>) src(%dma_wait3A_27 : memref<640x64xf32, #tpu.memory_space<vmem_shared>>) dst(%dma_wait3A_25 : memref<640x64xf32, #tpu.memory_space<hbm>>)
        tpu.yield
      }) : () -> ()
    } else {
    }
    return
  }
}

#map = affine_map<(d0, d1) -> (0, 0)>
#map1 = affine_map<(d0, d1) -> (0, 0, 0)>
#map2 = affine_map<(d0, d1) -> (0)>
module attributes {stable_mosaic.version = 14 : i64} {
  func.func @agg(%arg0: i32, %arg1: i32, %arg2: memref<10000x16xf32, #tpu.memory_space<hbm>>, %arg3: memref<10000x16xf32, #tpu.memory_space<hbm>>, %arg4: memref<16x125x80xi32, #tpu.memory_space<hbm>>, %arg5: memref<160000xi32, #tpu.memory_space<hbm>>, %arg6: memref<10000x16xf32, #tpu.memory_space<hbm>>, %arg7: memref<10000x16xf32, #tpu.memory_space<hbm>>, %arg8: memref<10000x16xf32, #tpu.memory_space<hbm>>, %arg9: memref<10000xi32, #tpu.memory_space<vmem>>, %arg10: memref<125x80xi32, #tpu.memory_space<vmem>>, %arg11: memref<80x16xf32, #tpu.memory_space<vmem>>, %arg12: memref<10000x16xf32, #tpu.memory_space<vmem_shared>>, %arg13: memref<!tpu.dma_semaphore, #tpu.memory_space<semaphore_mem>>) attributes {dimension_semantics = [#tpu.dimension_semantics<core_parallel>, #tpu.dimension_semantics<subcore_parallel>], iteration_bounds = array<i64: 2, 16>, scalar_prefetch = 0 : i64, scratch_operands = 5 : i64, tpu.core_type = #tpu.core_type<sc_vector_subcore>, window_params = [{transform_indices = #map}, {transform_indices = #map}, {transform_indices = #map1}, {transform_indices = #map2}, {transform_indices = #map}, {transform_indices = #map}, {transform_indices = #map}]} {
    %mul3A = arith.constant 640 : i32
    %mul3A_0 = arith.muli %arg1, %mul3A : i32
    %min3A = arith.constant 9360 : i32
    %min3A_1 = arith.minsi %mul3A_0, %min3A : i32
    "tpu.region"() ({
      %run_scoped3A = tpu.sem_alloc : memref<!tpu.dma_semaphore, #tpu.memory_space<semaphore_mem>>
      %dma_start3A = arith.constant 0 : i32
      %dma_start3A_22 = tpu.memref_slice %arg12[%min3A_1, %dma_start3A] : memref<10000x16xf32, #tpu.memory_space<vmem_shared>> -> memref<640x16xf32, #tpu.memory_space<vmem_shared>>
      %dma_start3A_23 = arith.constant 0 : i32
      %dma_start3A_24 = tpu.memref_slice %arg6[%min3A_1, %dma_start3A_23] : memref<10000x16xf32, #tpu.memory_space<hbm>> -> memref<640x16xf32, #tpu.memory_space<hbm>>
      tpu.enqueue_dma source(%dma_start3A_24 : memref<640x16xf32, #tpu.memory_space<hbm>>) target(%dma_start3A_22 : memref<640x16xf32, #tpu.memory_space<vmem_shared>>) target_semaphore(%run_scoped3A : memref<!tpu.dma_semaphore, #tpu.memory_space<semaphore_mem>>)
      %dma_wait3A = arith.constant 0 : i32
      %dma_wait3A_25 = tpu.memref_slice %arg12[%min3A_1, %dma_wait3A] : memref<10000x16xf32, #tpu.memory_space<vmem_shared>> -> memref<640x16xf32, #tpu.memory_space<vmem_shared>>
      %dma_wait3A_26 = arith.constant 0 : i32
      %dma_wait3A_27 = tpu.memref_slice %arg6[%min3A_1, %dma_wait3A_26] : memref<10000x16xf32, #tpu.memory_space<hbm>> -> memref<640x16xf32, #tpu.memory_space<hbm>>
      tpu.wait_dma2 semaphore(%run_scoped3A : memref<!tpu.dma_semaphore, #tpu.memory_space<semaphore_mem>>) src(%dma_wait3A_27 : memref<640x16xf32, #tpu.memory_space<hbm>>) dst(%dma_wait3A_25 : memref<640x16xf32, #tpu.memory_space<vmem_shared>>)
      tpu.yield
    }) : () -> ()
    %mul3A_2 = arith.constant 10000 : i32
    %mul3A_3 = arith.muli %arg1, %mul3A_2 : i32
    "tpu.region"() ({
      %run_scoped3A = tpu.sem_alloc : memref<!tpu.dma_semaphore, #tpu.memory_space<semaphore_mem>>
      %dma_start3A = tpu.memref_slice %arg5[%mul3A_3] : memref<160000xi32, #tpu.memory_space<hbm>> -> memref<10000xi32, #tpu.memory_space<hbm>>
      %dma_start3A_22 = tpu.memref_slice %arg5[%mul3A_3] : memref<160000xi32, #tpu.memory_space<hbm>> -> memref<10000xi32, #tpu.memory_space<hbm>>
      tpu.enqueue_dma source(%dma_start3A_22 : memref<10000xi32, #tpu.memory_space<hbm>>) target(%arg9 : memref<10000xi32, #tpu.memory_space<vmem>>) target_semaphore(%run_scoped3A : memref<!tpu.dma_semaphore, #tpu.memory_space<semaphore_mem>>)
      %dma_wait3A = tpu.memref_slice %arg5[%mul3A_3] : memref<160000xi32, #tpu.memory_space<hbm>> -> memref<10000xi32, #tpu.memory_space<hbm>>
      %dma_wait3A_23 = tpu.memref_slice %arg5[%mul3A_3] : memref<160000xi32, #tpu.memory_space<hbm>> -> memref<10000xi32, #tpu.memory_space<hbm>>
      tpu.wait_dma2 semaphore(%run_scoped3A : memref<!tpu.dma_semaphore, #tpu.memory_space<semaphore_mem>>) src(%dma_wait3A_23 : memref<10000xi32, #tpu.memory_space<hbm>>) dst(%arg9 : memref<10000xi32, #tpu.memory_space<vmem>>)
      tpu.yield
    }) : () -> ()
    "tpu.region"() ({
      %run_scoped3A = tpu.sem_alloc : memref<!tpu.dma_semaphore, #tpu.memory_space<semaphore_mem>>
      %dma_start3A = arith.constant 0 : i32
      %dma_start3A_22 = arith.constant 0 : i32
      %dma_start3A_23 = tpu.memref_slice %arg4[%arg1, %dma_start3A, %dma_start3A_22] : memref<16x125x80xi32, #tpu.memory_space<hbm>> -> memref<1x125x80xi32, #tpu.memory_space<hbm>>
      %dma_start3A_24 = tpu.memref_squeeze %dma_start3A_23 : memref<1x125x80xi32, #tpu.memory_space<hbm>> -> memref<125x80xi32, #tpu.memory_space<hbm>>
      %dma_start3A_25 = arith.constant 0 : i32
      %dma_start3A_26 = arith.constant 0 : i32
      %dma_start3A_27 = tpu.memref_slice %arg4[%arg1, %dma_start3A_25, %dma_start3A_26] : memref<16x125x80xi32, #tpu.memory_space<hbm>> -> memref<1x125x80xi32, #tpu.memory_space<hbm>>
      %dma_start3A_28 = tpu.memref_squeeze %dma_start3A_27 : memref<1x125x80xi32, #tpu.memory_space<hbm>> -> memref<125x80xi32, #tpu.memory_space<hbm>>
      tpu.enqueue_dma source(%dma_start3A_28 : memref<125x80xi32, #tpu.memory_space<hbm>>) target(%arg10 : memref<125x80xi32, #tpu.memory_space<vmem>>) target_semaphore(%run_scoped3A : memref<!tpu.dma_semaphore, #tpu.memory_space<semaphore_mem>>)
      %dma_wait3A = arith.constant 0 : i32
      %dma_wait3A_29 = arith.constant 0 : i32
      %dma_wait3A_30 = tpu.memref_slice %arg4[%arg1, %dma_wait3A, %dma_wait3A_29] : memref<16x125x80xi32, #tpu.memory_space<hbm>> -> memref<1x125x80xi32, #tpu.memory_space<hbm>>
      %dma_wait3A_31 = tpu.memref_squeeze %dma_wait3A_30 : memref<1x125x80xi32, #tpu.memory_space<hbm>> -> memref<125x80xi32, #tpu.memory_space<hbm>>
      %dma_wait3A_32 = arith.constant 0 : i32
      %dma_wait3A_33 = arith.constant 0 : i32
      %dma_wait3A_34 = tpu.memref_slice %arg4[%arg1, %dma_wait3A_32, %dma_wait3A_33] : memref<16x125x80xi32, #tpu.memory_space<hbm>> -> memref<1x125x80xi32, #tpu.memory_space<hbm>>
      %dma_wait3A_35 = tpu.memref_squeeze %dma_wait3A_34 : memref<1x125x80xi32, #tpu.memory_space<hbm>> -> memref<125x80xi32, #tpu.memory_space<hbm>>
      tpu.wait_dma2 semaphore(%run_scoped3A : memref<!tpu.dma_semaphore, #tpu.memory_space<semaphore_mem>>) src(%dma_wait3A_35 : memref<125x80xi32, #tpu.memory_space<hbm>>) dst(%arg10 : memref<125x80xi32, #tpu.memory_space<vmem>>)
      tpu.yield
    }) : () -> ()
    %barrier3A = arith.constant 0 : index
    tpu.barrier barrier_id(%barrier3A)
    %eq3A = arith.constant 0 : i32
    %eq3A_4 = arith.cmpi eq, %arg0, %eq3A : i32
    %convert_element_type3A = arith.extui %eq3A_4 : i1 to i32
    %cond3A = arith.constant 0 : i32
    %cond3A_5 = arith.cmpi ne, %convert_element_type3A, %cond3A : i32
    scf.if %cond3A_5 {
      %scan3A = arith.constant 0 : i32
      %scan3A_22 = arith.constant 0 : i32
      %scan3A_23 = arith.constant 125 : i32
      %scan3A_24 = arith.addi %scan3A_22, %scan3A_23 : i32
      %scan3A_25 = arith.constant 1 : i32
      scf.for %scan3A_27 = %scan3A_22 to %scan3A_24 step %scan3A_25  : i32 {
        %mul3A_28 = arith.constant 80 : i32
        %mul3A_29 = arith.muli %scan3A_27, %mul3A_28 : i32
        %multiple_of3A = tpu.assume_multiple %mul3A_29, 8 : i32
        %dma_start3A = tpu.memref_slice %arg9[%multiple_of3A] : memref<10000xi32, #tpu.memory_space<vmem>> -> memref<80xi32, #tpu.memory_space<vmem>>
        %dma_start3A_30 = arith.constant 0 : i32
        %dma_start3A_31 = arith.constant 0 : i32
        %dma_start3A_32 = tpu.memref_slice %arg2[%dma_start3A_30, %dma_start3A_31] : memref<10000x16xf32, #tpu.memory_space<hbm>> -> memref<10000x16xf32, #tpu.memory_space<hbm>>
        tpu.enqueue_indirect_dma source(%dma_start3A_32 : memref<10000x16xf32, #tpu.memory_space<hbm>>) target(%arg11 : memref<80x16xf32, #tpu.memory_space<vmem>>) offsets(%dma_start3A : memref<80xi32, #tpu.memory_space<vmem>>) semaphore(%arg13 : memref<!tpu.dma_semaphore, #tpu.memory_space<semaphore_mem>>)
        %dma_wait3A = tpu.memref_slice %arg9[%multiple_of3A] : memref<10000xi32, #tpu.memory_space<vmem>> -> memref<80xi32, #tpu.memory_space<vmem>>
        %dma_wait3A_33 = arith.constant 0 : i32
        %dma_wait3A_34 = arith.constant 0 : i32
        %dma_wait3A_35 = tpu.memref_slice %arg2[%dma_wait3A_33, %dma_wait3A_34] : memref<10000x16xf32, #tpu.memory_space<hbm>> -> memref<10000x16xf32, #tpu.memory_space<hbm>>
        tpu.wait_indirect_dma semaphore(%arg13 : memref<!tpu.dma_semaphore, #tpu.memory_space<semaphore_mem>>) src(%dma_wait3A_35 : memref<10000x16xf32, #tpu.memory_space<hbm>>) dst(%arg11 : memref<80x16xf32, #tpu.memory_space<vmem>>)
        "tpu.region"() ({
          %run_scoped3A = tpu.sem_alloc : memref<!tpu.dma_semaphore, #tpu.memory_space<semaphore_mem>>
          %dma_start3A_36 = arith.constant 0 : i32
          %dma_start3A_37 = tpu.memref_slice %arg10[%scan3A_27, %dma_start3A_36] : memref<125x80xi32, #tpu.memory_space<vmem>> -> memref<1x80xi32, #tpu.memory_space<vmem>>
          %dma_start3A_38 = tpu.memref_squeeze %dma_start3A_37 : memref<1x80xi32, #tpu.memory_space<vmem>> -> memref<80xi32, #tpu.memory_space<vmem>>
          %dma_start3A_39 = arith.constant 0 : i32
          %dma_start3A_40 = arith.constant 0 : i32
          %dma_start3A_41 = tpu.memref_slice %arg12[%dma_start3A_39, %dma_start3A_40] : memref<10000x16xf32, #tpu.memory_space<vmem_shared>> -> memref<10000x16xf32, #tpu.memory_space<vmem_shared>>
          tpu.enqueue_indirect_dma source(%arg11 : memref<80x16xf32, #tpu.memory_space<vmem>>) target(%dma_start3A_41 : memref<10000x16xf32, #tpu.memory_space<vmem_shared>>) offsets(%dma_start3A_38 : memref<80xi32, #tpu.memory_space<vmem>>) semaphore(%run_scoped3A : memref<!tpu.dma_semaphore, #tpu.memory_space<semaphore_mem>>) {add = true}
          %dma_wait3A_42 = arith.constant 0 : i32
          %dma_wait3A_43 = tpu.memref_slice %arg10[%scan3A_27, %dma_wait3A_42] : memref<125x80xi32, #tpu.memory_space<vmem>> -> memref<1x80xi32, #tpu.memory_space<vmem>>
          %dma_wait3A_44 = tpu.memref_squeeze %dma_wait3A_43 : memref<1x80xi32, #tpu.memory_space<vmem>> -> memref<80xi32, #tpu.memory_space<vmem>>
          %dma_wait3A_45 = arith.constant 0 : i32
          %dma_wait3A_46 = arith.constant 0 : i32
          %dma_wait3A_47 = tpu.memref_slice %arg12[%dma_wait3A_45, %dma_wait3A_46] : memref<10000x16xf32, #tpu.memory_space<vmem_shared>> -> memref<10000x16xf32, #tpu.memory_space<vmem_shared>>
          tpu.wait_indirect_dma semaphore(%run_scoped3A : memref<!tpu.dma_semaphore, #tpu.memory_space<semaphore_mem>>) src(%arg11 : memref<80x16xf32, #tpu.memory_space<vmem>>) dst(%dma_wait3A_47 : memref<10000x16xf32, #tpu.memory_space<vmem_shared>>)
          tpu.yield
        }) : () -> ()
      }
      %scan3A_26 = arith.constant 125 : i32
    } else {
    }
    %eq3A_6 = arith.constant 1 : i32
    %eq3A_7 = arith.cmpi eq, %arg0, %eq3A_6 : i32
    %convert_element_type3A_8 = arith.extui %eq3A_7 : i1 to i32
    %cond3A_9 = arith.constant 0 : i32
    %cond3A_10 = arith.cmpi ne, %convert_element_type3A_8, %cond3A_9 : i32
    scf.if %cond3A_10 {
      %scan3A = arith.constant 0 : i32
      %scan3A_22 = arith.constant 0 : i32
      %scan3A_23 = arith.constant 125 : i32
      %scan3A_24 = arith.addi %scan3A_22, %scan3A_23 : i32
      %scan3A_25 = arith.constant 1 : i32
      scf.for %scan3A_27 = %scan3A_22 to %scan3A_24 step %scan3A_25  : i32 {
        %mul3A_28 = arith.constant 80 : i32
        %mul3A_29 = arith.muli %scan3A_27, %mul3A_28 : i32
        %multiple_of3A = tpu.assume_multiple %mul3A_29, 8 : i32
        %dma_start3A = tpu.memref_slice %arg9[%multiple_of3A] : memref<10000xi32, #tpu.memory_space<vmem>> -> memref<80xi32, #tpu.memory_space<vmem>>
        %dma_start3A_30 = arith.constant 0 : i32
        %dma_start3A_31 = arith.constant 0 : i32
        %dma_start3A_32 = tpu.memref_slice %arg3[%dma_start3A_30, %dma_start3A_31] : memref<10000x16xf32, #tpu.memory_space<hbm>> -> memref<10000x16xf32, #tpu.memory_space<hbm>>
        tpu.enqueue_indirect_dma source(%dma_start3A_32 : memref<10000x16xf32, #tpu.memory_space<hbm>>) target(%arg11 : memref<80x16xf32, #tpu.memory_space<vmem>>) offsets(%dma_start3A : memref<80xi32, #tpu.memory_space<vmem>>) semaphore(%arg13 : memref<!tpu.dma_semaphore, #tpu.memory_space<semaphore_mem>>)
        %dma_wait3A = tpu.memref_slice %arg9[%multiple_of3A] : memref<10000xi32, #tpu.memory_space<vmem>> -> memref<80xi32, #tpu.memory_space<vmem>>
        %dma_wait3A_33 = arith.constant 0 : i32
        %dma_wait3A_34 = arith.constant 0 : i32
        %dma_wait3A_35 = tpu.memref_slice %arg3[%dma_wait3A_33, %dma_wait3A_34] : memref<10000x16xf32, #tpu.memory_space<hbm>> -> memref<10000x16xf32, #tpu.memory_space<hbm>>
        tpu.wait_indirect_dma semaphore(%arg13 : memref<!tpu.dma_semaphore, #tpu.memory_space<semaphore_mem>>) src(%dma_wait3A_35 : memref<10000x16xf32, #tpu.memory_space<hbm>>) dst(%arg11 : memref<80x16xf32, #tpu.memory_space<vmem>>)
        "tpu.region"() ({
          %run_scoped3A = tpu.sem_alloc : memref<!tpu.dma_semaphore, #tpu.memory_space<semaphore_mem>>
          %dma_start3A_36 = arith.constant 0 : i32
          %dma_start3A_37 = tpu.memref_slice %arg10[%scan3A_27, %dma_start3A_36] : memref<125x80xi32, #tpu.memory_space<vmem>> -> memref<1x80xi32, #tpu.memory_space<vmem>>
          %dma_start3A_38 = tpu.memref_squeeze %dma_start3A_37 : memref<1x80xi32, #tpu.memory_space<vmem>> -> memref<80xi32, #tpu.memory_space<vmem>>
          %dma_start3A_39 = arith.constant 0 : i32
          %dma_start3A_40 = arith.constant 0 : i32
          %dma_start3A_41 = tpu.memref_slice %arg12[%dma_start3A_39, %dma_start3A_40] : memref<10000x16xf32, #tpu.memory_space<vmem_shared>> -> memref<10000x16xf32, #tpu.memory_space<vmem_shared>>
          tpu.enqueue_indirect_dma source(%arg11 : memref<80x16xf32, #tpu.memory_space<vmem>>) target(%dma_start3A_41 : memref<10000x16xf32, #tpu.memory_space<vmem_shared>>) offsets(%dma_start3A_38 : memref<80xi32, #tpu.memory_space<vmem>>) semaphore(%run_scoped3A : memref<!tpu.dma_semaphore, #tpu.memory_space<semaphore_mem>>) {add = true}
          %dma_wait3A_42 = arith.constant 0 : i32
          %dma_wait3A_43 = tpu.memref_slice %arg10[%scan3A_27, %dma_wait3A_42] : memref<125x80xi32, #tpu.memory_space<vmem>> -> memref<1x80xi32, #tpu.memory_space<vmem>>
          %dma_wait3A_44 = tpu.memref_squeeze %dma_wait3A_43 : memref<1x80xi32, #tpu.memory_space<vmem>> -> memref<80xi32, #tpu.memory_space<vmem>>
          %dma_wait3A_45 = arith.constant 0 : i32
          %dma_wait3A_46 = arith.constant 0 : i32
          %dma_wait3A_47 = tpu.memref_slice %arg12[%dma_wait3A_45, %dma_wait3A_46] : memref<10000x16xf32, #tpu.memory_space<vmem_shared>> -> memref<10000x16xf32, #tpu.memory_space<vmem_shared>>
          tpu.wait_indirect_dma semaphore(%run_scoped3A : memref<!tpu.dma_semaphore, #tpu.memory_space<semaphore_mem>>) src(%arg11 : memref<80x16xf32, #tpu.memory_space<vmem>>) dst(%dma_wait3A_47 : memref<10000x16xf32, #tpu.memory_space<vmem_shared>>)
          tpu.yield
        }) : () -> ()
      }
      %scan3A_26 = arith.constant 125 : i32
    } else {
    }
    %barrier3A_11 = arith.constant 0 : index
    tpu.barrier barrier_id(%barrier3A_11)
    %eq3A_12 = arith.constant 0 : i32
    %eq3A_13 = arith.cmpi eq, %arg0, %eq3A_12 : i32
    %convert_element_type3A_14 = arith.extui %eq3A_13 : i1 to i32
    %cond3A_15 = arith.constant 0 : i32
    %cond3A_16 = arith.cmpi ne, %convert_element_type3A_14, %cond3A_15 : i32
    scf.if %cond3A_16 {
      "tpu.region"() ({
        %run_scoped3A = tpu.sem_alloc : memref<!tpu.dma_semaphore, #tpu.memory_space<semaphore_mem>>
        %dma_start3A = arith.constant 0 : i32
        %dma_start3A_22 = tpu.memref_slice %arg7[%min3A_1, %dma_start3A] : memref<10000x16xf32, #tpu.memory_space<hbm>> -> memref<640x16xf32, #tpu.memory_space<hbm>>
        %dma_start3A_23 = arith.constant 0 : i32
        %dma_start3A_24 = tpu.memref_slice %arg12[%min3A_1, %dma_start3A_23] : memref<10000x16xf32, #tpu.memory_space<vmem_shared>> -> memref<640x16xf32, #tpu.memory_space<vmem_shared>>
        tpu.enqueue_dma source(%dma_start3A_24 : memref<640x16xf32, #tpu.memory_space<vmem_shared>>) target(%dma_start3A_22 : memref<640x16xf32, #tpu.memory_space<hbm>>) target_semaphore(%run_scoped3A : memref<!tpu.dma_semaphore, #tpu.memory_space<semaphore_mem>>)
        %dma_wait3A = arith.constant 0 : i32
        %dma_wait3A_25 = tpu.memref_slice %arg7[%min3A_1, %dma_wait3A] : memref<10000x16xf32, #tpu.memory_space<hbm>> -> memref<640x16xf32, #tpu.memory_space<hbm>>
        %dma_wait3A_26 = arith.constant 0 : i32
        %dma_wait3A_27 = tpu.memref_slice %arg12[%min3A_1, %dma_wait3A_26] : memref<10000x16xf32, #tpu.memory_space<vmem_shared>> -> memref<640x16xf32, #tpu.memory_space<vmem_shared>>
        tpu.wait_dma2 semaphore(%run_scoped3A : memref<!tpu.dma_semaphore, #tpu.memory_space<semaphore_mem>>) src(%dma_wait3A_27 : memref<640x16xf32, #tpu.memory_space<vmem_shared>>) dst(%dma_wait3A_25 : memref<640x16xf32, #tpu.memory_space<hbm>>)
        tpu.yield
      }) : () -> ()
    } else {
    }
    %eq3A_17 = arith.constant 1 : i32
    %eq3A_18 = arith.cmpi eq, %arg0, %eq3A_17 : i32
    %convert_element_type3A_19 = arith.extui %eq3A_18 : i1 to i32
    %cond3A_20 = arith.constant 0 : i32
    %cond3A_21 = arith.cmpi ne, %convert_element_type3A_19, %cond3A_20 : i32
    scf.if %cond3A_21 {
      "tpu.region"() ({
        %run_scoped3A = tpu.sem_alloc : memref<!tpu.dma_semaphore, #tpu.memory_space<semaphore_mem>>
        %dma_start3A = arith.constant 0 : i32
        %dma_start3A_22 = tpu.memref_slice %arg8[%min3A_1, %dma_start3A] : memref<10000x16xf32, #tpu.memory_space<hbm>> -> memref<640x16xf32, #tpu.memory_space<hbm>>
        %dma_start3A_23 = arith.constant 0 : i32
        %dma_start3A_24 = tpu.memref_slice %arg12[%min3A_1, %dma_start3A_23] : memref<10000x16xf32, #tpu.memory_space<vmem_shared>> -> memref<640x16xf32, #tpu.memory_space<vmem_shared>>
        tpu.enqueue_dma source(%dma_start3A_24 : memref<640x16xf32, #tpu.memory_space<vmem_shared>>) target(%dma_start3A_22 : memref<640x16xf32, #tpu.memory_space<hbm>>) target_semaphore(%run_scoped3A : memref<!tpu.dma_semaphore, #tpu.memory_space<semaphore_mem>>)
        %dma_wait3A = arith.constant 0 : i32
        %dma_wait3A_25 = tpu.memref_slice %arg8[%min3A_1, %dma_wait3A] : memref<10000x16xf32, #tpu.memory_space<hbm>> -> memref<640x16xf32, #tpu.memory_space<hbm>>
        %dma_wait3A_26 = arith.constant 0 : i32
        %dma_wait3A_27 = tpu.memref_slice %arg12[%min3A_1, %dma_wait3A_26] : memref<10000x16xf32, #tpu.memory_space<vmem_shared>> -> memref<640x16xf32, #tpu.memory_space<vmem_shared>>
        tpu.wait_dma2 semaphore(%run_scoped3A : memref<!tpu.dma_semaphore, #tpu.memory_space<semaphore_mem>>) src(%dma_wait3A_27 : memref<640x16xf32, #tpu.memory_space<vmem_shared>>) dst(%dma_wait3A_25 : memref<640x16xf32, #tpu.memory_space<hbm>>)
        tpu.yield
      }) : () -> ()
    } else {
    }
    return
  }
}

#map = affine_map<(d0, d1) -> (0, 0)>
#map1 = affine_map<(d0, d1) -> (0, 0, 0)>
#map2 = affine_map<(d0, d1) -> (0)>
module attributes {stable_mosaic.version = 14 : i64} {
  func.func @agg(%arg0: i32, %arg1: i32, %arg2: memref<10000x128xf32, #tpu.memory_space<hbm>>, %arg3: memref<10000x128xf32, #tpu.memory_space<hbm>>, %arg4: memref<16x125x80xi32, #tpu.memory_space<hbm>>, %arg5: memref<160000xi32, #tpu.memory_space<hbm>>, %arg6: memref<10000x128xf32, #tpu.memory_space<hbm>>, %arg7: memref<10000x128xf32, #tpu.memory_space<hbm>>, %arg8: memref<10000x128xf32, #tpu.memory_space<hbm>>, %arg9: memref<10000xi32, #tpu.memory_space<vmem>>, %arg10: memref<125x80xi32, #tpu.memory_space<vmem>>, %arg11: memref<80x128xf32, #tpu.memory_space<vmem>>, %arg12: memref<10000x128xf32, #tpu.memory_space<vmem_shared>>, %arg13: memref<!tpu.dma_semaphore, #tpu.memory_space<semaphore_mem>>) attributes {dimension_semantics = [#tpu.dimension_semantics<core_parallel>, #tpu.dimension_semantics<subcore_parallel>], iteration_bounds = array<i64: 2, 16>, scalar_prefetch = 0 : i64, scratch_operands = 5 : i64, tpu.core_type = #tpu.core_type<sc_vector_subcore>, window_params = [{transform_indices = #map}, {transform_indices = #map}, {transform_indices = #map1}, {transform_indices = #map2}, {transform_indices = #map}, {transform_indices = #map}, {transform_indices = #map}]} {
    %mul3A = arith.constant 640 : i32
    %mul3A_0 = arith.muli %arg1, %mul3A : i32
    %min3A = arith.constant 9360 : i32
    %min3A_1 = arith.minsi %mul3A_0, %min3A : i32
    "tpu.region"() ({
      %run_scoped3A = tpu.sem_alloc : memref<!tpu.dma_semaphore, #tpu.memory_space<semaphore_mem>>
      %dma_start3A = arith.constant 0 : i32
      %dma_start3A_22 = tpu.memref_slice %arg12[%min3A_1, %dma_start3A] : memref<10000x128xf32, #tpu.memory_space<vmem_shared>> -> memref<640x128xf32, #tpu.memory_space<vmem_shared>>
      %dma_start3A_23 = arith.constant 0 : i32
      %dma_start3A_24 = tpu.memref_slice %arg6[%min3A_1, %dma_start3A_23] : memref<10000x128xf32, #tpu.memory_space<hbm>> -> memref<640x128xf32, #tpu.memory_space<hbm>>
      tpu.enqueue_dma source(%dma_start3A_24 : memref<640x128xf32, #tpu.memory_space<hbm>>) target(%dma_start3A_22 : memref<640x128xf32, #tpu.memory_space<vmem_shared>>) target_semaphore(%run_scoped3A : memref<!tpu.dma_semaphore, #tpu.memory_space<semaphore_mem>>)
      %dma_wait3A = arith.constant 0 : i32
      %dma_wait3A_25 = tpu.memref_slice %arg12[%min3A_1, %dma_wait3A] : memref<10000x128xf32, #tpu.memory_space<vmem_shared>> -> memref<640x128xf32, #tpu.memory_space<vmem_shared>>
      %dma_wait3A_26 = arith.constant 0 : i32
      %dma_wait3A_27 = tpu.memref_slice %arg6[%min3A_1, %dma_wait3A_26] : memref<10000x128xf32, #tpu.memory_space<hbm>> -> memref<640x128xf32, #tpu.memory_space<hbm>>
      tpu.wait_dma2 semaphore(%run_scoped3A : memref<!tpu.dma_semaphore, #tpu.memory_space<semaphore_mem>>) src(%dma_wait3A_27 : memref<640x128xf32, #tpu.memory_space<hbm>>) dst(%dma_wait3A_25 : memref<640x128xf32, #tpu.memory_space<vmem_shared>>)
      tpu.yield
    }) : () -> ()
    %mul3A_2 = arith.constant 10000 : i32
    %mul3A_3 = arith.muli %arg1, %mul3A_2 : i32
    "tpu.region"() ({
      %run_scoped3A = tpu.sem_alloc : memref<!tpu.dma_semaphore, #tpu.memory_space<semaphore_mem>>
      %dma_start3A = tpu.memref_slice %arg5[%mul3A_3] : memref<160000xi32, #tpu.memory_space<hbm>> -> memref<10000xi32, #tpu.memory_space<hbm>>
      %dma_start3A_22 = tpu.memref_slice %arg5[%mul3A_3] : memref<160000xi32, #tpu.memory_space<hbm>> -> memref<10000xi32, #tpu.memory_space<hbm>>
      tpu.enqueue_dma source(%dma_start3A_22 : memref<10000xi32, #tpu.memory_space<hbm>>) target(%arg9 : memref<10000xi32, #tpu.memory_space<vmem>>) target_semaphore(%run_scoped3A : memref<!tpu.dma_semaphore, #tpu.memory_space<semaphore_mem>>)
      %dma_wait3A = tpu.memref_slice %arg5[%mul3A_3] : memref<160000xi32, #tpu.memory_space<hbm>> -> memref<10000xi32, #tpu.memory_space<hbm>>
      %dma_wait3A_23 = tpu.memref_slice %arg5[%mul3A_3] : memref<160000xi32, #tpu.memory_space<hbm>> -> memref<10000xi32, #tpu.memory_space<hbm>>
      tpu.wait_dma2 semaphore(%run_scoped3A : memref<!tpu.dma_semaphore, #tpu.memory_space<semaphore_mem>>) src(%dma_wait3A_23 : memref<10000xi32, #tpu.memory_space<hbm>>) dst(%arg9 : memref<10000xi32, #tpu.memory_space<vmem>>)
      tpu.yield
    }) : () -> ()
    "tpu.region"() ({
      %run_scoped3A = tpu.sem_alloc : memref<!tpu.dma_semaphore, #tpu.memory_space<semaphore_mem>>
      %dma_start3A = arith.constant 0 : i32
      %dma_start3A_22 = arith.constant 0 : i32
      %dma_start3A_23 = tpu.memref_slice %arg4[%arg1, %dma_start3A, %dma_start3A_22] : memref<16x125x80xi32, #tpu.memory_space<hbm>> -> memref<1x125x80xi32, #tpu.memory_space<hbm>>
      %dma_start3A_24 = tpu.memref_squeeze %dma_start3A_23 : memref<1x125x80xi32, #tpu.memory_space<hbm>> -> memref<125x80xi32, #tpu.memory_space<hbm>>
      %dma_start3A_25 = arith.constant 0 : i32
      %dma_start3A_26 = arith.constant 0 : i32
      %dma_start3A_27 = tpu.memref_slice %arg4[%arg1, %dma_start3A_25, %dma_start3A_26] : memref<16x125x80xi32, #tpu.memory_space<hbm>> -> memref<1x125x80xi32, #tpu.memory_space<hbm>>
      %dma_start3A_28 = tpu.memref_squeeze %dma_start3A_27 : memref<1x125x80xi32, #tpu.memory_space<hbm>> -> memref<125x80xi32, #tpu.memory_space<hbm>>
      tpu.enqueue_dma source(%dma_start3A_28 : memref<125x80xi32, #tpu.memory_space<hbm>>) target(%arg10 : memref<125x80xi32, #tpu.memory_space<vmem>>) target_semaphore(%run_scoped3A : memref<!tpu.dma_semaphore, #tpu.memory_space<semaphore_mem>>)
      %dma_wait3A = arith.constant 0 : i32
      %dma_wait3A_29 = arith.constant 0 : i32
      %dma_wait3A_30 = tpu.memref_slice %arg4[%arg1, %dma_wait3A, %dma_wait3A_29] : memref<16x125x80xi32, #tpu.memory_space<hbm>> -> memref<1x125x80xi32, #tpu.memory_space<hbm>>
      %dma_wait3A_31 = tpu.memref_squeeze %dma_wait3A_30 : memref<1x125x80xi32, #tpu.memory_space<hbm>> -> memref<125x80xi32, #tpu.memory_space<hbm>>
      %dma_wait3A_32 = arith.constant 0 : i32
      %dma_wait3A_33 = arith.constant 0 : i32
      %dma_wait3A_34 = tpu.memref_slice %arg4[%arg1, %dma_wait3A_32, %dma_wait3A_33] : memref<16x125x80xi32, #tpu.memory_space<hbm>> -> memref<1x125x80xi32, #tpu.memory_space<hbm>>
      %dma_wait3A_35 = tpu.memref_squeeze %dma_wait3A_34 : memref<1x125x80xi32, #tpu.memory_space<hbm>> -> memref<125x80xi32, #tpu.memory_space<hbm>>
      tpu.wait_dma2 semaphore(%run_scoped3A : memref<!tpu.dma_semaphore, #tpu.memory_space<semaphore_mem>>) src(%dma_wait3A_35 : memref<125x80xi32, #tpu.memory_space<hbm>>) dst(%arg10 : memref<125x80xi32, #tpu.memory_space<vmem>>)
      tpu.yield
    }) : () -> ()
    %barrier3A = arith.constant 0 : index
    tpu.barrier barrier_id(%barrier3A)
    %eq3A = arith.constant 0 : i32
    %eq3A_4 = arith.cmpi eq, %arg0, %eq3A : i32
    %convert_element_type3A = arith.extui %eq3A_4 : i1 to i32
    %cond3A = arith.constant 0 : i32
    %cond3A_5 = arith.cmpi ne, %convert_element_type3A, %cond3A : i32
    scf.if %cond3A_5 {
      %scan3A = arith.constant 0 : i32
      %scan3A_22 = arith.constant 0 : i32
      %scan3A_23 = arith.constant 125 : i32
      %scan3A_24 = arith.addi %scan3A_22, %scan3A_23 : i32
      %scan3A_25 = arith.constant 1 : i32
      scf.for %scan3A_27 = %scan3A_22 to %scan3A_24 step %scan3A_25  : i32 {
        %mul3A_28 = arith.constant 80 : i32
        %mul3A_29 = arith.muli %scan3A_27, %mul3A_28 : i32
        %multiple_of3A = tpu.assume_multiple %mul3A_29, 8 : i32
        %dma_start3A = tpu.memref_slice %arg9[%multiple_of3A] : memref<10000xi32, #tpu.memory_space<vmem>> -> memref<80xi32, #tpu.memory_space<vmem>>
        %dma_start3A_30 = arith.constant 0 : i32
        %dma_start3A_31 = arith.constant 0 : i32
        %dma_start3A_32 = tpu.memref_slice %arg2[%dma_start3A_30, %dma_start3A_31] : memref<10000x128xf32, #tpu.memory_space<hbm>> -> memref<10000x128xf32, #tpu.memory_space<hbm>>
        tpu.enqueue_indirect_dma source(%dma_start3A_32 : memref<10000x128xf32, #tpu.memory_space<hbm>>) target(%arg11 : memref<80x128xf32, #tpu.memory_space<vmem>>) offsets(%dma_start3A : memref<80xi32, #tpu.memory_space<vmem>>) semaphore(%arg13 : memref<!tpu.dma_semaphore, #tpu.memory_space<semaphore_mem>>)
        %dma_wait3A = tpu.memref_slice %arg9[%multiple_of3A] : memref<10000xi32, #tpu.memory_space<vmem>> -> memref<80xi32, #tpu.memory_space<vmem>>
        %dma_wait3A_33 = arith.constant 0 : i32
        %dma_wait3A_34 = arith.constant 0 : i32
        %dma_wait3A_35 = tpu.memref_slice %arg2[%dma_wait3A_33, %dma_wait3A_34] : memref<10000x128xf32, #tpu.memory_space<hbm>> -> memref<10000x128xf32, #tpu.memory_space<hbm>>
        tpu.wait_indirect_dma semaphore(%arg13 : memref<!tpu.dma_semaphore, #tpu.memory_space<semaphore_mem>>) src(%dma_wait3A_35 : memref<10000x128xf32, #tpu.memory_space<hbm>>) dst(%arg11 : memref<80x128xf32, #tpu.memory_space<vmem>>)
        "tpu.region"() ({
          %run_scoped3A = tpu.sem_alloc : memref<!tpu.dma_semaphore, #tpu.memory_space<semaphore_mem>>
          %dma_start3A_36 = arith.constant 0 : i32
          %dma_start3A_37 = tpu.memref_slice %arg10[%scan3A_27, %dma_start3A_36] : memref<125x80xi32, #tpu.memory_space<vmem>> -> memref<1x80xi32, #tpu.memory_space<vmem>>
          %dma_start3A_38 = tpu.memref_squeeze %dma_start3A_37 : memref<1x80xi32, #tpu.memory_space<vmem>> -> memref<80xi32, #tpu.memory_space<vmem>>
          %dma_start3A_39 = arith.constant 0 : i32
          %dma_start3A_40 = arith.constant 0 : i32
          %dma_start3A_41 = tpu.memref_slice %arg12[%dma_start3A_39, %dma_start3A_40] : memref<10000x128xf32, #tpu.memory_space<vmem_shared>> -> memref<10000x128xf32, #tpu.memory_space<vmem_shared>>
          tpu.enqueue_indirect_dma source(%arg11 : memref<80x128xf32, #tpu.memory_space<vmem>>) target(%dma_start3A_41 : memref<10000x128xf32, #tpu.memory_space<vmem_shared>>) offsets(%dma_start3A_38 : memref<80xi32, #tpu.memory_space<vmem>>) semaphore(%run_scoped3A : memref<!tpu.dma_semaphore, #tpu.memory_space<semaphore_mem>>) {add = true}
          %dma_wait3A_42 = arith.constant 0 : i32
          %dma_wait3A_43 = tpu.memref_slice %arg10[%scan3A_27, %dma_wait3A_42] : memref<125x80xi32, #tpu.memory_space<vmem>> -> memref<1x80xi32, #tpu.memory_space<vmem>>
          %dma_wait3A_44 = tpu.memref_squeeze %dma_wait3A_43 : memref<1x80xi32, #tpu.memory_space<vmem>> -> memref<80xi32, #tpu.memory_space<vmem>>
          %dma_wait3A_45 = arith.constant 0 : i32
          %dma_wait3A_46 = arith.constant 0 : i32
          %dma_wait3A_47 = tpu.memref_slice %arg12[%dma_wait3A_45, %dma_wait3A_46] : memref<10000x128xf32, #tpu.memory_space<vmem_shared>> -> memref<10000x128xf32, #tpu.memory_space<vmem_shared>>
          tpu.wait_indirect_dma semaphore(%run_scoped3A : memref<!tpu.dma_semaphore, #tpu.memory_space<semaphore_mem>>) src(%arg11 : memref<80x128xf32, #tpu.memory_space<vmem>>) dst(%dma_wait3A_47 : memref<10000x128xf32, #tpu.memory_space<vmem_shared>>)
          tpu.yield
        }) : () -> ()
      }
      %scan3A_26 = arith.constant 125 : i32
    } else {
    }
    %eq3A_6 = arith.constant 1 : i32
    %eq3A_7 = arith.cmpi eq, %arg0, %eq3A_6 : i32
    %convert_element_type3A_8 = arith.extui %eq3A_7 : i1 to i32
    %cond3A_9 = arith.constant 0 : i32
    %cond3A_10 = arith.cmpi ne, %convert_element_type3A_8, %cond3A_9 : i32
    scf.if %cond3A_10 {
      %scan3A = arith.constant 0 : i32
      %scan3A_22 = arith.constant 0 : i32
      %scan3A_23 = arith.constant 125 : i32
      %scan3A_24 = arith.addi %scan3A_22, %scan3A_23 : i32
      %scan3A_25 = arith.constant 1 : i32
      scf.for %scan3A_27 = %scan3A_22 to %scan3A_24 step %scan3A_25  : i32 {
        %mul3A_28 = arith.constant 80 : i32
        %mul3A_29 = arith.muli %scan3A_27, %mul3A_28 : i32
        %multiple_of3A = tpu.assume_multiple %mul3A_29, 8 : i32
        %dma_start3A = tpu.memref_slice %arg9[%multiple_of3A] : memref<10000xi32, #tpu.memory_space<vmem>> -> memref<80xi32, #tpu.memory_space<vmem>>
        %dma_start3A_30 = arith.constant 0 : i32
        %dma_start3A_31 = arith.constant 0 : i32
        %dma_start3A_32 = tpu.memref_slice %arg3[%dma_start3A_30, %dma_start3A_31] : memref<10000x128xf32, #tpu.memory_space<hbm>> -> memref<10000x128xf32, #tpu.memory_space<hbm>>
        tpu.enqueue_indirect_dma source(%dma_start3A_32 : memref<10000x128xf32, #tpu.memory_space<hbm>>) target(%arg11 : memref<80x128xf32, #tpu.memory_space<vmem>>) offsets(%dma_start3A : memref<80xi32, #tpu.memory_space<vmem>>) semaphore(%arg13 : memref<!tpu.dma_semaphore, #tpu.memory_space<semaphore_mem>>)
        %dma_wait3A = tpu.memref_slice %arg9[%multiple_of3A] : memref<10000xi32, #tpu.memory_space<vmem>> -> memref<80xi32, #tpu.memory_space<vmem>>
        %dma_wait3A_33 = arith.constant 0 : i32
        %dma_wait3A_34 = arith.constant 0 : i32
        %dma_wait3A_35 = tpu.memref_slice %arg3[%dma_wait3A_33, %dma_wait3A_34] : memref<10000x128xf32, #tpu.memory_space<hbm>> -> memref<10000x128xf32, #tpu.memory_space<hbm>>
        tpu.wait_indirect_dma semaphore(%arg13 : memref<!tpu.dma_semaphore, #tpu.memory_space<semaphore_mem>>) src(%dma_wait3A_35 : memref<10000x128xf32, #tpu.memory_space<hbm>>) dst(%arg11 : memref<80x128xf32, #tpu.memory_space<vmem>>)
        "tpu.region"() ({
          %run_scoped3A = tpu.sem_alloc : memref<!tpu.dma_semaphore, #tpu.memory_space<semaphore_mem>>
          %dma_start3A_36 = arith.constant 0 : i32
          %dma_start3A_37 = tpu.memref_slice %arg10[%scan3A_27, %dma_start3A_36] : memref<125x80xi32, #tpu.memory_space<vmem>> -> memref<1x80xi32, #tpu.memory_space<vmem>>
          %dma_start3A_38 = tpu.memref_squeeze %dma_start3A_37 : memref<1x80xi32, #tpu.memory_space<vmem>> -> memref<80xi32, #tpu.memory_space<vmem>>
          %dma_start3A_39 = arith.constant 0 : i32
          %dma_start3A_40 = arith.constant 0 : i32
          %dma_start3A_41 = tpu.memref_slice %arg12[%dma_start3A_39, %dma_start3A_40] : memref<10000x128xf32, #tpu.memory_space<vmem_shared>> -> memref<10000x128xf32, #tpu.memory_space<vmem_shared>>
          tpu.enqueue_indirect_dma source(%arg11 : memref<80x128xf32, #tpu.memory_space<vmem>>) target(%dma_start3A_41 : memref<10000x128xf32, #tpu.memory_space<vmem_shared>>) offsets(%dma_start3A_38 : memref<80xi32, #tpu.memory_space<vmem>>) semaphore(%run_scoped3A : memref<!tpu.dma_semaphore, #tpu.memory_space<semaphore_mem>>) {add = true}
          %dma_wait3A_42 = arith.constant 0 : i32
          %dma_wait3A_43 = tpu.memref_slice %arg10[%scan3A_27, %dma_wait3A_42] : memref<125x80xi32, #tpu.memory_space<vmem>> -> memref<1x80xi32, #tpu.memory_space<vmem>>
          %dma_wait3A_44 = tpu.memref_squeeze %dma_wait3A_43 : memref<1x80xi32, #tpu.memory_space<vmem>> -> memref<80xi32, #tpu.memory_space<vmem>>
          %dma_wait3A_45 = arith.constant 0 : i32
          %dma_wait3A_46 = arith.constant 0 : i32
          %dma_wait3A_47 = tpu.memref_slice %arg12[%dma_wait3A_45, %dma_wait3A_46] : memref<10000x128xf32, #tpu.memory_space<vmem_shared>> -> memref<10000x128xf32, #tpu.memory_space<vmem_shared>>
          tpu.wait_indirect_dma semaphore(%run_scoped3A : memref<!tpu.dma_semaphore, #tpu.memory_space<semaphore_mem>>) src(%arg11 : memref<80x128xf32, #tpu.memory_space<vmem>>) dst(%dma_wait3A_47 : memref<10000x128xf32, #tpu.memory_space<vmem_shared>>)
          tpu.yield
        }) : () -> ()
      }
      %scan3A_26 = arith.constant 125 : i32
    } else {
    }
    %barrier3A_11 = arith.constant 0 : index
    tpu.barrier barrier_id(%barrier3A_11)
    %eq3A_12 = arith.constant 0 : i32
    %eq3A_13 = arith.cmpi eq, %arg0, %eq3A_12 : i32
    %convert_element_type3A_14 = arith.extui %eq3A_13 : i1 to i32
    %cond3A_15 = arith.constant 0 : i32
    %cond3A_16 = arith.cmpi ne, %convert_element_type3A_14, %cond3A_15 : i32
    scf.if %cond3A_16 {
      "tpu.region"() ({
        %run_scoped3A = tpu.sem_alloc : memref<!tpu.dma_semaphore, #tpu.memory_space<semaphore_mem>>
        %dma_start3A = arith.constant 0 : i32
        %dma_start3A_22 = tpu.memref_slice %arg7[%min3A_1, %dma_start3A] : memref<10000x128xf32, #tpu.memory_space<hbm>> -> memref<640x128xf32, #tpu.memory_space<hbm>>
        %dma_start3A_23 = arith.constant 0 : i32
        %dma_start3A_24 = tpu.memref_slice %arg12[%min3A_1, %dma_start3A_23] : memref<10000x128xf32, #tpu.memory_space<vmem_shared>> -> memref<640x128xf32, #tpu.memory_space<vmem_shared>>
        tpu.enqueue_dma source(%dma_start3A_24 : memref<640x128xf32, #tpu.memory_space<vmem_shared>>) target(%dma_start3A_22 : memref<640x128xf32, #tpu.memory_space<hbm>>) target_semaphore(%run_scoped3A : memref<!tpu.dma_semaphore, #tpu.memory_space<semaphore_mem>>)
        %dma_wait3A = arith.constant 0 : i32
        %dma_wait3A_25 = tpu.memref_slice %arg7[%min3A_1, %dma_wait3A] : memref<10000x128xf32, #tpu.memory_space<hbm>> -> memref<640x128xf32, #tpu.memory_space<hbm>>
        %dma_wait3A_26 = arith.constant 0 : i32
        %dma_wait3A_27 = tpu.memref_slice %arg12[%min3A_1, %dma_wait3A_26] : memref<10000x128xf32, #tpu.memory_space<vmem_shared>> -> memref<640x128xf32, #tpu.memory_space<vmem_shared>>
        tpu.wait_dma2 semaphore(%run_scoped3A : memref<!tpu.dma_semaphore, #tpu.memory_space<semaphore_mem>>) src(%dma_wait3A_27 : memref<640x128xf32, #tpu.memory_space<vmem_shared>>) dst(%dma_wait3A_25 : memref<640x128xf32, #tpu.memory_space<hbm>>)
        tpu.yield
      }) : () -> ()
    } else {
    }
    %eq3A_17 = arith.constant 1 : i32
    %eq3A_18 = arith.cmpi eq, %arg0, %eq3A_17 : i32
    %convert_element_type3A_19 = arith.extui %eq3A_18 : i1 to i32
    %cond3A_20 = arith.constant 0 : i32
    %cond3A_21 = arith.cmpi ne, %convert_element_type3A_19, %cond3A_20 : i32
    scf.if %cond3A_21 {
      "tpu.region"() ({
        %run_scoped3A = tpu.sem_alloc : memref<!tpu.dma_semaphore, #tpu.memory_space<semaphore_mem>>
        %dma_start3A = arith.constant 0 : i32
        %dma_start3A_22 = tpu.memref_slice %arg8[%min3A_1, %dma_start3A] : memref<10000x128xf32, #tpu.memory_space<hbm>> -> memref<640x128xf32, #tpu.memory_space<hbm>>
        %dma_start3A_23 = arith.constant 0 : i32
        %dma_start3A_24 = tpu.memref_slice %arg12[%min3A_1, %dma_start3A_23] : memref<10000x128xf32, #tpu.memory_space<vmem_shared>> -> memref<640x128xf32, #tpu.memory_space<vmem_shared>>
        tpu.enqueue_dma source(%dma_start3A_24 : memref<640x128xf32, #tpu.memory_space<vmem_shared>>) target(%dma_start3A_22 : memref<640x128xf32, #tpu.memory_space<hbm>>) target_semaphore(%run_scoped3A : memref<!tpu.dma_semaphore, #tpu.memory_space<semaphore_mem>>)
        %dma_wait3A = arith.constant 0 : i32
        %dma_wait3A_25 = tpu.memref_slice %arg8[%min3A_1, %dma_wait3A] : memref<10000x128xf32, #tpu.memory_space<hbm>> -> memref<640x128xf32, #tpu.memory_space<hbm>>
        %dma_wait3A_26 = arith.constant 0 : i32
        %dma_wait3A_27 = tpu.memref_slice %arg12[%min3A_1, %dma_wait3A_26] : memref<10000x128xf32, #tpu.memory_space<vmem_shared>> -> memref<640x128xf32, #tpu.memory_space<vmem_shared>>
        tpu.wait_dma2 semaphore(%run_scoped3A : memref<!tpu.dma_semaphore, #tpu.memory_space<semaphore_mem>>) src(%dma_wait3A_27 : memref<640x128xf32, #tpu.memory_space<vmem_shared>>) dst(%dma_wait3A_25 : memref<640x128xf32, #tpu.memory_space<hbm>>)
        tpu.yield
      }) : () -> ()
    } else {
    }
    return
  }
}

#map = affine_map<(d0, d1) -> (0, 0)>
#map1 = affine_map<(d0, d1) -> (0, 0, 0)>
#map2 = affine_map<(d0, d1) -> (0)>
module attributes {stable_mosaic.version = 14 : i64} {
  func.func @agg(%arg0: i32, %arg1: i32, %arg2: memref<10000x128xf32, #tpu.memory_space<hbm>>, %arg3: memref<10000x128xf32, #tpu.memory_space<hbm>>, %arg4: memref<16x125x80xi32, #tpu.memory_space<hbm>>, %arg5: memref<160000xi32, #tpu.memory_space<hbm>>, %arg6: memref<10000x128xf32, #tpu.memory_space<hbm>>, %arg7: memref<10000x128xf32, #tpu.memory_space<hbm>>, %arg8: memref<10000x128xf32, #tpu.memory_space<hbm>>, %arg9: memref<10000xi32, #tpu.memory_space<vmem>>, %arg10: memref<125x80xi32, #tpu.memory_space<vmem>>, %arg11: memref<80x128xf32, #tpu.memory_space<vmem>>, %arg12: memref<10000x128xf32, #tpu.memory_space<vmem_shared>>, %arg13: memref<!tpu.dma_semaphore, #tpu.memory_space<semaphore_mem>>) attributes {dimension_semantics = [#tpu.dimension_semantics<core_parallel>, #tpu.dimension_semantics<subcore_parallel>], iteration_bounds = array<i64: 2, 16>, scalar_prefetch = 0 : i64, scratch_operands = 5 : i64, tpu.core_type = #tpu.core_type<sc_vector_subcore>, window_params = [{transform_indices = #map}, {transform_indices = #map}, {transform_indices = #map1}, {transform_indices = #map2}, {transform_indices = #map}, {transform_indices = #map}, {transform_indices = #map}]} {
    %mul3A = arith.constant 640 : i32
    %mul3A_0 = arith.muli %arg1, %mul3A : i32
    %min3A = arith.constant 9360 : i32
    %min3A_1 = arith.minsi %mul3A_0, %min3A : i32
    "tpu.region"() ({
      %run_scoped3A = tpu.sem_alloc : memref<!tpu.dma_semaphore, #tpu.memory_space<semaphore_mem>>
      %dma_start3A = arith.constant 0 : i32
      %dma_start3A_22 = tpu.memref_slice %arg12[%min3A_1, %dma_start3A] : memref<10000x128xf32, #tpu.memory_space<vmem_shared>> -> memref<640x128xf32, #tpu.memory_space<vmem_shared>>
      %dma_start3A_23 = arith.constant 0 : i32
      %dma_start3A_24 = tpu.memref_slice %arg6[%min3A_1, %dma_start3A_23] : memref<10000x128xf32, #tpu.memory_space<hbm>> -> memref<640x128xf32, #tpu.memory_space<hbm>>
      tpu.enqueue_dma source(%dma_start3A_24 : memref<640x128xf32, #tpu.memory_space<hbm>>) target(%dma_start3A_22 : memref<640x128xf32, #tpu.memory_space<vmem_shared>>) target_semaphore(%run_scoped3A : memref<!tpu.dma_semaphore, #tpu.memory_space<semaphore_mem>>)
      %dma_wait3A = arith.constant 0 : i32
      %dma_wait3A_25 = tpu.memref_slice %arg12[%min3A_1, %dma_wait3A] : memref<10000x128xf32, #tpu.memory_space<vmem_shared>> -> memref<640x128xf32, #tpu.memory_space<vmem_shared>>
      %dma_wait3A_26 = arith.constant 0 : i32
      %dma_wait3A_27 = tpu.memref_slice %arg6[%min3A_1, %dma_wait3A_26] : memref<10000x128xf32, #tpu.memory_space<hbm>> -> memref<640x128xf32, #tpu.memory_space<hbm>>
      tpu.wait_dma2 semaphore(%run_scoped3A : memref<!tpu.dma_semaphore, #tpu.memory_space<semaphore_mem>>) src(%dma_wait3A_27 : memref<640x128xf32, #tpu.memory_space<hbm>>) dst(%dma_wait3A_25 : memref<640x128xf32, #tpu.memory_space<vmem_shared>>)
      tpu.yield
    }) : () -> ()
    %mul3A_2 = arith.constant 10000 : i32
    %mul3A_3 = arith.muli %arg1, %mul3A_2 : i32
    "tpu.region"() ({
      %run_scoped3A = tpu.sem_alloc : memref<!tpu.dma_semaphore, #tpu.memory_space<semaphore_mem>>
      %dma_start3A = tpu.memref_slice %arg5[%mul3A_3] : memref<160000xi32, #tpu.memory_space<hbm>> -> memref<10000xi32, #tpu.memory_space<hbm>>
      %dma_start3A_22 = tpu.memref_slice %arg5[%mul3A_3] : memref<160000xi32, #tpu.memory_space<hbm>> -> memref<10000xi32, #tpu.memory_space<hbm>>
      tpu.enqueue_dma source(%dma_start3A_22 : memref<10000xi32, #tpu.memory_space<hbm>>) target(%arg9 : memref<10000xi32, #tpu.memory_space<vmem>>) target_semaphore(%run_scoped3A : memref<!tpu.dma_semaphore, #tpu.memory_space<semaphore_mem>>)
      %dma_wait3A = tpu.memref_slice %arg5[%mul3A_3] : memref<160000xi32, #tpu.memory_space<hbm>> -> memref<10000xi32, #tpu.memory_space<hbm>>
      %dma_wait3A_23 = tpu.memref_slice %arg5[%mul3A_3] : memref<160000xi32, #tpu.memory_space<hbm>> -> memref<10000xi32, #tpu.memory_space<hbm>>
      tpu.wait_dma2 semaphore(%run_scoped3A : memref<!tpu.dma_semaphore, #tpu.memory_space<semaphore_mem>>) src(%dma_wait3A_23 : memref<10000xi32, #tpu.memory_space<hbm>>) dst(%arg9 : memref<10000xi32, #tpu.memory_space<vmem>>)
      tpu.yield
    }) : () -> ()
    "tpu.region"() ({
      %run_scoped3A = tpu.sem_alloc : memref<!tpu.dma_semaphore, #tpu.memory_space<semaphore_mem>>
      %dma_start3A = arith.constant 0 : i32
      %dma_start3A_22 = arith.constant 0 : i32
      %dma_start3A_23 = tpu.memref_slice %arg4[%arg1, %dma_start3A, %dma_start3A_22] : memref<16x125x80xi32, #tpu.memory_space<hbm>> -> memref<1x125x80xi32, #tpu.memory_space<hbm>>
      %dma_start3A_24 = tpu.memref_squeeze %dma_start3A_23 : memref<1x125x80xi32, #tpu.memory_space<hbm>> -> memref<125x80xi32, #tpu.memory_space<hbm>>
      %dma_start3A_25 = arith.constant 0 : i32
      %dma_start3A_26 = arith.constant 0 : i32
      %dma_start3A_27 = tpu.memref_slice %arg4[%arg1, %dma_start3A_25, %dma_start3A_26] : memref<16x125x80xi32, #tpu.memory_space<hbm>> -> memref<1x125x80xi32, #tpu.memory_space<hbm>>
      %dma_start3A_28 = tpu.memref_squeeze %dma_start3A_27 : memref<1x125x80xi32, #tpu.memory_space<hbm>> -> memref<125x80xi32, #tpu.memory_space<hbm>>
      tpu.enqueue_dma source(%dma_start3A_28 : memref<125x80xi32, #tpu.memory_space<hbm>>) target(%arg10 : memref<125x80xi32, #tpu.memory_space<vmem>>) target_semaphore(%run_scoped3A : memref<!tpu.dma_semaphore, #tpu.memory_space<semaphore_mem>>)
      %dma_wait3A = arith.constant 0 : i32
      %dma_wait3A_29 = arith.constant 0 : i32
      %dma_wait3A_30 = tpu.memref_slice %arg4[%arg1, %dma_wait3A, %dma_wait3A_29] : memref<16x125x80xi32, #tpu.memory_space<hbm>> -> memref<1x125x80xi32, #tpu.memory_space<hbm>>
      %dma_wait3A_31 = tpu.memref_squeeze %dma_wait3A_30 : memref<1x125x80xi32, #tpu.memory_space<hbm>> -> memref<125x80xi32, #tpu.memory_space<hbm>>
      %dma_wait3A_32 = arith.constant 0 : i32
      %dma_wait3A_33 = arith.constant 0 : i32
      %dma_wait3A_34 = tpu.memref_slice %arg4[%arg1, %dma_wait3A_32, %dma_wait3A_33] : memref<16x125x80xi32, #tpu.memory_space<hbm>> -> memref<1x125x80xi32, #tpu.memory_space<hbm>>
      %dma_wait3A_35 = tpu.memref_squeeze %dma_wait3A_34 : memref<1x125x80xi32, #tpu.memory_space<hbm>> -> memref<125x80xi32, #tpu.memory_space<hbm>>
      tpu.wait_dma2 semaphore(%run_scoped3A : memref<!tpu.dma_semaphore, #tpu.memory_space<semaphore_mem>>) src(%dma_wait3A_35 : memref<125x80xi32, #tpu.memory_space<hbm>>) dst(%arg10 : memref<125x80xi32, #tpu.memory_space<vmem>>)
      tpu.yield
    }) : () -> ()
    %barrier3A = arith.constant 0 : index
    tpu.barrier barrier_id(%barrier3A)
    %eq3A = arith.constant 0 : i32
    %eq3A_4 = arith.cmpi eq, %arg0, %eq3A : i32
    %convert_element_type3A = arith.extui %eq3A_4 : i1 to i32
    %cond3A = arith.constant 0 : i32
    %cond3A_5 = arith.cmpi ne, %convert_element_type3A, %cond3A : i32
    scf.if %cond3A_5 {
      %scan3A = arith.constant 0 : i32
      %scan3A_22 = arith.constant 0 : i32
      %scan3A_23 = arith.constant 125 : i32
      %scan3A_24 = arith.addi %scan3A_22, %scan3A_23 : i32
      %scan3A_25 = arith.constant 1 : i32
      scf.for %scan3A_27 = %scan3A_22 to %scan3A_24 step %scan3A_25  : i32 {
        %mul3A_28 = arith.constant 80 : i32
        %mul3A_29 = arith.muli %scan3A_27, %mul3A_28 : i32
        %multiple_of3A = tpu.assume_multiple %mul3A_29, 8 : i32
        %dma_start3A = tpu.memref_slice %arg9[%multiple_of3A] : memref<10000xi32, #tpu.memory_space<vmem>> -> memref<80xi32, #tpu.memory_space<vmem>>
        %dma_start3A_30 = arith.constant 0 : i32
        %dma_start3A_31 = arith.constant 0 : i32
        %dma_start3A_32 = tpu.memref_slice %arg2[%dma_start3A_30, %dma_start3A_31] : memref<10000x128xf32, #tpu.memory_space<hbm>> -> memref<10000x128xf32, #tpu.memory_space<hbm>>
        tpu.enqueue_indirect_dma source(%dma_start3A_32 : memref<10000x128xf32, #tpu.memory_space<hbm>>) target(%arg11 : memref<80x128xf32, #tpu.memory_space<vmem>>) offsets(%dma_start3A : memref<80xi32, #tpu.memory_space<vmem>>) semaphore(%arg13 : memref<!tpu.dma_semaphore, #tpu.memory_space<semaphore_mem>>)
        %dma_wait3A = tpu.memref_slice %arg9[%multiple_of3A] : memref<10000xi32, #tpu.memory_space<vmem>> -> memref<80xi32, #tpu.memory_space<vmem>>
        %dma_wait3A_33 = arith.constant 0 : i32
        %dma_wait3A_34 = arith.constant 0 : i32
        %dma_wait3A_35 = tpu.memref_slice %arg2[%dma_wait3A_33, %dma_wait3A_34] : memref<10000x128xf32, #tpu.memory_space<hbm>> -> memref<10000x128xf32, #tpu.memory_space<hbm>>
        tpu.wait_indirect_dma semaphore(%arg13 : memref<!tpu.dma_semaphore, #tpu.memory_space<semaphore_mem>>) src(%dma_wait3A_35 : memref<10000x128xf32, #tpu.memory_space<hbm>>) dst(%arg11 : memref<80x128xf32, #tpu.memory_space<vmem>>)
        "tpu.region"() ({
          %run_scoped3A = tpu.sem_alloc : memref<!tpu.dma_semaphore, #tpu.memory_space<semaphore_mem>>
          %dma_start3A_36 = arith.constant 0 : i32
          %dma_start3A_37 = tpu.memref_slice %arg10[%scan3A_27, %dma_start3A_36] : memref<125x80xi32, #tpu.memory_space<vmem>> -> memref<1x80xi32, #tpu.memory_space<vmem>>
          %dma_start3A_38 = tpu.memref_squeeze %dma_start3A_37 : memref<1x80xi32, #tpu.memory_space<vmem>> -> memref<80xi32, #tpu.memory_space<vmem>>
          %dma_start3A_39 = arith.constant 0 : i32
          %dma_start3A_40 = arith.constant 0 : i32
          %dma_start3A_41 = tpu.memref_slice %arg12[%dma_start3A_39, %dma_start3A_40] : memref<10000x128xf32, #tpu.memory_space<vmem_shared>> -> memref<10000x128xf32, #tpu.memory_space<vmem_shared>>
          tpu.enqueue_indirect_dma source(%arg11 : memref<80x128xf32, #tpu.memory_space<vmem>>) target(%dma_start3A_41 : memref<10000x128xf32, #tpu.memory_space<vmem_shared>>) offsets(%dma_start3A_38 : memref<80xi32, #tpu.memory_space<vmem>>) semaphore(%run_scoped3A : memref<!tpu.dma_semaphore, #tpu.memory_space<semaphore_mem>>) {add = true}
          %dma_wait3A_42 = arith.constant 0 : i32
          %dma_wait3A_43 = tpu.memref_slice %arg10[%scan3A_27, %dma_wait3A_42] : memref<125x80xi32, #tpu.memory_space<vmem>> -> memref<1x80xi32, #tpu.memory_space<vmem>>
          %dma_wait3A_44 = tpu.memref_squeeze %dma_wait3A_43 : memref<1x80xi32, #tpu.memory_space<vmem>> -> memref<80xi32, #tpu.memory_space<vmem>>
          %dma_wait3A_45 = arith.constant 0 : i32
          %dma_wait3A_46 = arith.constant 0 : i32
          %dma_wait3A_47 = tpu.memref_slice %arg12[%dma_wait3A_45, %dma_wait3A_46] : memref<10000x128xf32, #tpu.memory_space<vmem_shared>> -> memref<10000x128xf32, #tpu.memory_space<vmem_shared>>
          tpu.wait_indirect_dma semaphore(%run_scoped3A : memref<!tpu.dma_semaphore, #tpu.memory_space<semaphore_mem>>) src(%arg11 : memref<80x128xf32, #tpu.memory_space<vmem>>) dst(%dma_wait3A_47 : memref<10000x128xf32, #tpu.memory_space<vmem_shared>>)
          tpu.yield
        }) : () -> ()
      }
      %scan3A_26 = arith.constant 125 : i32
    } else {
    }
    %eq3A_6 = arith.constant 1 : i32
    %eq3A_7 = arith.cmpi eq, %arg0, %eq3A_6 : i32
    %convert_element_type3A_8 = arith.extui %eq3A_7 : i1 to i32
    %cond3A_9 = arith.constant 0 : i32
    %cond3A_10 = arith.cmpi ne, %convert_element_type3A_8, %cond3A_9 : i32
    scf.if %cond3A_10 {
      %scan3A = arith.constant 0 : i32
      %scan3A_22 = arith.constant 0 : i32
      %scan3A_23 = arith.constant 125 : i32
      %scan3A_24 = arith.addi %scan3A_22, %scan3A_23 : i32
      %scan3A_25 = arith.constant 1 : i32
      scf.for %scan3A_27 = %scan3A_22 to %scan3A_24 step %scan3A_25  : i32 {
        %mul3A_28 = arith.constant 80 : i32
        %mul3A_29 = arith.muli %scan3A_27, %mul3A_28 : i32
        %multiple_of3A = tpu.assume_multiple %mul3A_29, 8 : i32
        %dma_start3A = tpu.memref_slice %arg9[%multiple_of3A] : memref<10000xi32, #tpu.memory_space<vmem>> -> memref<80xi32, #tpu.memory_space<vmem>>
        %dma_start3A_30 = arith.constant 0 : i32
        %dma_start3A_31 = arith.constant 0 : i32
        %dma_start3A_32 = tpu.memref_slice %arg3[%dma_start3A_30, %dma_start3A_31] : memref<10000x128xf32, #tpu.memory_space<hbm>> -> memref<10000x128xf32, #tpu.memory_space<hbm>>
        tpu.enqueue_indirect_dma source(%dma_start3A_32 : memref<10000x128xf32, #tpu.memory_space<hbm>>) target(%arg11 : memref<80x128xf32, #tpu.memory_space<vmem>>) offsets(%dma_start3A : memref<80xi32, #tpu.memory_space<vmem>>) semaphore(%arg13 : memref<!tpu.dma_semaphore, #tpu.memory_space<semaphore_mem>>)
        %dma_wait3A = tpu.memref_slice %arg9[%multiple_of3A] : memref<10000xi32, #tpu.memory_space<vmem>> -> memref<80xi32, #tpu.memory_space<vmem>>
        %dma_wait3A_33 = arith.constant 0 : i32
        %dma_wait3A_34 = arith.constant 0 : i32
        %dma_wait3A_35 = tpu.memref_slice %arg3[%dma_wait3A_33, %dma_wait3A_34] : memref<10000x128xf32, #tpu.memory_space<hbm>> -> memref<10000x128xf32, #tpu.memory_space<hbm>>
        tpu.wait_indirect_dma semaphore(%arg13 : memref<!tpu.dma_semaphore, #tpu.memory_space<semaphore_mem>>) src(%dma_wait3A_35 : memref<10000x128xf32, #tpu.memory_space<hbm>>) dst(%arg11 : memref<80x128xf32, #tpu.memory_space<vmem>>)
        "tpu.region"() ({
          %run_scoped3A = tpu.sem_alloc : memref<!tpu.dma_semaphore, #tpu.memory_space<semaphore_mem>>
          %dma_start3A_36 = arith.constant 0 : i32
          %dma_start3A_37 = tpu.memref_slice %arg10[%scan3A_27, %dma_start3A_36] : memref<125x80xi32, #tpu.memory_space<vmem>> -> memref<1x80xi32, #tpu.memory_space<vmem>>
          %dma_start3A_38 = tpu.memref_squeeze %dma_start3A_37 : memref<1x80xi32, #tpu.memory_space<vmem>> -> memref<80xi32, #tpu.memory_space<vmem>>
          %dma_start3A_39 = arith.constant 0 : i32
          %dma_start3A_40 = arith.constant 0 : i32
          %dma_start3A_41 = tpu.memref_slice %arg12[%dma_start3A_39, %dma_start3A_40] : memref<10000x128xf32, #tpu.memory_space<vmem_shared>> -> memref<10000x128xf32, #tpu.memory_space<vmem_shared>>
          tpu.enqueue_indirect_dma source(%arg11 : memref<80x128xf32, #tpu.memory_space<vmem>>) target(%dma_start3A_41 : memref<10000x128xf32, #tpu.memory_space<vmem_shared>>) offsets(%dma_start3A_38 : memref<80xi32, #tpu.memory_space<vmem>>) semaphore(%run_scoped3A : memref<!tpu.dma_semaphore, #tpu.memory_space<semaphore_mem>>) {add = true}
          %dma_wait3A_42 = arith.constant 0 : i32
          %dma_wait3A_43 = tpu.memref_slice %arg10[%scan3A_27, %dma_wait3A_42] : memref<125x80xi32, #tpu.memory_space<vmem>> -> memref<1x80xi32, #tpu.memory_space<vmem>>
          %dma_wait3A_44 = tpu.memref_squeeze %dma_wait3A_43 : memref<1x80xi32, #tpu.memory_space<vmem>> -> memref<80xi32, #tpu.memory_space<vmem>>
          %dma_wait3A_45 = arith.constant 0 : i32
          %dma_wait3A_46 = arith.constant 0 : i32
          %dma_wait3A_47 = tpu.memref_slice %arg12[%dma_wait3A_45, %dma_wait3A_46] : memref<10000x128xf32, #tpu.memory_space<vmem_shared>> -> memref<10000x128xf32, #tpu.memory_space<vmem_shared>>
          tpu.wait_indirect_dma semaphore(%run_scoped3A : memref<!tpu.dma_semaphore, #tpu.memory_space<semaphore_mem>>) src(%arg11 : memref<80x128xf32, #tpu.memory_space<vmem>>) dst(%dma_wait3A_47 : memref<10000x128xf32, #tpu.memory_space<vmem_shared>>)
          tpu.yield
        }) : () -> ()
      }
      %scan3A_26 = arith.constant 125 : i32
    } else {
    }
    %barrier3A_11 = arith.constant 0 : index
    tpu.barrier barrier_id(%barrier3A_11)
    %eq3A_12 = arith.constant 0 : i32
    %eq3A_13 = arith.cmpi eq, %arg0, %eq3A_12 : i32
    %convert_element_type3A_14 = arith.extui %eq3A_13 : i1 to i32
    %cond3A_15 = arith.constant 0 : i32
    %cond3A_16 = arith.cmpi ne, %convert_element_type3A_14, %cond3A_15 : i32
    scf.if %cond3A_16 {
      "tpu.region"() ({
        %run_scoped3A = tpu.sem_alloc : memref<!tpu.dma_semaphore, #tpu.memory_space<semaphore_mem>>
        %dma_start3A = arith.constant 0 : i32
        %dma_start3A_22 = tpu.memref_slice %arg7[%min3A_1, %dma_start3A] : memref<10000x128xf32, #tpu.memory_space<hbm>> -> memref<640x128xf32, #tpu.memory_space<hbm>>
        %dma_start3A_23 = arith.constant 0 : i32
        %dma_start3A_24 = tpu.memref_slice %arg12[%min3A_1, %dma_start3A_23] : memref<10000x128xf32, #tpu.memory_space<vmem_shared>> -> memref<640x128xf32, #tpu.memory_space<vmem_shared>>
        tpu.enqueue_dma source(%dma_start3A_24 : memref<640x128xf32, #tpu.memory_space<vmem_shared>>) target(%dma_start3A_22 : memref<640x128xf32, #tpu.memory_space<hbm>>) target_semaphore(%run_scoped3A : memref<!tpu.dma_semaphore, #tpu.memory_space<semaphore_mem>>)
        %dma_wait3A = arith.constant 0 : i32
        %dma_wait3A_25 = tpu.memref_slice %arg7[%min3A_1, %dma_wait3A] : memref<10000x128xf32, #tpu.memory_space<hbm>> -> memref<640x128xf32, #tpu.memory_space<hbm>>
        %dma_wait3A_26 = arith.constant 0 : i32
        %dma_wait3A_27 = tpu.memref_slice %arg12[%min3A_1, %dma_wait3A_26] : memref<10000x128xf32, #tpu.memory_space<vmem_shared>> -> memref<640x128xf32, #tpu.memory_space<vmem_shared>>
        tpu.wait_dma2 semaphore(%run_scoped3A : memref<!tpu.dma_semaphore, #tpu.memory_space<semaphore_mem>>) src(%dma_wait3A_27 : memref<640x128xf32, #tpu.memory_space<vmem_shared>>) dst(%dma_wait3A_25 : memref<640x128xf32, #tpu.memory_space<hbm>>)
        tpu.yield
      }) : () -> ()
    } else {
    }
    %eq3A_17 = arith.constant 1 : i32
    %eq3A_18 = arith.cmpi eq, %arg0, %eq3A_17 : i32
    %convert_element_type3A_19 = arith.extui %eq3A_18 : i1 to i32
    %cond3A_20 = arith.constant 0 : i32
    %cond3A_21 = arith.cmpi ne, %convert_element_type3A_19, %cond3A_20 : i32
    scf.if %cond3A_21 {
      "tpu.region"() ({
        %run_scoped3A = tpu.sem_alloc : memref<!tpu.dma_semaphore, #tpu.memory_space<semaphore_mem>>
        %dma_start3A = arith.constant 0 : i32
        %dma_start3A_22 = tpu.memref_slice %arg8[%min3A_1, %dma_start3A] : memref<10000x128xf32, #tpu.memory_space<hbm>> -> memref<640x128xf32, #tpu.memory_space<hbm>>
        %dma_start3A_23 = arith.constant 0 : i32
        %dma_start3A_24 = tpu.memref_slice %arg12[%min3A_1, %dma_start3A_23] : memref<10000x128xf32, #tpu.memory_space<vmem_shared>> -> memref<640x128xf32, #tpu.memory_space<vmem_shared>>
        tpu.enqueue_dma source(%dma_start3A_24 : memref<640x128xf32, #tpu.memory_space<vmem_shared>>) target(%dma_start3A_22 : memref<640x128xf32, #tpu.memory_space<hbm>>) target_semaphore(%run_scoped3A : memref<!tpu.dma_semaphore, #tpu.memory_space<semaphore_mem>>)
        %dma_wait3A = arith.constant 0 : i32
        %dma_wait3A_25 = tpu.memref_slice %arg8[%min3A_1, %dma_wait3A] : memref<10000x128xf32, #tpu.memory_space<hbm>> -> memref<640x128xf32, #tpu.memory_space<hbm>>
        %dma_wait3A_26 = arith.constant 0 : i32
        %dma_wait3A_27 = tpu.memref_slice %arg12[%min3A_1, %dma_wait3A_26] : memref<10000x128xf32, #tpu.memory_space<vmem_shared>> -> memref<640x128xf32, #tpu.memory_space<vmem_shared>>
        tpu.wait_dma2 semaphore(%run_scoped3A : memref<!tpu.dma_semaphore, #tpu.memory_space<semaphore_mem>>) src(%dma_wait3A_27 : memref<640x128xf32, #tpu.memory_space<vmem_shared>>) dst(%dma_wait3A_25 : memref<640x128xf32, #tpu.memory_space<hbm>>)
        tpu.yield
      }) : () -> ()
    } else {
    }
    return
  }
}

#map = affine_map<(d0, d1) -> (0, 0)>
#map1 = affine_map<(d0, d1) -> (0, 0, 0)>
#map2 = affine_map<(d0, d1) -> (0)>
module attributes {stable_mosaic.version = 14 : i64} {
  func.func @agg(%arg0: i32, %arg1: i32, %arg2: memref<10000x128xf32, #tpu.memory_space<hbm>>, %arg3: memref<10000x128xf32, #tpu.memory_space<hbm>>, %arg4: memref<16x125x80xi32, #tpu.memory_space<hbm>>, %arg5: memref<160000xi32, #tpu.memory_space<hbm>>, %arg6: memref<10000x128xf32, #tpu.memory_space<hbm>>, %arg7: memref<10000x128xf32, #tpu.memory_space<hbm>>, %arg8: memref<10000x128xf32, #tpu.memory_space<hbm>>, %arg9: memref<10000xi32, #tpu.memory_space<vmem>>, %arg10: memref<125x80xi32, #tpu.memory_space<vmem>>, %arg11: memref<80x128xf32, #tpu.memory_space<vmem>>, %arg12: memref<10000x128xf32, #tpu.memory_space<vmem_shared>>, %arg13: memref<!tpu.dma_semaphore, #tpu.memory_space<semaphore_mem>>) attributes {dimension_semantics = [#tpu.dimension_semantics<core_parallel>, #tpu.dimension_semantics<subcore_parallel>], iteration_bounds = array<i64: 2, 16>, scalar_prefetch = 0 : i64, scratch_operands = 5 : i64, tpu.core_type = #tpu.core_type<sc_vector_subcore>, window_params = [{transform_indices = #map}, {transform_indices = #map}, {transform_indices = #map1}, {transform_indices = #map2}, {transform_indices = #map}, {transform_indices = #map}, {transform_indices = #map}]} {
    %mul3A = arith.constant 640 : i32
    %mul3A_0 = arith.muli %arg1, %mul3A : i32
    %min3A = arith.constant 9360 : i32
    %min3A_1 = arith.minsi %mul3A_0, %min3A : i32
    "tpu.region"() ({
      %run_scoped3A = tpu.sem_alloc : memref<!tpu.dma_semaphore, #tpu.memory_space<semaphore_mem>>
      %dma_start3A = arith.constant 0 : i32
      %dma_start3A_22 = tpu.memref_slice %arg12[%min3A_1, %dma_start3A] : memref<10000x128xf32, #tpu.memory_space<vmem_shared>> -> memref<640x128xf32, #tpu.memory_space<vmem_shared>>
      %dma_start3A_23 = arith.constant 0 : i32
      %dma_start3A_24 = tpu.memref_slice %arg6[%min3A_1, %dma_start3A_23] : memref<10000x128xf32, #tpu.memory_space<hbm>> -> memref<640x128xf32, #tpu.memory_space<hbm>>
      tpu.enqueue_dma source(%dma_start3A_24 : memref<640x128xf32, #tpu.memory_space<hbm>>) target(%dma_start3A_22 : memref<640x128xf32, #tpu.memory_space<vmem_shared>>) target_semaphore(%run_scoped3A : memref<!tpu.dma_semaphore, #tpu.memory_space<semaphore_mem>>)
      %dma_wait3A = arith.constant 0 : i32
      %dma_wait3A_25 = tpu.memref_slice %arg12[%min3A_1, %dma_wait3A] : memref<10000x128xf32, #tpu.memory_space<vmem_shared>> -> memref<640x128xf32, #tpu.memory_space<vmem_shared>>
      %dma_wait3A_26 = arith.constant 0 : i32
      %dma_wait3A_27 = tpu.memref_slice %arg6[%min3A_1, %dma_wait3A_26] : memref<10000x128xf32, #tpu.memory_space<hbm>> -> memref<640x128xf32, #tpu.memory_space<hbm>>
      tpu.wait_dma2 semaphore(%run_scoped3A : memref<!tpu.dma_semaphore, #tpu.memory_space<semaphore_mem>>) src(%dma_wait3A_27 : memref<640x128xf32, #tpu.memory_space<hbm>>) dst(%dma_wait3A_25 : memref<640x128xf32, #tpu.memory_space<vmem_shared>>)
      tpu.yield
    }) : () -> ()
    %mul3A_2 = arith.constant 10000 : i32
    %mul3A_3 = arith.muli %arg1, %mul3A_2 : i32
    "tpu.region"() ({
      %run_scoped3A = tpu.sem_alloc : memref<!tpu.dma_semaphore, #tpu.memory_space<semaphore_mem>>
      %dma_start3A = tpu.memref_slice %arg5[%mul3A_3] : memref<160000xi32, #tpu.memory_space<hbm>> -> memref<10000xi32, #tpu.memory_space<hbm>>
      %dma_start3A_22 = tpu.memref_slice %arg5[%mul3A_3] : memref<160000xi32, #tpu.memory_space<hbm>> -> memref<10000xi32, #tpu.memory_space<hbm>>
      tpu.enqueue_dma source(%dma_start3A_22 : memref<10000xi32, #tpu.memory_space<hbm>>) target(%arg9 : memref<10000xi32, #tpu.memory_space<vmem>>) target_semaphore(%run_scoped3A : memref<!tpu.dma_semaphore, #tpu.memory_space<semaphore_mem>>)
      %dma_wait3A = tpu.memref_slice %arg5[%mul3A_3] : memref<160000xi32, #tpu.memory_space<hbm>> -> memref<10000xi32, #tpu.memory_space<hbm>>
      %dma_wait3A_23 = tpu.memref_slice %arg5[%mul3A_3] : memref<160000xi32, #tpu.memory_space<hbm>> -> memref<10000xi32, #tpu.memory_space<hbm>>
      tpu.wait_dma2 semaphore(%run_scoped3A : memref<!tpu.dma_semaphore, #tpu.memory_space<semaphore_mem>>) src(%dma_wait3A_23 : memref<10000xi32, #tpu.memory_space<hbm>>) dst(%arg9 : memref<10000xi32, #tpu.memory_space<vmem>>)
      tpu.yield
    }) : () -> ()
    "tpu.region"() ({
      %run_scoped3A = tpu.sem_alloc : memref<!tpu.dma_semaphore, #tpu.memory_space<semaphore_mem>>
      %dma_start3A = arith.constant 0 : i32
      %dma_start3A_22 = arith.constant 0 : i32
      %dma_start3A_23 = tpu.memref_slice %arg4[%arg1, %dma_start3A, %dma_start3A_22] : memref<16x125x80xi32, #tpu.memory_space<hbm>> -> memref<1x125x80xi32, #tpu.memory_space<hbm>>
      %dma_start3A_24 = tpu.memref_squeeze %dma_start3A_23 : memref<1x125x80xi32, #tpu.memory_space<hbm>> -> memref<125x80xi32, #tpu.memory_space<hbm>>
      %dma_start3A_25 = arith.constant 0 : i32
      %dma_start3A_26 = arith.constant 0 : i32
      %dma_start3A_27 = tpu.memref_slice %arg4[%arg1, %dma_start3A_25, %dma_start3A_26] : memref<16x125x80xi32, #tpu.memory_space<hbm>> -> memref<1x125x80xi32, #tpu.memory_space<hbm>>
      %dma_start3A_28 = tpu.memref_squeeze %dma_start3A_27 : memref<1x125x80xi32, #tpu.memory_space<hbm>> -> memref<125x80xi32, #tpu.memory_space<hbm>>
      tpu.enqueue_dma source(%dma_start3A_28 : memref<125x80xi32, #tpu.memory_space<hbm>>) target(%arg10 : memref<125x80xi32, #tpu.memory_space<vmem>>) target_semaphore(%run_scoped3A : memref<!tpu.dma_semaphore, #tpu.memory_space<semaphore_mem>>)
      %dma_wait3A = arith.constant 0 : i32
      %dma_wait3A_29 = arith.constant 0 : i32
      %dma_wait3A_30 = tpu.memref_slice %arg4[%arg1, %dma_wait3A, %dma_wait3A_29] : memref<16x125x80xi32, #tpu.memory_space<hbm>> -> memref<1x125x80xi32, #tpu.memory_space<hbm>>
      %dma_wait3A_31 = tpu.memref_squeeze %dma_wait3A_30 : memref<1x125x80xi32, #tpu.memory_space<hbm>> -> memref<125x80xi32, #tpu.memory_space<hbm>>
      %dma_wait3A_32 = arith.constant 0 : i32
      %dma_wait3A_33 = arith.constant 0 : i32
      %dma_wait3A_34 = tpu.memref_slice %arg4[%arg1, %dma_wait3A_32, %dma_wait3A_33] : memref<16x125x80xi32, #tpu.memory_space<hbm>> -> memref<1x125x80xi32, #tpu.memory_space<hbm>>
      %dma_wait3A_35 = tpu.memref_squeeze %dma_wait3A_34 : memref<1x125x80xi32, #tpu.memory_space<hbm>> -> memref<125x80xi32, #tpu.memory_space<hbm>>
      tpu.wait_dma2 semaphore(%run_scoped3A : memref<!tpu.dma_semaphore, #tpu.memory_space<semaphore_mem>>) src(%dma_wait3A_35 : memref<125x80xi32, #tpu.memory_space<hbm>>) dst(%arg10 : memref<125x80xi32, #tpu.memory_space<vmem>>)
      tpu.yield
    }) : () -> ()
    %barrier3A = arith.constant 0 : index
    tpu.barrier barrier_id(%barrier3A)
    %eq3A = arith.constant 0 : i32
    %eq3A_4 = arith.cmpi eq, %arg0, %eq3A : i32
    %convert_element_type3A = arith.extui %eq3A_4 : i1 to i32
    %cond3A = arith.constant 0 : i32
    %cond3A_5 = arith.cmpi ne, %convert_element_type3A, %cond3A : i32
    scf.if %cond3A_5 {
      %scan3A = arith.constant 0 : i32
      %scan3A_22 = arith.constant 0 : i32
      %scan3A_23 = arith.constant 125 : i32
      %scan3A_24 = arith.addi %scan3A_22, %scan3A_23 : i32
      %scan3A_25 = arith.constant 1 : i32
      scf.for %scan3A_27 = %scan3A_22 to %scan3A_24 step %scan3A_25  : i32 {
        %mul3A_28 = arith.constant 80 : i32
        %mul3A_29 = arith.muli %scan3A_27, %mul3A_28 : i32
        %multiple_of3A = tpu.assume_multiple %mul3A_29, 8 : i32
        %dma_start3A = tpu.memref_slice %arg9[%multiple_of3A] : memref<10000xi32, #tpu.memory_space<vmem>> -> memref<80xi32, #tpu.memory_space<vmem>>
        %dma_start3A_30 = arith.constant 0 : i32
        %dma_start3A_31 = arith.constant 0 : i32
        %dma_start3A_32 = tpu.memref_slice %arg2[%dma_start3A_30, %dma_start3A_31] : memref<10000x128xf32, #tpu.memory_space<hbm>> -> memref<10000x128xf32, #tpu.memory_space<hbm>>
        tpu.enqueue_indirect_dma source(%dma_start3A_32 : memref<10000x128xf32, #tpu.memory_space<hbm>>) target(%arg11 : memref<80x128xf32, #tpu.memory_space<vmem>>) offsets(%dma_start3A : memref<80xi32, #tpu.memory_space<vmem>>) semaphore(%arg13 : memref<!tpu.dma_semaphore, #tpu.memory_space<semaphore_mem>>)
        %dma_wait3A = tpu.memref_slice %arg9[%multiple_of3A] : memref<10000xi32, #tpu.memory_space<vmem>> -> memref<80xi32, #tpu.memory_space<vmem>>
        %dma_wait3A_33 = arith.constant 0 : i32
        %dma_wait3A_34 = arith.constant 0 : i32
        %dma_wait3A_35 = tpu.memref_slice %arg2[%dma_wait3A_33, %dma_wait3A_34] : memref<10000x128xf32, #tpu.memory_space<hbm>> -> memref<10000x128xf32, #tpu.memory_space<hbm>>
        tpu.wait_indirect_dma semaphore(%arg13 : memref<!tpu.dma_semaphore, #tpu.memory_space<semaphore_mem>>) src(%dma_wait3A_35 : memref<10000x128xf32, #tpu.memory_space<hbm>>) dst(%arg11 : memref<80x128xf32, #tpu.memory_space<vmem>>)
        "tpu.region"() ({
          %run_scoped3A = tpu.sem_alloc : memref<!tpu.dma_semaphore, #tpu.memory_space<semaphore_mem>>
          %dma_start3A_36 = arith.constant 0 : i32
          %dma_start3A_37 = tpu.memref_slice %arg10[%scan3A_27, %dma_start3A_36] : memref<125x80xi32, #tpu.memory_space<vmem>> -> memref<1x80xi32, #tpu.memory_space<vmem>>
          %dma_start3A_38 = tpu.memref_squeeze %dma_start3A_37 : memref<1x80xi32, #tpu.memory_space<vmem>> -> memref<80xi32, #tpu.memory_space<vmem>>
          %dma_start3A_39 = arith.constant 0 : i32
          %dma_start3A_40 = arith.constant 0 : i32
          %dma_start3A_41 = tpu.memref_slice %arg12[%dma_start3A_39, %dma_start3A_40] : memref<10000x128xf32, #tpu.memory_space<vmem_shared>> -> memref<10000x128xf32, #tpu.memory_space<vmem_shared>>
          tpu.enqueue_indirect_dma source(%arg11 : memref<80x128xf32, #tpu.memory_space<vmem>>) target(%dma_start3A_41 : memref<10000x128xf32, #tpu.memory_space<vmem_shared>>) offsets(%dma_start3A_38 : memref<80xi32, #tpu.memory_space<vmem>>) semaphore(%run_scoped3A : memref<!tpu.dma_semaphore, #tpu.memory_space<semaphore_mem>>) {add = true}
          %dma_wait3A_42 = arith.constant 0 : i32
          %dma_wait3A_43 = tpu.memref_slice %arg10[%scan3A_27, %dma_wait3A_42] : memref<125x80xi32, #tpu.memory_space<vmem>> -> memref<1x80xi32, #tpu.memory_space<vmem>>
          %dma_wait3A_44 = tpu.memref_squeeze %dma_wait3A_43 : memref<1x80xi32, #tpu.memory_space<vmem>> -> memref<80xi32, #tpu.memory_space<vmem>>
          %dma_wait3A_45 = arith.constant 0 : i32
          %dma_wait3A_46 = arith.constant 0 : i32
          %dma_wait3A_47 = tpu.memref_slice %arg12[%dma_wait3A_45, %dma_wait3A_46] : memref<10000x128xf32, #tpu.memory_space<vmem_shared>> -> memref<10000x128xf32, #tpu.memory_space<vmem_shared>>
          tpu.wait_indirect_dma semaphore(%run_scoped3A : memref<!tpu.dma_semaphore, #tpu.memory_space<semaphore_mem>>) src(%arg11 : memref<80x128xf32, #tpu.memory_space<vmem>>) dst(%dma_wait3A_47 : memref<10000x128xf32, #tpu.memory_space<vmem_shared>>)
          tpu.yield
        }) : () -> ()
      }
      %scan3A_26 = arith.constant 125 : i32
    } else {
    }
    %eq3A_6 = arith.constant 1 : i32
    %eq3A_7 = arith.cmpi eq, %arg0, %eq3A_6 : i32
    %convert_element_type3A_8 = arith.extui %eq3A_7 : i1 to i32
    %cond3A_9 = arith.constant 0 : i32
    %cond3A_10 = arith.cmpi ne, %convert_element_type3A_8, %cond3A_9 : i32
    scf.if %cond3A_10 {
      %scan3A = arith.constant 0 : i32
      %scan3A_22 = arith.constant 0 : i32
      %scan3A_23 = arith.constant 125 : i32
      %scan3A_24 = arith.addi %scan3A_22, %scan3A_23 : i32
      %scan3A_25 = arith.constant 1 : i32
      scf.for %scan3A_27 = %scan3A_22 to %scan3A_24 step %scan3A_25  : i32 {
        %mul3A_28 = arith.constant 80 : i32
        %mul3A_29 = arith.muli %scan3A_27, %mul3A_28 : i32
        %multiple_of3A = tpu.assume_multiple %mul3A_29, 8 : i32
        %dma_start3A = tpu.memref_slice %arg9[%multiple_of3A] : memref<10000xi32, #tpu.memory_space<vmem>> -> memref<80xi32, #tpu.memory_space<vmem>>
        %dma_start3A_30 = arith.constant 0 : i32
        %dma_start3A_31 = arith.constant 0 : i32
        %dma_start3A_32 = tpu.memref_slice %arg3[%dma_start3A_30, %dma_start3A_31] : memref<10000x128xf32, #tpu.memory_space<hbm>> -> memref<10000x128xf32, #tpu.memory_space<hbm>>
        tpu.enqueue_indirect_dma source(%dma_start3A_32 : memref<10000x128xf32, #tpu.memory_space<hbm>>) target(%arg11 : memref<80x128xf32, #tpu.memory_space<vmem>>) offsets(%dma_start3A : memref<80xi32, #tpu.memory_space<vmem>>) semaphore(%arg13 : memref<!tpu.dma_semaphore, #tpu.memory_space<semaphore_mem>>)
        %dma_wait3A = tpu.memref_slice %arg9[%multiple_of3A] : memref<10000xi32, #tpu.memory_space<vmem>> -> memref<80xi32, #tpu.memory_space<vmem>>
        %dma_wait3A_33 = arith.constant 0 : i32
        %dma_wait3A_34 = arith.constant 0 : i32
        %dma_wait3A_35 = tpu.memref_slice %arg3[%dma_wait3A_33, %dma_wait3A_34] : memref<10000x128xf32, #tpu.memory_space<hbm>> -> memref<10000x128xf32, #tpu.memory_space<hbm>>
        tpu.wait_indirect_dma semaphore(%arg13 : memref<!tpu.dma_semaphore, #tpu.memory_space<semaphore_mem>>) src(%dma_wait3A_35 : memref<10000x128xf32, #tpu.memory_space<hbm>>) dst(%arg11 : memref<80x128xf32, #tpu.memory_space<vmem>>)
        "tpu.region"() ({
          %run_scoped3A = tpu.sem_alloc : memref<!tpu.dma_semaphore, #tpu.memory_space<semaphore_mem>>
          %dma_start3A_36 = arith.constant 0 : i32
          %dma_start3A_37 = tpu.memref_slice %arg10[%scan3A_27, %dma_start3A_36] : memref<125x80xi32, #tpu.memory_space<vmem>> -> memref<1x80xi32, #tpu.memory_space<vmem>>
          %dma_start3A_38 = tpu.memref_squeeze %dma_start3A_37 : memref<1x80xi32, #tpu.memory_space<vmem>> -> memref<80xi32, #tpu.memory_space<vmem>>
          %dma_start3A_39 = arith.constant 0 : i32
          %dma_start3A_40 = arith.constant 0 : i32
          %dma_start3A_41 = tpu.memref_slice %arg12[%dma_start3A_39, %dma_start3A_40] : memref<10000x128xf32, #tpu.memory_space<vmem_shared>> -> memref<10000x128xf32, #tpu.memory_space<vmem_shared>>
          tpu.enqueue_indirect_dma source(%arg11 : memref<80x128xf32, #tpu.memory_space<vmem>>) target(%dma_start3A_41 : memref<10000x128xf32, #tpu.memory_space<vmem_shared>>) offsets(%dma_start3A_38 : memref<80xi32, #tpu.memory_space<vmem>>) semaphore(%run_scoped3A : memref<!tpu.dma_semaphore, #tpu.memory_space<semaphore_mem>>) {add = true}
          %dma_wait3A_42 = arith.constant 0 : i32
          %dma_wait3A_43 = tpu.memref_slice %arg10[%scan3A_27, %dma_wait3A_42] : memref<125x80xi32, #tpu.memory_space<vmem>> -> memref<1x80xi32, #tpu.memory_space<vmem>>
          %dma_wait3A_44 = tpu.memref_squeeze %dma_wait3A_43 : memref<1x80xi32, #tpu.memory_space<vmem>> -> memref<80xi32, #tpu.memory_space<vmem>>
          %dma_wait3A_45 = arith.constant 0 : i32
          %dma_wait3A_46 = arith.constant 0 : i32
          %dma_wait3A_47 = tpu.memref_slice %arg12[%dma_wait3A_45, %dma_wait3A_46] : memref<10000x128xf32, #tpu.memory_space<vmem_shared>> -> memref<10000x128xf32, #tpu.memory_space<vmem_shared>>
          tpu.wait_indirect_dma semaphore(%run_scoped3A : memref<!tpu.dma_semaphore, #tpu.memory_space<semaphore_mem>>) src(%arg11 : memref<80x128xf32, #tpu.memory_space<vmem>>) dst(%dma_wait3A_47 : memref<10000x128xf32, #tpu.memory_space<vmem_shared>>)
          tpu.yield
        }) : () -> ()
      }
      %scan3A_26 = arith.constant 125 : i32
    } else {
    }
    %barrier3A_11 = arith.constant 0 : index
    tpu.barrier barrier_id(%barrier3A_11)
    %eq3A_12 = arith.constant 0 : i32
    %eq3A_13 = arith.cmpi eq, %arg0, %eq3A_12 : i32
    %convert_element_type3A_14 = arith.extui %eq3A_13 : i1 to i32
    %cond3A_15 = arith.constant 0 : i32
    %cond3A_16 = arith.cmpi ne, %convert_element_type3A_14, %cond3A_15 : i32
    scf.if %cond3A_16 {
      "tpu.region"() ({
        %run_scoped3A = tpu.sem_alloc : memref<!tpu.dma_semaphore, #tpu.memory_space<semaphore_mem>>
        %dma_start3A = arith.constant 0 : i32
        %dma_start3A_22 = tpu.memref_slice %arg7[%min3A_1, %dma_start3A] : memref<10000x128xf32, #tpu.memory_space<hbm>> -> memref<640x128xf32, #tpu.memory_space<hbm>>
        %dma_start3A_23 = arith.constant 0 : i32
        %dma_start3A_24 = tpu.memref_slice %arg12[%min3A_1, %dma_start3A_23] : memref<10000x128xf32, #tpu.memory_space<vmem_shared>> -> memref<640x128xf32, #tpu.memory_space<vmem_shared>>
        tpu.enqueue_dma source(%dma_start3A_24 : memref<640x128xf32, #tpu.memory_space<vmem_shared>>) target(%dma_start3A_22 : memref<640x128xf32, #tpu.memory_space<hbm>>) target_semaphore(%run_scoped3A : memref<!tpu.dma_semaphore, #tpu.memory_space<semaphore_mem>>)
        %dma_wait3A = arith.constant 0 : i32
        %dma_wait3A_25 = tpu.memref_slice %arg7[%min3A_1, %dma_wait3A] : memref<10000x128xf32, #tpu.memory_space<hbm>> -> memref<640x128xf32, #tpu.memory_space<hbm>>
        %dma_wait3A_26 = arith.constant 0 : i32
        %dma_wait3A_27 = tpu.memref_slice %arg12[%min3A_1, %dma_wait3A_26] : memref<10000x128xf32, #tpu.memory_space<vmem_shared>> -> memref<640x128xf32, #tpu.memory_space<vmem_shared>>
        tpu.wait_dma2 semaphore(%run_scoped3A : memref<!tpu.dma_semaphore, #tpu.memory_space<semaphore_mem>>) src(%dma_wait3A_27 : memref<640x128xf32, #tpu.memory_space<vmem_shared>>) dst(%dma_wait3A_25 : memref<640x128xf32, #tpu.memory_space<hbm>>)
        tpu.yield
      }) : () -> ()
    } else {
    }
    %eq3A_17 = arith.constant 1 : i32
    %eq3A_18 = arith.cmpi eq, %arg0, %eq3A_17 : i32
    %convert_element_type3A_19 = arith.extui %eq3A_18 : i1 to i32
    %cond3A_20 = arith.constant 0 : i32
    %cond3A_21 = arith.cmpi ne, %convert_element_type3A_19, %cond3A_20 : i32
    scf.if %cond3A_21 {
      "tpu.region"() ({
        %run_scoped3A = tpu.sem_alloc : memref<!tpu.dma_semaphore, #tpu.memory_space<semaphore_mem>>
        %dma_start3A = arith.constant 0 : i32
        %dma_start3A_22 = tpu.memref_slice %arg8[%min3A_1, %dma_start3A] : memref<10000x128xf32, #tpu.memory_space<hbm>> -> memref<640x128xf32, #tpu.memory_space<hbm>>
        %dma_start3A_23 = arith.constant 0 : i32
        %dma_start3A_24 = tpu.memref_slice %arg12[%min3A_1, %dma_start3A_23] : memref<10000x128xf32, #tpu.memory_space<vmem_shared>> -> memref<640x128xf32, #tpu.memory_space<vmem_shared>>
        tpu.enqueue_dma source(%dma_start3A_24 : memref<640x128xf32, #tpu.memory_space<vmem_shared>>) target(%dma_start3A_22 : memref<640x128xf32, #tpu.memory_space<hbm>>) target_semaphore(%run_scoped3A : memref<!tpu.dma_semaphore, #tpu.memory_space<semaphore_mem>>)
        %dma_wait3A = arith.constant 0 : i32
        %dma_wait3A_25 = tpu.memref_slice %arg8[%min3A_1, %dma_wait3A] : memref<10000x128xf32, #tpu.memory_space<hbm>> -> memref<640x128xf32, #tpu.memory_space<hbm>>
        %dma_wait3A_26 = arith.constant 0 : i32
        %dma_wait3A_27 = tpu.memref_slice %arg12[%min3A_1, %dma_wait3A_26] : memref<10000x128xf32, #tpu.memory_space<vmem_shared>> -> memref<640x128xf32, #tpu.memory_space<vmem_shared>>
        tpu.wait_dma2 semaphore(%run_scoped3A : memref<!tpu.dma_semaphore, #tpu.memory_space<semaphore_mem>>) src(%dma_wait3A_27 : memref<640x128xf32, #tpu.memory_space<vmem_shared>>) dst(%dma_wait3A_25 : memref<640x128xf32, #tpu.memory_space<hbm>>)
        tpu.yield
      }) : () -> ()
    } else {
    }
    return
  }
}

module attributes {stable_mosaic.version = 14 : i64} {
  func.func @body(%arg0: i32, %arg1: memref<2000x3xf32, #tpu.memory_space<vmem>>, %arg2: memref<3x16xf32, #tpu.memory_space<vmem>>, %arg3: memref<2000x8xf32, #tpu.memory_space<vmem>>, %arg4: memref<2000x8xf32, #tpu.memory_space<vmem>>) attributes {dimension_semantics = [#tpu.dimension_semantics<arbitrary>], iteration_bounds = array<i64: 5>, scalar_prefetch = 0 : i64, scratch_operands = 0 : i64, tpu.core_type = #tpu.core_type<tc>, window_params = [{transform_indices = @transform_0, window_bounds = array<i64: 2000, 3>}, {pipeline_mode = #tpu.pipeline_mode<synchronous>, transform_indices = @transform_1, window_bounds = array<i64: 3, 16>}, {transform_indices = @transform_2, window_bounds = array<i64: 2000, 8>}, {transform_indices = @transform_3, window_bounds = array<i64: 2000, 8>}]} {
    %get3A = arith.constant 0 : index
    %get3A_0 = arith.constant 0 : index
    %get3A_1 = vector.load %arg1[%get3A, %get3A_0] : memref<2000x3xf32, #tpu.memory_space<vmem>>, vector<2000x3xf32>
    %get3A_2 = arith.constant 0 : index
    %get3A_3 = arith.constant 0 : index
    %get3A_4 = vector.load %arg2[%get3A_2, %get3A_3] : memref<3x16xf32, #tpu.memory_space<vmem>>, vector<3x16xf32>
    %convert_element_type3A = arith.truncf %get3A_1 : vector<2000x3xf32> to vector<2000x3xbf16>
    %convert_element_type3A_5 = arith.truncf %get3A_4 : vector<3x16xf32> to vector<3x16xbf16>
    %dot_general3A = arith.constant dense<0.000000e+00> : vector<2000x16xf32>
    %dot_general3A_6 = tpu.matmul %convert_element_type3A, %convert_element_type3A_5, %dot_general3A {dimension_numbers = #tpu.dot_dimension_numbers<[1], [0], [0], [1], [0, 0, 1, 1], [], []>, transpose_lhs_hint = false} : vector<2000x3xbf16>, vector<3x16xbf16>, vector<2000x16xf32> -> vector<2000x16xf32>
    %slice3A = vector.extract_strided_slice %dot_general3A_6 {offsets = [0, 0], sizes = [2000, 8], strides = [1, 1]} : vector<2000x16xf32> to vector<2000x8xf32>
    %swap3A = arith.constant 0 : index
    %swap3A_7 = arith.constant 0 : index
    %swap3A_8 = vector.load %arg3[%swap3A, %swap3A_7] : memref<2000x8xf32, #tpu.memory_space<vmem>>, vector<2000x8xf32>
    tpu.vector_store %arg3[%swap3A, %swap3A_7], %slice3A {strides = array<i32>} : memref<2000x8xf32, #tpu.memory_space<vmem>>, vector<2000x8xf32>,
    %slice3A_9 = vector.extract_strided_slice %dot_general3A_6 {offsets = [0, 8], sizes = [2000, 8], strides = [1, 1]} : vector<2000x16xf32> to vector<2000x8xf32>
    %swap3A_10 = arith.constant 0 : index
    %swap3A_11 = arith.constant 0 : index
    %swap3A_12 = vector.load %arg4[%swap3A_10, %swap3A_11] : memref<2000x8xf32, #tpu.memory_space<vmem>>, vector<2000x8xf32>
    tpu.vector_store %arg4[%swap3A_10, %swap3A_11], %slice3A_9 {strides = array<i32>} : memref<2000x8xf32, #tpu.memory_space<vmem>>, vector<2000x8xf32>,
    return
  }
  func.func @transform_0(%arg0: i32) -> (i32, i32) {
    %c0_i32 = arith.constant 0 : i32
    %c0_i32_0 = arith.constant 0 : i32
    return %arg0, %c0_i32 : i32, i32
  }
  func.func @transform_1(%arg0: i32) -> (i32, i32) {
    %c0_i32 = arith.constant 0 : i32
    %c0_i32_0 = arith.constant 0 : i32
    %c0_i32_1 = arith.constant 0 : i32
    return %c0_i32, %c0_i32_0 : i32, i32
  }
  func.func @transform_2(%arg0: i32) -> (i32, i32) {
    %c0_i32 = arith.constant 0 : i32
    %c0_i32_0 = arith.constant 0 : i32
    return %arg0, %c0_i32 : i32, i32
  }
  func.func @transform_3(%arg0: i32) -> (i32, i32) {
    %c0_i32 = arith.constant 0 : i32
    %c0_i32_0 = arith.constant 0 : i32
    return %arg0, %c0_i32 : i32, i32
  }
}

module attributes {stable_mosaic.version = 14 : i64} {
  func.func @body(%arg0: memref<10000x8xf32, #tpu.memory_space<vmem>>, %arg1: memref<10000x8xf32, #tpu.memory_space<vmem>>, %arg2: memref<1x16xf32, #tpu.memory_space<vmem>>, %arg3: memref<1x16xf32, #tpu.memory_space<vmem>>, %arg4: memref<10000x16xf32, #tpu.memory_space<vmem>>) attributes {dimension_semantics = [], scalar_prefetch = 0 : i64, scratch_operands = 0 : i64, tpu.core_type = #tpu.core_type<tc>} {
    %get3A = arith.constant 0 : index
    %get3A_0 = arith.constant 0 : index
    %get3A_1 = vector.load %arg0[%get3A, %get3A_0] : memref<10000x8xf32, #tpu.memory_space<vmem>>, vector<10000x8xf32>
    %get3A_2 = arith.constant 0 : index
    %get3A_3 = arith.constant 0 : index
    %get3A_4 = vector.load %arg2[%get3A_2, %get3A_3] : memref<1x16xf32, #tpu.memory_space<vmem>>, vector<1x8xf32>
    %get3A_5 = arith.constant 0 : index
    %get3A_6 = arith.constant 0 : index
    %get3A_7 = vector.load %arg3[%get3A_5, %get3A_6] : memref<1x16xf32, #tpu.memory_space<vmem>>, vector<1x8xf32>
    %reduce_sum3A = arith.constant dense<0.000000e+00> : vector<8xf32>
    %reduce_sum3A_8 = vector.multi_reduction <add>, %get3A_1, %reduce_sum3A [0] : vector<10000x8xf32> to vector<8xf32>
    %broadcast_in_dim3A = vector.shape_cast %reduce_sum3A_8 : vector<8xf32> to vector<1x8xf32>
    %div3A = arith.constant 1.000000e+04 : f32
    %div3A_9 = vector.broadcast %div3A : f32 to vector<1x8xf32>
    %div3A_10 = arith.divf %broadcast_in_dim3A, %div3A_9 : vector<1x8xf32>
    %sub3A = vector.broadcast %div3A_10 : vector<1x8xf32> to vector<10000x8xf32>
    %sub3A_11 = arith.subf %get3A_1, %sub3A : vector<10000x8xf32>
    %integer_pow3A = arith.mulf %sub3A_11, %sub3A_11 : vector<10000x8xf32>
    %reduce_sum3A_12 = arith.constant dense<0.000000e+00> : vector<8xf32>
    %reduce_sum3A_13 = vector.multi_reduction <add>, %integer_pow3A, %reduce_sum3A_12 [0] : vector<10000x8xf32> to vector<8xf32>
    %broadcast_in_dim3A_14 = vector.shape_cast %reduce_sum3A_13 : vector<8xf32> to vector<1x8xf32>
    %div3A_15 = arith.constant 1.000000e+04 : f32
    %div3A_16 = vector.broadcast %div3A_15 : f32 to vector<1x8xf32>
    %div3A_17 = arith.divf %broadcast_in_dim3A_14, %div3A_16 : vector<1x8xf32>
    %sub3A_18 = vector.broadcast %div3A_10 : vector<1x8xf32> to vector<10000x8xf32>
    %sub3A_19 = arith.subf %get3A_1, %sub3A_18 : vector<10000x8xf32>
    %add3A = arith.constant 9.99999974E-6 : f32
    %add3A_20 = vector.broadcast %add3A : f32 to vector<1x8xf32>
    %add3A_21 = arith.addf %div3A_17, %add3A_20 : vector<1x8xf32>
    %rsqrt3A = math.rsqrt %add3A_21 : vector<1x8xf32>
    %mul3A = vector.broadcast %rsqrt3A : vector<1x8xf32> to vector<10000x8xf32>
    %mul3A_22 = arith.mulf %sub3A_19, %mul3A : vector<10000x8xf32>
    %mul3A_23 = vector.broadcast %get3A_4 : vector<1x8xf32> to vector<10000x8xf32>
    %mul3A_24 = arith.mulf %mul3A_22, %mul3A_23 : vector<10000x8xf32>
    %add3A_25 = vector.broadcast %get3A_7 : vector<1x8xf32> to vector<10000x8xf32>
    %add3A_26 = arith.addf %mul3A_24, %add3A_25 : vector<10000x8xf32>
    %max3A = arith.constant 0.000000e+00 : f32
    %max3A_27 = vector.broadcast %max3A : f32 to vector<10000x8xf32>
    %max3A_28 = arith.maximumf %add3A_26, %max3A_27 : vector<10000x8xf32>
    %swap3A = arith.constant 0 : index
    %swap3A_29 = arith.constant 0 : index
    %swap3A_30 = vector.load %arg4[%swap3A, %swap3A_29] : memref<10000x16xf32, #tpu.memory_space<vmem>>, vector<10000x8xf32>
    tpu.vector_store %arg4[%swap3A, %swap3A_29], %max3A_28 {strides = array<i32>} : memref<10000x16xf32, #tpu.memory_space<vmem>>, vector<10000x8xf32>,
    %get3A_31 = arith.constant 0 : index
    %get3A_32 = arith.constant 0 : index
    %get3A_33 = vector.load %arg1[%get3A_31, %get3A_32] : memref<10000x8xf32, #tpu.memory_space<vmem>>, vector<10000x8xf32>
    %get3A_34 = arith.constant 0 : index
    %get3A_35 = arith.constant 8 : index
    %get3A_36 = vector.load %arg2[%get3A_34, %get3A_35] : memref<1x16xf32, #tpu.memory_space<vmem>>, vector<1x8xf32>
    %get3A_37 = arith.constant 0 : index
    %get3A_38 = arith.constant 8 : index
    %get3A_39 = vector.load %arg3[%get3A_37, %get3A_38] : memref<1x16xf32, #tpu.memory_space<vmem>>, vector<1x8xf32>
    %reduce_sum3A_40 = arith.constant dense<0.000000e+00> : vector<8xf32>
    %reduce_sum3A_41 = vector.multi_reduction <add>, %get3A_33, %reduce_sum3A_40 [0] : vector<10000x8xf32> to vector<8xf32>
    %broadcast_in_dim3A_42 = vector.shape_cast %reduce_sum3A_41 : vector<8xf32> to vector<1x8xf32>
    %div3A_43 = arith.constant 1.000000e+04 : f32
    %div3A_44 = vector.broadcast %div3A_43 : f32 to vector<1x8xf32>
    %div3A_45 = arith.divf %broadcast_in_dim3A_42, %div3A_44 : vector<1x8xf32>
    %sub3A_46 = vector.broadcast %div3A_45 : vector<1x8xf32> to vector<10000x8xf32>
    %sub3A_47 = arith.subf %get3A_33, %sub3A_46 : vector<10000x8xf32>
    %integer_pow3A_48 = arith.mulf %sub3A_47, %sub3A_47 : vector<10000x8xf32>
    %reduce_sum3A_49 = arith.constant dense<0.000000e+00> : vector<8xf32>
    %reduce_sum3A_50 = vector.multi_reduction <add>, %integer_pow3A_48, %reduce_sum3A_49 [0] : vector<10000x8xf32> to vector<8xf32>
    %broadcast_in_dim3A_51 = vector.shape_cast %reduce_sum3A_50 : vector<8xf32> to vector<1x8xf32>
    %div3A_52 = arith.constant 1.000000e+04 : f32
    %div3A_53 = vector.broadcast %div3A_52 : f32 to vector<1x8xf32>
    %div3A_54 = arith.divf %broadcast_in_dim3A_51, %div3A_53 : vector<1x8xf32>
    %sub3A_55 = vector.broadcast %div3A_45 : vector<1x8xf32> to vector<10000x8xf32>
    %sub3A_56 = arith.subf %get3A_33, %sub3A_55 : vector<10000x8xf32>
    %add3A_57 = arith.constant 9.99999974E-6 : f32
    %add3A_58 = vector.broadcast %add3A_57 : f32 to vector<1x8xf32>
    %add3A_59 = arith.addf %div3A_54, %add3A_58 : vector<1x8xf32>
    %rsqrt3A_60 = math.rsqrt %add3A_59 : vector<1x8xf32>
    %mul3A_61 = vector.broadcast %rsqrt3A_60 : vector<1x8xf32> to vector<10000x8xf32>
    %mul3A_62 = arith.mulf %sub3A_56, %mul3A_61 : vector<10000x8xf32>
    %mul3A_63 = vector.broadcast %get3A_36 : vector<1x8xf32> to vector<10000x8xf32>
    %mul3A_64 = arith.mulf %mul3A_62, %mul3A_63 : vector<10000x8xf32>
    %add3A_65 = vector.broadcast %get3A_39 : vector<1x8xf32> to vector<10000x8xf32>
    %add3A_66 = arith.addf %mul3A_64, %add3A_65 : vector<10000x8xf32>
    %max3A_67 = arith.constant 0.000000e+00 : f32
    %max3A_68 = vector.broadcast %max3A_67 : f32 to vector<10000x8xf32>
    %max3A_69 = arith.maximumf %add3A_66, %max3A_68 : vector<10000x8xf32>
    %swap3A_70 = arith.constant 0 : index
    %swap3A_71 = arith.constant 8 : index
    %swap3A_72 = vector.load %arg4[%swap3A_70, %swap3A_71] : memref<10000x16xf32, #tpu.memory_space<vmem>>, vector<10000x8xf32>
    tpu.vector_store %arg4[%swap3A_70, %swap3A_71], %max3A_69 {strides = array<i32>} : memref<10000x16xf32, #tpu.memory_space<vmem>>, vector<10000x8xf32>,
    return
  }
}

module attributes {stable_mosaic.version = 14 : i64} {
  func.func @body(%arg0: i32, %arg1: memref<2000x16xf32, #tpu.memory_space<vmem>>, %arg2: memref<16x32xf32, #tpu.memory_space<vmem>>, %arg3: memref<2000x16xf32, #tpu.memory_space<vmem>>, %arg4: memref<2000x16xf32, #tpu.memory_space<vmem>>) attributes {dimension_semantics = [#tpu.dimension_semantics<arbitrary>], iteration_bounds = array<i64: 5>, scalar_prefetch = 0 : i64, scratch_operands = 0 : i64, tpu.core_type = #tpu.core_type<tc>, window_params = [{transform_indices = @transform_0, window_bounds = array<i64: 2000, 16>}, {pipeline_mode = #tpu.pipeline_mode<synchronous>, transform_indices = @transform_1, window_bounds = array<i64: 16, 32>}, {transform_indices = @transform_2, window_bounds = array<i64: 2000, 16>}, {transform_indices = @transform_3, window_bounds = array<i64: 2000, 16>}]} {
    %get3A = arith.constant 0 : index
    %get3A_0 = arith.constant 0 : index
    %get3A_1 = vector.load %arg1[%get3A, %get3A_0] : memref<2000x16xf32, #tpu.memory_space<vmem>>, vector<2000x16xf32>
    %get3A_2 = arith.constant 0 : index
    %get3A_3 = arith.constant 0 : index
    %get3A_4 = vector.load %arg2[%get3A_2, %get3A_3] : memref<16x32xf32, #tpu.memory_space<vmem>>, vector<16x32xf32>
    %convert_element_type3A = arith.truncf %get3A_1 : vector<2000x16xf32> to vector<2000x16xbf16>
    %convert_element_type3A_5 = arith.truncf %get3A_4 : vector<16x32xf32> to vector<16x32xbf16>
    %dot_general3A = arith.constant dense<0.000000e+00> : vector<2000x32xf32>
    %dot_general3A_6 = tpu.matmul %convert_element_type3A, %convert_element_type3A_5, %dot_general3A {dimension_numbers = #tpu.dot_dimension_numbers<[1], [0], [0], [1], [0, 0, 1, 1], [], []>, transpose_lhs_hint = false} : vector<2000x16xbf16>, vector<16x32xbf16>, vector<2000x32xf32> -> vector<2000x32xf32>
    %slice3A = vector.extract_strided_slice %dot_general3A_6 {offsets = [0, 0], sizes = [2000, 16], strides = [1, 1]} : vector<2000x32xf32> to vector<2000x16xf32>
    %swap3A = arith.constant 0 : index
    %swap3A_7 = arith.constant 0 : index
    %swap3A_8 = vector.load %arg3[%swap3A, %swap3A_7] : memref<2000x16xf32, #tpu.memory_space<vmem>>, vector<2000x16xf32>
    tpu.vector_store %arg3[%swap3A, %swap3A_7], %slice3A {strides = array<i32>} : memref<2000x16xf32, #tpu.memory_space<vmem>>, vector<2000x16xf32>,
    %slice3A_9 = vector.extract_strided_slice %dot_general3A_6 {offsets = [0, 16], sizes = [2000, 16], strides = [1, 1]} : vector<2000x32xf32> to vector<2000x16xf32>
    %swap3A_10 = arith.constant 0 : index
    %swap3A_11 = arith.constant 0 : index
    %swap3A_12 = vector.load %arg4[%swap3A_10, %swap3A_11] : memref<2000x16xf32, #tpu.memory_space<vmem>>, vector<2000x16xf32>
    tpu.vector_store %arg4[%swap3A_10, %swap3A_11], %slice3A_9 {strides = array<i32>} : memref<2000x16xf32, #tpu.memory_space<vmem>>, vector<2000x16xf32>,
    return
  }
  func.func @transform_0(%arg0: i32) -> (i32, i32) {
    %c0_i32 = arith.constant 0 : i32
    %c0_i32_0 = arith.constant 0 : i32
    return %arg0, %c0_i32 : i32, i32
  }
  func.func @transform_1(%arg0: i32) -> (i32, i32) {
    %c0_i32 = arith.constant 0 : i32
    %c0_i32_0 = arith.constant 0 : i32
    %c0_i32_1 = arith.constant 0 : i32
    return %c0_i32, %c0_i32_0 : i32, i32
  }
  func.func @transform_2(%arg0: i32) -> (i32, i32) {
    %c0_i32 = arith.constant 0 : i32
    %c0_i32_0 = arith.constant 0 : i32
    return %arg0, %c0_i32 : i32, i32
  }
  func.func @transform_3(%arg0: i32) -> (i32, i32) {
    %c0_i32 = arith.constant 0 : i32
    %c0_i32_0 = arith.constant 0 : i32
    return %arg0, %c0_i32 : i32, i32
  }
}

module attributes {stable_mosaic.version = 14 : i64} {
  func.func @body(%arg0: memref<10000x16xf32, #tpu.memory_space<vmem>>, %arg1: memref<10000x16xf32, #tpu.memory_space<vmem>>, %arg2: memref<1x32xf32, #tpu.memory_space<vmem>>, %arg3: memref<1x32xf32, #tpu.memory_space<vmem>>, %arg4: memref<10000x32xf32, #tpu.memory_space<vmem>>) attributes {dimension_semantics = [], scalar_prefetch = 0 : i64, scratch_operands = 0 : i64, tpu.core_type = #tpu.core_type<tc>} {
    %get3A = arith.constant 0 : index
    %get3A_0 = arith.constant 0 : index
    %get3A_1 = vector.load %arg0[%get3A, %get3A_0] : memref<10000x16xf32, #tpu.memory_space<vmem>>, vector<10000x16xf32>
    %get3A_2 = arith.constant 0 : index
    %get3A_3 = arith.constant 0 : index
    %get3A_4 = vector.load %arg2[%get3A_2, %get3A_3] : memref<1x32xf32, #tpu.memory_space<vmem>>, vector<1x16xf32>
    %get3A_5 = arith.constant 0 : index
    %get3A_6 = arith.constant 0 : index
    %get3A_7 = vector.load %arg3[%get3A_5, %get3A_6] : memref<1x32xf32, #tpu.memory_space<vmem>>, vector<1x16xf32>
    %reduce_sum3A = arith.constant dense<0.000000e+00> : vector<16xf32>
    %reduce_sum3A_8 = vector.multi_reduction <add>, %get3A_1, %reduce_sum3A [0] : vector<10000x16xf32> to vector<16xf32>
    %broadcast_in_dim3A = vector.shape_cast %reduce_sum3A_8 : vector<16xf32> to vector<1x16xf32>
    %div3A = arith.constant 1.000000e+04 : f32
    %div3A_9 = vector.broadcast %div3A : f32 to vector<1x16xf32>
    %div3A_10 = arith.divf %broadcast_in_dim3A, %div3A_9 : vector<1x16xf32>
    %sub3A = vector.broadcast %div3A_10 : vector<1x16xf32> to vector<10000x16xf32>
    %sub3A_11 = arith.subf %get3A_1, %sub3A : vector<10000x16xf32>
    %integer_pow3A = arith.mulf %sub3A_11, %sub3A_11 : vector<10000x16xf32>
    %reduce_sum3A_12 = arith.constant dense<0.000000e+00> : vector<16xf32>
    %reduce_sum3A_13 = vector.multi_reduction <add>, %integer_pow3A, %reduce_sum3A_12 [0] : vector<10000x16xf32> to vector<16xf32>
    %broadcast_in_dim3A_14 = vector.shape_cast %reduce_sum3A_13 : vector<16xf32> to vector<1x16xf32>
    %div3A_15 = arith.constant 1.000000e+04 : f32
    %div3A_16 = vector.broadcast %div3A_15 : f32 to vector<1x16xf32>
    %div3A_17 = arith.divf %broadcast_in_dim3A_14, %div3A_16 : vector<1x16xf32>
    %sub3A_18 = vector.broadcast %div3A_10 : vector<1x16xf32> to vector<10000x16xf32>
    %sub3A_19 = arith.subf %get3A_1, %sub3A_18 : vector<10000x16xf32>
    %add3A = arith.constant 9.99999974E-6 : f32
    %add3A_20 = vector.broadcast %add3A : f32 to vector<1x16xf32>
    %add3A_21 = arith.addf %div3A_17, %add3A_20 : vector<1x16xf32>
    %rsqrt3A = math.rsqrt %add3A_21 : vector<1x16xf32>
    %mul3A = vector.broadcast %rsqrt3A : vector<1x16xf32> to vector<10000x16xf32>
    %mul3A_22 = arith.mulf %sub3A_19, %mul3A : vector<10000x16xf32>
    %mul3A_23 = vector.broadcast %get3A_4 : vector<1x16xf32> to vector<10000x16xf32>
    %mul3A_24 = arith.mulf %mul3A_22, %mul3A_23 : vector<10000x16xf32>
    %add3A_25 = vector.broadcast %get3A_7 : vector<1x16xf32> to vector<10000x16xf32>
    %add3A_26 = arith.addf %mul3A_24, %add3A_25 : vector<10000x16xf32>
    %max3A = arith.constant 0.000000e+00 : f32
    %max3A_27 = vector.broadcast %max3A : f32 to vector<10000x16xf32>
    %max3A_28 = arith.maximumf %add3A_26, %max3A_27 : vector<10000x16xf32>
    %swap3A = arith.constant 0 : index
    %swap3A_29 = arith.constant 0 : index
    %swap3A_30 = vector.load %arg4[%swap3A, %swap3A_29] : memref<10000x32xf32, #tpu.memory_space<vmem>>, vector<10000x16xf32>
    tpu.vector_store %arg4[%swap3A, %swap3A_29], %max3A_28 {strides = array<i32>} : memref<10000x32xf32, #tpu.memory_space<vmem>>, vector<10000x16xf32>,
    %get3A_31 = arith.constant 0 : index
    %get3A_32 = arith.constant 0 : index
    %get3A_33 = vector.load %arg1[%get3A_31, %get3A_32] : memref<10000x16xf32, #tpu.memory_space<vmem>>, vector<10000x16xf32>
    %get3A_34 = arith.constant 0 : index
    %get3A_35 = arith.constant 16 : index
    %get3A_36 = vector.load %arg2[%get3A_34, %get3A_35] : memref<1x32xf32, #tpu.memory_space<vmem>>, vector<1x16xf32>
    %get3A_37 = arith.constant 0 : index
    %get3A_38 = arith.constant 16 : index
    %get3A_39 = vector.load %arg3[%get3A_37, %get3A_38] : memref<1x32xf32, #tpu.memory_space<vmem>>, vector<1x16xf32>
    %reduce_sum3A_40 = arith.constant dense<0.000000e+00> : vector<16xf32>
    %reduce_sum3A_41 = vector.multi_reduction <add>, %get3A_33, %reduce_sum3A_40 [0] : vector<10000x16xf32> to vector<16xf32>
    %broadcast_in_dim3A_42 = vector.shape_cast %reduce_sum3A_41 : vector<16xf32> to vector<1x16xf32>
    %div3A_43 = arith.constant 1.000000e+04 : f32
    %div3A_44 = vector.broadcast %div3A_43 : f32 to vector<1x16xf32>
    %div3A_45 = arith.divf %broadcast_in_dim3A_42, %div3A_44 : vector<1x16xf32>
    %sub3A_46 = vector.broadcast %div3A_45 : vector<1x16xf32> to vector<10000x16xf32>
    %sub3A_47 = arith.subf %get3A_33, %sub3A_46 : vector<10000x16xf32>
    %integer_pow3A_48 = arith.mulf %sub3A_47, %sub3A_47 : vector<10000x16xf32>
    %reduce_sum3A_49 = arith.constant dense<0.000000e+00> : vector<16xf32>
    %reduce_sum3A_50 = vector.multi_reduction <add>, %integer_pow3A_48, %reduce_sum3A_49 [0] : vector<10000x16xf32> to vector<16xf32>
    %broadcast_in_dim3A_51 = vector.shape_cast %reduce_sum3A_50 : vector<16xf32> to vector<1x16xf32>
    %div3A_52 = arith.constant 1.000000e+04 : f32
    %div3A_53 = vector.broadcast %div3A_52 : f32 to vector<1x16xf32>
    %div3A_54 = arith.divf %broadcast_in_dim3A_51, %div3A_53 : vector<1x16xf32>
    %sub3A_55 = vector.broadcast %div3A_45 : vector<1x16xf32> to vector<10000x16xf32>
    %sub3A_56 = arith.subf %get3A_33, %sub3A_55 : vector<10000x16xf32>
    %add3A_57 = arith.constant 9.99999974E-6 : f32
    %add3A_58 = vector.broadcast %add3A_57 : f32 to vector<1x16xf32>
    %add3A_59 = arith.addf %div3A_54, %add3A_58 : vector<1x16xf32>
    %rsqrt3A_60 = math.rsqrt %add3A_59 : vector<1x16xf32>
    %mul3A_61 = vector.broadcast %rsqrt3A_60 : vector<1x16xf32> to vector<10000x16xf32>
    %mul3A_62 = arith.mulf %sub3A_56, %mul3A_61 : vector<10000x16xf32>
    %mul3A_63 = vector.broadcast %get3A_36 : vector<1x16xf32> to vector<10000x16xf32>
    %mul3A_64 = arith.mulf %mul3A_62, %mul3A_63 : vector<10000x16xf32>
    %add3A_65 = vector.broadcast %get3A_39 : vector<1x16xf32> to vector<10000x16xf32>
    %add3A_66 = arith.addf %mul3A_64, %add3A_65 : vector<10000x16xf32>
    %max3A_67 = arith.constant 0.000000e+00 : f32
    %max3A_68 = vector.broadcast %max3A_67 : f32 to vector<10000x16xf32>
    %max3A_69 = arith.maximumf %add3A_66, %max3A_68 : vector<10000x16xf32>
    %swap3A_70 = arith.constant 0 : index
    %swap3A_71 = arith.constant 16 : index
    %swap3A_72 = vector.load %arg4[%swap3A_70, %swap3A_71] : memref<10000x32xf32, #tpu.memory_space<vmem>>, vector<10000x16xf32>
    tpu.vector_store %arg4[%swap3A_70, %swap3A_71], %max3A_69 {strides = array<i32>} : memref<10000x32xf32, #tpu.memory_space<vmem>>, vector<10000x16xf32>,
    return
  }
}

module attributes {stable_mosaic.version = 14 : i64} {
  func.func @body(%arg0: i32, %arg1: memref<2000x32xf32, #tpu.memory_space<vmem>>, %arg2: memref<32x64xf32, #tpu.memory_space<vmem>>, %arg3: memref<2000x32xf32, #tpu.memory_space<vmem>>, %arg4: memref<2000x32xf32, #tpu.memory_space<vmem>>) attributes {dimension_semantics = [#tpu.dimension_semantics<arbitrary>], iteration_bounds = array<i64: 5>, scalar_prefetch = 0 : i64, scratch_operands = 0 : i64, tpu.core_type = #tpu.core_type<tc>, window_params = [{transform_indices = @transform_0, window_bounds = array<i64: 2000, 32>}, {pipeline_mode = #tpu.pipeline_mode<synchronous>, transform_indices = @transform_1, window_bounds = array<i64: 32, 64>}, {transform_indices = @transform_2, window_bounds = array<i64: 2000, 32>}, {transform_indices = @transform_3, window_bounds = array<i64: 2000, 32>}]} {
    %get3A = arith.constant 0 : index
    %get3A_0 = arith.constant 0 : index
    %get3A_1 = vector.load %arg1[%get3A, %get3A_0] : memref<2000x32xf32, #tpu.memory_space<vmem>>, vector<2000x32xf32>
    %get3A_2 = arith.constant 0 : index
    %get3A_3 = arith.constant 0 : index
    %get3A_4 = vector.load %arg2[%get3A_2, %get3A_3] : memref<32x64xf32, #tpu.memory_space<vmem>>, vector<32x64xf32>
    %convert_element_type3A = arith.truncf %get3A_1 : vector<2000x32xf32> to vector<2000x32xbf16>
    %convert_element_type3A_5 = arith.truncf %get3A_4 : vector<32x64xf32> to vector<32x64xbf16>
    %dot_general3A = arith.constant dense<0.000000e+00> : vector<2000x64xf32>
    %dot_general3A_6 = tpu.matmul %convert_element_type3A, %convert_element_type3A_5, %dot_general3A {dimension_numbers = #tpu.dot_dimension_numbers<[1], [0], [0], [1], [0, 0, 1, 1], [], []>, transpose_lhs_hint = false} : vector<2000x32xbf16>, vector<32x64xbf16>, vector<2000x64xf32> -> vector<2000x64xf32>
    %slice3A = vector.extract_strided_slice %dot_general3A_6 {offsets = [0, 0], sizes = [2000, 32], strides = [1, 1]} : vector<2000x64xf32> to vector<2000x32xf32>
    %swap3A = arith.constant 0 : index
    %swap3A_7 = arith.constant 0 : index
    %swap3A_8 = vector.load %arg3[%swap3A, %swap3A_7] : memref<2000x32xf32, #tpu.memory_space<vmem>>, vector<2000x32xf32>
    tpu.vector_store %arg3[%swap3A, %swap3A_7], %slice3A {strides = array<i32>} : memref<2000x32xf32, #tpu.memory_space<vmem>>, vector<2000x32xf32>,
    %slice3A_9 = vector.extract_strided_slice %dot_general3A_6 {offsets = [0, 32], sizes = [2000, 32], strides = [1, 1]} : vector<2000x64xf32> to vector<2000x32xf32>
    %swap3A_10 = arith.constant 0 : index
    %swap3A_11 = arith.constant 0 : index
    %swap3A_12 = vector.load %arg4[%swap3A_10, %swap3A_11] : memref<2000x32xf32, #tpu.memory_space<vmem>>, vector<2000x32xf32>
    tpu.vector_store %arg4[%swap3A_10, %swap3A_11], %slice3A_9 {strides = array<i32>} : memref<2000x32xf32, #tpu.memory_space<vmem>>, vector<2000x32xf32>,
    return
  }
  func.func @transform_0(%arg0: i32) -> (i32, i32) {
    %c0_i32 = arith.constant 0 : i32
    %c0_i32_0 = arith.constant 0 : i32
    return %arg0, %c0_i32 : i32, i32
  }
  func.func @transform_1(%arg0: i32) -> (i32, i32) {
    %c0_i32 = arith.constant 0 : i32
    %c0_i32_0 = arith.constant 0 : i32
    %c0_i32_1 = arith.constant 0 : i32
    return %c0_i32, %c0_i32_0 : i32, i32
  }
  func.func @transform_2(%arg0: i32) -> (i32, i32) {
    %c0_i32 = arith.constant 0 : i32
    %c0_i32_0 = arith.constant 0 : i32
    return %arg0, %c0_i32 : i32, i32
  }
  func.func @transform_3(%arg0: i32) -> (i32, i32) {
    %c0_i32 = arith.constant 0 : i32
    %c0_i32_0 = arith.constant 0 : i32
    return %arg0, %c0_i32 : i32, i32
  }
}

module attributes {stable_mosaic.version = 14 : i64} {
  func.func @body(%arg0: memref<10000x32xf32, #tpu.memory_space<vmem>>, %arg1: memref<10000x32xf32, #tpu.memory_space<vmem>>, %arg2: memref<1x64xf32, #tpu.memory_space<vmem>>, %arg3: memref<1x64xf32, #tpu.memory_space<vmem>>, %arg4: memref<10000x64xf32, #tpu.memory_space<vmem>>) attributes {dimension_semantics = [], scalar_prefetch = 0 : i64, scratch_operands = 0 : i64, tpu.core_type = #tpu.core_type<tc>} {
    %get3A = arith.constant 0 : index
    %get3A_0 = arith.constant 0 : index
    %get3A_1 = vector.load %arg0[%get3A, %get3A_0] : memref<10000x32xf32, #tpu.memory_space<vmem>>, vector<10000x32xf32>
    %get3A_2 = arith.constant 0 : index
    %get3A_3 = arith.constant 0 : index
    %get3A_4 = vector.load %arg2[%get3A_2, %get3A_3] : memref<1x64xf32, #tpu.memory_space<vmem>>, vector<1x32xf32>
    %get3A_5 = arith.constant 0 : index
    %get3A_6 = arith.constant 0 : index
    %get3A_7 = vector.load %arg3[%get3A_5, %get3A_6] : memref<1x64xf32, #tpu.memory_space<vmem>>, vector<1x32xf32>
    %reduce_sum3A = arith.constant dense<0.000000e+00> : vector<32xf32>
    %reduce_sum3A_8 = vector.multi_reduction <add>, %get3A_1, %reduce_sum3A [0] : vector<10000x32xf32> to vector<32xf32>
    %broadcast_in_dim3A = vector.shape_cast %reduce_sum3A_8 : vector<32xf32> to vector<1x32xf32>
    %div3A = arith.constant 1.000000e+04 : f32
    %div3A_9 = vector.broadcast %div3A : f32 to vector<1x32xf32>
    %div3A_10 = arith.divf %broadcast_in_dim3A, %div3A_9 : vector<1x32xf32>
    %sub3A = vector.broadcast %div3A_10 : vector<1x32xf32> to vector<10000x32xf32>
    %sub3A_11 = arith.subf %get3A_1, %sub3A : vector<10000x32xf32>
    %integer_pow3A = arith.mulf %sub3A_11, %sub3A_11 : vector<10000x32xf32>
    %reduce_sum3A_12 = arith.constant dense<0.000000e+00> : vector<32xf32>
    %reduce_sum3A_13 = vector.multi_reduction <add>, %integer_pow3A, %reduce_sum3A_12 [0] : vector<10000x32xf32> to vector<32xf32>
    %broadcast_in_dim3A_14 = vector.shape_cast %reduce_sum3A_13 : vector<32xf32> to vector<1x32xf32>
    %div3A_15 = arith.constant 1.000000e+04 : f32
    %div3A_16 = vector.broadcast %div3A_15 : f32 to vector<1x32xf32>
    %div3A_17 = arith.divf %broadcast_in_dim3A_14, %div3A_16 : vector<1x32xf32>
    %sub3A_18 = vector.broadcast %div3A_10 : vector<1x32xf32> to vector<10000x32xf32>
    %sub3A_19 = arith.subf %get3A_1, %sub3A_18 : vector<10000x32xf32>
    %add3A = arith.constant 9.99999974E-6 : f32
    %add3A_20 = vector.broadcast %add3A : f32 to vector<1x32xf32>
    %add3A_21 = arith.addf %div3A_17, %add3A_20 : vector<1x32xf32>
    %rsqrt3A = math.rsqrt %add3A_21 : vector<1x32xf32>
    %mul3A = vector.broadcast %rsqrt3A : vector<1x32xf32> to vector<10000x32xf32>
    %mul3A_22 = arith.mulf %sub3A_19, %mul3A : vector<10000x32xf32>
    %mul3A_23 = vector.broadcast %get3A_4 : vector<1x32xf32> to vector<10000x32xf32>
    %mul3A_24 = arith.mulf %mul3A_22, %mul3A_23 : vector<10000x32xf32>
    %add3A_25 = vector.broadcast %get3A_7 : vector<1x32xf32> to vector<10000x32xf32>
    %add3A_26 = arith.addf %mul3A_24, %add3A_25 : vector<10000x32xf32>
    %max3A = arith.constant 0.000000e+00 : f32
    %max3A_27 = vector.broadcast %max3A : f32 to vector<10000x32xf32>
    %max3A_28 = arith.maximumf %add3A_26, %max3A_27 : vector<10000x32xf32>
    %swap3A = arith.constant 0 : index
    %swap3A_29 = arith.constant 0 : index
    %swap3A_30 = vector.load %arg4[%swap3A, %swap3A_29] : memref<10000x64xf32, #tpu.memory_space<vmem>>, vector<10000x32xf32>
    tpu.vector_store %arg4[%swap3A, %swap3A_29], %max3A_28 {strides = array<i32>} : memref<10000x64xf32, #tpu.memory_space<vmem>>, vector<10000x32xf32>,
    %get3A_31 = arith.constant 0 : index
    %get3A_32 = arith.constant 0 : index
    %get3A_33 = vector.load %arg1[%get3A_31, %get3A_32] : memref<10000x32xf32, #tpu.memory_space<vmem>>, vector<10000x32xf32>
    %get3A_34 = arith.constant 0 : index
    %get3A_35 = arith.constant 32 : index
    %get3A_36 = vector.load %arg2[%get3A_34, %get3A_35] : memref<1x64xf32, #tpu.memory_space<vmem>>, vector<1x32xf32>
    %get3A_37 = arith.constant 0 : index
    %get3A_38 = arith.constant 32 : index
    %get3A_39 = vector.load %arg3[%get3A_37, %get3A_38] : memref<1x64xf32, #tpu.memory_space<vmem>>, vector<1x32xf32>
    %reduce_sum3A_40 = arith.constant dense<0.000000e+00> : vector<32xf32>
    %reduce_sum3A_41 = vector.multi_reduction <add>, %get3A_33, %reduce_sum3A_40 [0] : vector<10000x32xf32> to vector<32xf32>
    %broadcast_in_dim3A_42 = vector.shape_cast %reduce_sum3A_41 : vector<32xf32> to vector<1x32xf32>
    %div3A_43 = arith.constant 1.000000e+04 : f32
    %div3A_44 = vector.broadcast %div3A_43 : f32 to vector<1x32xf32>
    %div3A_45 = arith.divf %broadcast_in_dim3A_42, %div3A_44 : vector<1x32xf32>
    %sub3A_46 = vector.broadcast %div3A_45 : vector<1x32xf32> to vector<10000x32xf32>
    %sub3A_47 = arith.subf %get3A_33, %sub3A_46 : vector<10000x32xf32>
    %integer_pow3A_48 = arith.mulf %sub3A_47, %sub3A_47 : vector<10000x32xf32>
    %reduce_sum3A_49 = arith.constant dense<0.000000e+00> : vector<32xf32>
    %reduce_sum3A_50 = vector.multi_reduction <add>, %integer_pow3A_48, %reduce_sum3A_49 [0] : vector<10000x32xf32> to vector<32xf32>
    %broadcast_in_dim3A_51 = vector.shape_cast %reduce_sum3A_50 : vector<32xf32> to vector<1x32xf32>
    %div3A_52 = arith.constant 1.000000e+04 : f32
    %div3A_53 = vector.broadcast %div3A_52 : f32 to vector<1x32xf32>
    %div3A_54 = arith.divf %broadcast_in_dim3A_51, %div3A_53 : vector<1x32xf32>
    %sub3A_55 = vector.broadcast %div3A_45 : vector<1x32xf32> to vector<10000x32xf32>
    %sub3A_56 = arith.subf %get3A_33, %sub3A_55 : vector<10000x32xf32>
    %add3A_57 = arith.constant 9.99999974E-6 : f32
    %add3A_58 = vector.broadcast %add3A_57 : f32 to vector<1x32xf32>
    %add3A_59 = arith.addf %div3A_54, %add3A_58 : vector<1x32xf32>
    %rsqrt3A_60 = math.rsqrt %add3A_59 : vector<1x32xf32>
    %mul3A_61 = vector.broadcast %rsqrt3A_60 : vector<1x32xf32> to vector<10000x32xf32>
    %mul3A_62 = arith.mulf %sub3A_56, %mul3A_61 : vector<10000x32xf32>
    %mul3A_63 = vector.broadcast %get3A_36 : vector<1x32xf32> to vector<10000x32xf32>
    %mul3A_64 = arith.mulf %mul3A_62, %mul3A_63 : vector<10000x32xf32>
    %add3A_65 = vector.broadcast %get3A_39 : vector<1x32xf32> to vector<10000x32xf32>
    %add3A_66 = arith.addf %mul3A_64, %add3A_65 : vector<10000x32xf32>
    %max3A_67 = arith.constant 0.000000e+00 : f32
    %max3A_68 = vector.broadcast %max3A_67 : f32 to vector<10000x32xf32>
    %max3A_69 = arith.maximumf %add3A_66, %max3A_68 : vector<10000x32xf32>
    %swap3A_70 = arith.constant 0 : index
    %swap3A_71 = arith.constant 32 : index
    %swap3A_72 = vector.load %arg4[%swap3A_70, %swap3A_71] : memref<10000x64xf32, #tpu.memory_space<vmem>>, vector<10000x32xf32>
    tpu.vector_store %arg4[%swap3A_70, %swap3A_71], %max3A_69 {strides = array<i32>} : memref<10000x64xf32, #tpu.memory_space<vmem>>, vector<10000x32xf32>,
    return
  }
}

module attributes {stable_mosaic.version = 14 : i64} {
  func.func @body(%arg0: i32, %arg1: memref<2000x64xf32, #tpu.memory_space<vmem>>, %arg2: memref<64x128xf32, #tpu.memory_space<vmem>>, %arg3: memref<2000x64xf32, #tpu.memory_space<vmem>>, %arg4: memref<2000x64xf32, #tpu.memory_space<vmem>>) attributes {dimension_semantics = [#tpu.dimension_semantics<arbitrary>], iteration_bounds = array<i64: 5>, scalar_prefetch = 0 : i64, scratch_operands = 0 : i64, tpu.core_type = #tpu.core_type<tc>, window_params = [{transform_indices = @transform_0, window_bounds = array<i64: 2000, 64>}, {pipeline_mode = #tpu.pipeline_mode<synchronous>, transform_indices = @transform_1, window_bounds = array<i64: 64, 128>}, {transform_indices = @transform_2, window_bounds = array<i64: 2000, 64>}, {transform_indices = @transform_3, window_bounds = array<i64: 2000, 64>}]} {
    %get3A = arith.constant 0 : index
    %get3A_0 = arith.constant 0 : index
    %get3A_1 = vector.load %arg1[%get3A, %get3A_0] : memref<2000x64xf32, #tpu.memory_space<vmem>>, vector<2000x64xf32>
    %get3A_2 = arith.constant 0 : index
    %get3A_3 = arith.constant 0 : index
    %get3A_4 = vector.load %arg2[%get3A_2, %get3A_3] : memref<64x128xf32, #tpu.memory_space<vmem>>, vector<64x128xf32>
    %convert_element_type3A = arith.truncf %get3A_1 : vector<2000x64xf32> to vector<2000x64xbf16>
    %convert_element_type3A_5 = arith.truncf %get3A_4 : vector<64x128xf32> to vector<64x128xbf16>
    %dot_general3A = arith.constant dense<0.000000e+00> : vector<2000x128xf32>
    %dot_general3A_6 = tpu.matmul %convert_element_type3A, %convert_element_type3A_5, %dot_general3A {dimension_numbers = #tpu.dot_dimension_numbers<[1], [0], [0], [1], [0, 0, 1, 1], [], []>, transpose_lhs_hint = false} : vector<2000x64xbf16>, vector<64x128xbf16>, vector<2000x128xf32> -> vector<2000x128xf32>
    %slice3A = vector.extract_strided_slice %dot_general3A_6 {offsets = [0, 0], sizes = [2000, 64], strides = [1, 1]} : vector<2000x128xf32> to vector<2000x64xf32>
    %swap3A = arith.constant 0 : index
    %swap3A_7 = arith.constant 0 : index
    %swap3A_8 = vector.load %arg3[%swap3A, %swap3A_7] : memref<2000x64xf32, #tpu.memory_space<vmem>>, vector<2000x64xf32>
    tpu.vector_store %arg3[%swap3A, %swap3A_7], %slice3A {strides = array<i32>} : memref<2000x64xf32, #tpu.memory_space<vmem>>, vector<2000x64xf32>,
    %slice3A_9 = vector.extract_strided_slice %dot_general3A_6 {offsets = [0, 64], sizes = [2000, 64], strides = [1, 1]} : vector<2000x128xf32> to vector<2000x64xf32>
    %swap3A_10 = arith.constant 0 : index
    %swap3A_11 = arith.constant 0 : index
    %swap3A_12 = vector.load %arg4[%swap3A_10, %swap3A_11] : memref<2000x64xf32, #tpu.memory_space<vmem>>, vector<2000x64xf32>
    tpu.vector_store %arg4[%swap3A_10, %swap3A_11], %slice3A_9 {strides = array<i32>} : memref<2000x64xf32, #tpu.memory_space<vmem>>, vector<2000x64xf32>,
    return
  }
  func.func @transform_0(%arg0: i32) -> (i32, i32) {
    %c0_i32 = arith.constant 0 : i32
    %c0_i32_0 = arith.constant 0 : i32
    return %arg0, %c0_i32 : i32, i32
  }
  func.func @transform_1(%arg0: i32) -> (i32, i32) {
    %c0_i32 = arith.constant 0 : i32
    %c0_i32_0 = arith.constant 0 : i32
    %c0_i32_1 = arith.constant 0 : i32
    return %c0_i32, %c0_i32_0 : i32, i32
  }
  func.func @transform_2(%arg0: i32) -> (i32, i32) {
    %c0_i32 = arith.constant 0 : i32
    %c0_i32_0 = arith.constant 0 : i32
    return %arg0, %c0_i32 : i32, i32
  }
  func.func @transform_3(%arg0: i32) -> (i32, i32) {
    %c0_i32 = arith.constant 0 : i32
    %c0_i32_0 = arith.constant 0 : i32
    return %arg0, %c0_i32 : i32, i32
  }
}

module attributes {stable_mosaic.version = 14 : i64} {
  func.func @body(%arg0: memref<10000x64xf32, #tpu.memory_space<vmem>>, %arg1: memref<10000x64xf32, #tpu.memory_space<vmem>>, %arg2: memref<1x128xf32, #tpu.memory_space<vmem>>, %arg3: memref<1x128xf32, #tpu.memory_space<vmem>>, %arg4: memref<10000x128xf32, #tpu.memory_space<vmem>>) attributes {dimension_semantics = [], scalar_prefetch = 0 : i64, scratch_operands = 0 : i64, tpu.core_type = #tpu.core_type<tc>} {
    %get3A = arith.constant 0 : index
    %get3A_0 = arith.constant 0 : index
    %get3A_1 = vector.load %arg0[%get3A, %get3A_0] : memref<10000x64xf32, #tpu.memory_space<vmem>>, vector<10000x64xf32>
    %get3A_2 = arith.constant 0 : index
    %get3A_3 = arith.constant 0 : index
    %get3A_4 = vector.load %arg2[%get3A_2, %get3A_3] : memref<1x128xf32, #tpu.memory_space<vmem>>, vector<1x64xf32>
    %get3A_5 = arith.constant 0 : index
    %get3A_6 = arith.constant 0 : index
    %get3A_7 = vector.load %arg3[%get3A_5, %get3A_6] : memref<1x128xf32, #tpu.memory_space<vmem>>, vector<1x64xf32>
    %reduce_sum3A = arith.constant dense<0.000000e+00> : vector<64xf32>
    %reduce_sum3A_8 = vector.multi_reduction <add>, %get3A_1, %reduce_sum3A [0] : vector<10000x64xf32> to vector<64xf32>
    %broadcast_in_dim3A = vector.shape_cast %reduce_sum3A_8 : vector<64xf32> to vector<1x64xf32>
    %div3A = arith.constant 1.000000e+04 : f32
    %div3A_9 = vector.broadcast %div3A : f32 to vector<1x64xf32>
    %div3A_10 = arith.divf %broadcast_in_dim3A, %div3A_9 : vector<1x64xf32>
    %sub3A = vector.broadcast %div3A_10 : vector<1x64xf32> to vector<10000x64xf32>
    %sub3A_11 = arith.subf %get3A_1, %sub3A : vector<10000x64xf32>
    %integer_pow3A = arith.mulf %sub3A_11, %sub3A_11 : vector<10000x64xf32>
    %reduce_sum3A_12 = arith.constant dense<0.000000e+00> : vector<64xf32>
    %reduce_sum3A_13 = vector.multi_reduction <add>, %integer_pow3A, %reduce_sum3A_12 [0] : vector<10000x64xf32> to vector<64xf32>
    %broadcast_in_dim3A_14 = vector.shape_cast %reduce_sum3A_13 : vector<64xf32> to vector<1x64xf32>
    %div3A_15 = arith.constant 1.000000e+04 : f32
    %div3A_16 = vector.broadcast %div3A_15 : f32 to vector<1x64xf32>
    %div3A_17 = arith.divf %broadcast_in_dim3A_14, %div3A_16 : vector<1x64xf32>
    %sub3A_18 = vector.broadcast %div3A_10 : vector<1x64xf32> to vector<10000x64xf32>
    %sub3A_19 = arith.subf %get3A_1, %sub3A_18 : vector<10000x64xf32>
    %add3A = arith.constant 9.99999974E-6 : f32
    %add3A_20 = vector.broadcast %add3A : f32 to vector<1x64xf32>
    %add3A_21 = arith.addf %div3A_17, %add3A_20 : vector<1x64xf32>
    %rsqrt3A = math.rsqrt %add3A_21 : vector<1x64xf32>
    %mul3A = vector.broadcast %rsqrt3A : vector<1x64xf32> to vector<10000x64xf32>
    %mul3A_22 = arith.mulf %sub3A_19, %mul3A : vector<10000x64xf32>
    %mul3A_23 = vector.broadcast %get3A_4 : vector<1x64xf32> to vector<10000x64xf32>
    %mul3A_24 = arith.mulf %mul3A_22, %mul3A_23 : vector<10000x64xf32>
    %add3A_25 = vector.broadcast %get3A_7 : vector<1x64xf32> to vector<10000x64xf32>
    %add3A_26 = arith.addf %mul3A_24, %add3A_25 : vector<10000x64xf32>
    %max3A = arith.constant 0.000000e+00 : f32
    %max3A_27 = vector.broadcast %max3A : f32 to vector<10000x64xf32>
    %max3A_28 = arith.maximumf %add3A_26, %max3A_27 : vector<10000x64xf32>
    %swap3A = arith.constant 0 : index
    %swap3A_29 = arith.constant 0 : index
    %swap3A_30 = vector.load %arg4[%swap3A, %swap3A_29] : memref<10000x128xf32, #tpu.memory_space<vmem>>, vector<10000x64xf32>
    tpu.vector_store %arg4[%swap3A, %swap3A_29], %max3A_28 {strides = array<i32>} : memref<10000x128xf32, #tpu.memory_space<vmem>>, vector<10000x64xf32>,
    %get3A_31 = arith.constant 0 : index
    %get3A_32 = arith.constant 0 : index
    %get3A_33 = vector.load %arg1[%get3A_31, %get3A_32] : memref<10000x64xf32, #tpu.memory_space<vmem>>, vector<10000x64xf32>
    %get3A_34 = arith.constant 0 : index
    %get3A_35 = arith.constant 64 : index
    %get3A_36 = vector.load %arg2[%get3A_34, %get3A_35] : memref<1x128xf32, #tpu.memory_space<vmem>>, vector<1x64xf32>
    %get3A_37 = arith.constant 0 : index
    %get3A_38 = arith.constant 64 : index
    %get3A_39 = vector.load %arg3[%get3A_37, %get3A_38] : memref<1x128xf32, #tpu.memory_space<vmem>>, vector<1x64xf32>
    %reduce_sum3A_40 = arith.constant dense<0.000000e+00> : vector<64xf32>
    %reduce_sum3A_41 = vector.multi_reduction <add>, %get3A_33, %reduce_sum3A_40 [0] : vector<10000x64xf32> to vector<64xf32>
    %broadcast_in_dim3A_42 = vector.shape_cast %reduce_sum3A_41 : vector<64xf32> to vector<1x64xf32>
    %div3A_43 = arith.constant 1.000000e+04 : f32
    %div3A_44 = vector.broadcast %div3A_43 : f32 to vector<1x64xf32>
    %div3A_45 = arith.divf %broadcast_in_dim3A_42, %div3A_44 : vector<1x64xf32>
    %sub3A_46 = vector.broadcast %div3A_45 : vector<1x64xf32> to vector<10000x64xf32>
    %sub3A_47 = arith.subf %get3A_33, %sub3A_46 : vector<10000x64xf32>
    %integer_pow3A_48 = arith.mulf %sub3A_47, %sub3A_47 : vector<10000x64xf32>
    %reduce_sum3A_49 = arith.constant dense<0.000000e+00> : vector<64xf32>
    %reduce_sum3A_50 = vector.multi_reduction <add>, %integer_pow3A_48, %reduce_sum3A_49 [0] : vector<10000x64xf32> to vector<64xf32>
    %broadcast_in_dim3A_51 = vector.shape_cast %reduce_sum3A_50 : vector<64xf32> to vector<1x64xf32>
    %div3A_52 = arith.constant 1.000000e+04 : f32
    %div3A_53 = vector.broadcast %div3A_52 : f32 to vector<1x64xf32>
    %div3A_54 = arith.divf %broadcast_in_dim3A_51, %div3A_53 : vector<1x64xf32>
    %sub3A_55 = vector.broadcast %div3A_45 : vector<1x64xf32> to vector<10000x64xf32>
    %sub3A_56 = arith.subf %get3A_33, %sub3A_55 : vector<10000x64xf32>
    %add3A_57 = arith.constant 9.99999974E-6 : f32
    %add3A_58 = vector.broadcast %add3A_57 : f32 to vector<1x64xf32>
    %add3A_59 = arith.addf %div3A_54, %add3A_58 : vector<1x64xf32>
    %rsqrt3A_60 = math.rsqrt %add3A_59 : vector<1x64xf32>
    %mul3A_61 = vector.broadcast %rsqrt3A_60 : vector<1x64xf32> to vector<10000x64xf32>
    %mul3A_62 = arith.mulf %sub3A_56, %mul3A_61 : vector<10000x64xf32>
    %mul3A_63 = vector.broadcast %get3A_36 : vector<1x64xf32> to vector<10000x64xf32>
    %mul3A_64 = arith.mulf %mul3A_62, %mul3A_63 : vector<10000x64xf32>
    %add3A_65 = vector.broadcast %get3A_39 : vector<1x64xf32> to vector<10000x64xf32>
    %add3A_66 = arith.addf %mul3A_64, %add3A_65 : vector<10000x64xf32>
    %max3A_67 = arith.constant 0.000000e+00 : f32
    %max3A_68 = vector.broadcast %max3A_67 : f32 to vector<10000x64xf32>
    %max3A_69 = arith.maximumf %add3A_66, %max3A_68 : vector<10000x64xf32>
    %swap3A_70 = arith.constant 0 : index
    %swap3A_71 = arith.constant 64 : index
    %swap3A_72 = vector.load %arg4[%swap3A_70, %swap3A_71] : memref<10000x128xf32, #tpu.memory_space<vmem>>, vector<10000x64xf32>
    tpu.vector_store %arg4[%swap3A_70, %swap3A_71], %max3A_69 {strides = array<i32>} : memref<10000x128xf32, #tpu.memory_space<vmem>>, vector<10000x64xf32>,
    return
  }
}

module attributes {stable_mosaic.version = 14 : i64} {
  func.func @body(%arg0: i32, %arg1: memref<2000x128xf32, #tpu.memory_space<vmem>>, %arg2: memref<128x256xf32, #tpu.memory_space<vmem>>, %arg3: memref<2000x128xf32, #tpu.memory_space<vmem>>, %arg4: memref<2000x128xf32, #tpu.memory_space<vmem>>) attributes {dimension_semantics = [#tpu.dimension_semantics<arbitrary>], iteration_bounds = array<i64: 5>, scalar_prefetch = 0 : i64, scratch_operands = 0 : i64, tpu.core_type = #tpu.core_type<tc>, window_params = [{transform_indices = @transform_0, window_bounds = array<i64: 2000, 128>}, {pipeline_mode = #tpu.pipeline_mode<synchronous>, transform_indices = @transform_1, window_bounds = array<i64: 128, 256>}, {transform_indices = @transform_2, window_bounds = array<i64: 2000, 128>}, {transform_indices = @transform_3, window_bounds = array<i64: 2000, 128>}]} {
    %get3A = arith.constant 0 : index
    %get3A_0 = arith.constant 0 : index
    %get3A_1 = vector.load %arg1[%get3A, %get3A_0] : memref<2000x128xf32, #tpu.memory_space<vmem>>, vector<2000x128xf32>
    %get3A_2 = arith.constant 0 : index
    %get3A_3 = arith.constant 0 : index
    %get3A_4 = vector.load %arg2[%get3A_2, %get3A_3] : memref<128x256xf32, #tpu.memory_space<vmem>>, vector<128x256xf32>
    %convert_element_type3A = arith.truncf %get3A_1 : vector<2000x128xf32> to vector<2000x128xbf16>
    %convert_element_type3A_5 = arith.truncf %get3A_4 : vector<128x256xf32> to vector<128x256xbf16>
    %dot_general3A = arith.constant dense<0.000000e+00> : vector<2000x256xf32>
    %dot_general3A_6 = tpu.matmul %convert_element_type3A, %convert_element_type3A_5, %dot_general3A {dimension_numbers = #tpu.dot_dimension_numbers<[1], [0], [0], [1], [0, 0, 1, 1], [], []>, transpose_lhs_hint = false} : vector<2000x128xbf16>, vector<128x256xbf16>, vector<2000x256xf32> -> vector<2000x256xf32>
    %slice3A = vector.extract_strided_slice %dot_general3A_6 {offsets = [0, 0], sizes = [2000, 128], strides = [1, 1]} : vector<2000x256xf32> to vector<2000x128xf32>
    %swap3A = arith.constant 0 : index
    %swap3A_7 = arith.constant 0 : index
    %swap3A_8 = vector.load %arg3[%swap3A, %swap3A_7] : memref<2000x128xf32, #tpu.memory_space<vmem>>, vector<2000x128xf32>
    tpu.vector_store %arg3[%swap3A, %swap3A_7], %slice3A {strides = array<i32>} : memref<2000x128xf32, #tpu.memory_space<vmem>>, vector<2000x128xf32>,
    %slice3A_9 = vector.extract_strided_slice %dot_general3A_6 {offsets = [0, 128], sizes = [2000, 128], strides = [1, 1]} : vector<2000x256xf32> to vector<2000x128xf32>
    %swap3A_10 = arith.constant 0 : index
    %swap3A_11 = arith.constant 0 : index
    %swap3A_12 = vector.load %arg4[%swap3A_10, %swap3A_11] : memref<2000x128xf32, #tpu.memory_space<vmem>>, vector<2000x128xf32>
    tpu.vector_store %arg4[%swap3A_10, %swap3A_11], %slice3A_9 {strides = array<i32>} : memref<2000x128xf32, #tpu.memory_space<vmem>>, vector<2000x128xf32>,
    return
  }
  func.func @transform_0(%arg0: i32) -> (i32, i32) {
    %c0_i32 = arith.constant 0 : i32
    %c0_i32_0 = arith.constant 0 : i32
    return %arg0, %c0_i32 : i32, i32
  }
  func.func @transform_1(%arg0: i32) -> (i32, i32) {
    %c0_i32 = arith.constant 0 : i32
    %c0_i32_0 = arith.constant 0 : i32
    %c0_i32_1 = arith.constant 0 : i32
    return %c0_i32, %c0_i32_0 : i32, i32
  }
  func.func @transform_2(%arg0: i32) -> (i32, i32) {
    %c0_i32 = arith.constant 0 : i32
    %c0_i32_0 = arith.constant 0 : i32
    return %arg0, %c0_i32 : i32, i32
  }
  func.func @transform_3(%arg0: i32) -> (i32, i32) {
    %c0_i32 = arith.constant 0 : i32
    %c0_i32_0 = arith.constant 0 : i32
    return %arg0, %c0_i32 : i32, i32
  }
}

module attributes {stable_mosaic.version = 14 : i64} {
  func.func @body(%arg0: memref<10000x128xf32, #tpu.memory_space<vmem>>, %arg1: memref<10000x128xf32, #tpu.memory_space<vmem>>, %arg2: memref<1x256xf32, #tpu.memory_space<vmem>>, %arg3: memref<1x256xf32, #tpu.memory_space<vmem>>, %arg4: memref<10000x256xf32, #tpu.memory_space<vmem>>) attributes {dimension_semantics = [], scalar_prefetch = 0 : i64, scratch_operands = 0 : i64, tpu.core_type = #tpu.core_type<tc>} {
    %get3A = arith.constant 0 : index
    %get3A_0 = arith.constant 0 : index
    %get3A_1 = vector.load %arg0[%get3A, %get3A_0] : memref<10000x128xf32, #tpu.memory_space<vmem>>, vector<10000x128xf32>
    %get3A_2 = arith.constant 0 : index
    %get3A_3 = arith.constant 0 : index
    %get3A_4 = vector.load %arg2[%get3A_2, %get3A_3] : memref<1x256xf32, #tpu.memory_space<vmem>>, vector<1x128xf32>
    %get3A_5 = arith.constant 0 : index
    %get3A_6 = arith.constant 0 : index
    %get3A_7 = vector.load %arg3[%get3A_5, %get3A_6] : memref<1x256xf32, #tpu.memory_space<vmem>>, vector<1x128xf32>
    %reduce_sum3A = arith.constant dense<0.000000e+00> : vector<128xf32>
    %reduce_sum3A_8 = vector.multi_reduction <add>, %get3A_1, %reduce_sum3A [0] : vector<10000x128xf32> to vector<128xf32>
    %broadcast_in_dim3A = vector.shape_cast %reduce_sum3A_8 : vector<128xf32> to vector<1x128xf32>
    %div3A = arith.constant 1.000000e+04 : f32
    %div3A_9 = vector.broadcast %div3A : f32 to vector<1x128xf32>
    %div3A_10 = arith.divf %broadcast_in_dim3A, %div3A_9 : vector<1x128xf32>
    %sub3A = vector.broadcast %div3A_10 : vector<1x128xf32> to vector<10000x128xf32>
    %sub3A_11 = arith.subf %get3A_1, %sub3A : vector<10000x128xf32>
    %integer_pow3A = arith.mulf %sub3A_11, %sub3A_11 : vector<10000x128xf32>
    %reduce_sum3A_12 = arith.constant dense<0.000000e+00> : vector<128xf32>
    %reduce_sum3A_13 = vector.multi_reduction <add>, %integer_pow3A, %reduce_sum3A_12 [0] : vector<10000x128xf32> to vector<128xf32>
    %broadcast_in_dim3A_14 = vector.shape_cast %reduce_sum3A_13 : vector<128xf32> to vector<1x128xf32>
    %div3A_15 = arith.constant 1.000000e+04 : f32
    %div3A_16 = vector.broadcast %div3A_15 : f32 to vector<1x128xf32>
    %div3A_17 = arith.divf %broadcast_in_dim3A_14, %div3A_16 : vector<1x128xf32>
    %sub3A_18 = vector.broadcast %div3A_10 : vector<1x128xf32> to vector<10000x128xf32>
    %sub3A_19 = arith.subf %get3A_1, %sub3A_18 : vector<10000x128xf32>
    %add3A = arith.constant 9.99999974E-6 : f32
    %add3A_20 = vector.broadcast %add3A : f32 to vector<1x128xf32>
    %add3A_21 = arith.addf %div3A_17, %add3A_20 : vector<1x128xf32>
    %rsqrt3A = math.rsqrt %add3A_21 : vector<1x128xf32>
    %mul3A = vector.broadcast %rsqrt3A : vector<1x128xf32> to vector<10000x128xf32>
    %mul3A_22 = arith.mulf %sub3A_19, %mul3A : vector<10000x128xf32>
    %mul3A_23 = vector.broadcast %get3A_4 : vector<1x128xf32> to vector<10000x128xf32>
    %mul3A_24 = arith.mulf %mul3A_22, %mul3A_23 : vector<10000x128xf32>
    %add3A_25 = vector.broadcast %get3A_7 : vector<1x128xf32> to vector<10000x128xf32>
    %add3A_26 = arith.addf %mul3A_24, %add3A_25 : vector<10000x128xf32>
    %max3A = arith.constant 0.000000e+00 : f32
    %max3A_27 = vector.broadcast %max3A : f32 to vector<10000x128xf32>
    %max3A_28 = arith.maximumf %add3A_26, %max3A_27 : vector<10000x128xf32>
    %swap3A = arith.constant 0 : index
    %swap3A_29 = arith.constant 0 : index
    %swap3A_30 = vector.load %arg4[%swap3A, %swap3A_29] : memref<10000x256xf32, #tpu.memory_space<vmem>>, vector<10000x128xf32>
    tpu.vector_store %arg4[%swap3A, %swap3A_29], %max3A_28 {strides = array<i32>} : memref<10000x256xf32, #tpu.memory_space<vmem>>, vector<10000x128xf32>,
    %get3A_31 = arith.constant 0 : index
    %get3A_32 = arith.constant 0 : index
    %get3A_33 = vector.load %arg1[%get3A_31, %get3A_32] : memref<10000x128xf32, #tpu.memory_space<vmem>>, vector<10000x128xf32>
    %get3A_34 = arith.constant 0 : index
    %get3A_35 = arith.constant 128 : index
    %get3A_36 = vector.load %arg2[%get3A_34, %get3A_35] : memref<1x256xf32, #tpu.memory_space<vmem>>, vector<1x128xf32>
    %get3A_37 = arith.constant 0 : index
    %get3A_38 = arith.constant 128 : index
    %get3A_39 = vector.load %arg3[%get3A_37, %get3A_38] : memref<1x256xf32, #tpu.memory_space<vmem>>, vector<1x128xf32>
    %reduce_sum3A_40 = arith.constant dense<0.000000e+00> : vector<128xf32>
    %reduce_sum3A_41 = vector.multi_reduction <add>, %get3A_33, %reduce_sum3A_40 [0] : vector<10000x128xf32> to vector<128xf32>
    %broadcast_in_dim3A_42 = vector.shape_cast %reduce_sum3A_41 : vector<128xf32> to vector<1x128xf32>
    %div3A_43 = arith.constant 1.000000e+04 : f32
    %div3A_44 = vector.broadcast %div3A_43 : f32 to vector<1x128xf32>
    %div3A_45 = arith.divf %broadcast_in_dim3A_42, %div3A_44 : vector<1x128xf32>
    %sub3A_46 = vector.broadcast %div3A_45 : vector<1x128xf32> to vector<10000x128xf32>
    %sub3A_47 = arith.subf %get3A_33, %sub3A_46 : vector<10000x128xf32>
    %integer_pow3A_48 = arith.mulf %sub3A_47, %sub3A_47 : vector<10000x128xf32>
    %reduce_sum3A_49 = arith.constant dense<0.000000e+00> : vector<128xf32>
    %reduce_sum3A_50 = vector.multi_reduction <add>, %integer_pow3A_48, %reduce_sum3A_49 [0] : vector<10000x128xf32> to vector<128xf32>
    %broadcast_in_dim3A_51 = vector.shape_cast %reduce_sum3A_50 : vector<128xf32> to vector<1x128xf32>
    %div3A_52 = arith.constant 1.000000e+04 : f32
    %div3A_53 = vector.broadcast %div3A_52 : f32 to vector<1x128xf32>
    %div3A_54 = arith.divf %broadcast_in_dim3A_51, %div3A_53 : vector<1x128xf32>
    %sub3A_55 = vector.broadcast %div3A_45 : vector<1x128xf32> to vector<10000x128xf32>
    %sub3A_56 = arith.subf %get3A_33, %sub3A_55 : vector<10000x128xf32>
    %add3A_57 = arith.constant 9.99999974E-6 : f32
    %add3A_58 = vector.broadcast %add3A_57 : f32 to vector<1x128xf32>
    %add3A_59 = arith.addf %div3A_54, %add3A_58 : vector<1x128xf32>
    %rsqrt3A_60 = math.rsqrt %add3A_59 : vector<1x128xf32>
    %mul3A_61 = vector.broadcast %rsqrt3A_60 : vector<1x128xf32> to vector<10000x128xf32>
    %mul3A_62 = arith.mulf %sub3A_56, %mul3A_61 : vector<10000x128xf32>
    %mul3A_63 = vector.broadcast %get3A_36 : vector<1x128xf32> to vector<10000x128xf32>
    %mul3A_64 = arith.mulf %mul3A_62, %mul3A_63 : vector<10000x128xf32>
    %add3A_65 = vector.broadcast %get3A_39 : vector<1x128xf32> to vector<10000x128xf32>
    %add3A_66 = arith.addf %mul3A_64, %add3A_65 : vector<10000x128xf32>
    %max3A_67 = arith.constant 0.000000e+00 : f32
    %max3A_68 = vector.broadcast %max3A_67 : f32 to vector<10000x128xf32>
    %max3A_69 = arith.maximumf %add3A_66, %max3A_68 : vector<10000x128xf32>
    %swap3A_70 = arith.constant 0 : index
    %swap3A_71 = arith.constant 128 : index
    %swap3A_72 = vector.load %arg4[%swap3A_70, %swap3A_71] : memref<10000x256xf32, #tpu.memory_space<vmem>>, vector<10000x128xf32>
    tpu.vector_store %arg4[%swap3A_70, %swap3A_71], %max3A_69 {strides = array<i32>} : memref<10000x256xf32, #tpu.memory_space<vmem>>, vector<10000x128xf32>,
    return
  }
}

module attributes {stable_mosaic.version = 14 : i64} {
  func.func @body(%arg0: i32, %arg1: memref<2000x256xf32, #tpu.memory_space<vmem>>, %arg2: memref<256x512xf32, #tpu.memory_space<vmem>>, %arg3: memref<2000x128xf32, #tpu.memory_space<vmem>>, %arg4: memref<2000x128xf32, #tpu.memory_space<vmem>>, %arg5: memref<2000x128xf32, #tpu.memory_space<vmem>>, %arg6: memref<2000x128xf32, #tpu.memory_space<vmem>>) attributes {dimension_semantics = [#tpu.dimension_semantics<arbitrary>], iteration_bounds = array<i64: 5>, scalar_prefetch = 0 : i64, scratch_operands = 0 : i64, tpu.core_type = #tpu.core_type<tc>, window_params = [{transform_indices = @transform_0, window_bounds = array<i64: 2000, 256>}, {pipeline_mode = #tpu.pipeline_mode<synchronous>, transform_indices = @transform_1, window_bounds = array<i64: 256, 512>}, {transform_indices = @transform_2, window_bounds = array<i64: 2000, 128>}, {transform_indices = @transform_3, window_bounds = array<i64: 2000, 128>}, {transform_indices = @transform_4, window_bounds = array<i64: 2000, 128>}, {transform_indices = @transform_5, window_bounds = array<i64: 2000, 128>}]} {
    %get3A = arith.constant 0 : index
    %get3A_0 = arith.constant 0 : index
    %get3A_1 = vector.load %arg1[%get3A, %get3A_0] : memref<2000x256xf32, #tpu.memory_space<vmem>>, vector<2000x256xf32>
    %get3A_2 = arith.constant 0 : index
    %get3A_3 = arith.constant 0 : index
    %get3A_4 = vector.load %arg2[%get3A_2, %get3A_3] : memref<256x512xf32, #tpu.memory_space<vmem>>, vector<256x512xf32>
    %convert_element_type3A = arith.truncf %get3A_1 : vector<2000x256xf32> to vector<2000x256xbf16>
    %convert_element_type3A_5 = arith.truncf %get3A_4 : vector<256x512xf32> to vector<256x512xbf16>
    %dot_general3A = arith.constant dense<0.000000e+00> : vector<2000x512xf32>
    %dot_general3A_6 = tpu.matmul %convert_element_type3A, %convert_element_type3A_5, %dot_general3A {dimension_numbers = #tpu.dot_dimension_numbers<[1], [0], [0], [1], [0, 0, 1, 1], [], []>, transpose_lhs_hint = false} : vector<2000x256xbf16>, vector<256x512xbf16>, vector<2000x512xf32> -> vector<2000x512xf32>
    %slice3A = vector.extract_strided_slice %dot_general3A_6 {offsets = [0, 0], sizes = [2000, 128], strides = [1, 1]} : vector<2000x512xf32> to vector<2000x128xf32>
    %swap3A = arith.constant 0 : index
    %swap3A_7 = arith.constant 0 : index
    %swap3A_8 = vector.load %arg3[%swap3A, %swap3A_7] : memref<2000x128xf32, #tpu.memory_space<vmem>>, vector<2000x128xf32>
    tpu.vector_store %arg3[%swap3A, %swap3A_7], %slice3A {strides = array<i32>} : memref<2000x128xf32, #tpu.memory_space<vmem>>, vector<2000x128xf32>,
    %slice3A_9 = vector.extract_strided_slice %dot_general3A_6 {offsets = [0, 128], sizes = [2000, 128], strides = [1, 1]} : vector<2000x512xf32> to vector<2000x128xf32>
    %swap3A_10 = arith.constant 0 : index
    %swap3A_11 = arith.constant 0 : index
    %swap3A_12 = vector.load %arg4[%swap3A_10, %swap3A_11] : memref<2000x128xf32, #tpu.memory_space<vmem>>, vector<2000x128xf32>
    tpu.vector_store %arg4[%swap3A_10, %swap3A_11], %slice3A_9 {strides = array<i32>} : memref<2000x128xf32, #tpu.memory_space<vmem>>, vector<2000x128xf32>,
    %slice3A_13 = vector.extract_strided_slice %dot_general3A_6 {offsets = [0, 256], sizes = [2000, 128], strides = [1, 1]} : vector<2000x512xf32> to vector<2000x128xf32>
    %swap3A_14 = arith.constant 0 : index
    %swap3A_15 = arith.constant 0 : index
    %swap3A_16 = vector.load %arg5[%swap3A_14, %swap3A_15] : memref<2000x128xf32, #tpu.memory_space<vmem>>, vector<2000x128xf32>
    tpu.vector_store %arg5[%swap3A_14, %swap3A_15], %slice3A_13 {strides = array<i32>} : memref<2000x128xf32, #tpu.memory_space<vmem>>, vector<2000x128xf32>,
    %slice3A_17 = vector.extract_strided_slice %dot_general3A_6 {offsets = [0, 384], sizes = [2000, 128], strides = [1, 1]} : vector<2000x512xf32> to vector<2000x128xf32>
    %swap3A_18 = arith.constant 0 : index
    %swap3A_19 = arith.constant 0 : index
    %swap3A_20 = vector.load %arg6[%swap3A_18, %swap3A_19] : memref<2000x128xf32, #tpu.memory_space<vmem>>, vector<2000x128xf32>
    tpu.vector_store %arg6[%swap3A_18, %swap3A_19], %slice3A_17 {strides = array<i32>} : memref<2000x128xf32, #tpu.memory_space<vmem>>, vector<2000x128xf32>,
    return
  }
  func.func @transform_0(%arg0: i32) -> (i32, i32) {
    %c0_i32 = arith.constant 0 : i32
    %c0_i32_0 = arith.constant 0 : i32
    return %arg0, %c0_i32 : i32, i32
  }
  func.func @transform_1(%arg0: i32) -> (i32, i32) {
    %c0_i32 = arith.constant 0 : i32
    %c0_i32_0 = arith.constant 0 : i32
    %c0_i32_1 = arith.constant 0 : i32
    return %c0_i32, %c0_i32_0 : i32, i32
  }
  func.func @transform_2(%arg0: i32) -> (i32, i32) {
    %c0_i32 = arith.constant 0 : i32
    %c0_i32_0 = arith.constant 0 : i32
    return %arg0, %c0_i32 : i32, i32
  }
  func.func @transform_3(%arg0: i32) -> (i32, i32) {
    %c0_i32 = arith.constant 0 : i32
    %c0_i32_0 = arith.constant 0 : i32
    return %arg0, %c0_i32 : i32, i32
  }
  func.func @transform_4(%arg0: i32) -> (i32, i32) {
    %c0_i32 = arith.constant 0 : i32
    %c0_i32_0 = arith.constant 0 : i32
    return %arg0, %c0_i32 : i32, i32
  }
  func.func @transform_5(%arg0: i32) -> (i32, i32) {
    %c0_i32 = arith.constant 0 : i32
    %c0_i32_0 = arith.constant 0 : i32
    return %arg0, %c0_i32 : i32, i32
  }
}

module attributes {stable_mosaic.version = 14 : i64} {
  func.func @body(%arg0: i32, %arg1: memref<1x10000x128xf32, #tpu.memory_space<vmem>>, %arg2: memref<1x128xf32, #tpu.memory_space<vmem>>, %arg3: memref<1x128xf32, #tpu.memory_space<vmem>>, %arg4: memref<10000x128xf32, #tpu.memory_space<vmem>>) attributes {dimension_semantics = [#tpu.dimension_semantics<arbitrary>], iteration_bounds = array<i64: 4>, scalar_prefetch = 0 : i64, scratch_operands = 0 : i64, tpu.core_type = #tpu.core_type<tc>, window_params = [{transform_indices = @transform_0, window_bounds = array<i64: 1, 10000, 128>}, {transform_indices = @transform_1, window_bounds = array<i64: 1, 128>}, {transform_indices = @transform_2, window_bounds = array<i64: 1, 128>}, {transform_indices = @transform_3, window_bounds = array<i64: 10000, 128>}]} {
    %get3A = arith.constant 0 : index
    %get3A_0 = arith.constant 0 : index
    %get3A_1 = arith.constant 0 : index
    %get3A_2 = vector.load %arg1[%get3A, %get3A_0, %get3A_1] : memref<1x10000x128xf32, #tpu.memory_space<vmem>>, vector<1x10000x128xf32>
    %get3A_3 = vector.shape_cast %get3A_2 : vector<1x10000x128xf32> to vector<10000x128xf32>
    %get3A_4 = arith.constant 0 : index
    %get3A_5 = arith.constant 0 : index
    %get3A_6 = vector.load %arg2[%get3A_4, %get3A_5] : memref<1x128xf32, #tpu.memory_space<vmem>>, vector<1x128xf32>
    %get3A_7 = arith.constant 0 : index
    %get3A_8 = arith.constant 0 : index
    %get3A_9 = vector.load %arg3[%get3A_7, %get3A_8] : memref<1x128xf32, #tpu.memory_space<vmem>>, vector<1x128xf32>
    %reduce_sum3A = arith.constant dense<0.000000e+00> : vector<128xf32>
    %reduce_sum3A_10 = vector.multi_reduction <add>, %get3A_3, %reduce_sum3A [0] : vector<10000x128xf32> to vector<128xf32>
    %broadcast_in_dim3A = vector.shape_cast %reduce_sum3A_10 : vector<128xf32> to vector<1x128xf32>
    %div3A = arith.constant 1.000000e+04 : f32
    %div3A_11 = vector.broadcast %div3A : f32 to vector<1x128xf32>
    %div3A_12 = arith.divf %broadcast_in_dim3A, %div3A_11 : vector<1x128xf32>
    %sub3A = vector.broadcast %div3A_12 : vector<1x128xf32> to vector<10000x128xf32>
    %sub3A_13 = arith.subf %get3A_3, %sub3A : vector<10000x128xf32>
    %integer_pow3A = arith.mulf %sub3A_13, %sub3A_13 : vector<10000x128xf32>
    %reduce_sum3A_14 = arith.constant dense<0.000000e+00> : vector<128xf32>
    %reduce_sum3A_15 = vector.multi_reduction <add>, %integer_pow3A, %reduce_sum3A_14 [0] : vector<10000x128xf32> to vector<128xf32>
    %broadcast_in_dim3A_16 = vector.shape_cast %reduce_sum3A_15 : vector<128xf32> to vector<1x128xf32>
    %div3A_17 = arith.constant 1.000000e+04 : f32
    %div3A_18 = vector.broadcast %div3A_17 : f32 to vector<1x128xf32>
    %div3A_19 = arith.divf %broadcast_in_dim3A_16, %div3A_18 : vector<1x128xf32>
    %sub3A_20 = vector.broadcast %div3A_12 : vector<1x128xf32> to vector<10000x128xf32>
    %sub3A_21 = arith.subf %get3A_3, %sub3A_20 : vector<10000x128xf32>
    %add3A = arith.constant 9.99999974E-6 : f32
    %add3A_22 = vector.broadcast %add3A : f32 to vector<1x128xf32>
    %add3A_23 = arith.addf %div3A_19, %add3A_22 : vector<1x128xf32>
    %rsqrt3A = math.rsqrt %add3A_23 : vector<1x128xf32>
    %mul3A = vector.broadcast %rsqrt3A : vector<1x128xf32> to vector<10000x128xf32>
    %mul3A_24 = arith.mulf %sub3A_21, %mul3A : vector<10000x128xf32>
    %mul3A_25 = vector.broadcast %get3A_6 : vector<1x128xf32> to vector<10000x128xf32>
    %mul3A_26 = arith.mulf %mul3A_24, %mul3A_25 : vector<10000x128xf32>
    %add3A_27 = vector.broadcast %get3A_9 : vector<1x128xf32> to vector<10000x128xf32>
    %add3A_28 = arith.addf %mul3A_26, %add3A_27 : vector<10000x128xf32>
    %max3A = arith.constant 0.000000e+00 : f32
    %max3A_29 = vector.broadcast %max3A : f32 to vector<10000x128xf32>
    %max3A_30 = arith.maximumf %add3A_28, %max3A_29 : vector<10000x128xf32>
    %swap3A = arith.constant 0 : index
    %swap3A_31 = arith.constant 0 : index
    %swap3A_32 = vector.load %arg4[%swap3A, %swap3A_31] : memref<10000x128xf32, #tpu.memory_space<vmem>>, vector<10000x128xf32>
    tpu.vector_store %arg4[%swap3A, %swap3A_31], %max3A_30 {strides = array<i32>} : memref<10000x128xf32, #tpu.memory_space<vmem>>, vector<10000x128xf32>,
    return
  }
  func.func @transform_0(%arg0: i32) -> (i32, i32, i32) {
    %c0_i32 = arith.constant 0 : i32
    %c0_i32_0 = arith.constant 0 : i32
    %c0_i32_1 = arith.constant 0 : i32
    return %arg0, %c0_i32, %c0_i32_0 : i32, i32, i32
  }
  func.func @transform_1(%arg0: i32) -> (i32, i32) {
    %c0_i32 = arith.constant 0 : i32
    %c0_i32_0 = arith.constant 0 : i32
    return %c0_i32, %arg0 : i32, i32
  }
  func.func @transform_2(%arg0: i32) -> (i32, i32) {
    %c0_i32 = arith.constant 0 : i32
    %c0_i32_0 = arith.constant 0 : i32
    return %c0_i32, %arg0 : i32, i32
  }
  func.func @transform_3(%arg0: i32) -> (i32, i32) {
    %c0_i32 = arith.constant 0 : i32
    %c0_i32_0 = arith.constant 0 : i32
    return %c0_i32, %arg0 : i32, i32
  }
}

module attributes {stable_mosaic.version = 14 : i64} {
  func.func @body(%arg0: i32, %arg1: memref<2000x512xf32, #tpu.memory_space<vmem>>, %arg2: memref<512x256xf32, #tpu.memory_space<vmem>>, %arg3: memref<2000x256xf32, #tpu.memory_space<vmem>>) attributes {dimension_semantics = [#tpu.dimension_semantics<arbitrary>], iteration_bounds = array<i64: 5>, scalar_prefetch = 0 : i64, scratch_operands = 0 : i64, tpu.core_type = #tpu.core_type<tc>, window_params = [{transform_indices = @transform_0, window_bounds = array<i64: 2000, 512>}, {pipeline_mode = #tpu.pipeline_mode<synchronous>, transform_indices = @transform_1, window_bounds = array<i64: 512, 256>}, {transform_indices = @transform_2, window_bounds = array<i64: 2000, 256>}]} {
    %get3A = arith.constant 0 : index
    %get3A_0 = arith.constant 0 : index
    %get3A_1 = vector.load %arg1[%get3A, %get3A_0] : memref<2000x512xf32, #tpu.memory_space<vmem>>, vector<2000x512xf32>
    %get3A_2 = arith.constant 0 : index
    %get3A_3 = arith.constant 0 : index
    %get3A_4 = vector.load %arg2[%get3A_2, %get3A_3] : memref<512x256xf32, #tpu.memory_space<vmem>>, vector<512x256xf32>
    %convert_element_type3A = arith.truncf %get3A_1 : vector<2000x512xf32> to vector<2000x512xbf16>
    %convert_element_type3A_5 = arith.truncf %get3A_4 : vector<512x256xf32> to vector<512x256xbf16>
    %dot_general3A = arith.constant dense<0.000000e+00> : vector<2000x256xf32>
    %dot_general3A_6 = tpu.matmul %convert_element_type3A, %convert_element_type3A_5, %dot_general3A {dimension_numbers = #tpu.dot_dimension_numbers<[1], [0], [0], [1], [0, 0, 1, 1], [], []>, transpose_lhs_hint = false} : vector<2000x512xbf16>, vector<512x256xbf16>, vector<2000x256xf32> -> vector<2000x256xf32>
    %swap3A = arith.constant 0 : index
    %swap3A_7 = arith.constant 0 : index
    %swap3A_8 = vector.load %arg3[%swap3A, %swap3A_7] : memref<2000x256xf32, #tpu.memory_space<vmem>>, vector<2000x256xf32>
    tpu.vector_store %arg3[%swap3A, %swap3A_7], %dot_general3A_6 {strides = array<i32>} : memref<2000x256xf32, #tpu.memory_space<vmem>>, vector<2000x256xf32>,
    return
  }
  func.func @transform_0(%arg0: i32) -> (i32, i32) {
    %c0_i32 = arith.constant 0 : i32
    %c0_i32_0 = arith.constant 0 : i32
    return %arg0, %c0_i32 : i32, i32
  }
  func.func @transform_1(%arg0: i32) -> (i32, i32) {
    %c0_i32 = arith.constant 0 : i32
    %c0_i32_0 = arith.constant 0 : i32
    %c0_i32_1 = arith.constant 0 : i32
    return %c0_i32, %c0_i32_0 : i32, i32
  }
  func.func @transform_2(%arg0: i32) -> (i32, i32) {
    %c0_i32 = arith.constant 0 : i32
    %c0_i32_0 = arith.constant 0 : i32
    return %arg0, %c0_i32 : i32, i32
  }
}

module attributes {stable_mosaic.version = 14 : i64} {
  func.func @body(%arg0: i32, %arg1: memref<10000x128xf32, #tpu.memory_space<vmem>>, %arg2: memref<1x128xf32, #tpu.memory_space<vmem>>, %arg3: memref<1x128xf32, #tpu.memory_space<vmem>>, %arg4: memref<10000x128xf32, #tpu.memory_space<vmem>>) attributes {dimension_semantics = [#tpu.dimension_semantics<arbitrary>], iteration_bounds = array<i64: 2>, scalar_prefetch = 0 : i64, scratch_operands = 0 : i64, tpu.core_type = #tpu.core_type<tc>, window_params = [{transform_indices = @transform_0, window_bounds = array<i64: 10000, 128>}, {transform_indices = @transform_1, window_bounds = array<i64: 1, 128>}, {transform_indices = @transform_2, window_bounds = array<i64: 1, 128>}, {transform_indices = @transform_3, window_bounds = array<i64: 10000, 128>}]} {
    %get3A = arith.constant 0 : index
    %get3A_0 = arith.constant 0 : index
    %get3A_1 = vector.load %arg1[%get3A, %get3A_0] : memref<10000x128xf32, #tpu.memory_space<vmem>>, vector<10000x128xf32>
    %get3A_2 = arith.constant 0 : index
    %get3A_3 = arith.constant 0 : index
    %get3A_4 = vector.load %arg2[%get3A_2, %get3A_3] : memref<1x128xf32, #tpu.memory_space<vmem>>, vector<1x128xf32>
    %get3A_5 = arith.constant 0 : index
    %get3A_6 = arith.constant 0 : index
    %get3A_7 = vector.load %arg3[%get3A_5, %get3A_6] : memref<1x128xf32, #tpu.memory_space<vmem>>, vector<1x128xf32>
    %reduce_sum3A = arith.constant dense<0.000000e+00> : vector<128xf32>
    %reduce_sum3A_8 = vector.multi_reduction <add>, %get3A_1, %reduce_sum3A [0] : vector<10000x128xf32> to vector<128xf32>
    %broadcast_in_dim3A = vector.shape_cast %reduce_sum3A_8 : vector<128xf32> to vector<1x128xf32>
    %div3A = arith.constant 1.000000e+04 : f32
    %div3A_9 = vector.broadcast %div3A : f32 to vector<1x128xf32>
    %div3A_10 = arith.divf %broadcast_in_dim3A, %div3A_9 : vector<1x128xf32>
    %sub3A = vector.broadcast %div3A_10 : vector<1x128xf32> to vector<10000x128xf32>
    %sub3A_11 = arith.subf %get3A_1, %sub3A : vector<10000x128xf32>
    %integer_pow3A = arith.mulf %sub3A_11, %sub3A_11 : vector<10000x128xf32>
    %reduce_sum3A_12 = arith.constant dense<0.000000e+00> : vector<128xf32>
    %reduce_sum3A_13 = vector.multi_reduction <add>, %integer_pow3A, %reduce_sum3A_12 [0] : vector<10000x128xf32> to vector<128xf32>
    %broadcast_in_dim3A_14 = vector.shape_cast %reduce_sum3A_13 : vector<128xf32> to vector<1x128xf32>
    %div3A_15 = arith.constant 1.000000e+04 : f32
    %div3A_16 = vector.broadcast %div3A_15 : f32 to vector<1x128xf32>
    %div3A_17 = arith.divf %broadcast_in_dim3A_14, %div3A_16 : vector<1x128xf32>
    %sub3A_18 = vector.broadcast %div3A_10 : vector<1x128xf32> to vector<10000x128xf32>
    %sub3A_19 = arith.subf %get3A_1, %sub3A_18 : vector<10000x128xf32>
    %add3A = arith.constant 9.99999974E-6 : f32
    %add3A_20 = vector.broadcast %add3A : f32 to vector<1x128xf32>
    %add3A_21 = arith.addf %div3A_17, %add3A_20 : vector<1x128xf32>
    %rsqrt3A = math.rsqrt %add3A_21 : vector<1x128xf32>
    %mul3A = vector.broadcast %rsqrt3A : vector<1x128xf32> to vector<10000x128xf32>
    %mul3A_22 = arith.mulf %sub3A_19, %mul3A : vector<10000x128xf32>
    %mul3A_23 = vector.broadcast %get3A_4 : vector<1x128xf32> to vector<10000x128xf32>
    %mul3A_24 = arith.mulf %mul3A_22, %mul3A_23 : vector<10000x128xf32>
    %add3A_25 = vector.broadcast %get3A_7 : vector<1x128xf32> to vector<10000x128xf32>
    %add3A_26 = arith.addf %mul3A_24, %add3A_25 : vector<10000x128xf32>
    %max3A = arith.constant 0.000000e+00 : f32
    %max3A_27 = vector.broadcast %max3A : f32 to vector<10000x128xf32>
    %max3A_28 = arith.maximumf %add3A_26, %max3A_27 : vector<10000x128xf32>
    %swap3A = arith.constant 0 : index
    %swap3A_29 = arith.constant 0 : index
    %swap3A_30 = vector.load %arg4[%swap3A, %swap3A_29] : memref<10000x128xf32, #tpu.memory_space<vmem>>, vector<10000x128xf32>
    tpu.vector_store %arg4[%swap3A, %swap3A_29], %max3A_28 {strides = array<i32>} : memref<10000x128xf32, #tpu.memory_space<vmem>>, vector<10000x128xf32>,
    return
  }
  func.func @transform_0(%arg0: i32) -> (i32, i32) {
    %c0_i32 = arith.constant 0 : i32
    %c0_i32_0 = arith.constant 0 : i32
    return %c0_i32, %arg0 : i32, i32
  }
  func.func @transform_1(%arg0: i32) -> (i32, i32) {
    %c0_i32 = arith.constant 0 : i32
    %c0_i32_0 = arith.constant 0 : i32
    return %c0_i32, %arg0 : i32, i32
  }
  func.func @transform_2(%arg0: i32) -> (i32, i32) {
    %c0_i32 = arith.constant 0 : i32
    %c0_i32_0 = arith.constant 0 : i32
    return %c0_i32, %arg0 : i32, i32
  }
  func.func @transform_3(%arg0: i32) -> (i32, i32) {
    %c0_i32 = arith.constant 0 : i32
    %c0_i32_0 = arith.constant 0 : i32
    return %c0_i32, %arg0 : i32, i32
  }
}

module attributes {stable_mosaic.version = 14 : i64} {
  func.func @body(%arg0: i32, %arg1: memref<2000x256xf32, #tpu.memory_space<vmem>>, %arg2: memref<256x128xf32, #tpu.memory_space<vmem>>, %arg3: memref<2000x128xf32, #tpu.memory_space<vmem>>) attributes {dimension_semantics = [#tpu.dimension_semantics<arbitrary>], iteration_bounds = array<i64: 5>, scalar_prefetch = 0 : i64, scratch_operands = 0 : i64, tpu.core_type = #tpu.core_type<tc>, window_params = [{transform_indices = @transform_0, window_bounds = array<i64: 2000, 256>}, {pipeline_mode = #tpu.pipeline_mode<synchronous>, transform_indices = @transform_1, window_bounds = array<i64: 256, 128>}, {transform_indices = @transform_2, window_bounds = array<i64: 2000, 128>}]} {
    %get3A = arith.constant 0 : index
    %get3A_0 = arith.constant 0 : index
    %get3A_1 = vector.load %arg1[%get3A, %get3A_0] : memref<2000x256xf32, #tpu.memory_space<vmem>>, vector<2000x256xf32>
    %get3A_2 = arith.constant 0 : index
    %get3A_3 = arith.constant 0 : index
    %get3A_4 = vector.load %arg2[%get3A_2, %get3A_3] : memref<256x128xf32, #tpu.memory_space<vmem>>, vector<256x128xf32>
    %convert_element_type3A = arith.truncf %get3A_1 : vector<2000x256xf32> to vector<2000x256xbf16>
    %convert_element_type3A_5 = arith.truncf %get3A_4 : vector<256x128xf32> to vector<256x128xbf16>
    %dot_general3A = arith.constant dense<0.000000e+00> : vector<2000x128xf32>
    %dot_general3A_6 = tpu.matmul %convert_element_type3A, %convert_element_type3A_5, %dot_general3A {dimension_numbers = #tpu.dot_dimension_numbers<[1], [0], [0], [1], [0, 0, 1, 1], [], []>, transpose_lhs_hint = false} : vector<2000x256xbf16>, vector<256x128xbf16>, vector<2000x128xf32> -> vector<2000x128xf32>
    %swap3A = arith.constant 0 : index
    %swap3A_7 = arith.constant 0 : index
    %swap3A_8 = vector.load %arg3[%swap3A, %swap3A_7] : memref<2000x128xf32, #tpu.memory_space<vmem>>, vector<2000x128xf32>
    tpu.vector_store %arg3[%swap3A, %swap3A_7], %dot_general3A_6 {strides = array<i32>} : memref<2000x128xf32, #tpu.memory_space<vmem>>, vector<2000x128xf32>,
    return
  }
  func.func @transform_0(%arg0: i32) -> (i32, i32) {
    %c0_i32 = arith.constant 0 : i32
    %c0_i32_0 = arith.constant 0 : i32
    return %arg0, %c0_i32 : i32, i32
  }
  func.func @transform_1(%arg0: i32) -> (i32, i32) {
    %c0_i32 = arith.constant 0 : i32
    %c0_i32_0 = arith.constant 0 : i32
    %c0_i32_1 = arith.constant 0 : i32
    return %c0_i32, %c0_i32_0 : i32, i32
  }
  func.func @transform_2(%arg0: i32) -> (i32, i32) {
    %c0_i32 = arith.constant 0 : i32
    %c0_i32_0 = arith.constant 0 : i32
    return %arg0, %c0_i32 : i32, i32
  }
}

module attributes {stable_mosaic.version = 14 : i64} {
  func.func @body(%arg0: i32, %arg1: memref<10000x128xf32, #tpu.memory_space<vmem>>, %arg2: memref<1x128xf32, #tpu.memory_space<vmem>>, %arg3: memref<1x128xf32, #tpu.memory_space<vmem>>, %arg4: memref<10000x128xf32, #tpu.memory_space<vmem>>) attributes {dimension_semantics = [#tpu.dimension_semantics<arbitrary>], iteration_bounds = array<i64: 1>, scalar_prefetch = 0 : i64, scratch_operands = 0 : i64, tpu.core_type = #tpu.core_type<tc>, window_params = [{transform_indices = @transform_0, window_bounds = array<i64: 10000, 128>}, {transform_indices = @transform_1, window_bounds = array<i64: 1, 128>}, {transform_indices = @transform_2, window_bounds = array<i64: 1, 128>}, {transform_indices = @transform_3, window_bounds = array<i64: 10000, 128>}]} {
    %get3A = arith.constant 0 : index
    %get3A_0 = arith.constant 0 : index
    %get3A_1 = vector.load %arg1[%get3A, %get3A_0] : memref<10000x128xf32, #tpu.memory_space<vmem>>, vector<10000x128xf32>
    %get3A_2 = arith.constant 0 : index
    %get3A_3 = arith.constant 0 : index
    %get3A_4 = vector.load %arg2[%get3A_2, %get3A_3] : memref<1x128xf32, #tpu.memory_space<vmem>>, vector<1x128xf32>
    %get3A_5 = arith.constant 0 : index
    %get3A_6 = arith.constant 0 : index
    %get3A_7 = vector.load %arg3[%get3A_5, %get3A_6] : memref<1x128xf32, #tpu.memory_space<vmem>>, vector<1x128xf32>
    %reduce_sum3A = arith.constant dense<0.000000e+00> : vector<128xf32>
    %reduce_sum3A_8 = vector.multi_reduction <add>, %get3A_1, %reduce_sum3A [0] : vector<10000x128xf32> to vector<128xf32>
    %broadcast_in_dim3A = vector.shape_cast %reduce_sum3A_8 : vector<128xf32> to vector<1x128xf32>
    %div3A = arith.constant 1.000000e+04 : f32
    %div3A_9 = vector.broadcast %div3A : f32 to vector<1x128xf32>
    %div3A_10 = arith.divf %broadcast_in_dim3A, %div3A_9 : vector<1x128xf32>
    %sub3A = vector.broadcast %div3A_10 : vector<1x128xf32> to vector<10000x128xf32>
    %sub3A_11 = arith.subf %get3A_1, %sub3A : vector<10000x128xf32>
    %integer_pow3A = arith.mulf %sub3A_11, %sub3A_11 : vector<10000x128xf32>
    %reduce_sum3A_12 = arith.constant dense<0.000000e+00> : vector<128xf32>
    %reduce_sum3A_13 = vector.multi_reduction <add>, %integer_pow3A, %reduce_sum3A_12 [0] : vector<10000x128xf32> to vector<128xf32>
    %broadcast_in_dim3A_14 = vector.shape_cast %reduce_sum3A_13 : vector<128xf32> to vector<1x128xf32>
    %div3A_15 = arith.constant 1.000000e+04 : f32
    %div3A_16 = vector.broadcast %div3A_15 : f32 to vector<1x128xf32>
    %div3A_17 = arith.divf %broadcast_in_dim3A_14, %div3A_16 : vector<1x128xf32>
    %sub3A_18 = vector.broadcast %div3A_10 : vector<1x128xf32> to vector<10000x128xf32>
    %sub3A_19 = arith.subf %get3A_1, %sub3A_18 : vector<10000x128xf32>
    %add3A = arith.constant 9.99999974E-6 : f32
    %add3A_20 = vector.broadcast %add3A : f32 to vector<1x128xf32>
    %add3A_21 = arith.addf %div3A_17, %add3A_20 : vector<1x128xf32>
    %rsqrt3A = math.rsqrt %add3A_21 : vector<1x128xf32>
    %mul3A = vector.broadcast %rsqrt3A : vector<1x128xf32> to vector<10000x128xf32>
    %mul3A_22 = arith.mulf %sub3A_19, %mul3A : vector<10000x128xf32>
    %mul3A_23 = vector.broadcast %get3A_4 : vector<1x128xf32> to vector<10000x128xf32>
    %mul3A_24 = arith.mulf %mul3A_22, %mul3A_23 : vector<10000x128xf32>
    %add3A_25 = vector.broadcast %get3A_7 : vector<1x128xf32> to vector<10000x128xf32>
    %add3A_26 = arith.addf %mul3A_24, %add3A_25 : vector<10000x128xf32>
    %max3A = arith.constant 0.000000e+00 : f32
    %max3A_27 = vector.broadcast %max3A : f32 to vector<10000x128xf32>
    %max3A_28 = arith.maximumf %add3A_26, %max3A_27 : vector<10000x128xf32>
    %swap3A = arith.constant 0 : index
    %swap3A_29 = arith.constant 0 : index
    %swap3A_30 = vector.load %arg4[%swap3A, %swap3A_29] : memref<10000x128xf32, #tpu.memory_space<vmem>>, vector<10000x128xf32>
    tpu.vector_store %arg4[%swap3A, %swap3A_29], %max3A_28 {strides = array<i32>} : memref<10000x128xf32, #tpu.memory_space<vmem>>, vector<10000x128xf32>,
    return
  }
  func.func @transform_0(%arg0: i32) -> (i32, i32) {
    %c0_i32 = arith.constant 0 : i32
    %c0_i32_0 = arith.constant 0 : i32
    return %c0_i32, %arg0 : i32, i32
  }
  func.func @transform_1(%arg0: i32) -> (i32, i32) {
    %c0_i32 = arith.constant 0 : i32
    %c0_i32_0 = arith.constant 0 : i32
    return %c0_i32, %arg0 : i32, i32
  }
  func.func @transform_2(%arg0: i32) -> (i32, i32) {
    %c0_i32 = arith.constant 0 : i32
    %c0_i32_0 = arith.constant 0 : i32
    return %c0_i32, %arg0 : i32, i32
  }
  func.func @transform_3(%arg0: i32) -> (i32, i32) {
    %c0_i32 = arith.constant 0 : i32
    %c0_i32_0 = arith.constant 0 : i32
    return %c0_i32, %arg0 : i32, i32
  }
}

module attributes {stable_mosaic.version = 14 : i64} {
  func.func @body(%arg0: i32, %arg1: memref<2000x128xf32, #tpu.memory_space<vmem>>, %arg2: memref<128x64xf32, #tpu.memory_space<vmem>>, %arg3: memref<2000x64xf32, #tpu.memory_space<vmem>>) attributes {dimension_semantics = [#tpu.dimension_semantics<arbitrary>], iteration_bounds = array<i64: 5>, scalar_prefetch = 0 : i64, scratch_operands = 0 : i64, tpu.core_type = #tpu.core_type<tc>, window_params = [{transform_indices = @transform_0, window_bounds = array<i64: 2000, 128>}, {pipeline_mode = #tpu.pipeline_mode<synchronous>, transform_indices = @transform_1, window_bounds = array<i64: 128, 64>}, {transform_indices = @transform_2, window_bounds = array<i64: 2000, 64>}]} {
    %get3A = arith.constant 0 : index
    %get3A_0 = arith.constant 0 : index
    %get3A_1 = vector.load %arg1[%get3A, %get3A_0] : memref<2000x128xf32, #tpu.memory_space<vmem>>, vector<2000x128xf32>
    %get3A_2 = arith.constant 0 : index
    %get3A_3 = arith.constant 0 : index
    %get3A_4 = vector.load %arg2[%get3A_2, %get3A_3] : memref<128x64xf32, #tpu.memory_space<vmem>>, vector<128x64xf32>
    %convert_element_type3A = arith.truncf %get3A_1 : vector<2000x128xf32> to vector<2000x128xbf16>
    %convert_element_type3A_5 = arith.truncf %get3A_4 : vector<128x64xf32> to vector<128x64xbf16>
    %dot_general3A = arith.constant dense<0.000000e+00> : vector<2000x64xf32>
    %dot_general3A_6 = tpu.matmul %convert_element_type3A, %convert_element_type3A_5, %dot_general3A {dimension_numbers = #tpu.dot_dimension_numbers<[1], [0], [0], [1], [0, 0, 1, 1], [], []>, transpose_lhs_hint = false} : vector<2000x128xbf16>, vector<128x64xbf16>, vector<2000x64xf32> -> vector<2000x64xf32>
    %swap3A = arith.constant 0 : index
    %swap3A_7 = arith.constant 0 : index
    %swap3A_8 = vector.load %arg3[%swap3A, %swap3A_7] : memref<2000x64xf32, #tpu.memory_space<vmem>>, vector<2000x64xf32>
    tpu.vector_store %arg3[%swap3A, %swap3A_7], %dot_general3A_6 {strides = array<i32>} : memref<2000x64xf32, #tpu.memory_space<vmem>>, vector<2000x64xf32>,
    return
  }
  func.func @transform_0(%arg0: i32) -> (i32, i32) {
    %c0_i32 = arith.constant 0 : i32
    %c0_i32_0 = arith.constant 0 : i32
    return %arg0, %c0_i32 : i32, i32
  }
  func.func @transform_1(%arg0: i32) -> (i32, i32) {
    %c0_i32 = arith.constant 0 : i32
    %c0_i32_0 = arith.constant 0 : i32
    %c0_i32_1 = arith.constant 0 : i32
    return %c0_i32, %c0_i32_0 : i32, i32
  }
  func.func @transform_2(%arg0: i32) -> (i32, i32) {
    %c0_i32 = arith.constant 0 : i32
    %c0_i32_0 = arith.constant 0 : i32
    return %arg0, %c0_i32 : i32, i32
  }
}

module attributes {stable_mosaic.version = 14 : i64} {
  func.func @body(%arg0: i32, %arg1: memref<10000x64xf32, #tpu.memory_space<vmem>>, %arg2: memref<1x64xf32, #tpu.memory_space<vmem>>, %arg3: memref<1x64xf32, #tpu.memory_space<vmem>>, %arg4: memref<10000x64xf32, #tpu.memory_space<vmem>>) attributes {dimension_semantics = [#tpu.dimension_semantics<arbitrary>], iteration_bounds = array<i64: 1>, scalar_prefetch = 0 : i64, scratch_operands = 0 : i64, tpu.core_type = #tpu.core_type<tc>, window_params = [{transform_indices = @transform_0, window_bounds = array<i64: 10000, 64>}, {transform_indices = @transform_1, window_bounds = array<i64: 1, 64>}, {transform_indices = @transform_2, window_bounds = array<i64: 1, 64>}, {transform_indices = @transform_3, window_bounds = array<i64: 10000, 64>}]} {
    %get3A = arith.constant 0 : index
    %get3A_0 = arith.constant 0 : index
    %get3A_1 = vector.load %arg1[%get3A, %get3A_0] : memref<10000x64xf32, #tpu.memory_space<vmem>>, vector<10000x64xf32>
    %get3A_2 = arith.constant 0 : index
    %get3A_3 = arith.constant 0 : index
    %get3A_4 = vector.load %arg2[%get3A_2, %get3A_3] : memref<1x64xf32, #tpu.memory_space<vmem>>, vector<1x64xf32>
    %get3A_5 = arith.constant 0 : index
    %get3A_6 = arith.constant 0 : index
    %get3A_7 = vector.load %arg3[%get3A_5, %get3A_6] : memref<1x64xf32, #tpu.memory_space<vmem>>, vector<1x64xf32>
    %reduce_sum3A = arith.constant dense<0.000000e+00> : vector<64xf32>
    %reduce_sum3A_8 = vector.multi_reduction <add>, %get3A_1, %reduce_sum3A [0] : vector<10000x64xf32> to vector<64xf32>
    %broadcast_in_dim3A = vector.shape_cast %reduce_sum3A_8 : vector<64xf32> to vector<1x64xf32>
    %div3A = arith.constant 1.000000e+04 : f32
    %div3A_9 = vector.broadcast %div3A : f32 to vector<1x64xf32>
    %div3A_10 = arith.divf %broadcast_in_dim3A, %div3A_9 : vector<1x64xf32>
    %sub3A = vector.broadcast %div3A_10 : vector<1x64xf32> to vector<10000x64xf32>
    %sub3A_11 = arith.subf %get3A_1, %sub3A : vector<10000x64xf32>
    %integer_pow3A = arith.mulf %sub3A_11, %sub3A_11 : vector<10000x64xf32>
    %reduce_sum3A_12 = arith.constant dense<0.000000e+00> : vector<64xf32>
    %reduce_sum3A_13 = vector.multi_reduction <add>, %integer_pow3A, %reduce_sum3A_12 [0] : vector<10000x64xf32> to vector<64xf32>
    %broadcast_in_dim3A_14 = vector.shape_cast %reduce_sum3A_13 : vector<64xf32> to vector<1x64xf32>
    %div3A_15 = arith.constant 1.000000e+04 : f32
    %div3A_16 = vector.broadcast %div3A_15 : f32 to vector<1x64xf32>
    %div3A_17 = arith.divf %broadcast_in_dim3A_14, %div3A_16 : vector<1x64xf32>
    %sub3A_18 = vector.broadcast %div3A_10 : vector<1x64xf32> to vector<10000x64xf32>
    %sub3A_19 = arith.subf %get3A_1, %sub3A_18 : vector<10000x64xf32>
    %add3A = arith.constant 9.99999974E-6 : f32
    %add3A_20 = vector.broadcast %add3A : f32 to vector<1x64xf32>
    %add3A_21 = arith.addf %div3A_17, %add3A_20 : vector<1x64xf32>
    %rsqrt3A = math.rsqrt %add3A_21 : vector<1x64xf32>
    %mul3A = vector.broadcast %rsqrt3A : vector<1x64xf32> to vector<10000x64xf32>
    %mul3A_22 = arith.mulf %sub3A_19, %mul3A : vector<10000x64xf32>
    %mul3A_23 = vector.broadcast %get3A_4 : vector<1x64xf32> to vector<10000x64xf32>
    %mul3A_24 = arith.mulf %mul3A_22, %mul3A_23 : vector<10000x64xf32>
    %add3A_25 = vector.broadcast %get3A_7 : vector<1x64xf32> to vector<10000x64xf32>
    %add3A_26 = arith.addf %mul3A_24, %add3A_25 : vector<10000x64xf32>
    %max3A = arith.constant 0.000000e+00 : f32
    %max3A_27 = vector.broadcast %max3A : f32 to vector<10000x64xf32>
    %max3A_28 = arith.maximumf %add3A_26, %max3A_27 : vector<10000x64xf32>
    %swap3A = arith.constant 0 : index
    %swap3A_29 = arith.constant 0 : index
    %swap3A_30 = vector.load %arg4[%swap3A, %swap3A_29] : memref<10000x64xf32, #tpu.memory_space<vmem>>, vector<10000x64xf32>
    tpu.vector_store %arg4[%swap3A, %swap3A_29], %max3A_28 {strides = array<i32>} : memref<10000x64xf32, #tpu.memory_space<vmem>>, vector<10000x64xf32>,
    return
  }
  func.func @transform_0(%arg0: i32) -> (i32, i32) {
    %c0_i32 = arith.constant 0 : i32
    %c0_i32_0 = arith.constant 0 : i32
    return %c0_i32, %arg0 : i32, i32
  }
  func.func @transform_1(%arg0: i32) -> (i32, i32) {
    %c0_i32 = arith.constant 0 : i32
    %c0_i32_0 = arith.constant 0 : i32
    return %c0_i32, %arg0 : i32, i32
  }
  func.func @transform_2(%arg0: i32) -> (i32, i32) {
    %c0_i32 = arith.constant 0 : i32
    %c0_i32_0 = arith.constant 0 : i32
    return %c0_i32, %arg0 : i32, i32
  }
  func.func @transform_3(%arg0: i32) -> (i32, i32) {
    %c0_i32 = arith.constant 0 : i32
    %c0_i32_0 = arith.constant 0 : i32
    return %c0_i32, %arg0 : i32, i32
  }
}

module attributes {stable_mosaic.version = 14 : i64} {
  func.func @out_body(%arg0: memref<10000x64xf32, #tpu.memory_space<vmem>>, %arg1: memref<64x5xf32, #tpu.memory_space<vmem>>, %arg2: memref<1x5xf32, #tpu.memory_space<vmem>>, %arg3: memref<10000x5xf32, #tpu.memory_space<vmem>>) attributes {dimension_semantics = [], scalar_prefetch = 0 : i64, scratch_operands = 0 : i64, tpu.core_type = #tpu.core_type<tc>} {
    %get3A = arith.constant 0 : index
    %get3A_0 = arith.constant 0 : index
    %get3A_1 = vector.load %arg0[%get3A, %get3A_0] : memref<10000x64xf32, #tpu.memory_space<vmem>>, vector<10000x64xf32>
    %get3A_2 = arith.constant 0 : index
    %get3A_3 = arith.constant 0 : index
    %get3A_4 = vector.load %arg1[%get3A_2, %get3A_3] : memref<64x5xf32, #tpu.memory_space<vmem>>, vector<64x5xf32>
    %convert_element_type3A = arith.truncf %get3A_1 : vector<10000x64xf32> to vector<10000x64xbf16>
    %convert_element_type3A_5 = arith.truncf %get3A_4 : vector<64x5xf32> to vector<64x5xbf16>
    %dot_general3A = arith.constant dense<0.000000e+00> : vector<10000x5xf32>
    %dot_general3A_6 = tpu.matmul %convert_element_type3A, %convert_element_type3A_5, %dot_general3A {dimension_numbers = #tpu.dot_dimension_numbers<[1], [0], [0], [1], [0, 0, 1, 1], [], []>, transpose_lhs_hint = false} : vector<10000x64xbf16>, vector<64x5xbf16>, vector<10000x5xf32> -> vector<10000x5xf32>
    %get3A_7 = arith.constant 0 : index
    %get3A_8 = arith.constant 0 : index
    %get3A_9 = vector.load %arg2[%get3A_7, %get3A_8] : memref<1x5xf32, #tpu.memory_space<vmem>>, vector<1x5xf32>
    %add3A = vector.broadcast %get3A_9 : vector<1x5xf32> to vector<10000x5xf32>
    %add3A_10 = arith.addf %dot_general3A_6, %add3A : vector<10000x5xf32>
    %swap3A = arith.constant 0 : index
    %swap3A_11 = arith.constant 0 : index
    %swap3A_12 = vector.load %arg3[%swap3A, %swap3A_11] : memref<10000x5xf32, #tpu.memory_space<vmem>>, vector<10000x5xf32>
    tpu.vector_store %arg3[%swap3A, %swap3A_11], %add3A_10 {strides = array<i32>} : memref<10000x5xf32, #tpu.memory_space<vmem>>, vector<10000x5xf32>,
    return
  }
}

</mosaic_0001>

<sc_bundles>
// kernel: kernel.28.cloned.1.call-start
scs
__scs_entry_jumppad:
0x0: {  	(pc) =	sbr.rel $0x88, $3  }
0x1: {  	(tag) =	ssettag $0x0;
	lr =	simm.s32 $0x1  }
0x2: {  	[smem:$0x3F82] =	sst lr;
	_ =	strace $0xD0000000  }
0x3: {  	_ = 	snop  }
0x4: {  	_ = 	snop  }
0x5: {  	_ = 	snop  }
0x6: {  	_ = 	snop  }
0x7: {  	_ = 	snop  }
__scs_overlays_trampoline_lowered:
0x8: {  	[smem:$0x3F91] =	sst s0  }
0x9: {  	[smem:$0x3F92] =	sst s1  }
0xa: {  	[smem:$0x3F93] =	sst s2  }
0xb: {  	[smem:$0x3F94] =	sst s3  }
0xc: {  	[smem:$0x3F95] =	sst s4  }
0xd: {  	[smem:$0x3F96] =	sst s5  }
0xe: {  	[smem:$0x3F97] =	sst s6  }
0xf: {  	[smem:$0x3F98] =	sst s7  }
0x10: {  	[smem:$0x3F99] =	sst s8  }
0x11: {  	[smem:$0x3F9A] =	sst s9;
	s0 =	simm.s32 @!p0 $0x0  }
0x12: {  	s1 =	sld [smem:$0x3F80];
	s0 =	simm.s32 @p0 $0x1  }
0x13: {  	[smem:$0x3F9B] =	sst s0;
	s0 =	simm.s32 @!p1 $0x0  }
0x14: {  	s2 =	sld [smem:$0x3F7F];
	s0 =	simm.s32 @p1 $0x1  }
0x15: {  	[smem:$0x3F9C] =	sst s0;
	s0 =	simm.s32 @!p2 $0x0  }
0x16: {  	s3 =	sld [smem:$0x3FDB];
	s0 =	simm.s32 @p2 $0x1  }
0x17: {  	s4 =	simm.s32 $0x1BF5;
	[smem:$0x3F9E] =	sst s0  }
0x18: {  	s0 =	sld [smem:$0x3F81];
	_ =	swait.ge [sflag:s4], $0x0  }
0x19: {  	s7 =	sld [smem:$0x3F82]  }
0x1a: {  	s8 =	sadd.s32 $0xFFFFE003, lr  }
0x1b: {  	s9 =	sadd.s32 $0xFFFFFEF7, lr;
	s5 =	simm.s32 $0xFFFFFFFF;
	p2 =	slt.u32 s8, $0xFFFFF086  }
0x1c: {  	p1 =	slt.u32 s9, $0xF7A;
	s5 =	simm.s32 @!p2 $0x0  }
0x1d: {  	s5 =	simm.s32 @p1 $0x1;
	p0 =	seq.s32 s7, s2  }
0x1e: {  	s7 =	smul.u32 @!p0 $0xF7A, s2;
	p2 =	seq.s32 @!p0 s5, $0x0  }
0x1f: {  	s9 =	smul.u32 $0xF7A, s1;
	s8 =	simm.s32 @!p0 $0x1BF5;
	p2 =	por !p2, p0  }
0x20: {  	[sflag:s8] =	ssyncset.s32 @!p0 $0xFFFFF086;
	s6 =	sadd.s32 @!p0 s3, s7;
	s7 =	simm.s32 @!p0 $0x108  }
0x21: {  	s3 =	sadd.s32 s3, s9;
	s6 =	sadd.s32 @!p0 $0x88, s6;
	s7 =	simm.s32 @p2 $0x1082  }
0x22: {  	[simem:s7], [sflag:s8] =	dma.local @!p0 [hbm:s6], $0xF7A  }
0x23: {  	s9 =	sor.u32 $0xD0000000, s2;
	s6 =	simm.s32 $0x108;
	_ =	swait.ge @!p0 [sflag:s8], $0x0  }
0x24: {  	s3 =	sadd.s32 $0x88, s3;
	s6 =	simm.s32 @!p1 $0x1082;
	[sflag:s4] =	ssyncset.s32 $0xFFFFF086  }
0x25: {  	[simem:s6], [sflag:s4] =	dma.local [hbm:s3], $0xF7A  }
0x26: {  	[smem:$0x3F82] =	sst s1;
	(tag) =	ssettag s2;
	_ =	strace s9  }
0x27: {  	s1 =	sld [smem:$0x3F92]  }
0x28: {  	s2 =	sld [smem:$0x3F93]  }
0x29: {  	s4 =	sld [smem:$0x3F95]  }
0x2a: {  	p0 =	seq.s32 s5, $0x0;
	s5 =	sld [smem:$0x3F96]  }
0x2b: {  	s6 =	sld [smem:$0x3F97]  }
0x2c: {  	s7 =	sld [smem:$0x3F98]  }
0x2d: {  	s3 =	simm.s32 $0x108;
	s8 =	sld [smem:$0x3F99]  }
0x2e: {  	s3 =	simm.s32 @!p0 $0x1082;
	s9 =	sld [smem:$0x3F9A]  }
0x2f: {  	lr =	sadd.s32 s0, s3;
	s0 =	sld [smem:$0x3F91]  }
0x30: {  	s3 =	sld [smem:$0x3F94]  }
0x31: {  	[smem:$0x3F9D] =	sst s10  }
0x32: {  	s10 =	sld [smem:$0x3F9B];
	_ =	sdelay $0x3  }
0x33: {  	p0 =	seq.s32 s10, $0x1;
	s10 =	sld [smem:$0x3F9D];
	_ =	sdelay $0x3  }
0x34: {  	[smem:$0x3F9D] =	sst s10  }
0x35: {  	s10 =	sld [smem:$0x3F9C];
	_ =	sdelay $0x3  }
0x36: {  	p1 =	seq.s32 s10, $0x1;
	s10 =	sld [smem:$0x3F9D];
	_ =	sdelay $0x3  }
0x37: {  	[smem:$0x3F9D] =	sst s10  }
0x38: {  	s10 =	sld [smem:$0x3F9E]  }
0x39: {  	_ = 	snop;
	(pc) =	sbr.ind lr, $3  }
0x3a: {  	_ = 	snop  }
0x3b: {  	_ = 	snop  }
0x3c: {  	p2 =	seq.s32 s10, $0x1;
	s10 =	sld [smem:$0x3F9D]  }
0x3d: {  	_ =	shalt  }
0x3e: {  	_ =	shalt  }
0x3f: {  	_ =	shalt  }
0x40: {  	_ =	shalt  }
0x41: {  	_ =	shalt  }
0x42: {  	_ =	shalt  }
0x43: {  	_ =	shalt  }
0x44: {  	_ =	shalt  }
0x45: {  	_ =	shalt  }
0x46: {  	_ =	shalt  }
0x47: {  	_ =	shalt  }
0x48: {  	_ =	shalt  }
0x49: {  	_ =	shalt  }
0x4a: {  	_ =	shalt  }
0x4b: {  	_ =	shalt  }
0x4c: {  	_ =	shalt  }
0x4d: {  	_ =	shalt  }
0x4e: {  	_ =	shalt  }
0x4f: {  	_ =	shalt  }
0x50: {  	_ =	shalt  }
0x51: {  	_ =	shalt  }
0x52: {  	_ =	shalt  }
0x53: {  	_ =	shalt  }
0x54: {  	_ =	shalt  }
0x55: {  	_ =	shalt  }
0x56: {  	_ =	shalt  }
0x57: {  	_ =	shalt  }
0x58: {  	_ =	shalt  }
0x59: {  	_ =	shalt  }
0x5a: {  	_ =	shalt  }
0x5b: {  	_ =	shalt  }
0x5c: {  	_ =	shalt  }
0x5d: {  	_ =	shalt  }
0x5e: {  	_ =	shalt  }
0x5f: {  	_ =	shalt  }
0x60: {  	_ =	shalt  }
0x61: {  	_ =	shalt  }
0x62: {  	_ =	shalt  }
0x63: {  	_ =	shalt  }
0x64: {  	_ =	shalt  }
0x65: {  	_ =	shalt  }
0x66: {  	_ =	shalt  }
0x67: {  	_ =	shalt  }
0x68: {  	_ =	shalt  }
0x69: {  	_ =	shalt  }
0x6a: {  	_ =	shalt  }
0x6b: {  	_ =	shalt  }
0x6c: {  	_ =	shalt  }
0x6d: {  	_ =	shalt  }
0x6e: {  	_ =	shalt  }
0x6f: {  	_ =	shalt  }
0x70: {  	_ =	shalt  }
0x71: {  	_ =	shalt  }
0x72: {  	_ =	shalt  }
0x73: {  	_ =	shalt  }
0x74: {  	_ =	shalt  }
0x75: {  	_ =	shalt  }
0x76: {  	_ =	shalt  }
0x77: {  	_ =	shalt  }
0x78: {  	_ =	shalt  }
0x79: {  	_ =	shalt  }
0x7a: {  	_ =	shalt  }
0x7b: {  	_ =	shalt  }
0x7c: {  	_ =	shalt  }
0x7d: {  	_ =	shalt  }
0x7e: {  	_ =	shalt  }
0x7f: {  	_ =	shalt  }
0x80: {  	_ =	shalt  }
0x81: {  	_ =	shalt  }
0x82: {  	_ =	shalt  }
0x83: {  	_ =	shalt  }
0x84: {  	_ =	shalt  }
0x85: {  	_ =	shalt  }
0x86: {  	_ =	shalt  }
0x87: {  	_ =	shalt  }
.Lfunc_end0:
.L_simem_size_0:
called_computation_lowered:
.L_overlay_start_0:
0x88: {  	s2 =	sld [smem:$0x3FD9]  }
0x89: {  	s3 =	sld [smem:$0x3FFE];
	_ =	sdelay $0x1  }
0x8a: {  	s1 =	srdreg.scid  }
0x8b: {  	s0 =	sand.u32 $0x1, s1  }
0x8c: {  	s17 =	sshll.u32 s0, $0xA;
	s2 =	sadd.s32 s3, s2  }
0x8d: {  	s2 =	sadd.s32 s2, s17  }
0x8e: {  	[smem:$0x3FA9] =	sst s2  }
0x8f: {  	_ = 	snop  }
0x90: {  	s2 =	sld [smem:$0x3FD0];
	(tm) =	ssettm $0x1  }
0x91: {  	s18 =	sld [smem:$0x3FFB];
	_ =	sdelay $0x3  }
0x92: {  	_ =	strace s18  }
0x93: {  	s3 =	sld [smem:$0x3FFC];
	_ =	sdelay $0x3  }
0x94: {  	_ =	strace s3  }
0x95: {  	s3 =	sld [smem:$0x3FFD];
	_ =	sdelay $0x3  }
0x96: {  	_ =	strace s3  }
0x97: {  	_ =	strace $0x8FFFFFFF  }
0x98: {  	s19 =	sld [smem:$0x3FDB];
	_ =	sdelay $0x1  }
0x99: {  	s4 =	simm.s32 $_scs_section_size  }
0x9a: {  	s5 =	simm.s32 $_size__tile_overlayer_lowered;
	s6 =	simm.s32 $_tile_overlayer_lowered  }
0x9b: {  	s22 =	simm.s32 $0x1BFF;
	s21 =	sshll.u32 s6, $0x1;
	s3 =	sadd.s32 s4, s19  }
0x9c: {  	s7 =	simm.s32 $0x0;
	s20 =	sshll.u32 s5, $0x1;
	s5 =	sadd.s32 s21, s3  }
0x9d: {  	[timem:s7], [sflag:s22] =	dma.local [hbm:s5], s20  }
0x9e: {  	_ =	swait.ge [sflag:s22], s20  }
0x9f: {  	s4 =	ssub.s32 $0x0, s20;
	[sflag:s22] =	ssyncset.done $0x0  }
0xa0: {  	[sflag:s22] =	ssyncadd.s32 s4;
	_ =	sdelay $0x1  }
0xa1: {  	s23 =	simm.s32 $0x1B8B  }
0xa2: {  	_ =	swait.ge [sflag:s23], $0x1  }
0xa3: {  	[sflag:s23] =	ssyncset.done $0x0  }
0xa4: {  	s25 =	simm.s32 $0x1B8E;
	s24 =	sld [smem:$0x3FFE];
	[sflag:s23] =	ssyncadd.s32 $0xFFFFFFFF  }
0xa5: {  	s26 =	simm.s32 $execute0_lowered;
	[smem:$0x3FD2] =	sst s25  }
0xa6: {  	s5 =	sshll.u32 s26, $0x1;
	_ =	strace $0x80000046;
	[dreg:$0x1] =	wrdreg $0xFFFFFFFF  }
0xa7: {  	s28 =	simm.s32 $_size_execute0_lowered;
	s3 =	sadd.s32 s3, s5;
	[dreg:$0x0] =	wrdreg $0x0  }
0xa8: {  	s5 =	sshll.u32 s28, $0x1;
	[dreg:$0x2] =	wrdreg s3  }
0xa9: {  	[dreg:$0x3] =	wrdreg s5  }
0xaa: {  	[dreg:$0x4] =	wrdreg $0xC0  }
0xab: {  	_ =	task [dreg:s7], $0x5FFFF  }
0xac: {  	[dreg:$0x1] =	wrdreg $0xFFFFFFFF  }
0xad: {  	[dreg:$0x0] =	wrdreg $0x60  }
0xae: {  	[dreg:$0x2] =	wrdreg s2  }
0xaf: {  	[dreg:$0x3] =	wrdreg s24  }
0xb0: {  	[dreg:$0x4] =	wrdreg $0x50A00  }
0xb1: {  	[dreg:$0x5] =	wrdreg $0x9  }
0xb2: {  	_ =	task.clear_ibuf [dreg:s7], $0x6FFFF;
	_ =	strace $0x90000046  }
0xb3: {  	s29 =	simm.s32 $0x9;
	_ =	strace $0x80000048  }
0xb4: {  	_ =	swait.ge [sflag:s29], $0x1  }
0xb5: {  	[sflag:s29] =	ssyncadd.s32 $0xFFFFFFFF  }
0xb6: {  	_ =	strace $0x90000048  }
0xb7: {  	_ =	sfence  }
0xb8: {  	s30 =	sld [smem:$0x0];
	_ =	sdelay $0x2  }
0xb9: {  	s31 =	sshll.u32 s1, $0xD;
	s1 =	sshrl.u32 s1, $0x2  }
0xba: {  	s3 =	sand.u32 $0x4000, s31;
	s1 =	sadd.s32 s1, s30  }
0xbb: {  	s0 =	sor.u32 s3, s0;
	s1 =	sshll.u32 s1, $0x11  }
0xbc: {  	s0 =	sor.u32 s1, s0  }
0xbd: {  	s0 =	sadd.s32 $0x8F2B, s0  }
0xbe: {  	[sflag:s0] =	ssyncadd.remote.s32 $0x1  }
0xbf: {  	_ =	sfence.sel $0xFFFF  }
0xc0: {  	[dreg:$0x0] =	wrdreg $0xFFFFFFFF;
	(pc) =	sbr.abs _section_cstart, $3  }
0xc1: {  	[dreg:$0x1] =	wrdreg $0xFFFFFFFF  }
0xc2: {  	_ =	task.clear_ibuf [dreg:s7], $0x2FFFF;
	_ =	strace $0x9FFFFFFF  }
0xc3: {  	(tm) =	ssettm $0x7FFFFFFF  }
tec
execute0_lowered:
.L_overlay_start_1:
0x0: {  	(tag) =	ssettag $0x1  }
0x1: {  	s1 =	rddreg [dreg:$0x0]  }
0x2: {  	s8 =	rddreg [dreg:$0x1]  }
0x3: {  	s3 =	rddreg [dreg:$0x2]  }
0x4: {  	s0 =	rddreg [dreg:$0x3];
	s4 =	simm.s32 $0x0  }
0x5: {  	s2 =	stileid.u32;
	s9 =	srdreg.scid;
	s16 =	simm.s32 $0x2710  }
0x6: {  	s17 =	simm.s32 $0x50;
	s18 =	simm.s32 $0x4E20;
	s19 =	simm.s32 $0x1  }
0x7: {  	s20 =	simm.s32 $0x0;
	[smem:$0x7FF] =	sst s4;
	s6 =	smul.u32 $0x4E2, s2  }
0x8: {  	s7 =	smul.u32 $0x280, s2;
	s5 =	sadd.s32 $0x13600, s8;
	s14 =	sand.u32 $0x1, s9  }
0x9: {  	s31 =	sshll.u32 s2, $0x6;
	_ =	strace $0x80000047;
	s9 =	ssub.s32 $0x2, s14  }
0xa: {  	p0 =	sne.s32 s14, $0x0;
	s12 =	sadd.s32 s6, s8;
	s6 =	smin.u32 s7, $0x2490  }
.Ltmp0:
0xb: {  	s7 =	sadd.s32 $0x1AE00, s8;
	s11 =	sshrl.u32 s9, $0x1;
	(pc) =	sbr.rel .LBB2_1-.Ltmp0, $4  }
0xc: {  	s10 =	sadd.s32 s6, s8;
	s8 =	sadd.s32 $0x18600, s8;
	s13 =	ssub.s32 s9, s11  }
0xd: {  	s30 =	sshll.u32 s6, $0x3;
	s11 =	sadd.s32 $0x9600, s12;
	s12 =	sadd.s32 $0xE600, s12  }
0xe: {  	s15 =	sadd.s32 s30, s3;
	s9 =	sadd.s32 $0x15E00, s10;
	s10 =	sor.u32 $0x1C02, s31  }
0xf: {  	s13 =	smax.u32 s13, $0x1;
	s14 =	sshrl.u32 s15, $0x3;
	s15 =	simm.s32 $0x2  }
.LBB2_7:
0x10: {  	s21 =	sshra.s32 s21, $0x2;
	[sflag:s15] =	ssyncadd.s32 $0xFFFFFD80  }
0x11: {  	[tilespmem:s18], [sflag:$0x1] =	stream.indirect.gather [hbm4b:s5+s17], $0x8, s21, s17, $0xb8;
	[tilespmem:$0x6428] =	vst v63  }
0x12: {  	_ =	swait.ge [sflag:s19], $0x280  }
0x13: {  	[sflag:s19] =	ssyncset.done $0x0  }
0x14: {  	s21 =	sadd.s32 $0x2710, s21;
	[sflag:s19] =	ssyncadd.s32 $0xFFFFFD80  }
0x15: {  	[spmem:s3] =	stream.indirect.scatter.add.f32 [tilespmem:s18], [sflag:$0x2], $0x8, s21, s17, $0xb8;
	[tilespmem:$0x6428] =	vst v63  }
0x16: {  	_ =	swait.ge [sflag:s15], $0x280  }
0x17: {  	[sflag:s15] =	ssyncset.done $0x0  }
0x18: {  	s21 =	smov.u32 s8;
	[sflag:s15] =	ssyncadd.s32 $0xFFFFFD80  }
.LBB2_8:
0x19: {  	s20 =	sadd.s32 $0x1, s20  }
0x1a: {  	p1 =	sne.s32 s20, s13  }
.Ltmp1:
0x1b: {  	s21 =	sadd.s32 s21, s6;
	[bflag:$0x0] =	sbarrier.arrive $0xFFFF;
	(pc) =	sbr.rel @!p1 .LBB2_9-.Ltmp1, $4  }
0x1c: {  	[hbm:s21], [sflag:s10] =	dma.local [spmem:s14], $0x280  }
0x1d: {  	_ =	swait.ge [sflag:s15], $0x280  }
0x1e: {  	[sflag:s15] =	ssyncset.done $0x0  }
0x1f: {  	[sflag:s15] =	ssyncadd.s32 $0xFFFFFD80  }
.LBB2_1:
0x20: {  	[spmem:s14], [sflag:s10] =	dma.local [hbm:s9], $0x280  }
0x21: {  	_ =	swait.ge [sflag:s15], $0x280  }
0x22: {  	[sflag:s15] =	ssyncset.done $0x0  }
0x23: {  	[sflag:s15] =	ssyncadd.s32 $0xFFFFFD80  }
0x24: {  	[tilespmem:s4], [sflag:$0x2] =	stream.linear.gather [hbm4b:s11+s4], $0x2710, $0x38;
	[tilespmem:$0x6428] =	vst v63  }
0x25: {  	_ =	swait.ge [sflag:s15], $0x2710  }
0x26: {  	[sflag:s15] =	ssyncset.done $0x0  }
0x27: {  	[sflag:s15] =	ssyncadd.s32 $0xFFFFD8F0  }
0x28: {  	[tilespmem:s16], [sflag:$0x2] =	stream.linear.gather [hbm4b:s12+s4], $0x2710, $0x38;
	[tilespmem:$0x6428] =	vst v63  }
.Ltmp2:
0x29: {  	_ =	swait.ge [sflag:s15], $0x2710;
	(pc) =	sbr.rel @p0 .LBB2_5-.Ltmp2, $4  }
0x2a: {  	[sflag:s15] =	ssyncset.done $0x0  }
0x2b: {  	[sflag:s15] =	ssyncadd.s32 $0xFFFFD8F0  }
0x2c: {  	[bflag:$0x0] =	sbarrier.arrive $0xFFFF  }
0x2d: {  	s21 =	simm.s32 $0x0  }
0x2e: {  	[tilespmem:s18], [sflag:$0x1] =	stream.indirect.gather [hbm4b:s1+s17], $0x8, s21, s17, $0xb8;
	[tilespmem:$0x6428] =	vst v63  }
0x2f: {  	_ =	swait.ge [sflag:s19], $0x280  }
0x30: {  	[sflag:s19] =	ssyncset.done $0x0  }
0x31: {  	s31 =	simm.s32 $0x2710;
	[sflag:s19] =	ssyncadd.s32 $0xFFFFFD80  }
0x32: {  	[spmem:s3] =	stream.indirect.scatter.add.f32 [tilespmem:s18], [sflag:$0x2], $0x8, s31, s17, $0xb8;
	[tilespmem:$0x6428] =	vst v63  }
0x33: {  	_ =	swait.ge [sflag:s15], $0x280  }
0x34: {  	s21 =	simm.s32 $0x140;
	s22 =	simm.s32 $0x280;
	[sflag:s15] =	ssyncset.done $0x0  }
.LBB2_3:
0x35: {  	s23 =	sshra.s32 s21, $0x2  }
0x36: {  	[sflag:s15] =	ssyncadd.s32 $0xFFFFFD80;
	s21 =	smov.u32 s22;
	s24 =	sadd.s32 $0x140, s22  }
0x37: {  	[tilespmem:s18], [sflag:$0x1] =	stream.indirect.gather [hbm4b:s1+s17], $0x8, s23, s17, $0xb8;
	[tilespmem:$0x6428] =	vst v63  }
0x38: {  	p1 =	seq.s32 s22, $0x9B00;
	_ =	swait.ge [sflag:s19], $0x280  }
.Ltmp3:
0x39: {  	[sflag:s19] =	ssyncset.done $0x0;
	(pc) =	sbr.rel @!p1 .LBB2_3-.Ltmp3, $4  }
0x3a: {  	s22 =	sadd.s32 $0x2710, s23;
	[sflag:s19] =	ssyncadd.s32 $0xFFFFFD80  }
0x3b: {  	[spmem:s3] =	stream.indirect.scatter.add.f32 [tilespmem:s18], [sflag:$0x2], $0x8, s22, s17, $0xb8;
	[tilespmem:$0x6428] =	vst v63  }
0x3c: {  	_ =	swait.ge [sflag:s15], $0x280  }
0x3d: {  	s22 =	smov.u32 s24;
	[sflag:s15] =	ssyncset.done $0x0  }
0x3e: {  	s21 =	sshra.s32 s21, $0x2;
	[sflag:s15] =	ssyncadd.s32 $0xFFFFFD80  }
0x3f: {  	[tilespmem:s18], [sflag:$0x1] =	stream.indirect.gather [hbm4b:s1+s17], $0x8, s21, s17, $0xb8;
	[tilespmem:$0x6428] =	vst v63  }
0x40: {  	_ =	swait.ge [sflag:s19], $0x280  }
0x41: {  	[sflag:s19] =	ssyncset.done $0x0  }
.Ltmp4:
0x42: {  	s21 =	sadd.s32 $0x2710, s21;
	[sflag:s19] =	ssyncadd.s32 $0xFFFFFD80;
	(pc) =	sbr.rel .LBB2_8-.Ltmp4, $4  }
0x43: {  	[spmem:s3] =	stream.indirect.scatter.add.f32 [tilespmem:s18], [sflag:$0x2], $0x8, s21, s17, $0xb8;
	[tilespmem:$0x6428] =	vst v63  }
0x44: {  	_ =	swait.ge [sflag:s15], $0x280  }
0x45: {  	[sflag:s15] =	ssyncset.done $0x0  }
0x46: {  	s21 =	smov.u32 s7;
	[sflag:s15] =	ssyncadd.s32 $0xFFFFFD80  }
.LBB2_5:
0x47: {  	[tilespmem:s18], [sflag:$0x1] =	stream.indirect.gather [hbm4b:s5+s17], $0x8, s21, s17, $0xb8;
	[tilespmem:$0x6428] =	vst v63  }
0x48: {  	_ =	swait.ge [sflag:s19], $0x280  }
0x49: {  	[sflag:s19] =	ssyncset.done $0x0  }
0x4a: {  	s31 =	simm.s32 $0x2710;
	[sflag:s19] =	ssyncadd.s32 $0xFFFFFD80  }
0x4b: {  	[spmem:s3] =	stream.indirect.scatter.add.f32 [tilespmem:s18], [sflag:$0x2], $0x8, s31, s17, $0xb8;
	[tilespmem:$0x6428] =	vst v63  }
0x4c: {  	_ =	swait.ge [sflag:s15], $0x280  }
0x4d: {  	s21 =	simm.s32 $0x140;
	s22 =	simm.s32 $0x280;
	[sflag:s15] =	ssyncset.done $0x0  }
.LBB2_6:
0x4e: {  	s23 =	sshra.s32 s21, $0x2  }
0x4f: {  	[sflag:s15] =	ssyncadd.s32 $0xFFFFFD80;
	s21 =	smov.u32 s22;
	s24 =	sadd.s32 $0x140, s22  }
0x50: {  	[tilespmem:s18], [sflag:$0x1] =	stream.indirect.gather [hbm4b:s5+s17], $0x8, s23, s17, $0xb8;
	[tilespmem:$0x6428] =	vst v63  }
0x51: {  	p1 =	sne.s32 s22, $0x9B00;
	_ =	swait.ge [sflag:s19], $0x280  }
.Ltmp5:
0x52: {  	[sflag:s19] =	ssyncset.done $0x0;
	(pc) =	sbr.rel @p1 .LBB2_6-.Ltmp5, $4  }
0x53: {  	s22 =	sadd.s32 $0x2710, s23;
	[sflag:s19] =	ssyncadd.s32 $0xFFFFFD80  }
0x54: {  	[spmem:s3] =	stream.indirect.scatter.add.f32 [tilespmem:s18], [sflag:$0x2], $0x8, s22, s17, $0xb8;
	[tilespmem:$0x6428] =	vst v63  }
0x55: {  	_ =	swait.ge [sflag:s15], $0x280  }
0x56: {  	s22 =	smov.u32 s24;
	[sflag:s15] =	ssyncset.done $0x0  }
.Ltmp6:
0x57: {  	_ = 	snop;
	(pc) =	sbr.rel .LBB2_7-.Ltmp6, $1  }
0x58: {  	_ =	sdelay $0x3  }
.LBB2_9:
0x59: {  	_ =	sfence.sel $0x180000  }
0x5a: {  	[bflag:$0x0] =	sbarrier.arrive $0xFFFF  }
0x5b: {  	p0 =	sne.s32 s2, $0x0;
	_ =	strace $0x90000047  }
0x5c: {  	s0 =	sadd.s32 @!p0 $0x100000, s0;
	[bflag:$0x2] =	sbarrier.arrive $0xFFFF  }
0x5d: {  	[sflag:s0] =	ssyncadd.tile.s32 @!p0 $0x1;
	_ =	shalt  }
.Lfunc_end2:
_tile_overlayer_lowered:
.L_overlay_start_2:
0x5e: {  	(tag) =	ssettag $0x2  }
0x5f: {  	s0 =	rddreg [dreg:$0x0];
	s2 =	stileid.u32  }
0x60: {  	s1 =	rddreg [dreg:$0x1];
	p0 =	sne.s32 s2, $0x0  }
0x61: {  	s3 =	rddreg [dreg:$0x2];
	[bflag:$0x3] =	sbarrier.arrive $0xFFFF;
	s2 =	simm.s32 @!p0 $0x1C02  }
0x62: {  	[timem:s3], [sflag:s2] =	dma.local @!p0 [hbm:s0], s1  }
0x63: {  	s0 =	simm.s32 @!p0 $0x2  }
0x64: {  	_ =	swait.ge @!p0 [sflag:s0], s1  }
0x65: {  	s1 =	ssub.s32 @!p0 $0x0, s1;
	[sflag:s0] =	ssyncset.done @!p0 $0x0  }
0x66: {  	[sflag:s0] =	ssyncadd.s32 @!p0 s1  }
0x67: {  	[bflag:$0x3] =	sbarrier.arrive $0xFFFF  }
0x68: {  	_ =	shalt  }

// kernel: kernel.31.cloned.1.call-start
scs
__scs_entry_jumppad:
0x0: {  	(pc) =	sbr.rel $0x88, $3  }
0x1: {  	(tag) =	ssettag $0x0;
	lr =	simm.s32 $0x1  }
0x2: {  	[smem:$0x3F82] =	sst lr;
	_ =	strace $0xD0000000  }
0x3: {  	_ = 	snop  }
0x4: {  	_ = 	snop  }
0x5: {  	_ = 	snop  }
0x6: {  	_ = 	snop  }
0x7: {  	_ = 	snop  }
__scs_overlays_trampoline_lowered:
0x8: {  	[smem:$0x3F91] =	sst s0  }
0x9: {  	[smem:$0x3F92] =	sst s1  }
0xa: {  	[smem:$0x3F93] =	sst s2  }
0xb: {  	[smem:$0x3F94] =	sst s3  }
0xc: {  	[smem:$0x3F95] =	sst s4  }
0xd: {  	[smem:$0x3F96] =	sst s5  }
0xe: {  	[smem:$0x3F97] =	sst s6  }
0xf: {  	[smem:$0x3F98] =	sst s7  }
0x10: {  	[smem:$0x3F99] =	sst s8  }
0x11: {  	[smem:$0x3F9A] =	sst s9;
	s0 =	simm.s32 @!p0 $0x0  }
0x12: {  	s1 =	sld [smem:$0x3F80];
	s0 =	simm.s32 @p0 $0x1  }
0x13: {  	[smem:$0x3F9B] =	sst s0;
	s0 =	simm.s32 @!p1 $0x0  }
0x14: {  	s2 =	sld [smem:$0x3F7F];
	s0 =	simm.s32 @p1 $0x1  }
0x15: {  	[smem:$0x3F9C] =	sst s0;
	s0 =	simm.s32 @!p2 $0x0  }
0x16: {  	s3 =	sld [smem:$0x3FDB];
	s0 =	simm.s32 @p2 $0x1  }
0x17: {  	s4 =	simm.s32 $0x1BF5;
	[smem:$0x3F9E] =	sst s0  }
0x18: {  	s0 =	sld [smem:$0x3F81];
	_ =	swait.ge [sflag:s4], $0x0  }
0x19: {  	s7 =	sld [smem:$0x3F82]  }
0x1a: {  	s8 =	sadd.s32 $0xFFFFE003, lr  }
0x1b: {  	s9 =	sadd.s32 $0xFFFFFEF7, lr;
	s5 =	simm.s32 $0xFFFFFFFF;
	p2 =	slt.u32 s8, $0xFFFFF086  }
0x1c: {  	p1 =	slt.u32 s9, $0xF7A;
	s5 =	simm.s32 @!p2 $0x0  }
0x1d: {  	s5 =	simm.s32 @p1 $0x1;
	p0 =	seq.s32 s7, s2  }
0x1e: {  	s7 =	smul.u32 @!p0 $0xF7A, s2;
	p2 =	seq.s32 @!p0 s5, $0x0  }
0x1f: {  	s9 =	smul.u32 $0xF7A, s1;
	s8 =	simm.s32 @!p0 $0x1BF5;
	p2 =	por !p2, p0  }
0x20: {  	[sflag:s8] =	ssyncset.s32 @!p0 $0xFFFFF086;
	s6 =	sadd.s32 @!p0 s3, s7;
	s7 =	simm.s32 @!p0 $0x108  }
0x21: {  	s3 =	sadd.s32 s3, s9;
	s6 =	sadd.s32 @!p0 $0x88, s6;
	s7 =	simm.s32 @p2 $0x1082  }
0x22: {  	[simem:s7], [sflag:s8] =	dma.local @!p0 [hbm:s6], $0xF7A  }
0x23: {  	s9 =	sor.u32 $0xD0000000, s2;
	s6 =	simm.s32 $0x108;
	_ =	swait.ge @!p0 [sflag:s8], $0x0  }
0x24: {  	s3 =	sadd.s32 $0x88, s3;
	s6 =	simm.s32 @!p1 $0x1082;
	[sflag:s4] =	ssyncset.s32 $0xFFFFF086  }
0x25: {  	[simem:s6], [sflag:s4] =	dma.local [hbm:s3], $0xF7A  }
0x26: {  	[smem:$0x3F82] =	sst s1;
	(tag) =	ssettag s2;
	_ =	strace s9  }
0x27: {  	s1 =	sld [smem:$0x3F92]  }
0x28: {  	s2 =	sld [smem:$0x3F93]  }
0x29: {  	s4 =	sld [smem:$0x3F95]  }
0x2a: {  	p0 =	seq.s32 s5, $0x0;
	s5 =	sld [smem:$0x3F96]  }
0x2b: {  	s6 =	sld [smem:$0x3F97]  }
0x2c: {  	s7 =	sld [smem:$0x3F98]  }
0x2d: {  	s3 =	simm.s32 $0x108;
	s8 =	sld [smem:$0x3F99]  }
0x2e: {  	s3 =	simm.s32 @!p0 $0x1082;
	s9 =	sld [smem:$0x3F9A]  }
0x2f: {  	lr =	sadd.s32 s0, s3;
	s0 =	sld [smem:$0x3F91]  }
0x30: {  	s3 =	sld [smem:$0x3F94]  }
0x31: {  	[smem:$0x3F9D] =	sst s10  }
0x32: {  	s10 =	sld [smem:$0x3F9B];
	_ =	sdelay $0x3  }
0x33: {  	p0 =	seq.s32 s10, $0x1;
	s10 =	sld [smem:$0x3F9D];
	_ =	sdelay $0x3  }
0x34: {  	[smem:$0x3F9D] =	sst s10  }
0x35: {  	s10 =	sld [smem:$0x3F9C];
	_ =	sdelay $0x3  }
0x36: {  	p1 =	seq.s32 s10, $0x1;
	s10 =	sld [smem:$0x3F9D];
	_ =	sdelay $0x3  }
0x37: {  	[smem:$0x3F9D] =	sst s10  }
0x38: {  	s10 =	sld [smem:$0x3F9E]  }
0x39: {  	_ = 	snop;
	(pc) =	sbr.ind lr, $3  }
0x3a: {  	_ = 	snop  }
0x3b: {  	_ = 	snop  }
0x3c: {  	p2 =	seq.s32 s10, $0x1;
	s10 =	sld [smem:$0x3F9D]  }
0x3d: {  	_ =	shalt  }
0x3e: {  	_ =	shalt  }
0x3f: {  	_ =	shalt  }
0x40: {  	_ =	shalt  }
0x41: {  	_ =	shalt  }
0x42: {  	_ =	shalt  }
0x43: {  	_ =	shalt  }
0x44: {  	_ =	shalt  }
0x45: {  	_ =	shalt  }
0x46: {  	_ =	shalt  }
0x47: {  	_ =	shalt  }
0x48: {  	_ =	shalt  }
0x49: {  	_ =	shalt  }
0x4a: {  	_ =	shalt  }
0x4b: {  	_ =	shalt  }
0x4c: {  	_ =	shalt  }
0x4d: {  	_ =	shalt  }
0x4e: {  	_ =	shalt  }
0x4f: {  	_ =	shalt  }
0x50: {  	_ =	shalt  }
0x51: {  	_ =	shalt  }
0x52: {  	_ =	shalt  }
0x53: {  	_ =	shalt  }
0x54: {  	_ =	shalt  }
0x55: {  	_ =	shalt  }
0x56: {  	_ =	shalt  }
0x57: {  	_ =	shalt  }
0x58: {  	_ =	shalt  }
0x59: {  	_ =	shalt  }
0x5a: {  	_ =	shalt  }
0x5b: {  	_ =	shalt  }
0x5c: {  	_ =	shalt  }
0x5d: {  	_ =	shalt  }
0x5e: {  	_ =	shalt  }
0x5f: {  	_ =	shalt  }
0x60: {  	_ =	shalt  }
0x61: {  	_ =	shalt  }
0x62: {  	_ =	shalt  }
0x63: {  	_ =	shalt  }
0x64: {  	_ =	shalt  }
0x65: {  	_ =	shalt  }
0x66: {  	_ =	shalt  }
0x67: {  	_ =	shalt  }
0x68: {  	_ =	shalt  }
0x69: {  	_ =	shalt  }
0x6a: {  	_ =	shalt  }
0x6b: {  	_ =	shalt  }
0x6c: {  	_ =	shalt  }
0x6d: {  	_ =	shalt  }
0x6e: {  	_ =	shalt  }
0x6f: {  	_ =	shalt  }
0x70: {  	_ =	shalt  }
0x71: {  	_ =	shalt  }
0x72: {  	_ =	shalt  }
0x73: {  	_ =	shalt  }
0x74: {  	_ =	shalt  }
0x75: {  	_ =	shalt  }
0x76: {  	_ =	shalt  }
0x77: {  	_ =	shalt  }
0x78: {  	_ =	shalt  }
0x79: {  	_ =	shalt  }
0x7a: {  	_ =	shalt  }
0x7b: {  	_ =	shalt  }
0x7c: {  	_ =	shalt  }
0x7d: {  	_ =	shalt  }
0x7e: {  	_ =	shalt  }
0x7f: {  	_ =	shalt  }
0x80: {  	_ =	shalt  }
0x81: {  	_ =	shalt  }
0x82: {  	_ =	shalt  }
0x83: {  	_ =	shalt  }
0x84: {  	_ =	shalt  }
0x85: {  	_ =	shalt  }
0x86: {  	_ =	shalt  }
0x87: {  	_ =	shalt  }
.Lfunc_end0:
.L_simem_size_0:
called_computation.1_lowered:
.L_overlay_start_0:
0x88: {  	s2 =	sld [smem:$0x3FD9]  }
0x89: {  	s3 =	sld [smem:$0x3FFE];
	_ =	sdelay $0x1  }
0x8a: {  	s1 =	srdreg.scid  }
0x8b: {  	s0 =	sand.u32 $0x1, s1  }
0x8c: {  	s16 =	sshll.u32 s0, $0xA;
	s2 =	sadd.s32 s3, s2  }
0x8d: {  	s2 =	sadd.s32 s2, s16  }
0x8e: {  	[smem:$0x3FA9] =	sst s2  }
0x8f: {  	_ = 	snop  }
0x90: {  	(tm) =	ssettm $0x1  }
0x91: {  	s17 =	sld [smem:$0x3FFB];
	_ =	sdelay $0x3  }
0x92: {  	_ =	strace s17  }
0x93: {  	s2 =	sld [smem:$0x3FFC];
	_ =	sdelay $0x3  }
0x94: {  	_ =	strace s2  }
0x95: {  	s2 =	sld [smem:$0x3FFD];
	_ =	sdelay $0x3  }
0x96: {  	_ =	strace s2  }
0x97: {  	_ =	strace $0x8FFFFFFF  }
0x98: {  	s18 =	sld [smem:$0x3FDB];
	_ =	sdelay $0x1  }
0x99: {  	s19 =	simm.s32 $_scs_section_size  }
0x9a: {  	s4 =	simm.s32 $_size__tile_overlayer_lowered;
	s5 =	simm.s32 $_tile_overlayer_lowered  }
0x9b: {  	s22 =	simm.s32 $0x1BFF;
	s21 =	sshll.u32 s5, $0x1;
	s2 =	sadd.s32 s19, s18  }
0x9c: {  	s6 =	simm.s32 $0x0;
	s20 =	sshll.u32 s4, $0x1;
	s4 =	sadd.s32 s21, s2  }
0x9d: {  	[timem:s6], [sflag:s22] =	dma.local [hbm:s4], s20  }
0x9e: {  	_ =	swait.ge [sflag:s22], s20  }
0x9f: {  	s3 =	ssub.s32 $0x0, s20;
	[sflag:s22] =	ssyncset.done $0x0  }
0xa0: {  	[sflag:s22] =	ssyncadd.s32 s3;
	_ =	sdelay $0x1  }
0xa1: {  	s23 =	simm.s32 $0x1B8B  }
0xa2: {  	_ =	swait.ge [sflag:s23], $0x1  }
0xa3: {  	[sflag:s23] =	ssyncset.done $0x0  }
0xa4: {  	s25 =	simm.s32 $0x1B8E;
	s24 =	sld [smem:$0x3FFE];
	[sflag:s23] =	ssyncadd.s32 $0xFFFFFFFF  }
0xa5: {  	s26 =	simm.s32 $execute0_lowered;
	[smem:$0x3FD2] =	sst s25  }
0xa6: {  	s4 =	sshll.u32 s26, $0x1;
	_ =	strace $0x80000049;
	[dreg:$0x1] =	wrdreg $0xFFFFFFFF  }
0xa7: {  	s28 =	simm.s32 $_size_execute0_lowered;
	s2 =	sadd.s32 s2, s4;
	[dreg:$0x0] =	wrdreg $0x0  }
0xa8: {  	s4 =	sshll.u32 s28, $0x1;
	[dreg:$0x2] =	wrdreg s2  }
0xa9: {  	[dreg:$0x3] =	wrdreg s4  }
0xaa: {  	[dreg:$0x4] =	wrdreg $0xC0  }
0xab: {  	_ =	task [dreg:s6], $0x5FFFF  }
0xac: {  	[dreg:$0x1] =	wrdreg $0xFFFFFFFF  }
0xad: {  	[dreg:$0x0] =	wrdreg $0x60  }
0xae: {  	[dreg:$0x2] =	wrdreg s24  }
0xaf: {  	[dreg:$0x3] =	wrdreg $0x53200  }
0xb0: {  	[dreg:$0x4] =	wrdreg $0x9  }
0xb1: {  	_ =	task.clear_ibuf [dreg:s6], $0x5FFFF;
	_ =	strace $0x90000049  }
0xb2: {  	s29 =	simm.s32 $0x9;
	_ =	strace $0x8000004B  }
0xb3: {  	_ =	swait.ge [sflag:s29], $0x1  }
0xb4: {  	[sflag:s29] =	ssyncadd.s32 $0xFFFFFFFF  }
0xb5: {  	_ =	strace $0x9000004B  }
0xb6: {  	_ =	sfence  }
0xb7: {  	s30 =	sld [smem:$0x0];
	_ =	sdelay $0x2  }
0xb8: {  	s31 =	sshll.u32 s1, $0xD;
	s1 =	sshrl.u32 s1, $0x2  }
0xb9: {  	s3 =	sand.u32 $0x4000, s31;
	s1 =	sadd.s32 s1, s30  }
0xba: {  	s0 =	sor.u32 s3, s0;
	s1 =	sshll.u32 s1, $0x11  }
0xbb: {  	s0 =	sor.u32 s1, s0  }
0xbc: {  	s0 =	sadd.s32 $0x8F2B, s0  }
0xbd: {  	[sflag:s0] =	ssyncadd.remote.s32 $0x1  }
0xbe: {  	_ =	sfence.sel $0xFFFF  }
0xbf: {  	[dreg:$0x0] =	wrdreg $0xFFFFFFFF;
	(pc) =	sbr.abs _section_cstart, $3  }
0xc0: {  	[dreg:$0x1] =	wrdreg $0xFFFFFFFF  }
0xc1: {  	_ =	task.clear_ibuf [dreg:s6], $0x2FFFF;
	_ =	strace $0x9FFFFFFF  }
0xc2: {  	(tm) =	ssettm $0x7FFFFFFF  }
0xc3: {  	_ =	shalt  }
tec
execute0_lowered:
.L_overlay_start_1:
0x0: {  	(tag) =	ssettag $0x1  }
0x1: {  	s8 =	rddreg [dreg:$0x0]  }
0x2: {  	s2 =	rddreg [dreg:$0x1]  }
0x3: {  	s0 =	rddreg [dreg:$0x2]  }
0x4: {  	s3 =	simm.s32 $0x0;
	s1 =	stileid.u32;
	s9 =	srdreg.scid  }
0x5: {  	s16 =	simm.s32 $0x2710;
	s17 =	simm.s32 $0x50;
	s18 =	simm.s32 $0x4E20  }
0x6: {  	s19 =	simm.s32 $0x1;
	s20 =	simm.s32 $0x0;
	s6 =	smul.u32 $0x280, s1  }
0x7: {  	[smem:$0x7FF] =	sst s3;
	s4 =	sadd.s32 $0x18600, s8;
	s7 =	smul.u32 $0x4E2, s1  }
0x8: {  	s5 =	sadd.s32 $0x13600, s8;
	s14 =	sand.u32 $0x1, s9;
	s31 =	sshll.u32 s1, $0x6  }
0x9: {  	_ =	strace $0x8000004A;
	s9 =	ssub.s32 $0x2, s14;
	p0 =	sne.s32 s14, $0x0  }
0xa: {  	s10 =	smin.u32 s6, $0x2490;
	s12 =	sadd.s32 s7, s8;
	s7 =	sadd.s32 $0x27600, s8  }
.Ltmp0:
0xb: {  	s13 =	sshrl.u32 s9, $0x1;
	s6 =	sshll.u32 s10, $0x1;
	(pc) =	sbr.rel .LBB2_1-.Ltmp0, $4  }
0xc: {  	s13 =	ssub.s32 s9, s13;
	s30 =	sshll.u32 s10, $0x4;
	s10 =	sor.u32 $0x1C02, s31  }
0xd: {  	s11 =	sadd.s32 s6, s8;
	s8 =	sadd.s32 $0x22600, s8;
	s15 =	sadd.s32 s30, s2  }
0xe: {  	s13 =	smax.u32 s13, $0x1;
	s9 =	sadd.s32 $0x1D600, s11;
	s11 =	sadd.s32 $0x9600, s12  }
0xf: {  	s12 =	sadd.s32 $0xE600, s12;
	s14 =	sshrl.u32 s15, $0x3;
	s15 =	simm.s32 $0x2  }
.LBB2_7:
0x10: {  	s21 =	sshra.s32 s21, $0x2;
	[sflag:s15] =	ssyncadd.s32 $0xFFFFFB00  }
0x11: {  	[tilespmem:s18], [sflag:$0x1] =	stream.indirect.gather [hbm4b:s5+s17], $0x10, s21, s17, $0xb8;
	[tilespmem:$0x7A30] =	vst v63  }
0x12: {  	_ =	swait.ge [sflag:s19], $0x500  }
0x13: {  	[sflag:s19] =	ssyncset.done $0x0  }
0x14: {  	s21 =	sadd.s32 $0x2710, s21;
	[sflag:s19] =	ssyncadd.s32 $0xFFFFFB00  }
0x15: {  	[spmem:s2] =	stream.indirect.scatter.add.f32 [tilespmem:s18], [sflag:$0x2], $0x10, s21, s17, $0xb8;
	[tilespmem:$0x7A30] =	vst v63  }
0x16: {  	_ =	swait.ge [sflag:s15], $0x500  }
0x17: {  	[sflag:s15] =	ssyncset.done $0x0  }
0x18: {  	s21 =	smov.u32 s8;
	[sflag:s15] =	ssyncadd.s32 $0xFFFFFB00  }
.LBB2_8:
0x19: {  	s20 =	sadd.s32 $0x1, s20  }
0x1a: {  	p1 =	sne.s32 s20, s13  }
.Ltmp1:
0x1b: {  	s21 =	sadd.s32 s21, s6;
	[bflag:$0x0] =	sbarrier.arrive $0xFFFF;
	(pc) =	sbr.rel @!p1 .LBB2_9-.Ltmp1, $4  }
0x1c: {  	[hbm:s21], [sflag:s10] =	dma.local [spmem:s14], $0x500  }
0x1d: {  	_ =	swait.ge [sflag:s15], $0x500  }
0x1e: {  	[sflag:s15] =	ssyncset.done $0x0  }
0x1f: {  	[sflag:s15] =	ssyncadd.s32 $0xFFFFFB00  }
.LBB2_1:
0x20: {  	[spmem:s14], [sflag:s10] =	dma.local [hbm:s9], $0x500  }
0x21: {  	_ =	swait.ge [sflag:s15], $0x500  }
0x22: {  	[sflag:s15] =	ssyncset.done $0x0  }
0x23: {  	[sflag:s15] =	ssyncadd.s32 $0xFFFFFB00  }
0x24: {  	[tilespmem:s3], [sflag:$0x2] =	stream.linear.gather [hbm4b:s11+s3], $0x2710, $0x38;
	[tilespmem:$0x7A30] =	vst v63  }
0x25: {  	_ =	swait.ge [sflag:s15], $0x2710  }
0x26: {  	[sflag:s15] =	ssyncset.done $0x0  }
0x27: {  	[sflag:s15] =	ssyncadd.s32 $0xFFFFD8F0  }
0x28: {  	[tilespmem:s16], [sflag:$0x2] =	stream.linear.gather [hbm4b:s12+s3], $0x2710, $0x38;
	[tilespmem:$0x7A30] =	vst v63  }
.Ltmp2:
0x29: {  	_ =	swait.ge [sflag:s15], $0x2710;
	(pc) =	sbr.rel @p0 .LBB2_5-.Ltmp2, $4  }
0x2a: {  	[sflag:s15] =	ssyncset.done $0x0  }
0x2b: {  	[sflag:s15] =	ssyncadd.s32 $0xFFFFD8F0  }
0x2c: {  	[bflag:$0x0] =	sbarrier.arrive $0xFFFF  }
0x2d: {  	s21 =	simm.s32 $0x0  }
0x2e: {  	[tilespmem:s18], [sflag:$0x1] =	stream.indirect.gather [hbm4b:s4+s17], $0x10, s21, s17, $0xb8;
	[tilespmem:$0x7A30] =	vst v63  }
0x2f: {  	_ =	swait.ge [sflag:s19], $0x500  }
0x30: {  	[sflag:s19] =	ssyncset.done $0x0  }
0x31: {  	s31 =	simm.s32 $0x2710;
	[sflag:s19] =	ssyncadd.s32 $0xFFFFFB00  }
0x32: {  	[spmem:s2] =	stream.indirect.scatter.add.f32 [tilespmem:s18], [sflag:$0x2], $0x10, s31, s17, $0xb8;
	[tilespmem:$0x7A30] =	vst v63  }
0x33: {  	_ =	swait.ge [sflag:s15], $0x500  }
0x34: {  	s21 =	simm.s32 $0x140;
	s22 =	simm.s32 $0x280;
	[sflag:s15] =	ssyncset.done $0x0  }
.LBB2_3:
0x35: {  	s23 =	sshra.s32 s21, $0x2  }
0x36: {  	[sflag:s15] =	ssyncadd.s32 $0xFFFFFB00;
	s21 =	smov.u32 s22;
	s24 =	sadd.s32 $0x140, s22  }
0x37: {  	[tilespmem:s18], [sflag:$0x1] =	stream.indirect.gather [hbm4b:s4+s17], $0x10, s23, s17, $0xb8;
	[tilespmem:$0x7A30] =	vst v63  }
0x38: {  	p1 =	seq.s32 s22, $0x9B00;
	_ =	swait.ge [sflag:s19], $0x500  }
.Ltmp3:
0x39: {  	[sflag:s19] =	ssyncset.done $0x0;
	(pc) =	sbr.rel @!p1 .LBB2_3-.Ltmp3, $4  }
0x3a: {  	s22 =	sadd.s32 $0x2710, s23;
	[sflag:s19] =	ssyncadd.s32 $0xFFFFFB00  }
0x3b: {  	[spmem:s2] =	stream.indirect.scatter.add.f32 [tilespmem:s18], [sflag:$0x2], $0x10, s22, s17, $0xb8;
	[tilespmem:$0x7A30] =	vst v63  }
0x3c: {  	_ =	swait.ge [sflag:s15], $0x500  }
0x3d: {  	s22 =	smov.u32 s24;
	[sflag:s15] =	ssyncset.done $0x0  }
0x3e: {  	s21 =	sshra.s32 s21, $0x2;
	[sflag:s15] =	ssyncadd.s32 $0xFFFFFB00  }
0x3f: {  	[tilespmem:s18], [sflag:$0x1] =	stream.indirect.gather [hbm4b:s4+s17], $0x10, s21, s17, $0xb8;
	[tilespmem:$0x7A30] =	vst v63  }
0x40: {  	_ =	swait.ge [sflag:s19], $0x500  }
0x41: {  	[sflag:s19] =	ssyncset.done $0x0  }
.Ltmp4:
0x42: {  	s21 =	sadd.s32 $0x2710, s21;
	[sflag:s19] =	ssyncadd.s32 $0xFFFFFB00;
	(pc) =	sbr.rel .LBB2_8-.Ltmp4, $4  }
0x43: {  	[spmem:s2] =	stream.indirect.scatter.add.f32 [tilespmem:s18], [sflag:$0x2], $0x10, s21, s17, $0xb8;
	[tilespmem:$0x7A30] =	vst v63  }
0x44: {  	_ =	swait.ge [sflag:s15], $0x500  }
0x45: {  	[sflag:s15] =	ssyncset.done $0x0  }
0x46: {  	s21 =	smov.u32 s7;
	[sflag:s15] =	ssyncadd.s32 $0xFFFFFB00  }
.LBB2_5:
0x47: {  	[tilespmem:s18], [sflag:$0x1] =	stream.indirect.gather [hbm4b:s5+s17], $0x10, s21, s17, $0xb8;
	[tilespmem:$0x7A30] =	vst v63  }
0x48: {  	_ =	swait.ge [sflag:s19], $0x500  }
0x49: {  	[sflag:s19] =	ssyncset.done $0x0  }
0x4a: {  	s31 =	simm.s32 $0x2710;
	[sflag:s19] =	ssyncadd.s32 $0xFFFFFB00  }
0x4b: {  	[spmem:s2] =	stream.indirect.scatter.add.f32 [tilespmem:s18], [sflag:$0x2], $0x10, s31, s17, $0xb8;
	[tilespmem:$0x7A30] =	vst v63  }
0x4c: {  	_ =	swait.ge [sflag:s15], $0x500  }
0x4d: {  	s21 =	simm.s32 $0x140;
	s22 =	simm.s32 $0x280;
	[sflag:s15] =	ssyncset.done $0x0  }
.LBB2_6:
0x4e: {  	s23 =	sshra.s32 s21, $0x2  }
0x4f: {  	[sflag:s15] =	ssyncadd.s32 $0xFFFFFB00;
	s21 =	smov.u32 s22;
	s24 =	sadd.s32 $0x140, s22  }
0x50: {  	[tilespmem:s18], [sflag:$0x1] =	stream.indirect.gather [hbm4b:s5+s17], $0x10, s23, s17, $0xb8;
	[tilespmem:$0x7A30] =	vst v63  }
0x51: {  	p1 =	sne.s32 s22, $0x9B00;
	_ =	swait.ge [sflag:s19], $0x500  }
.Ltmp5:
0x52: {  	[sflag:s19] =	ssyncset.done $0x0;
	(pc) =	sbr.rel @p1 .LBB2_6-.Ltmp5, $4  }
0x53: {  	s22 =	sadd.s32 $0x2710, s23;
	[sflag:s19] =	ssyncadd.s32 $0xFFFFFB00  }
0x54: {  	[spmem:s2] =	stream.indirect.scatter.add.f32 [tilespmem:s18], [sflag:$0x2], $0x10, s22, s17, $0xb8;
	[tilespmem:$0x7A30] =	vst v63  }
0x55: {  	_ =	swait.ge [sflag:s15], $0x500  }
0x56: {  	s22 =	smov.u32 s24;
	[sflag:s15] =	ssyncset.done $0x0  }
.Ltmp6:
0x57: {  	_ = 	snop;
	(pc) =	sbr.rel .LBB2_7-.Ltmp6, $1  }
0x58: {  	_ =	sdelay $0x3  }
.LBB2_9:
0x59: {  	_ =	sfence.sel $0x180000  }
0x5a: {  	[bflag:$0x0] =	sbarrier.arrive $0xFFFF  }
0x5b: {  	p0 =	sne.s32 s1, $0x0;
	_ =	strace $0x9000004A  }
0x5c: {  	s0 =	sadd.s32 @!p0 $0x100000, s0;
	[bflag:$0x2] =	sbarrier.arrive $0xFFFF  }
0x5d: {  	[sflag:s0] =	ssyncadd.tile.s32 @!p0 $0x1;
	_ =	shalt  }
.Lfunc_end2:
_tile_overlayer_lowered:
.L_overlay_start_2:
0x5e: {  	(tag) =	ssettag $0x2  }
0x5f: {  	s0 =	rddreg [dreg:$0x0];
	s2 =	stileid.u32  }
0x60: {  	s1 =	rddreg [dreg:$0x1];
	p0 =	sne.s32 s2, $0x0  }
0x61: {  	s3 =	rddreg [dreg:$0x2];
	[bflag:$0x3] =	sbarrier.arrive $0xFFFF;
	s2 =	simm.s32 @!p0 $0x1C02  }
0x62: {  	[timem:s3], [sflag:s2] =	dma.local @!p0 [hbm:s0], s1  }
0x63: {  	s0 =	simm.s32 @!p0 $0x2  }
0x64: {  	_ =	swait.ge @!p0 [sflag:s0], s1  }
0x65: {  	s1 =	ssub.s32 @!p0 $0x0, s1;
	[sflag:s0] =	ssyncset.done @!p0 $0x0  }
0x66: {  	[sflag:s0] =	ssyncadd.s32 @!p0 s1  }
0x67: {  	[bflag:$0x3] =	sbarrier.arrive $0xFFFF  }
0x68: {  	_ =	shalt  }

// kernel: kernel.34.cloned.1.call-start
scs
__scs_entry_jumppad:
0x0: {  	(pc) =	sbr.rel $0x88, $3  }
0x1: {  	(tag) =	ssettag $0x0;
	lr =	simm.s32 $0x1  }
0x2: {  	[smem:$0x3F82] =	sst lr;
	_ =	strace $0xD0000000  }
0x3: {  	_ = 	snop  }
0x4: {  	_ = 	snop  }
0x5: {  	_ = 	snop  }
0x6: {  	_ = 	snop  }
0x7: {  	_ = 	snop  }
__scs_overlays_trampoline_lowered:
0x8: {  	[smem:$0x3F91] =	sst s0  }
0x9: {  	[smem:$0x3F92] =	sst s1  }
0xa: {  	[smem:$0x3F93] =	sst s2  }
0xb: {  	[smem:$0x3F94] =	sst s3  }
0xc: {  	[smem:$0x3F95] =	sst s4  }
0xd: {  	[smem:$0x3F96] =	sst s5  }
0xe: {  	[smem:$0x3F97] =	sst s6  }
0xf: {  	[smem:$0x3F98] =	sst s7  }
0x10: {  	[smem:$0x3F99] =	sst s8  }
0x11: {  	[smem:$0x3F9A] =	sst s9;
	s0 =	simm.s32 @!p0 $0x0  }
0x12: {  	s1 =	sld [smem:$0x3F80];
	s0 =	simm.s32 @p0 $0x1  }
0x13: {  	[smem:$0x3F9B] =	sst s0;
	s0 =	simm.s32 @!p1 $0x0  }
0x14: {  	s2 =	sld [smem:$0x3F7F];
	s0 =	simm.s32 @p1 $0x1  }
0x15: {  	[smem:$0x3F9C] =	sst s0;
	s0 =	simm.s32 @!p2 $0x0  }
0x16: {  	s3 =	sld [smem:$0x3FDB];
	s0 =	simm.s32 @p2 $0x1  }
0x17: {  	s4 =	simm.s32 $0x1BF5;
	[smem:$0x3F9E] =	sst s0  }
0x18: {  	s0 =	sld [smem:$0x3F81];
	_ =	swait.ge [sflag:s4], $0x0  }
0x19: {  	s7 =	sld [smem:$0x3F82]  }
0x1a: {  	s8 =	sadd.s32 $0xFFFFE003, lr  }
0x1b: {  	s9 =	sadd.s32 $0xFFFFFEF7, lr;
	s5 =	simm.s32 $0xFFFFFFFF;
	p2 =	slt.u32 s8, $0xFFFFF086  }
0x1c: {  	p1 =	slt.u32 s9, $0xF7A;
	s5 =	simm.s32 @!p2 $0x0  }
0x1d: {  	s5 =	simm.s32 @p1 $0x1;
	p0 =	seq.s32 s7, s2  }
0x1e: {  	s7 =	smul.u32 @!p0 $0xF7A, s2;
	p2 =	seq.s32 @!p0 s5, $0x0  }
0x1f: {  	s9 =	smul.u32 $0xF7A, s1;
	s8 =	simm.s32 @!p0 $0x1BF5;
	p2 =	por !p2, p0  }
0x20: {  	[sflag:s8] =	ssyncset.s32 @!p0 $0xFFFFF086;
	s6 =	sadd.s32 @!p0 s3, s7;
	s7 =	simm.s32 @!p0 $0x108  }
0x21: {  	s3 =	sadd.s32 s3, s9;
	s6 =	sadd.s32 @!p0 $0x88, s6;
	s7 =	simm.s32 @p2 $0x1082  }
0x22: {  	[simem:s7], [sflag:s8] =	dma.local @!p0 [hbm:s6], $0xF7A  }
0x23: {  	s9 =	sor.u32 $0xD0000000, s2;
	s6 =	simm.s32 $0x108;
	_ =	swait.ge @!p0 [sflag:s8], $0x0  }
0x24: {  	s3 =	sadd.s32 $0x88, s3;
	s6 =	simm.s32 @!p1 $0x1082;
	[sflag:s4] =	ssyncset.s32 $0xFFFFF086  }
0x25: {  	[simem:s6], [sflag:s4] =	dma.local [hbm:s3], $0xF7A  }
0x26: {  	[smem:$0x3F82] =	sst s1;
	(tag) =	ssettag s2;
	_ =	strace s9  }
0x27: {  	s1 =	sld [smem:$0x3F92]  }
0x28: {  	s2 =	sld [smem:$0x3F93]  }
0x29: {  	s4 =	sld [smem:$0x3F95]  }
0x2a: {  	p0 =	seq.s32 s5, $0x0;
	s5 =	sld [smem:$0x3F96]  }
0x2b: {  	s6 =	sld [smem:$0x3F97]  }
0x2c: {  	s7 =	sld [smem:$0x3F98]  }
0x2d: {  	s3 =	simm.s32 $0x108;
	s8 =	sld [smem:$0x3F99]  }
0x2e: {  	s3 =	simm.s32 @!p0 $0x1082;
	s9 =	sld [smem:$0x3F9A]  }
0x2f: {  	lr =	sadd.s32 s0, s3;
	s0 =	sld [smem:$0x3F91]  }
0x30: {  	s3 =	sld [smem:$0x3F94]  }
0x31: {  	[smem:$0x3F9D] =	sst s10  }
0x32: {  	s10 =	sld [smem:$0x3F9B];
	_ =	sdelay $0x3  }
0x33: {  	p0 =	seq.s32 s10, $0x1;
	s10 =	sld [smem:$0x3F9D];
	_ =	sdelay $0x3  }
0x34: {  	[smem:$0x3F9D] =	sst s10  }
0x35: {  	s10 =	sld [smem:$0x3F9C];
	_ =	sdelay $0x3  }
0x36: {  	p1 =	seq.s32 s10, $0x1;
	s10 =	sld [smem:$0x3F9D];
	_ =	sdelay $0x3  }
0x37: {  	[smem:$0x3F9D] =	sst s10  }
0x38: {  	s10 =	sld [smem:$0x3F9E]  }
0x39: {  	_ = 	snop;
	(pc) =	sbr.ind lr, $3  }
0x3a: {  	_ = 	snop  }
0x3b: {  	_ = 	snop  }
0x3c: {  	p2 =	seq.s32 s10, $0x1;
	s10 =	sld [smem:$0x3F9D]  }
0x3d: {  	_ =	shalt  }
0x3e: {  	_ =	shalt  }
0x3f: {  	_ =	shalt  }
0x40: {  	_ =	shalt  }
0x41: {  	_ =	shalt  }
0x42: {  	_ =	shalt  }
0x43: {  	_ =	shalt  }
0x44: {  	_ =	shalt  }
0x45: {  	_ =	shalt  }
0x46: {  	_ =	shalt  }
0x47: {  	_ =	shalt  }
0x48: {  	_ =	shalt  }
0x49: {  	_ =	shalt  }
0x4a: {  	_ =	shalt  }
0x4b: {  	_ =	shalt  }
0x4c: {  	_ =	shalt  }
0x4d: {  	_ =	shalt  }
0x4e: {  	_ =	shalt  }
0x4f: {  	_ =	shalt  }
0x50: {  	_ =	shalt  }
0x51: {  	_ =	shalt  }
0x52: {  	_ =	shalt  }
0x53: {  	_ =	shalt  }
0x54: {  	_ =	shalt  }
0x55: {  	_ =	shalt  }
0x56: {  	_ =	shalt  }
0x57: {  	_ =	shalt  }
0x58: {  	_ =	shalt  }
0x59: {  	_ =	shalt  }
0x5a: {  	_ =	shalt  }
0x5b: {  	_ =	shalt  }
0x5c: {  	_ =	shalt  }
0x5d: {  	_ =	shalt  }
0x5e: {  	_ =	shalt  }
0x5f: {  	_ =	shalt  }
0x60: {  	_ =	shalt  }
0x61: {  	_ =	shalt  }
0x62: {  	_ =	shalt  }
0x63: {  	_ =	shalt  }
0x64: {  	_ =	shalt  }
0x65: {  	_ =	shalt  }
0x66: {  	_ =	shalt  }
0x67: {  	_ =	shalt  }
0x68: {  	_ =	shalt  }
0x69: {  	_ =	shalt  }
0x6a: {  	_ =	shalt  }
0x6b: {  	_ =	shalt  }
0x6c: {  	_ =	shalt  }
0x6d: {  	_ =	shalt  }
0x6e: {  	_ =	shalt  }
0x6f: {  	_ =	shalt  }
0x70: {  	_ =	shalt  }
0x71: {  	_ =	shalt  }
0x72: {  	_ =	shalt  }
0x73: {  	_ =	shalt  }
0x74: {  	_ =	shalt  }
0x75: {  	_ =	shalt  }
0x76: {  	_ =	shalt  }
0x77: {  	_ =	shalt  }
0x78: {  	_ =	shalt  }
0x79: {  	_ =	shalt  }
0x7a: {  	_ =	shalt  }
0x7b: {  	_ =	shalt  }
0x7c: {  	_ =	shalt  }
0x7d: {  	_ =	shalt  }
0x7e: {  	_ =	shalt  }
0x7f: {  	_ =	shalt  }
0x80: {  	_ =	shalt  }
0x81: {  	_ =	shalt  }
0x82: {  	_ =	shalt  }
0x83: {  	_ =	shalt  }
0x84: {  	_ =	shalt  }
0x85: {  	_ =	shalt  }
0x86: {  	_ =	shalt  }
0x87: {  	_ =	shalt  }
.Lfunc_end0:
.L_simem_size_0:
called_computation.2_lowered:
.L_overlay_start_0:
0x88: {  	s2 =	sld [smem:$0x3FD9]  }
0x89: {  	s3 =	sld [smem:$0x3FFE];
	_ =	sdelay $0x1  }
0x8a: {  	s1 =	srdreg.scid  }
0x8b: {  	s0 =	sand.u32 $0x1, s1  }
0x8c: {  	s16 =	sshll.u32 s0, $0xA;
	s2 =	sadd.s32 s3, s2  }
0x8d: {  	s2 =	sadd.s32 s2, s16  }
0x8e: {  	[smem:$0x3FA9] =	sst s2  }
0x8f: {  	_ = 	snop  }
0x90: {  	(tm) =	ssettm $0x1  }
0x91: {  	s17 =	sld [smem:$0x3FFB];
	_ =	sdelay $0x3  }
0x92: {  	_ =	strace s17  }
0x93: {  	s2 =	sld [smem:$0x3FFC];
	_ =	sdelay $0x3  }
0x94: {  	_ =	strace s2  }
0x95: {  	s2 =	sld [smem:$0x3FFD];
	_ =	sdelay $0x3  }
0x96: {  	_ =	strace s2  }
0x97: {  	_ =	strace $0x8FFFFFFF  }
0x98: {  	s18 =	sld [smem:$0x3FDB];
	_ =	sdelay $0x1  }
0x99: {  	s19 =	simm.s32 $_scs_section_size  }
0x9a: {  	s4 =	simm.s32 $_size__tile_overlayer_lowered;
	s5 =	simm.s32 $_tile_overlayer_lowered  }
0x9b: {  	s22 =	simm.s32 $0x1BFF;
	s21 =	sshll.u32 s5, $0x1;
	s2 =	sadd.s32 s19, s18  }
0x9c: {  	s6 =	simm.s32 $0x0;
	s20 =	sshll.u32 s4, $0x1;
	s4 =	sadd.s32 s21, s2  }
0x9d: {  	[timem:s6], [sflag:s22] =	dma.local [hbm:s4], s20  }
0x9e: {  	_ =	swait.ge [sflag:s22], s20  }
0x9f: {  	s3 =	ssub.s32 $0x0, s20;
	[sflag:s22] =	ssyncset.done $0x0  }
0xa0: {  	[sflag:s22] =	ssyncadd.s32 s3;
	_ =	sdelay $0x1  }
0xa1: {  	s23 =	simm.s32 $0x1B8B  }
0xa2: {  	_ =	swait.ge [sflag:s23], $0x1  }
0xa3: {  	[sflag:s23] =	ssyncset.done $0x0  }
0xa4: {  	s25 =	simm.s32 $0x1B8E;
	s24 =	sld [smem:$0x3FFE];
	[sflag:s23] =	ssyncadd.s32 $0xFFFFFFFF  }
0xa5: {  	s26 =	simm.s32 $execute0_lowered;
	[smem:$0x3FD2] =	sst s25  }
0xa6: {  	s4 =	sshll.u32 s26, $0x1;
	_ =	strace $0x8000004C;
	[dreg:$0x1] =	wrdreg $0xFFFFFFFF  }
0xa7: {  	s28 =	simm.s32 $_size_execute0_lowered;
	s2 =	sadd.s32 s2, s4;
	[dreg:$0x0] =	wrdreg $0x0  }
0xa8: {  	s4 =	sshll.u32 s28, $0x1;
	[dreg:$0x2] =	wrdreg s2  }
0xa9: {  	[dreg:$0x3] =	wrdreg s4  }
0xaa: {  	[dreg:$0x4] =	wrdreg $0xC0  }
0xab: {  	_ =	task [dreg:s6], $0x5FFFF  }
0xac: {  	[dreg:$0x1] =	wrdreg $0xFFFFFFFF  }
0xad: {  	[dreg:$0x0] =	wrdreg $0x60  }
0xae: {  	[dreg:$0x2] =	wrdreg s24  }
0xaf: {  	[dreg:$0x3] =	wrdreg $0x58200  }
0xb0: {  	[dreg:$0x4] =	wrdreg $0x9  }
0xb1: {  	_ =	task.clear_ibuf [dreg:s6], $0x5FFFF;
	_ =	strace $0x9000004C  }
0xb2: {  	s29 =	simm.s32 $0x9;
	_ =	strace $0x8000004E  }
0xb3: {  	_ =	swait.ge [sflag:s29], $0x1  }
0xb4: {  	[sflag:s29] =	ssyncadd.s32 $0xFFFFFFFF  }
0xb5: {  	_ =	strace $0x9000004E  }
0xb6: {  	_ =	sfence  }
0xb7: {  	s30 =	sld [smem:$0x0];
	_ =	sdelay $0x2  }
0xb8: {  	s31 =	sshll.u32 s1, $0xD;
	s1 =	sshrl.u32 s1, $0x2  }
0xb9: {  	s3 =	sand.u32 $0x4000, s31;
	s1 =	sadd.s32 s1, s30  }
0xba: {  	s0 =	sor.u32 s3, s0;
	s1 =	sshll.u32 s1, $0x11  }
0xbb: {  	s0 =	sor.u32 s1, s0  }
0xbc: {  	s0 =	sadd.s32 $0x8F2B, s0  }
0xbd: {  	[sflag:s0] =	ssyncadd.remote.s32 $0x1  }
0xbe: {  	_ =	sfence.sel $0xFFFF  }
0xbf: {  	[dreg:$0x0] =	wrdreg $0xFFFFFFFF;
	(pc) =	sbr.abs _section_cstart, $3  }
0xc0: {  	[dreg:$0x1] =	wrdreg $0xFFFFFFFF  }
0xc1: {  	_ =	task.clear_ibuf [dreg:s6], $0x2FFFF;
	_ =	strace $0x9FFFFFFF  }
0xc2: {  	(tm) =	ssettm $0x7FFFFFFF  }
0xc3: {  	_ =	shalt  }
tec
execute0_lowered:
.L_overlay_start_1:
0x0: {  	(tag) =	ssettag $0x1  }
0x1: {  	s8 =	rddreg [dreg:$0x0]  }
0x2: {  	s2 =	rddreg [dreg:$0x1]  }
0x3: {  	s0 =	rddreg [dreg:$0x2]  }
0x4: {  	s3 =	simm.s32 $0x0;
	s1 =	stileid.u32;
	s9 =	srdreg.scid  }
0x5: {  	s16 =	simm.s32 $0x2710;
	s17 =	simm.s32 $0x50;
	s18 =	simm.s32 $0x4E20  }
0x6: {  	s19 =	simm.s32 $0x1;
	s20 =	simm.s32 $0x0;
	s6 =	smul.u32 $0x280, s1  }
0x7: {  	[smem:$0x7FF] =	sst s3;
	s4 =	sadd.s32 $0x1D400, s8;
	s7 =	smul.u32 $0x4E2, s1  }
0x8: {  	s5 =	sadd.s32 $0x13600, s8;
	s14 =	sand.u32 $0x1, s9;
	s31 =	sshll.u32 s1, $0x6  }
0x9: {  	_ =	strace $0x8000004D;
	s9 =	ssub.s32 $0x2, s14;
	p0 =	sne.s32 s14, $0x0  }
0xa: {  	s10 =	smin.u32 s6, $0x2490;
	s12 =	sadd.s32 s7, s8;
	s7 =	sadd.s32 $0x3AE00, s8  }
.Ltmp0:
0xb: {  	s13 =	sshrl.u32 s9, $0x1;
	s6 =	sshll.u32 s10, $0x2;
	(pc) =	sbr.rel .LBB2_1-.Ltmp0, $4  }
0xc: {  	s13 =	ssub.s32 s9, s13;
	s30 =	sshll.u32 s10, $0x5;
	s10 =	sor.u32 $0x1C02, s31  }
0xd: {  	s11 =	sadd.s32 s6, s8;
	s8 =	sadd.s32 $0x31000, s8;
	s15 =	sadd.s32 s30, s2  }
0xe: {  	s13 =	smax.u32 s13, $0x1;
	s9 =	sadd.s32 $0x27200, s11;
	s11 =	sadd.s32 $0x9600, s12  }
0xf: {  	s12 =	sadd.s32 $0xE600, s12;
	s14 =	sshrl.u32 s15, $0x3;
	s15 =	simm.s32 $0x2  }
.LBB2_7:
0x10: {  	s21 =	sshra.s32 s21, $0x2;
	[sflag:s15] =	ssyncadd.s32 $0xFFFFF600  }
0x11: {  	[tilespmem:s18], [sflag:$0x1] =	stream.indirect.gather [hbm4b:s5+s17], $0x20, s21, s17, $0xb8;
	[tilespmem:$0xA640] =	vst v63  }
0x12: {  	_ =	swait.ge [sflag:s19], $0xA00  }
0x13: {  	[sflag:s19] =	ssyncset.done $0x0  }
0x14: {  	s21 =	sadd.s32 $0x2710, s21;
	[sflag:s19] =	ssyncadd.s32 $0xFFFFF600  }
0x15: {  	[spmem:s2] =	stream.indirect.scatter.add.f32 [tilespmem:s18], [sflag:$0x2], $0x20, s21, s17, $0xb8;
	[tilespmem:$0xA640] =	vst v63  }
0x16: {  	_ =	swait.ge [sflag:s15], $0xA00  }
0x17: {  	[sflag:s15] =	ssyncset.done $0x0  }
0x18: {  	s21 =	smov.u32 s8;
	[sflag:s15] =	ssyncadd.s32 $0xFFFFF600  }
.LBB2_8:
0x19: {  	s20 =	sadd.s32 $0x1, s20  }
0x1a: {  	p1 =	sne.s32 s20, s13  }
.Ltmp1:
0x1b: {  	s21 =	sadd.s32 s21, s6;
	[bflag:$0x0] =	sbarrier.arrive $0xFFFF;
	(pc) =	sbr.rel @!p1 .LBB2_9-.Ltmp1, $4  }
0x1c: {  	[hbm:s21], [sflag:s10] =	dma.local [spmem:s14], $0xA00  }
0x1d: {  	_ =	swait.ge [sflag:s15], $0xA00  }
0x1e: {  	[sflag:s15] =	ssyncset.done $0x0  }
0x1f: {  	[sflag:s15] =	ssyncadd.s32 $0xFFFFF600  }
.LBB2_1:
0x20: {  	[spmem:s14], [sflag:s10] =	dma.local [hbm:s9], $0xA00  }
0x21: {  	_ =	swait.ge [sflag:s15], $0xA00  }
0x22: {  	[sflag:s15] =	ssyncset.done $0x0  }
0x23: {  	[sflag:s15] =	ssyncadd.s32 $0xFFFFF600  }
0x24: {  	[tilespmem:s3], [sflag:$0x2] =	stream.linear.gather [hbm4b:s11+s3], $0x2710, $0x38;
	[tilespmem:$0xA640] =	vst v63  }
0x25: {  	_ =	swait.ge [sflag:s15], $0x2710  }
0x26: {  	[sflag:s15] =	ssyncset.done $0x0  }
0x27: {  	[sflag:s15] =	ssyncadd.s32 $0xFFFFD8F0  }
0x28: {  	[tilespmem:s16], [sflag:$0x2] =	stream.linear.gather [hbm4b:s12+s3], $0x2710, $0x38;
	[tilespmem:$0xA640] =	vst v63  }
.Ltmp2:
0x29: {  	_ =	swait.ge [sflag:s15], $0x2710;
	(pc) =	sbr.rel @p0 .LBB2_5-.Ltmp2, $4  }
0x2a: {  	[sflag:s15] =	ssyncset.done $0x0  }
0x2b: {  	[sflag:s15] =	ssyncadd.s32 $0xFFFFD8F0  }
0x2c: {  	[bflag:$0x0] =	sbarrier.arrive $0xFFFF  }
0x2d: {  	s21 =	simm.s32 $0x0  }
0x2e: {  	[tilespmem:s18], [sflag:$0x1] =	stream.indirect.gather [hbm4b:s4+s17], $0x20, s21, s17, $0xb8;
	[tilespmem:$0xA640] =	vst v63  }
0x2f: {  	_ =	swait.ge [sflag:s19], $0xA00  }
0x30: {  	[sflag:s19] =	ssyncset.done $0x0  }
0x31: {  	s31 =	simm.s32 $0x2710;
	[sflag:s19] =	ssyncadd.s32 $0xFFFFF600  }
0x32: {  	[spmem:s2] =	stream.indirect.scatter.add.f32 [tilespmem:s18], [sflag:$0x2], $0x20, s31, s17, $0xb8;
	[tilespmem:$0xA640] =	vst v63  }
0x33: {  	_ =	swait.ge [sflag:s15], $0xA00  }
0x34: {  	s21 =	simm.s32 $0x140;
	s22 =	simm.s32 $0x280;
	[sflag:s15] =	ssyncset.done $0x0  }
.LBB2_3:
0x35: {  	s23 =	sshra.s32 s21, $0x2  }
0x36: {  	[sflag:s15] =	ssyncadd.s32 $0xFFFFF600;
	s21 =	smov.u32 s22;
	s24 =	sadd.s32 $0x140, s22  }
0x37: {  	[tilespmem:s18], [sflag:$0x1] =	stream.indirect.gather [hbm4b:s4+s17], $0x20, s23, s17, $0xb8;
	[tilespmem:$0xA640] =	vst v63  }
0x38: {  	p1 =	seq.s32 s22, $0x9B00;
	_ =	swait.ge [sflag:s19], $0xA00  }
.Ltmp3:
0x39: {  	[sflag:s19] =	ssyncset.done $0x0;
	(pc) =	sbr.rel @!p1 .LBB2_3-.Ltmp3, $4  }
0x3a: {  	s22 =	sadd.s32 $0x2710, s23;
	[sflag:s19] =	ssyncadd.s32 $0xFFFFF600  }
0x3b: {  	[spmem:s2] =	stream.indirect.scatter.add.f32 [tilespmem:s18], [sflag:$0x2], $0x20, s22, s17, $0xb8;
	[tilespmem:$0xA640] =	vst v63  }
0x3c: {  	_ =	swait.ge [sflag:s15], $0xA00  }
0x3d: {  	s22 =	smov.u32 s24;
	[sflag:s15] =	ssyncset.done $0x0  }
0x3e: {  	s21 =	sshra.s32 s21, $0x2;
	[sflag:s15] =	ssyncadd.s32 $0xFFFFF600  }
0x3f: {  	[tilespmem:s18], [sflag:$0x1] =	stream.indirect.gather [hbm4b:s4+s17], $0x20, s21, s17, $0xb8;
	[tilespmem:$0xA640] =	vst v63  }
0x40: {  	_ =	swait.ge [sflag:s19], $0xA00  }
0x41: {  	[sflag:s19] =	ssyncset.done $0x0  }
.Ltmp4:
0x42: {  	s21 =	sadd.s32 $0x2710, s21;
	[sflag:s19] =	ssyncadd.s32 $0xFFFFF600;
	(pc) =	sbr.rel .LBB2_8-.Ltmp4, $4  }
0x43: {  	[spmem:s2] =	stream.indirect.scatter.add.f32 [tilespmem:s18], [sflag:$0x2], $0x20, s21, s17, $0xb8;
	[tilespmem:$0xA640] =	vst v63  }
0x44: {  	_ =	swait.ge [sflag:s15], $0xA00  }
0x45: {  	[sflag:s15] =	ssyncset.done $0x0  }
0x46: {  	s21 =	smov.u32 s7;
	[sflag:s15] =	ssyncadd.s32 $0xFFFFF600  }
.LBB2_5:
0x47: {  	[tilespmem:s18], [sflag:$0x1] =	stream.indirect.gather [hbm4b:s5+s17], $0x20, s21, s17, $0xb8;
	[tilespmem:$0xA640] =	vst v63  }
0x48: {  	_ =	swait.ge [sflag:s19], $0xA00  }
0x49: {  	[sflag:s19] =	ssyncset.done $0x0  }
0x4a: {  	s31 =	simm.s32 $0x2710;
	[sflag:s19] =	ssyncadd.s32 $0xFFFFF600  }
0x4b: {  	[spmem:s2] =	stream.indirect.scatter.add.f32 [tilespmem:s18], [sflag:$0x2], $0x20, s31, s17, $0xb8;
	[tilespmem:$0xA640] =	vst v63  }
0x4c: {  	_ =	swait.ge [sflag:s15], $0xA00  }
0x4d: {  	s21 =	simm.s32 $0x140;
	s22 =	simm.s32 $0x280;
	[sflag:s15] =	ssyncset.done $0x0  }
.LBB2_6:
0x4e: {  	s23 =	sshra.s32 s21, $0x2  }
0x4f: {  	[sflag:s15] =	ssyncadd.s32 $0xFFFFF600;
	s21 =	smov.u32 s22;
	s24 =	sadd.s32 $0x140, s22  }
0x50: {  	[tilespmem:s18], [sflag:$0x1] =	stream.indirect.gather [hbm4b:s5+s17], $0x20, s23, s17, $0xb8;
	[tilespmem:$0xA640] =	vst v63  }
0x51: {  	p1 =	sne.s32 s22, $0x9B00;
	_ =	swait.ge [sflag:s19], $0xA00  }
.Ltmp5:
0x52: {  	[sflag:s19] =	ssyncset.done $0x0;
	(pc) =	sbr.rel @p1 .LBB2_6-.Ltmp5, $4  }
0x53: {  	s22 =	sadd.s32 $0x2710, s23;
	[sflag:s19] =	ssyncadd.s32 $0xFFFFF600  }
0x54: {  	[spmem:s2] =	stream.indirect.scatter.add.f32 [tilespmem:s18], [sflag:$0x2], $0x20, s22, s17, $0xb8;
	[tilespmem:$0xA640] =	vst v63  }
0x55: {  	_ =	swait.ge [sflag:s15], $0xA00  }
0x56: {  	s22 =	smov.u32 s24;
	[sflag:s15] =	ssyncset.done $0x0  }
.Ltmp6:
0x57: {  	_ = 	snop;
	(pc) =	sbr.rel .LBB2_7-.Ltmp6, $1  }
0x58: {  	_ =	sdelay $0x3  }
.LBB2_9:
0x59: {  	_ =	sfence.sel $0x180000  }
0x5a: {  	[bflag:$0x0] =	sbarrier.arrive $0xFFFF  }
0x5b: {  	p0 =	sne.s32 s1, $0x0;
	_ =	strace $0x9000004D  }
0x5c: {  	s0 =	sadd.s32 @!p0 $0x100000, s0;
	[bflag:$0x2] =	sbarrier.arrive $0xFFFF  }
0x5d: {  	[sflag:s0] =	ssyncadd.tile.s32 @!p0 $0x1;
	_ =	shalt  }
.Lfunc_end2:
_tile_overlayer_lowered:
.L_overlay_start_2:
0x5e: {  	(tag) =	ssettag $0x2  }
0x5f: {  	s0 =	rddreg [dreg:$0x0];
	s2 =	stileid.u32  }
0x60: {  	s1 =	rddreg [dreg:$0x1];
	p0 =	sne.s32 s2, $0x0  }
0x61: {  	s3 =	rddreg [dreg:$0x2];
	[bflag:$0x3] =	sbarrier.arrive $0xFFFF;
	s2 =	simm.s32 @!p0 $0x1C02  }
0x62: {  	[timem:s3], [sflag:s2] =	dma.local @!p0 [hbm:s0], s1  }
0x63: {  	s0 =	simm.s32 @!p0 $0x2  }
0x64: {  	_ =	swait.ge @!p0 [sflag:s0], s1  }
0x65: {  	s1 =	ssub.s32 @!p0 $0x0, s1;
	[sflag:s0] =	ssyncset.done @!p0 $0x0  }
0x66: {  	[sflag:s0] =	ssyncadd.s32 @!p0 s1  }
0x67: {  	[bflag:$0x3] =	sbarrier.arrive $0xFFFF  }
0x68: {  	_ =	shalt  }

// kernel: kernel.37.cloned.1.call-start
scs
__scs_entry_jumppad:
0x0: {  	(pc) =	sbr.rel $0x88, $3  }
0x1: {  	(tag) =	ssettag $0x0;
	lr =	simm.s32 $0x1  }
0x2: {  	[smem:$0x3F82] =	sst lr;
	_ =	strace $0xD0000000  }
0x3: {  	_ = 	snop  }
0x4: {  	_ = 	snop  }
0x5: {  	_ = 	snop  }
0x6: {  	_ = 	snop  }
0x7: {  	_ = 	snop  }
__scs_overlays_trampoline_lowered:
0x8: {  	[smem:$0x3F91] =	sst s0  }
0x9: {  	[smem:$0x3F92] =	sst s1  }
0xa: {  	[smem:$0x3F93] =	sst s2  }
0xb: {  	[smem:$0x3F94] =	sst s3  }
0xc: {  	[smem:$0x3F95] =	sst s4  }
0xd: {  	[smem:$0x3F96] =	sst s5  }
0xe: {  	[smem:$0x3F97] =	sst s6  }
0xf: {  	[smem:$0x3F98] =	sst s7  }
0x10: {  	[smem:$0x3F99] =	sst s8  }
0x11: {  	[smem:$0x3F9A] =	sst s9;
	s0 =	simm.s32 @!p0 $0x0  }
0x12: {  	s1 =	sld [smem:$0x3F80];
	s0 =	simm.s32 @p0 $0x1  }
0x13: {  	[smem:$0x3F9B] =	sst s0;
	s0 =	simm.s32 @!p1 $0x0  }
0x14: {  	s2 =	sld [smem:$0x3F7F];
	s0 =	simm.s32 @p1 $0x1  }
0x15: {  	[smem:$0x3F9C] =	sst s0;
	s0 =	simm.s32 @!p2 $0x0  }
0x16: {  	s3 =	sld [smem:$0x3FDB];
	s0 =	simm.s32 @p2 $0x1  }
0x17: {  	s4 =	simm.s32 $0x1BF5;
	[smem:$0x3F9E] =	sst s0  }
0x18: {  	s0 =	sld [smem:$0x3F81];
	_ =	swait.ge [sflag:s4], $0x0  }
0x19: {  	s7 =	sld [smem:$0x3F82]  }
0x1a: {  	s8 =	sadd.s32 $0xFFFFE003, lr  }
0x1b: {  	s9 =	sadd.s32 $0xFFFFFEF7, lr;
	s5 =	simm.s32 $0xFFFFFFFF;
	p2 =	slt.u32 s8, $0xFFFFF086  }
0x1c: {  	p1 =	slt.u32 s9, $0xF7A;
	s5 =	simm.s32 @!p2 $0x0  }
0x1d: {  	s5 =	simm.s32 @p1 $0x1;
	p0 =	seq.s32 s7, s2  }
0x1e: {  	s7 =	smul.u32 @!p0 $0xF7A, s2;
	p2 =	seq.s32 @!p0 s5, $0x0  }
0x1f: {  	s9 =	smul.u32 $0xF7A, s1;
	s8 =	simm.s32 @!p0 $0x1BF5;
	p2 =	por !p2, p0  }
0x20: {  	[sflag:s8] =	ssyncset.s32 @!p0 $0xFFFFF086;
	s6 =	sadd.s32 @!p0 s3, s7;
	s7 =	simm.s32 @!p0 $0x108  }
0x21: {  	s3 =	sadd.s32 s3, s9;
	s6 =	sadd.s32 @!p0 $0x88, s6;
	s7 =	simm.s32 @p2 $0x1082  }
0x22: {  	[simem:s7], [sflag:s8] =	dma.local @!p0 [hbm:s6], $0xF7A  }
0x23: {  	s9 =	sor.u32 $0xD0000000, s2;
	s6 =	simm.s32 $0x108;
	_ =	swait.ge @!p0 [sflag:s8], $0x0  }
0x24: {  	s3 =	sadd.s32 $0x88, s3;
	s6 =	simm.s32 @!p1 $0x1082;
	[sflag:s4] =	ssyncset.s32 $0xFFFFF086  }
0x25: {  	[simem:s6], [sflag:s4] =	dma.local [hbm:s3], $0xF7A  }
0x26: {  	[smem:$0x3F82] =	sst s1;
	(tag) =	ssettag s2;
	_ =	strace s9  }
0x27: {  	s1 =	sld [smem:$0x3F92]  }
0x28: {  	s2 =	sld [smem:$0x3F93]  }
0x29: {  	s4 =	sld [smem:$0x3F95]  }
0x2a: {  	p0 =	seq.s32 s5, $0x0;
	s5 =	sld [smem:$0x3F96]  }
0x2b: {  	s6 =	sld [smem:$0x3F97]  }
0x2c: {  	s7 =	sld [smem:$0x3F98]  }
0x2d: {  	s3 =	simm.s32 $0x108;
	s8 =	sld [smem:$0x3F99]  }
0x2e: {  	s3 =	simm.s32 @!p0 $0x1082;
	s9 =	sld [smem:$0x3F9A]  }
0x2f: {  	lr =	sadd.s32 s0, s3;
	s0 =	sld [smem:$0x3F91]  }
0x30: {  	s3 =	sld [smem:$0x3F94]  }
0x31: {  	[smem:$0x3F9D] =	sst s10  }
0x32: {  	s10 =	sld [smem:$0x3F9B];
	_ =	sdelay $0x3  }
0x33: {  	p0 =	seq.s32 s10, $0x1;
	s10 =	sld [smem:$0x3F9D];
	_ =	sdelay $0x3  }
0x34: {  	[smem:$0x3F9D] =	sst s10  }
0x35: {  	s10 =	sld [smem:$0x3F9C];
	_ =	sdelay $0x3  }
0x36: {  	p1 =	seq.s32 s10, $0x1;
	s10 =	sld [smem:$0x3F9D];
	_ =	sdelay $0x3  }
0x37: {  	[smem:$0x3F9D] =	sst s10  }
0x38: {  	s10 =	sld [smem:$0x3F9E]  }
0x39: {  	_ = 	snop;
	(pc) =	sbr.ind lr, $3  }
0x3a: {  	_ = 	snop  }
0x3b: {  	_ = 	snop  }
0x3c: {  	p2 =	seq.s32 s10, $0x1;
	s10 =	sld [smem:$0x3F9D]  }
0x3d: {  	_ =	shalt  }
0x3e: {  	_ =	shalt  }
0x3f: {  	_ =	shalt  }
0x40: {  	_ =	shalt  }
0x41: {  	_ =	shalt  }
0x42: {  	_ =	shalt  }
0x43: {  	_ =	shalt  }
0x44: {  	_ =	shalt  }
0x45: {  	_ =	shalt  }
0x46: {  	_ =	shalt  }
0x47: {  	_ =	shalt  }
0x48: {  	_ =	shalt  }
0x49: {  	_ =	shalt  }
0x4a: {  	_ =	shalt  }
0x4b: {  	_ =	shalt  }
0x4c: {  	_ =	shalt  }
0x4d: {  	_ =	shalt  }
0x4e: {  	_ =	shalt  }
0x4f: {  	_ =	shalt  }
0x50: {  	_ =	shalt  }
0x51: {  	_ =	shalt  }
0x52: {  	_ =	shalt  }
0x53: {  	_ =	shalt  }
0x54: {  	_ =	shalt  }
0x55: {  	_ =	shalt  }
0x56: {  	_ =	shalt  }
0x57: {  	_ =	shalt  }
0x58: {  	_ =	shalt  }
0x59: {  	_ =	shalt  }
0x5a: {  	_ =	shalt  }
0x5b: {  	_ =	shalt  }
0x5c: {  	_ =	shalt  }
0x5d: {  	_ =	shalt  }
0x5e: {  	_ =	shalt  }
0x5f: {  	_ =	shalt  }
0x60: {  	_ =	shalt  }
0x61: {  	_ =	shalt  }
0x62: {  	_ =	shalt  }
0x63: {  	_ =	shalt  }
0x64: {  	_ =	shalt  }
0x65: {  	_ =	shalt  }
0x66: {  	_ =	shalt  }
0x67: {  	_ =	shalt  }
0x68: {  	_ =	shalt  }
0x69: {  	_ =	shalt  }
0x6a: {  	_ =	shalt  }
0x6b: {  	_ =	shalt  }
0x6c: {  	_ =	shalt  }
0x6d: {  	_ =	shalt  }
0x6e: {  	_ =	shalt  }
0x6f: {  	_ =	shalt  }
0x70: {  	_ =	shalt  }
0x71: {  	_ =	shalt  }
0x72: {  	_ =	shalt  }
0x73: {  	_ =	shalt  }
0x74: {  	_ =	shalt  }
0x75: {  	_ =	shalt  }
0x76: {  	_ =	shalt  }
0x77: {  	_ =	shalt  }
0x78: {  	_ =	shalt  }
0x79: {  	_ =	shalt  }
0x7a: {  	_ =	shalt  }
0x7b: {  	_ =	shalt  }
0x7c: {  	_ =	shalt  }
0x7d: {  	_ =	shalt  }
0x7e: {  	_ =	shalt  }
0x7f: {  	_ =	shalt  }
0x80: {  	_ =	shalt  }
0x81: {  	_ =	shalt  }
0x82: {  	_ =	shalt  }
0x83: {  	_ =	shalt  }
0x84: {  	_ =	shalt  }
0x85: {  	_ =	shalt  }
0x86: {  	_ =	shalt  }
0x87: {  	_ =	shalt  }
.Lfunc_end0:
.L_simem_size_0:
called_computation.3_lowered:
.L_overlay_start_0:
0x88: {  	s2 =	sld [smem:$0x3FD9]  }
0x89: {  	s3 =	sld [smem:$0x3FFE];
	_ =	sdelay $0x1  }
0x8a: {  	s1 =	srdreg.scid  }
0x8b: {  	s0 =	sand.u32 $0x1, s1  }
0x8c: {  	s16 =	sshll.u32 s0, $0xA;
	s2 =	sadd.s32 s3, s2  }
0x8d: {  	s2 =	sadd.s32 s2, s16  }
0x8e: {  	[smem:$0x3FA9] =	sst s2  }
0x8f: {  	_ = 	snop  }
0x90: {  	(tm) =	ssettm $0x1  }
0x91: {  	s17 =	sld [smem:$0x3FFB];
	_ =	sdelay $0x3  }
0x92: {  	_ =	strace s17  }
0x93: {  	s2 =	sld [smem:$0x3FFC];
	_ =	sdelay $0x3  }
0x94: {  	_ =	strace s2  }
0x95: {  	s2 =	sld [smem:$0x3FFD];
	_ =	sdelay $0x3  }
0x96: {  	_ =	strace s2  }
0x97: {  	_ =	strace $0x8FFFFFFF  }
0x98: {  	s18 =	sld [smem:$0x3FDB];
	_ =	sdelay $0x1  }
0x99: {  	s19 =	simm.s32 $_scs_section_size  }
0x9a: {  	s4 =	simm.s32 $_size__tile_overlayer_lowered;
	s5 =	simm.s32 $_tile_overlayer_lowered  }
0x9b: {  	s22 =	simm.s32 $0x1BFF;
	s21 =	sshll.u32 s5, $0x1;
	s2 =	sadd.s32 s19, s18  }
0x9c: {  	s6 =	simm.s32 $0x0;
	s20 =	sshll.u32 s4, $0x1;
	s4 =	sadd.s32 s21, s2  }
0x9d: {  	[timem:s6], [sflag:s22] =	dma.local [hbm:s4], s20  }
0x9e: {  	_ =	swait.ge [sflag:s22], s20  }
0x9f: {  	s3 =	ssub.s32 $0x0, s20;
	[sflag:s22] =	ssyncset.done $0x0  }
0xa0: {  	[sflag:s22] =	ssyncadd.s32 s3;
	_ =	sdelay $0x1  }
0xa1: {  	s23 =	simm.s32 $0x1B8B  }
0xa2: {  	_ =	swait.ge [sflag:s23], $0x1  }
0xa3: {  	[sflag:s23] =	ssyncset.done $0x0  }
0xa4: {  	s25 =	simm.s32 $0x1B8E;
	s24 =	sld [smem:$0x3FFE];
	[sflag:s23] =	ssyncadd.s32 $0xFFFFFFFF  }
0xa5: {  	s26 =	simm.s32 $execute0_lowered;
	[smem:$0x3FD2] =	sst s25  }
0xa6: {  	s4 =	sshll.u32 s26, $0x1;
	_ =	strace $0x8000004F;
	[dreg:$0x1] =	wrdreg $0xFFFFFFFF  }
0xa7: {  	s28 =	simm.s32 $_size_execute0_lowered;
	s2 =	sadd.s32 s2, s4;
	[dreg:$0x0] =	wrdreg $0x0  }
0xa8: {  	s4 =	sshll.u32 s28, $0x1;
	[dreg:$0x2] =	wrdreg s2  }
0xa9: {  	[dreg:$0x3] =	wrdreg s4  }
0xaa: {  	[dreg:$0x4] =	wrdreg $0xC0  }
0xab: {  	_ =	task [dreg:s6], $0x5FFFF  }
0xac: {  	[dreg:$0x1] =	wrdreg $0xFFFFFFFF  }
0xad: {  	[dreg:$0x0] =	wrdreg $0x60  }
0xae: {  	[dreg:$0x2] =	wrdreg s24  }
0xaf: {  	[dreg:$0x3] =	wrdreg $0x62200  }
0xb0: {  	[dreg:$0x4] =	wrdreg $0x9  }
0xb1: {  	_ =	task.clear_ibuf [dreg:s6], $0x5FFFF;
	_ =	strace $0x9000004F  }
0xb2: {  	s29 =	simm.s32 $0x9;
	_ =	strace $0x80000051  }
0xb3: {  	_ =	swait.ge [sflag:s29], $0x1  }
0xb4: {  	[sflag:s29] =	ssyncadd.s32 $0xFFFFFFFF  }
0xb5: {  	_ =	strace $0x90000051  }
0xb6: {  	_ =	sfence  }
0xb7: {  	s30 =	sld [smem:$0x0];
	_ =	sdelay $0x2  }
0xb8: {  	s31 =	sshll.u32 s1, $0xD;
	s1 =	sshrl.u32 s1, $0x2  }
0xb9: {  	s3 =	sand.u32 $0x4000, s31;
	s1 =	sadd.s32 s1, s30  }
0xba: {  	s0 =	sor.u32 s3, s0;
	s1 =	sshll.u32 s1, $0x11  }
0xbb: {  	s0 =	sor.u32 s1, s0  }
0xbc: {  	s0 =	sadd.s32 $0x8F2B, s0  }
0xbd: {  	[sflag:s0] =	ssyncadd.remote.s32 $0x1  }
0xbe: {  	_ =	sfence.sel $0xFFFF  }
0xbf: {  	[dreg:$0x0] =	wrdreg $0xFFFFFFFF;
	(pc) =	sbr.abs _section_cstart, $3  }
0xc0: {  	[dreg:$0x1] =	wrdreg $0xFFFFFFFF  }
0xc1: {  	_ =	task.clear_ibuf [dreg:s6], $0x2FFFF;
	_ =	strace $0x9FFFFFFF  }
0xc2: {  	(tm) =	ssettm $0x7FFFFFFF  }
0xc3: {  	_ =	shalt  }
tec
execute0_lowered:
.L_overlay_start_1:
0x0: {  	(tag) =	ssettag $0x1  }
0x1: {  	s8 =	rddreg [dreg:$0x0]  }
0x2: {  	s2 =	rddreg [dreg:$0x1]  }
0x3: {  	s0 =	rddreg [dreg:$0x2]  }
0x4: {  	s3 =	simm.s32 $0x0;
	s1 =	stileid.u32;
	s9 =	srdreg.scid  }
0x5: {  	s16 =	simm.s32 $0x2710;
	s17 =	simm.s32 $0x50;
	s18 =	simm.s32 $0x4E20  }
0x6: {  	s19 =	simm.s32 $0x1;
	s20 =	simm.s32 $0x0;
	s6 =	smul.u32 $0x280, s1  }
0x7: {  	[smem:$0x7FF] =	sst s3;
	s4 =	sadd.s32 $0x27000, s8;
	s7 =	smul.u32 $0x4E2, s1  }
0x8: {  	s5 =	sadd.s32 $0x13600, s8;
	s14 =	sand.u32 $0x1, s9;
	s31 =	sshll.u32 s1, $0x6  }
0x9: {  	_ =	strace $0x80000050;
	s9 =	ssub.s32 $0x2, s14;
	p0 =	sne.s32 s14, $0x0  }
0xa: {  	s10 =	smin.u32 s6, $0x2490;
	s12 =	sadd.s32 s7, s8;
	s7 =	sadd.s32 $0x61E00, s8  }
.Ltmp0:
0xb: {  	s13 =	sshrl.u32 s9, $0x1;
	s6 =	sshll.u32 s10, $0x3;
	(pc) =	sbr.rel .LBB2_1-.Ltmp0, $4  }
0xc: {  	s13 =	ssub.s32 s9, s13;
	s30 =	sshll.u32 s10, $0x6;
	s10 =	sor.u32 $0x1C02, s31  }
0xd: {  	s11 =	sadd.s32 s6, s8;
	s8 =	sadd.s32 $0x4E400, s8;
	s15 =	sadd.s32 s30, s2  }
0xe: {  	s13 =	smax.u32 s13, $0x1;
	s9 =	sadd.s32 $0x3AA00, s11;
	s11 =	sadd.s32 $0x9600, s12  }
0xf: {  	s12 =	sadd.s32 $0xE600, s12;
	s14 =	sshrl.u32 s15, $0x3;
	s15 =	simm.s32 $0x2  }
.LBB2_7:
0x10: {  	s21 =	sshra.s32 s21, $0x2;
	[sflag:s15] =	ssyncadd.s32 $0xFFFFEC00  }
0x11: {  	[tilespmem:s18], [sflag:$0x1] =	stream.indirect.gather [hbm4b:s5+s17], $0x40, s21, s17, $0xb8;
	[tilespmem:$0xFE60] =	vst v63  }
0x12: {  	_ =	swait.ge [sflag:s19], $0x1400  }
0x13: {  	[sflag:s19] =	ssyncset.done $0x0  }
0x14: {  	s21 =	sadd.s32 $0x2710, s21;
	[sflag:s19] =	ssyncadd.s32 $0xFFFFEC00  }
0x15: {  	[spmem:s2] =	stream.indirect.scatter.add.f32 [tilespmem:s18], [sflag:$0x2], $0x40, s21, s17, $0xb8;
	[tilespmem:$0xFE60] =	vst v63  }
0x16: {  	_ =	swait.ge [sflag:s15], $0x1400  }
0x17: {  	[sflag:s15] =	ssyncset.done $0x0  }
0x18: {  	s21 =	smov.u32 s8;
	[sflag:s15] =	ssyncadd.s32 $0xFFFFEC00  }
.LBB2_8:
0x19: {  	s20 =	sadd.s32 $0x1, s20  }
0x1a: {  	p1 =	sne.s32 s20, s13  }
.Ltmp1:
0x1b: {  	s21 =	sadd.s32 s21, s6;
	[bflag:$0x0] =	sbarrier.arrive $0xFFFF;
	(pc) =	sbr.rel @!p1 .LBB2_9-.Ltmp1, $4  }
0x1c: {  	[hbm:s21], [sflag:s10] =	dma.local [spmem:s14], $0x1400  }
0x1d: {  	_ =	swait.ge [sflag:s15], $0x1400  }
0x1e: {  	[sflag:s15] =	ssyncset.done $0x0  }
0x1f: {  	[sflag:s15] =	ssyncadd.s32 $0xFFFFEC00  }
.LBB2_1:
0x20: {  	[spmem:s14], [sflag:s10] =	dma.local [hbm:s9], $0x1400  }
0x21: {  	_ =	swait.ge [sflag:s15], $0x1400  }
0x22: {  	[sflag:s15] =	ssyncset.done $0x0  }
0x23: {  	[sflag:s15] =	ssyncadd.s32 $0xFFFFEC00  }
0x24: {  	[tilespmem:s3], [sflag:$0x2] =	stream.linear.gather [hbm4b:s11+s3], $0x2710, $0x38;
	[tilespmem:$0xFE60] =	vst v63  }
0x25: {  	_ =	swait.ge [sflag:s15], $0x2710  }
0x26: {  	[sflag:s15] =	ssyncset.done $0x0  }
0x27: {  	[sflag:s15] =	ssyncadd.s32 $0xFFFFD8F0  }
0x28: {  	[tilespmem:s16], [sflag:$0x2] =	stream.linear.gather [hbm4b:s12+s3], $0x2710, $0x38;
	[tilespmem:$0xFE60] =	vst v63  }
.Ltmp2:
0x29: {  	_ =	swait.ge [sflag:s15], $0x2710;
	(pc) =	sbr.rel @p0 .LBB2_5-.Ltmp2, $4  }
0x2a: {  	[sflag:s15] =	ssyncset.done $0x0  }
0x2b: {  	[sflag:s15] =	ssyncadd.s32 $0xFFFFD8F0  }
0x2c: {  	[bflag:$0x0] =	sbarrier.arrive $0xFFFF  }
0x2d: {  	s21 =	simm.s32 $0x0  }
0x2e: {  	[tilespmem:s18], [sflag:$0x1] =	stream.indirect.gather [hbm4b:s4+s17], $0x40, s21, s17, $0xb8;
	[tilespmem:$0xFE60] =	vst v63  }
0x2f: {  	_ =	swait.ge [sflag:s19], $0x1400  }
0x30: {  	[sflag:s19] =	ssyncset.done $0x0  }
0x31: {  	s31 =	simm.s32 $0x2710;
	[sflag:s19] =	ssyncadd.s32 $0xFFFFEC00  }
0x32: {  	[spmem:s2] =	stream.indirect.scatter.add.f32 [tilespmem:s18], [sflag:$0x2], $0x40, s31, s17, $0xb8;
	[tilespmem:$0xFE60] =	vst v63  }
0x33: {  	_ =	swait.ge [sflag:s15], $0x1400  }
0x34: {  	s21 =	simm.s32 $0x140;
	s22 =	simm.s32 $0x280;
	[sflag:s15] =	ssyncset.done $0x0  }
.LBB2_3:
0x35: {  	s23 =	sshra.s32 s21, $0x2  }
0x36: {  	[sflag:s15] =	ssyncadd.s32 $0xFFFFEC00;
	s21 =	smov.u32 s22;
	s24 =	sadd.s32 $0x140, s22  }
0x37: {  	[tilespmem:s18], [sflag:$0x1] =	stream.indirect.gather [hbm4b:s4+s17], $0x40, s23, s17, $0xb8;
	[tilespmem:$0xFE60] =	vst v63  }
0x38: {  	p1 =	seq.s32 s22, $0x9B00;
	_ =	swait.ge [sflag:s19], $0x1400  }
.Ltmp3:
0x39: {  	[sflag:s19] =	ssyncset.done $0x0;
	(pc) =	sbr.rel @!p1 .LBB2_3-.Ltmp3, $4  }
0x3a: {  	s22 =	sadd.s32 $0x2710, s23;
	[sflag:s19] =	ssyncadd.s32 $0xFFFFEC00  }
0x3b: {  	[spmem:s2] =	stream.indirect.scatter.add.f32 [tilespmem:s18], [sflag:$0x2], $0x40, s22, s17, $0xb8;
	[tilespmem:$0xFE60] =	vst v63  }
0x3c: {  	_ =	swait.ge [sflag:s15], $0x1400  }
0x3d: {  	s22 =	smov.u32 s24;
	[sflag:s15] =	ssyncset.done $0x0  }
0x3e: {  	s21 =	sshra.s32 s21, $0x2;
	[sflag:s15] =	ssyncadd.s32 $0xFFFFEC00  }
0x3f: {  	[tilespmem:s18], [sflag:$0x1] =	stream.indirect.gather [hbm4b:s4+s17], $0x40, s21, s17, $0xb8;
	[tilespmem:$0xFE60] =	vst v63  }
0x40: {  	_ =	swait.ge [sflag:s19], $0x1400  }
0x41: {  	[sflag:s19] =	ssyncset.done $0x0  }
.Ltmp4:
0x42: {  	s21 =	sadd.s32 $0x2710, s21;
	[sflag:s19] =	ssyncadd.s32 $0xFFFFEC00;
	(pc) =	sbr.rel .LBB2_8-.Ltmp4, $4  }
0x43: {  	[spmem:s2] =	stream.indirect.scatter.add.f32 [tilespmem:s18], [sflag:$0x2], $0x40, s21, s17, $0xb8;
	[tilespmem:$0xFE60] =	vst v63  }
0x44: {  	_ =	swait.ge [sflag:s15], $0x1400  }
0x45: {  	[sflag:s15] =	ssyncset.done $0x0  }
0x46: {  	s21 =	smov.u32 s7;
	[sflag:s15] =	ssyncadd.s32 $0xFFFFEC00  }
.LBB2_5:
0x47: {  	[tilespmem:s18], [sflag:$0x1] =	stream.indirect.gather [hbm4b:s5+s17], $0x40, s21, s17, $0xb8;
	[tilespmem:$0xFE60] =	vst v63  }
0x48: {  	_ =	swait.ge [sflag:s19], $0x1400  }
0x49: {  	[sflag:s19] =	ssyncset.done $0x0  }
0x4a: {  	s31 =	simm.s32 $0x2710;
	[sflag:s19] =	ssyncadd.s32 $0xFFFFEC00  }
0x4b: {  	[spmem:s2] =	stream.indirect.scatter.add.f32 [tilespmem:s18], [sflag:$0x2], $0x40, s31, s17, $0xb8;
	[tilespmem:$0xFE60] =	vst v63  }
0x4c: {  	_ =	swait.ge [sflag:s15], $0x1400  }
0x4d: {  	s21 =	simm.s32 $0x140;
	s22 =	simm.s32 $0x280;
	[sflag:s15] =	ssyncset.done $0x0  }
.LBB2_6:
0x4e: {  	s23 =	sshra.s32 s21, $0x2  }
0x4f: {  	[sflag:s15] =	ssyncadd.s32 $0xFFFFEC00;
	s21 =	smov.u32 s22;
	s24 =	sadd.s32 $0x140, s22  }
0x50: {  	[tilespmem:s18], [sflag:$0x1] =	stream.indirect.gather [hbm4b:s5+s17], $0x40, s23, s17, $0xb8;
	[tilespmem:$0xFE60] =	vst v63  }
0x51: {  	p1 =	sne.s32 s22, $0x9B00;
	_ =	swait.ge [sflag:s19], $0x1400  }
.Ltmp5:
0x52: {  	[sflag:s19] =	ssyncset.done $0x0;
	(pc) =	sbr.rel @p1 .LBB2_6-.Ltmp5, $4  }
0x53: {  	s22 =	sadd.s32 $0x2710, s23;
	[sflag:s19] =	ssyncadd.s32 $0xFFFFEC00  }
0x54: {  	[spmem:s2] =	stream.indirect.scatter.add.f32 [tilespmem:s18], [sflag:$0x2], $0x40, s22, s17, $0xb8;
	[tilespmem:$0xFE60] =	vst v63  }
0x55: {  	_ =	swait.ge [sflag:s15], $0x1400  }
0x56: {  	s22 =	smov.u32 s24;
	[sflag:s15] =	ssyncset.done $0x0  }
.Ltmp6:
0x57: {  	_ = 	snop;
	(pc) =	sbr.rel .LBB2_7-.Ltmp6, $1  }
0x58: {  	_ =	sdelay $0x3  }
.LBB2_9:
0x59: {  	_ =	sfence.sel $0x180000  }
0x5a: {  	[bflag:$0x0] =	sbarrier.arrive $0xFFFF  }
0x5b: {  	p0 =	sne.s32 s1, $0x0;
	_ =	strace $0x90000050  }
0x5c: {  	s0 =	sadd.s32 @!p0 $0x100000, s0;
	[bflag:$0x2] =	sbarrier.arrive $0xFFFF  }
0x5d: {  	[sflag:s0] =	ssyncadd.tile.s32 @!p0 $0x1;
	_ =	shalt  }
.Lfunc_end2:
_tile_overlayer_lowered:
.L_overlay_start_2:
0x5e: {  	(tag) =	ssettag $0x2  }
0x5f: {  	s0 =	rddreg [dreg:$0x0];
	s2 =	stileid.u32  }
0x60: {  	s1 =	rddreg [dreg:$0x1];
	p0 =	sne.s32 s2, $0x0  }
0x61: {  	s3 =	rddreg [dreg:$0x2];
	[bflag:$0x3] =	sbarrier.arrive $0xFFFF;
	s2 =	simm.s32 @!p0 $0x1C02  }
0x62: {  	[timem:s3], [sflag:s2] =	dma.local @!p0 [hbm:s0], s1  }
0x63: {  	s0 =	simm.s32 @!p0 $0x2  }
0x64: {  	_ =	swait.ge @!p0 [sflag:s0], s1  }
0x65: {  	s1 =	ssub.s32 @!p0 $0x0, s1;
	[sflag:s0] =	ssyncset.done @!p0 $0x0  }
0x66: {  	[sflag:s0] =	ssyncadd.s32 @!p0 s1  }
0x67: {  	[bflag:$0x3] =	sbarrier.arrive $0xFFFF  }
0x68: {  	_ =	shalt  }

// kernel: kernel.40.cloned.1.call-start
scs
__scs_entry_jumppad:
0x0: {  	(pc) =	sbr.rel $0x88, $3  }
0x1: {  	(tag) =	ssettag $0x0;
	lr =	simm.s32 $0x1  }
0x2: {  	[smem:$0x3F82] =	sst lr;
	_ =	strace $0xD0000000  }
0x3: {  	_ = 	snop  }
0x4: {  	_ = 	snop  }
0x5: {  	_ = 	snop  }
0x6: {  	_ = 	snop  }
0x7: {  	_ = 	snop  }
__scs_overlays_trampoline_lowered:
0x8: {  	[smem:$0x3F91] =	sst s0  }
0x9: {  	[smem:$0x3F92] =	sst s1  }
0xa: {  	[smem:$0x3F93] =	sst s2  }
0xb: {  	[smem:$0x3F94] =	sst s3  }
0xc: {  	[smem:$0x3F95] =	sst s4  }
0xd: {  	[smem:$0x3F96] =	sst s5  }
0xe: {  	[smem:$0x3F97] =	sst s6  }
0xf: {  	[smem:$0x3F98] =	sst s7  }
0x10: {  	[smem:$0x3F99] =	sst s8  }
0x11: {  	[smem:$0x3F9A] =	sst s9;
	s0 =	simm.s32 @!p0 $0x0  }
0x12: {  	s1 =	sld [smem:$0x3F80];
	s0 =	simm.s32 @p0 $0x1  }
0x13: {  	[smem:$0x3F9B] =	sst s0;
	s0 =	simm.s32 @!p1 $0x0  }
0x14: {  	s2 =	sld [smem:$0x3F7F];
	s0 =	simm.s32 @p1 $0x1  }
0x15: {  	[smem:$0x3F9C] =	sst s0;
	s0 =	simm.s32 @!p2 $0x0  }
0x16: {  	s3 =	sld [smem:$0x3FDB];
	s0 =	simm.s32 @p2 $0x1  }
0x17: {  	s4 =	simm.s32 $0x1BF5;
	[smem:$0x3F9E] =	sst s0  }
0x18: {  	s0 =	sld [smem:$0x3F81];
	_ =	swait.ge [sflag:s4], $0x0  }
0x19: {  	s7 =	sld [smem:$0x3F82]  }
0x1a: {  	s8 =	sadd.s32 $0xFFFFE003, lr  }
0x1b: {  	s9 =	sadd.s32 $0xFFFFFEF7, lr;
	s5 =	simm.s32 $0xFFFFFFFF;
	p2 =	slt.u32 s8, $0xFFFFF086  }
0x1c: {  	p1 =	slt.u32 s9, $0xF7A;
	s5 =	simm.s32 @!p2 $0x0  }
0x1d: {  	s5 =	simm.s32 @p1 $0x1;
	p0 =	seq.s32 s7, s2  }
0x1e: {  	s7 =	smul.u32 @!p0 $0xF7A, s2;
	p2 =	seq.s32 @!p0 s5, $0x0  }
0x1f: {  	s9 =	smul.u32 $0xF7A, s1;
	s8 =	simm.s32 @!p0 $0x1BF5;
	p2 =	por !p2, p0  }
0x20: {  	[sflag:s8] =	ssyncset.s32 @!p0 $0xFFFFF086;
	s6 =	sadd.s32 @!p0 s3, s7;
	s7 =	simm.s32 @!p0 $0x108  }
0x21: {  	s3 =	sadd.s32 s3, s9;
	s6 =	sadd.s32 @!p0 $0x88, s6;
	s7 =	simm.s32 @p2 $0x1082  }
0x22: {  	[simem:s7], [sflag:s8] =	dma.local @!p0 [hbm:s6], $0xF7A  }
0x23: {  	s9 =	sor.u32 $0xD0000000, s2;
	s6 =	simm.s32 $0x108;
	_ =	swait.ge @!p0 [sflag:s8], $0x0  }
0x24: {  	s3 =	sadd.s32 $0x88, s3;
	s6 =	simm.s32 @!p1 $0x1082;
	[sflag:s4] =	ssyncset.s32 $0xFFFFF086  }
0x25: {  	[simem:s6], [sflag:s4] =	dma.local [hbm:s3], $0xF7A  }
0x26: {  	[smem:$0x3F82] =	sst s1;
	(tag) =	ssettag s2;
	_ =	strace s9  }
0x27: {  	s1 =	sld [smem:$0x3F92]  }
0x28: {  	s2 =	sld [smem:$0x3F93]  }
0x29: {  	s4 =	sld [smem:$0x3F95]  }
0x2a: {  	p0 =	seq.s32 s5, $0x0;
	s5 =	sld [smem:$0x3F96]  }
0x2b: {  	s6 =	sld [smem:$0x3F97]  }
0x2c: {  	s7 =	sld [smem:$0x3F98]  }
0x2d: {  	s3 =	simm.s32 $0x108;
	s8 =	sld [smem:$0x3F99]  }
0x2e: {  	s3 =	simm.s32 @!p0 $0x1082;
	s9 =	sld [smem:$0x3F9A]  }
0x2f: {  	lr =	sadd.s32 s0, s3;
	s0 =	sld [smem:$0x3F91]  }
0x30: {  	s3 =	sld [smem:$0x3F94]  }
0x31: {  	[smem:$0x3F9D] =	sst s10  }
0x32: {  	s10 =	sld [smem:$0x3F9B];
	_ =	sdelay $0x3  }
0x33: {  	p0 =	seq.s32 s10, $0x1;
	s10 =	sld [smem:$0x3F9D];
	_ =	sdelay $0x3  }
0x34: {  	[smem:$0x3F9D] =	sst s10  }
0x35: {  	s10 =	sld [smem:$0x3F9C];
	_ =	sdelay $0x3  }
0x36: {  	p1 =	seq.s32 s10, $0x1;
	s10 =	sld [smem:$0x3F9D];
	_ =	sdelay $0x3  }
0x37: {  	[smem:$0x3F9D] =	sst s10  }
0x38: {  	s10 =	sld [smem:$0x3F9E]  }
0x39: {  	_ = 	snop;
	(pc) =	sbr.ind lr, $3  }
0x3a: {  	_ = 	snop  }
0x3b: {  	_ = 	snop  }
0x3c: {  	p2 =	seq.s32 s10, $0x1;
	s10 =	sld [smem:$0x3F9D]  }
0x3d: {  	_ =	shalt  }
0x3e: {  	_ =	shalt  }
0x3f: {  	_ =	shalt  }
0x40: {  	_ =	shalt  }
0x41: {  	_ =	shalt  }
0x42: {  	_ =	shalt  }
0x43: {  	_ =	shalt  }
0x44: {  	_ =	shalt  }
0x45: {  	_ =	shalt  }
0x46: {  	_ =	shalt  }
0x47: {  	_ =	shalt  }
0x48: {  	_ =	shalt  }
0x49: {  	_ =	shalt  }
0x4a: {  	_ =	shalt  }
0x4b: {  	_ =	shalt  }
0x4c: {  	_ =	shalt  }
0x4d: {  	_ =	shalt  }
0x4e: {  	_ =	shalt  }
0x4f: {  	_ =	shalt  }
0x50: {  	_ =	shalt  }
0x51: {  	_ =	shalt  }
0x52: {  	_ =	shalt  }
0x53: {  	_ =	shalt  }
0x54: {  	_ =	shalt  }
0x55: {  	_ =	shalt  }
0x56: {  	_ =	shalt  }
0x57: {  	_ =	shalt  }
0x58: {  	_ =	shalt  }
0x59: {  	_ =	shalt  }
0x5a: {  	_ =	shalt  }
0x5b: {  	_ =	shalt  }
0x5c: {  	_ =	shalt  }
0x5d: {  	_ =	shalt  }
0x5e: {  	_ =	shalt  }
0x5f: {  	_ =	shalt  }
0x60: {  	_ =	shalt  }
0x61: {  	_ =	shalt  }
0x62: {  	_ =	shalt  }
0x63: {  	_ =	shalt  }
0x64: {  	_ =	shalt  }
0x65: {  	_ =	shalt  }
0x66: {  	_ =	shalt  }
0x67: {  	_ =	shalt  }
0x68: {  	_ =	shalt  }
0x69: {  	_ =	shalt  }
0x6a: {  	_ =	shalt  }
0x6b: {  	_ =	shalt  }
0x6c: {  	_ =	shalt  }
0x6d: {  	_ =	shalt  }
0x6e: {  	_ =	shalt  }
0x6f: {  	_ =	shalt  }
0x70: {  	_ =	shalt  }
0x71: {  	_ =	shalt  }
0x72: {  	_ =	shalt  }
0x73: {  	_ =	shalt  }
0x74: {  	_ =	shalt  }
0x75: {  	_ =	shalt  }
0x76: {  	_ =	shalt  }
0x77: {  	_ =	shalt  }
0x78: {  	_ =	shalt  }
0x79: {  	_ =	shalt  }
0x7a: {  	_ =	shalt  }
0x7b: {  	_ =	shalt  }
0x7c: {  	_ =	shalt  }
0x7d: {  	_ =	shalt  }
0x7e: {  	_ =	shalt  }
0x7f: {  	_ =	shalt  }
0x80: {  	_ =	shalt  }
0x81: {  	_ =	shalt  }
0x82: {  	_ =	shalt  }
0x83: {  	_ =	shalt  }
0x84: {  	_ =	shalt  }
0x85: {  	_ =	shalt  }
0x86: {  	_ =	shalt  }
0x87: {  	_ =	shalt  }
.Lfunc_end0:
.L_simem_size_0:
called_computation.4_lowered:
.L_overlay_start_0:
0x88: {  	s2 =	sld [smem:$0x3FD9]  }
0x89: {  	s3 =	sld [smem:$0x3FFE];
	_ =	sdelay $0x1  }
0x8a: {  	s1 =	srdreg.scid  }
0x8b: {  	s0 =	sand.u32 $0x1, s1  }
0x8c: {  	s16 =	sshll.u32 s0, $0xA;
	s2 =	sadd.s32 s3, s2  }
0x8d: {  	s2 =	sadd.s32 s2, s16  }
0x8e: {  	[smem:$0x3FA9] =	sst s2  }
0x8f: {  	_ = 	snop  }
0x90: {  	(tm) =	ssettm $0x1  }
0x91: {  	s17 =	sld [smem:$0x3FFB];
	_ =	sdelay $0x3  }
0x92: {  	_ =	strace s17  }
0x93: {  	s2 =	sld [smem:$0x3FFC];
	_ =	sdelay $0x3  }
0x94: {  	_ =	strace s2  }
0x95: {  	s2 =	sld [smem:$0x3FFD];
	_ =	sdelay $0x3  }
0x96: {  	_ =	strace s2  }
0x97: {  	_ =	strace $0x8FFFFFFF  }
0x98: {  	s18 =	sld [smem:$0x3FDB];
	_ =	sdelay $0x1  }
0x99: {  	s19 =	simm.s32 $_scs_section_size  }
0x9a: {  	s4 =	simm.s32 $_size__tile_overlayer_lowered;
	s5 =	simm.s32 $_tile_overlayer_lowered  }
0x9b: {  	s22 =	simm.s32 $0x1BFF;
	s21 =	sshll.u32 s5, $0x1;
	s2 =	sadd.s32 s19, s18  }
0x9c: {  	s6 =	simm.s32 $0x0;
	s20 =	sshll.u32 s4, $0x1;
	s4 =	sadd.s32 s21, s2  }
0x9d: {  	[timem:s6], [sflag:s22] =	dma.local [hbm:s4], s20  }
0x9e: {  	_ =	swait.ge [sflag:s22], s20  }
0x9f: {  	s3 =	ssub.s32 $0x0, s20;
	[sflag:s22] =	ssyncset.done $0x0  }
0xa0: {  	[sflag:s22] =	ssyncadd.s32 s3;
	_ =	sdelay $0x1  }
0xa1: {  	s23 =	simm.s32 $0x1B8B  }
0xa2: {  	_ =	swait.ge [sflag:s23], $0x1  }
0xa3: {  	[sflag:s23] =	ssyncset.done $0x0  }
0xa4: {  	s25 =	simm.s32 $0x1B8E;
	s24 =	sld [smem:$0x3FFE];
	[sflag:s23] =	ssyncadd.s32 $0xFFFFFFFF  }
0xa5: {  	s26 =	simm.s32 $execute0_lowered;
	[smem:$0x3FD2] =	sst s25  }
0xa6: {  	s4 =	sshll.u32 s26, $0x1;
	_ =	strace $0x80000052;
	[dreg:$0x1] =	wrdreg $0xFFFFFFFF  }
0xa7: {  	s28 =	simm.s32 $_size_execute0_lowered;
	s2 =	sadd.s32 s2, s4;
	[dreg:$0x0] =	wrdreg $0x0  }
0xa8: {  	s4 =	sshll.u32 s28, $0x1;
	[dreg:$0x2] =	wrdreg s2  }
0xa9: {  	[dreg:$0x3] =	wrdreg s4  }
0xaa: {  	[dreg:$0x4] =	wrdreg $0xC0  }
0xab: {  	_ =	task [dreg:s6], $0x5FFFF  }
0xac: {  	[dreg:$0x1] =	wrdreg $0xFFFFFFFF  }
0xad: {  	[dreg:$0x0] =	wrdreg $0x60  }
0xae: {  	[dreg:$0x2] =	wrdreg s24  }
0xaf: {  	[dreg:$0x3] =	wrdreg $0x76200  }
0xb0: {  	[dreg:$0x4] =	wrdreg $0x9  }
0xb1: {  	_ =	task.clear_ibuf [dreg:s6], $0x5FFFF;
	_ =	strace $0x90000052  }
0xb2: {  	s29 =	simm.s32 $0x9;
	_ =	strace $0x80000054  }
0xb3: {  	_ =	swait.ge [sflag:s29], $0x1  }
0xb4: {  	[sflag:s29] =	ssyncadd.s32 $0xFFFFFFFF  }
0xb5: {  	_ =	strace $0x90000054  }
0xb6: {  	_ =	sfence  }
0xb7: {  	s30 =	sld [smem:$0x0];
	_ =	sdelay $0x2  }
0xb8: {  	s31 =	sshll.u32 s1, $0xD;
	s1 =	sshrl.u32 s1, $0x2  }
0xb9: {  	s3 =	sand.u32 $0x4000, s31;
	s1 =	sadd.s32 s1, s30  }
0xba: {  	s0 =	sor.u32 s3, s0;
	s1 =	sshll.u32 s1, $0x11  }
0xbb: {  	s0 =	sor.u32 s1, s0  }
0xbc: {  	s0 =	sadd.s32 $0x8F2B, s0  }
0xbd: {  	[sflag:s0] =	ssyncadd.remote.s32 $0x1  }
0xbe: {  	_ =	sfence.sel $0xFFFF  }
0xbf: {  	[dreg:$0x0] =	wrdreg $0xFFFFFFFF;
	(pc) =	sbr.abs _section_cstart, $3  }
0xc0: {  	[dreg:$0x1] =	wrdreg $0xFFFFFFFF  }
0xc1: {  	_ =	task.clear_ibuf [dreg:s6], $0x2FFFF;
	_ =	strace $0x9FFFFFFF  }
0xc2: {  	(tm) =	ssettm $0x7FFFFFFF  }
0xc3: {  	_ =	shalt  }
tec
execute0_lowered:
.L_overlay_start_1:
0x0: {  	(tag) =	ssettag $0x1  }
0x1: {  	s8 =	rddreg [dreg:$0x0]  }
0x2: {  	s2 =	rddreg [dreg:$0x1]  }
0x3: {  	s0 =	rddreg [dreg:$0x2]  }
0x4: {  	s3 =	simm.s32 $0x0;
	s1 =	stileid.u32;
	s9 =	srdreg.scid  }
0x5: {  	s16 =	simm.s32 $0x2710;
	s17 =	simm.s32 $0x50;
	s18 =	simm.s32 $0x4E20  }
0x6: {  	s19 =	simm.s32 $0x1;
	s20 =	simm.s32 $0x0;
	s6 =	smul.u32 $0x280, s1  }
0x7: {  	[smem:$0x7FF] =	sst s3;
	s4 =	sadd.s32 $0x3A800, s8;
	s7 =	smul.u32 $0x4E2, s1  }
0x8: {  	s5 =	sadd.s32 $0x13600, s8;
	s14 =	sand.u32 $0x1, s9;
	s31 =	sshll.u32 s1, $0x6  }
0x9: {  	_ =	strace $0x80000053;
	s9 =	ssub.s32 $0x2, s14;
	p0 =	sne.s32 s14, $0x0  }
0xa: {  	s10 =	smin.u32 s6, $0x2490;
	s12 =	sadd.s32 s7, s8;
	s7 =	sadd.s32 $0x88C00, s8  }
.Ltmp0:
0xb: {  	s13 =	sshrl.u32 s9, $0x1;
	s6 =	sshll.u32 s10, $0x4;
	(pc) =	sbr.rel .LBB2_1-.Ltmp0, $4  }
0xc: {  	s13 =	ssub.s32 s9, s13;
	s30 =	sshll.u32 s10, $0x7;
	s10 =	sor.u32 $0x1C02, s31  }
0xd: {  	s11 =	sadd.s32 s6, s8;
	s8 =	sadd.s32 $0xAFE00, s8;
	s15 =	sadd.s32 s30, s2  }
0xe: {  	s13 =	smax.u32 s13, $0x1;
	s9 =	sadd.s32 $0x61A00, s11;
	s11 =	sadd.s32 $0x9600, s12  }
0xf: {  	s12 =	sadd.s32 $0xE600, s12;
	s14 =	sshrl.u32 s15, $0x3;
	s15 =	simm.s32 $0x2  }
.LBB2_7:
0x10: {  	s21 =	sshra.s32 s21, $0x2;
	[sflag:s15] =	ssyncadd.s32 $0xFFFFD800  }
0x11: {  	[tilespmem:s18], [sflag:$0x1] =	stream.indirect.gather [hbm4b:s5+s17], $0x80, s21, s17, $0xb8;
	[tilespmem:$0x1AEA0] =	vst v63  }
0x12: {  	_ =	swait.ge [sflag:s19], $0x2800  }
0x13: {  	[sflag:s19] =	ssyncset.done $0x0  }
0x14: {  	s21 =	sadd.s32 $0x2710, s21;
	[sflag:s19] =	ssyncadd.s32 $0xFFFFD800  }
0x15: {  	[spmem:s2] =	stream.indirect.scatter.add.f32 [tilespmem:s18], [sflag:$0x2], $0x80, s21, s17, $0xb8;
	[tilespmem:$0x1AEA0] =	vst v63  }
0x16: {  	_ =	swait.ge [sflag:s15], $0x2800  }
0x17: {  	[sflag:s15] =	ssyncset.done $0x0  }
0x18: {  	s21 =	smov.u32 s8;
	[sflag:s15] =	ssyncadd.s32 $0xFFFFD800  }
.LBB2_8:
0x19: {  	s20 =	sadd.s32 $0x1, s20  }
0x1a: {  	p1 =	sne.s32 s20, s13  }
.Ltmp1:
0x1b: {  	s21 =	sadd.s32 s21, s6;
	[bflag:$0x0] =	sbarrier.arrive $0xFFFF;
	(pc) =	sbr.rel @!p1 .LBB2_9-.Ltmp1, $4  }
0x1c: {  	[hbm:s21], [sflag:s10] =	dma.local [spmem:s14], $0x2800  }
0x1d: {  	_ =	swait.ge [sflag:s15], $0x2800  }
0x1e: {  	[sflag:s15] =	ssyncset.done $0x0  }
0x1f: {  	[sflag:s15] =	ssyncadd.s32 $0xFFFFD800  }
.LBB2_1:
0x20: {  	[spmem:s14], [sflag:s10] =	dma.local [hbm:s9], $0x2800  }
0x21: {  	_ =	swait.ge [sflag:s15], $0x2800  }
0x22: {  	[sflag:s15] =	ssyncset.done $0x0  }
0x23: {  	[sflag:s15] =	ssyncadd.s32 $0xFFFFD800  }
0x24: {  	[tilespmem:s3], [sflag:$0x2] =	stream.linear.gather [hbm4b:s11+s3], $0x2710, $0x38;
	[tilespmem:$0x1AEA0] =	vst v63  }
0x25: {  	_ =	swait.ge [sflag:s15], $0x2710  }
0x26: {  	[sflag:s15] =	ssyncset.done $0x0  }
0x27: {  	[sflag:s15] =	ssyncadd.s32 $0xFFFFD8F0  }
0x28: {  	[tilespmem:s16], [sflag:$0x2] =	stream.linear.gather [hbm4b:s12+s3], $0x2710, $0x38;
	[tilespmem:$0x1AEA0] =	vst v63  }
.Ltmp2:
0x29: {  	_ =	swait.ge [sflag:s15], $0x2710;
	(pc) =	sbr.rel @p0 .LBB2_5-.Ltmp2, $4  }
0x2a: {  	[sflag:s15] =	ssyncset.done $0x0  }
0x2b: {  	[sflag:s15] =	ssyncadd.s32 $0xFFFFD8F0  }
0x2c: {  	[bflag:$0x0] =	sbarrier.arrive $0xFFFF  }
0x2d: {  	s21 =	simm.s32 $0x0  }
0x2e: {  	[tilespmem:s18], [sflag:$0x1] =	stream.indirect.gather [hbm4b:s4+s17], $0x80, s21, s17, $0xb8;
	[tilespmem:$0x1AEA0] =	vst v63  }
0x2f: {  	_ =	swait.ge [sflag:s19], $0x2800  }
0x30: {  	[sflag:s19] =	ssyncset.done $0x0  }
0x31: {  	s31 =	simm.s32 $0x2710;
	[sflag:s19] =	ssyncadd.s32 $0xFFFFD800  }
0x32: {  	[spmem:s2] =	stream.indirect.scatter.add.f32 [tilespmem:s18], [sflag:$0x2], $0x80, s31, s17, $0xb8;
	[tilespmem:$0x1AEA0] =	vst v63  }
0x33: {  	_ =	swait.ge [sflag:s15], $0x2800  }
0x34: {  	s21 =	simm.s32 $0x140;
	s22 =	simm.s32 $0x280;
	[sflag:s15] =	ssyncset.done $0x0  }
.LBB2_3:
0x35: {  	s23 =	sshra.s32 s21, $0x2  }
0x36: {  	[sflag:s15] =	ssyncadd.s32 $0xFFFFD800;
	s21 =	smov.u32 s22;
	s24 =	sadd.s32 $0x140, s22  }
0x37: {  	[tilespmem:s18], [sflag:$0x1] =	stream.indirect.gather [hbm4b:s4+s17], $0x80, s23, s17, $0xb8;
	[tilespmem:$0x1AEA0] =	vst v63  }
0x38: {  	p1 =	seq.s32 s22, $0x9B00;
	_ =	swait.ge [sflag:s19], $0x2800  }
.Ltmp3:
0x39: {  	[sflag:s19] =	ssyncset.done $0x0;
	(pc) =	sbr.rel @!p1 .LBB2_3-.Ltmp3, $4  }
0x3a: {  	s22 =	sadd.s32 $0x2710, s23;
	[sflag:s19] =	ssyncadd.s32 $0xFFFFD800  }
0x3b: {  	[spmem:s2] =	stream.indirect.scatter.add.f32 [tilespmem:s18], [sflag:$0x2], $0x80, s22, s17, $0xb8;
	[tilespmem:$0x1AEA0] =	vst v63  }
0x3c: {  	_ =	swait.ge [sflag:s15], $0x2800  }
0x3d: {  	s22 =	smov.u32 s24;
	[sflag:s15] =	ssyncset.done $0x0  }
0x3e: {  	s21 =	sshra.s32 s21, $0x2;
	[sflag:s15] =	ssyncadd.s32 $0xFFFFD800  }
0x3f: {  	[tilespmem:s18], [sflag:$0x1] =	stream.indirect.gather [hbm4b:s4+s17], $0x80, s21, s17, $0xb8;
	[tilespmem:$0x1AEA0] =	vst v63  }
0x40: {  	_ =	swait.ge [sflag:s19], $0x2800  }
0x41: {  	[sflag:s19] =	ssyncset.done $0x0  }
.Ltmp4:
0x42: {  	s21 =	sadd.s32 $0x2710, s21;
	[sflag:s19] =	ssyncadd.s32 $0xFFFFD800;
	(pc) =	sbr.rel .LBB2_8-.Ltmp4, $4  }
0x43: {  	[spmem:s2] =	stream.indirect.scatter.add.f32 [tilespmem:s18], [sflag:$0x2], $0x80, s21, s17, $0xb8;
	[tilespmem:$0x1AEA0] =	vst v63  }
0x44: {  	_ =	swait.ge [sflag:s15], $0x2800  }
0x45: {  	[sflag:s15] =	ssyncset.done $0x0  }
0x46: {  	s21 =	smov.u32 s7;
	[sflag:s15] =	ssyncadd.s32 $0xFFFFD800  }
.LBB2_5:
0x47: {  	[tilespmem:s18], [sflag:$0x1] =	stream.indirect.gather [hbm4b:s5+s17], $0x80, s21, s17, $0xb8;
	[tilespmem:$0x1AEA0] =	vst v63  }
0x48: {  	_ =	swait.ge [sflag:s19], $0x2800  }
0x49: {  	[sflag:s19] =	ssyncset.done $0x0  }
0x4a: {  	s31 =	simm.s32 $0x2710;
	[sflag:s19] =	ssyncadd.s32 $0xFFFFD800  }
0x4b: {  	[spmem:s2] =	stream.indirect.scatter.add.f32 [tilespmem:s18], [sflag:$0x2], $0x80, s31, s17, $0xb8;
	[tilespmem:$0x1AEA0] =	vst v63  }
0x4c: {  	_ =	swait.ge [sflag:s15], $0x2800  }
0x4d: {  	s21 =	simm.s32 $0x140;
	s22 =	simm.s32 $0x280;
	[sflag:s15] =	ssyncset.done $0x0  }
.LBB2_6:
0x4e: {  	s23 =	sshra.s32 s21, $0x2  }
0x4f: {  	[sflag:s15] =	ssyncadd.s32 $0xFFFFD800;
	s21 =	smov.u32 s22;
	s24 =	sadd.s32 $0x140, s22  }
0x50: {  	[tilespmem:s18], [sflag:$0x1] =	stream.indirect.gather [hbm4b:s5+s17], $0x80, s23, s17, $0xb8;
	[tilespmem:$0x1AEA0] =	vst v63  }
0x51: {  	p1 =	sne.s32 s22, $0x9B00;
	_ =	swait.ge [sflag:s19], $0x2800  }
.Ltmp5:
0x52: {  	[sflag:s19] =	ssyncset.done $0x0;
	(pc) =	sbr.rel @p1 .LBB2_6-.Ltmp5, $4  }
0x53: {  	s22 =	sadd.s32 $0x2710, s23;
	[sflag:s19] =	ssyncadd.s32 $0xFFFFD800  }
0x54: {  	[spmem:s2] =	stream.indirect.scatter.add.f32 [tilespmem:s18], [sflag:$0x2], $0x80, s22, s17, $0xb8;
	[tilespmem:$0x1AEA0] =	vst v63  }
0x55: {  	_ =	swait.ge [sflag:s15], $0x2800  }
0x56: {  	s22 =	smov.u32 s24;
	[sflag:s15] =	ssyncset.done $0x0  }
.Ltmp6:
0x57: {  	_ = 	snop;
	(pc) =	sbr.rel .LBB2_7-.Ltmp6, $1  }
0x58: {  	_ =	sdelay $0x3  }
.LBB2_9:
0x59: {  	_ =	sfence.sel $0x180000  }
0x5a: {  	[bflag:$0x0] =	sbarrier.arrive $0xFFFF  }
0x5b: {  	p0 =	sne.s32 s1, $0x0;
	_ =	strace $0x90000053  }
0x5c: {  	s0 =	sadd.s32 @!p0 $0x100000, s0;
	[bflag:$0x2] =	sbarrier.arrive $0xFFFF  }
0x5d: {  	[sflag:s0] =	ssyncadd.tile.s32 @!p0 $0x1;
	_ =	shalt  }
.Lfunc_end2:
_tile_overlayer_lowered:
.L_overlay_start_2:
0x5e: {  	(tag) =	ssettag $0x2  }
0x5f: {  	s0 =	rddreg [dreg:$0x0];
	s2 =	stileid.u32  }
0x60: {  	s1 =	rddreg [dreg:$0x1];
	p0 =	sne.s32 s2, $0x0  }
0x61: {  	s3 =	rddreg [dreg:$0x2];
	[bflag:$0x3] =	sbarrier.arrive $0xFFFF;
	s2 =	simm.s32 @!p0 $0x1C02  }
0x62: {  	[timem:s3], [sflag:s2] =	dma.local @!p0 [hbm:s0], s1  }
0x63: {  	s0 =	simm.s32 @!p0 $0x2  }
0x64: {  	_ =	swait.ge @!p0 [sflag:s0], s1  }
0x65: {  	s1 =	ssub.s32 @!p0 $0x0, s1;
	[sflag:s0] =	ssyncset.done @!p0 $0x0  }
0x66: {  	[sflag:s0] =	ssyncadd.s32 @!p0 s1  }
0x67: {  	[bflag:$0x3] =	sbarrier.arrive $0xFFFF  }
0x68: {  	_ =	shalt  }

// kernel: kernel.43.cloned.1.call-start
scs
__scs_entry_jumppad:
0x0: {  	(pc) =	sbr.rel $0x88, $3  }
0x1: {  	(tag) =	ssettag $0x0;
	lr =	simm.s32 $0x1  }
0x2: {  	[smem:$0x3F82] =	sst lr;
	_ =	strace $0xD0000000  }
0x3: {  	_ = 	snop  }
0x4: {  	_ = 	snop  }
0x5: {  	_ = 	snop  }
0x6: {  	_ = 	snop  }
0x7: {  	_ = 	snop  }
__scs_overlays_trampoline_lowered:
0x8: {  	[smem:$0x3F91] =	sst s0  }
0x9: {  	[smem:$0x3F92] =	sst s1  }
0xa: {  	[smem:$0x3F93] =	sst s2  }
0xb: {  	[smem:$0x3F94] =	sst s3  }
0xc: {  	[smem:$0x3F95] =	sst s4  }
0xd: {  	[smem:$0x3F96] =	sst s5  }
0xe: {  	[smem:$0x3F97] =	sst s6  }
0xf: {  	[smem:$0x3F98] =	sst s7  }
0x10: {  	[smem:$0x3F99] =	sst s8  }
0x11: {  	[smem:$0x3F9A] =	sst s9;
	s0 =	simm.s32 @!p0 $0x0  }
0x12: {  	s1 =	sld [smem:$0x3F80];
	s0 =	simm.s32 @p0 $0x1  }
0x13: {  	[smem:$0x3F9B] =	sst s0;
	s0 =	simm.s32 @!p1 $0x0  }
0x14: {  	s2 =	sld [smem:$0x3F7F];
	s0 =	simm.s32 @p1 $0x1  }
0x15: {  	[smem:$0x3F9C] =	sst s0;
	s0 =	simm.s32 @!p2 $0x0  }
0x16: {  	s3 =	sld [smem:$0x3FDB];
	s0 =	simm.s32 @p2 $0x1  }
0x17: {  	s4 =	simm.s32 $0x1BF5;
	[smem:$0x3F9E] =	sst s0  }
0x18: {  	s0 =	sld [smem:$0x3F81];
	_ =	swait.ge [sflag:s4], $0x0  }
0x19: {  	s7 =	sld [smem:$0x3F82]  }
0x1a: {  	s8 =	sadd.s32 $0xFFFFE003, lr  }
0x1b: {  	s9 =	sadd.s32 $0xFFFFFEF7, lr;
	s5 =	simm.s32 $0xFFFFFFFF;
	p2 =	slt.u32 s8, $0xFFFFF086  }
0x1c: {  	p1 =	slt.u32 s9, $0xF7A;
	s5 =	simm.s32 @!p2 $0x0  }
0x1d: {  	s5 =	simm.s32 @p1 $0x1;
	p0 =	seq.s32 s7, s2  }
0x1e: {  	s7 =	smul.u32 @!p0 $0xF7A, s2;
	p2 =	seq.s32 @!p0 s5, $0x0  }
0x1f: {  	s9 =	smul.u32 $0xF7A, s1;
	s8 =	simm.s32 @!p0 $0x1BF5;
	p2 =	por !p2, p0  }
0x20: {  	[sflag:s8] =	ssyncset.s32 @!p0 $0xFFFFF086;
	s6 =	sadd.s32 @!p0 s3, s7;
	s7 =	simm.s32 @!p0 $0x108  }
0x21: {  	s3 =	sadd.s32 s3, s9;
	s6 =	sadd.s32 @!p0 $0x88, s6;
	s7 =	simm.s32 @p2 $0x1082  }
0x22: {  	[simem:s7], [sflag:s8] =	dma.local @!p0 [hbm:s6], $0xF7A  }
0x23: {  	s9 =	sor.u32 $0xD0000000, s2;
	s6 =	simm.s32 $0x108;
	_ =	swait.ge @!p0 [sflag:s8], $0x0  }
0x24: {  	s3 =	sadd.s32 $0x88, s3;
	s6 =	simm.s32 @!p1 $0x1082;
	[sflag:s4] =	ssyncset.s32 $0xFFFFF086  }
0x25: {  	[simem:s6], [sflag:s4] =	dma.local [hbm:s3], $0xF7A  }
0x26: {  	[smem:$0x3F82] =	sst s1;
	(tag) =	ssettag s2;
	_ =	strace s9  }
0x27: {  	s1 =	sld [smem:$0x3F92]  }
0x28: {  	s2 =	sld [smem:$0x3F93]  }
0x29: {  	s4 =	sld [smem:$0x3F95]  }
0x2a: {  	p0 =	seq.s32 s5, $0x0;
	s5 =	sld [smem:$0x3F96]  }
0x2b: {  	s6 =	sld [smem:$0x3F97]  }
0x2c: {  	s7 =	sld [smem:$0x3F98]  }
0x2d: {  	s3 =	simm.s32 $0x108;
	s8 =	sld [smem:$0x3F99]  }
0x2e: {  	s3 =	simm.s32 @!p0 $0x1082;
	s9 =	sld [smem:$0x3F9A]  }
0x2f: {  	lr =	sadd.s32 s0, s3;
	s0 =	sld [smem:$0x3F91]  }
0x30: {  	s3 =	sld [smem:$0x3F94]  }
0x31: {  	[smem:$0x3F9D] =	sst s10  }
0x32: {  	s10 =	sld [smem:$0x3F9B];
	_ =	sdelay $0x3  }
0x33: {  	p0 =	seq.s32 s10, $0x1;
	s10 =	sld [smem:$0x3F9D];
	_ =	sdelay $0x3  }
0x34: {  	[smem:$0x3F9D] =	sst s10  }
0x35: {  	s10 =	sld [smem:$0x3F9C];
	_ =	sdelay $0x3  }
0x36: {  	p1 =	seq.s32 s10, $0x1;
	s10 =	sld [smem:$0x3F9D];
	_ =	sdelay $0x3  }
0x37: {  	[smem:$0x3F9D] =	sst s10  }
0x38: {  	s10 =	sld [smem:$0x3F9E]  }
0x39: {  	_ = 	snop;
	(pc) =	sbr.ind lr, $3  }
0x3a: {  	_ = 	snop  }
0x3b: {  	_ = 	snop  }
0x3c: {  	p2 =	seq.s32 s10, $0x1;
	s10 =	sld [smem:$0x3F9D]  }
0x3d: {  	_ =	shalt  }
0x3e: {  	_ =	shalt  }
0x3f: {  	_ =	shalt  }
0x40: {  	_ =	shalt  }
0x41: {  	_ =	shalt  }
0x42: {  	_ =	shalt  }
0x43: {  	_ =	shalt  }
0x44: {  	_ =	shalt  }
0x45: {  	_ =	shalt  }
0x46: {  	_ =	shalt  }
0x47: {  	_ =	shalt  }
0x48: {  	_ =	shalt  }
0x49: {  	_ =	shalt  }
0x4a: {  	_ =	shalt  }
0x4b: {  	_ =	shalt  }
0x4c: {  	_ =	shalt  }
0x4d: {  	_ =	shalt  }
0x4e: {  	_ =	shalt  }
0x4f: {  	_ =	shalt  }
0x50: {  	_ =	shalt  }
0x51: {  	_ =	shalt  }
0x52: {  	_ =	shalt  }
0x53: {  	_ =	shalt  }
0x54: {  	_ =	shalt  }
0x55: {  	_ =	shalt  }
0x56: {  	_ =	shalt  }
0x57: {  	_ =	shalt  }
0x58: {  	_ =	shalt  }
0x59: {  	_ =	shalt  }
0x5a: {  	_ =	shalt  }
0x5b: {  	_ =	shalt  }
0x5c: {  	_ =	shalt  }
0x5d: {  	_ =	shalt  }
0x5e: {  	_ =	shalt  }
0x5f: {  	_ =	shalt  }
0x60: {  	_ =	shalt  }
0x61: {  	_ =	shalt  }
0x62: {  	_ =	shalt  }
0x63: {  	_ =	shalt  }
0x64: {  	_ =	shalt  }
0x65: {  	_ =	shalt  }
0x66: {  	_ =	shalt  }
0x67: {  	_ =	shalt  }
0x68: {  	_ =	shalt  }
0x69: {  	_ =	shalt  }
0x6a: {  	_ =	shalt  }
0x6b: {  	_ =	shalt  }
0x6c: {  	_ =	shalt  }
0x6d: {  	_ =	shalt  }
0x6e: {  	_ =	shalt  }
0x6f: {  	_ =	shalt  }
0x70: {  	_ =	shalt  }
0x71: {  	_ =	shalt  }
0x72: {  	_ =	shalt  }
0x73: {  	_ =	shalt  }
0x74: {  	_ =	shalt  }
0x75: {  	_ =	shalt  }
0x76: {  	_ =	shalt  }
0x77: {  	_ =	shalt  }
0x78: {  	_ =	shalt  }
0x79: {  	_ =	shalt  }
0x7a: {  	_ =	shalt  }
0x7b: {  	_ =	shalt  }
0x7c: {  	_ =	shalt  }
0x7d: {  	_ =	shalt  }
0x7e: {  	_ =	shalt  }
0x7f: {  	_ =	shalt  }
0x80: {  	_ =	shalt  }
0x81: {  	_ =	shalt  }
0x82: {  	_ =	shalt  }
0x83: {  	_ =	shalt  }
0x84: {  	_ =	shalt  }
0x85: {  	_ =	shalt  }
0x86: {  	_ =	shalt  }
0x87: {  	_ =	shalt  }
.Lfunc_end0:
.L_simem_size_0:
called_computation.5_lowered:
.L_overlay_start_0:
0x88: {  	s2 =	sld [smem:$0x3FD9]  }
0x89: {  	s3 =	sld [smem:$0x3FFE];
	_ =	sdelay $0x1  }
0x8a: {  	s1 =	srdreg.scid  }
0x8b: {  	s0 =	sand.u32 $0x1, s1  }
0x8c: {  	s16 =	sshll.u32 s0, $0xA;
	s2 =	sadd.s32 s3, s2  }
0x8d: {  	s2 =	sadd.s32 s2, s16  }
0x8e: {  	[smem:$0x3FA9] =	sst s2  }
0x8f: {  	_ = 	snop  }
0x90: {  	(tm) =	ssettm $0x1  }
0x91: {  	s17 =	sld [smem:$0x3FFB];
	_ =	sdelay $0x3  }
0x92: {  	_ =	strace s17  }
0x93: {  	s2 =	sld [smem:$0x3FFC];
	_ =	sdelay $0x3  }
0x94: {  	_ =	strace s2  }
0x95: {  	s2 =	sld [smem:$0x3FFD];
	_ =	sdelay $0x3  }
0x96: {  	_ =	strace s2  }
0x97: {  	_ =	strace $0x8FFFFFFF  }
0x98: {  	s18 =	sld [smem:$0x3FDB];
	_ =	sdelay $0x1  }
0x99: {  	s19 =	simm.s32 $_scs_section_size  }
0x9a: {  	s4 =	simm.s32 $_size__tile_overlayer_lowered;
	s5 =	simm.s32 $_tile_overlayer_lowered  }
0x9b: {  	s22 =	simm.s32 $0x1BFF;
	s21 =	sshll.u32 s5, $0x1;
	s2 =	sadd.s32 s19, s18  }
0x9c: {  	s6 =	simm.s32 $0x0;
	s20 =	sshll.u32 s4, $0x1;
	s4 =	sadd.s32 s21, s2  }
0x9d: {  	[timem:s6], [sflag:s22] =	dma.local [hbm:s4], s20  }
0x9e: {  	_ =	swait.ge [sflag:s22], s20  }
0x9f: {  	s3 =	ssub.s32 $0x0, s20;
	[sflag:s22] =	ssyncset.done $0x0  }
0xa0: {  	[sflag:s22] =	ssyncadd.s32 s3;
	_ =	sdelay $0x1  }
0xa1: {  	s23 =	simm.s32 $0x1B8B  }
0xa2: {  	_ =	swait.ge [sflag:s23], $0x1  }
0xa3: {  	[sflag:s23] =	ssyncset.done $0x0  }
0xa4: {  	s25 =	simm.s32 $0x1B8E;
	s24 =	sld [smem:$0x3FFE];
	[sflag:s23] =	ssyncadd.s32 $0xFFFFFFFF  }
0xa5: {  	s26 =	simm.s32 $execute0_lowered;
	[smem:$0x3FD2] =	sst s25  }
0xa6: {  	s4 =	sshll.u32 s26, $0x1;
	_ =	strace $0x80000055;
	[dreg:$0x1] =	wrdreg $0xFFFFFFFF  }
0xa7: {  	s28 =	simm.s32 $_size_execute0_lowered;
	s2 =	sadd.s32 s2, s4;
	[dreg:$0x0] =	wrdreg $0x0  }
0xa8: {  	s4 =	sshll.u32 s28, $0x1;
	[dreg:$0x2] =	wrdreg s2  }
0xa9: {  	[dreg:$0x3] =	wrdreg s4  }
0xaa: {  	[dreg:$0x4] =	wrdreg $0xC0  }
0xab: {  	_ =	task [dreg:s6], $0x5FFFF  }
0xac: {  	[dreg:$0x1] =	wrdreg $0xFFFFFFFF  }
0xad: {  	[dreg:$0x0] =	wrdreg $0x60  }
0xae: {  	[dreg:$0x2] =	wrdreg s24  }
0xaf: {  	[dreg:$0x3] =	wrdreg $0x76200  }
0xb0: {  	[dreg:$0x4] =	wrdreg $0x9  }
0xb1: {  	_ =	task.clear_ibuf [dreg:s6], $0x5FFFF;
	_ =	strace $0x90000055  }
0xb2: {  	s29 =	simm.s32 $0x9;
	_ =	strace $0x80000057  }
0xb3: {  	_ =	swait.ge [sflag:s29], $0x1  }
0xb4: {  	[sflag:s29] =	ssyncadd.s32 $0xFFFFFFFF  }
0xb5: {  	_ =	strace $0x90000057  }
0xb6: {  	_ =	sfence  }
0xb7: {  	s30 =	sld [smem:$0x0];
	_ =	sdelay $0x2  }
0xb8: {  	s31 =	sshll.u32 s1, $0xD;
	s1 =	sshrl.u32 s1, $0x2  }
0xb9: {  	s3 =	sand.u32 $0x4000, s31;
	s1 =	sadd.s32 s1, s30  }
0xba: {  	s0 =	sor.u32 s3, s0;
	s1 =	sshll.u32 s1, $0x11  }
0xbb: {  	s0 =	sor.u32 s1, s0  }
0xbc: {  	s0 =	sadd.s32 $0x8F2B, s0  }
0xbd: {  	[sflag:s0] =	ssyncadd.remote.s32 $0x1  }
0xbe: {  	_ =	sfence.sel $0xFFFF  }
0xbf: {  	[dreg:$0x0] =	wrdreg $0xFFFFFFFF;
	(pc) =	sbr.abs _section_cstart, $3  }
0xc0: {  	[dreg:$0x1] =	wrdreg $0xFFFFFFFF  }
0xc1: {  	_ =	task.clear_ibuf [dreg:s6], $0x2FFFF;
	_ =	strace $0x9FFFFFFF  }
0xc2: {  	(tm) =	ssettm $0x7FFFFFFF  }
0xc3: {  	_ =	shalt  }
tec
execute0_lowered:
.L_overlay_start_1:
0x0: {  	(tag) =	ssettag $0x1  }
0x1: {  	s8 =	rddreg [dreg:$0x0]  }
0x2: {  	s2 =	rddreg [dreg:$0x1]  }
0x3: {  	s0 =	rddreg [dreg:$0x2]  }
0x4: {  	s3 =	simm.s32 $0x0;
	s1 =	stileid.u32;
	s9 =	srdreg.scid  }
0x5: {  	s16 =	simm.s32 $0x2710;
	s17 =	simm.s32 $0x50;
	s18 =	simm.s32 $0x4E20  }
0x6: {  	s19 =	simm.s32 $0x1;
	s20 =	simm.s32 $0x0;
	s6 =	smul.u32 $0x280, s1  }
0x7: {  	[smem:$0x7FF] =	sst s3;
	s4 =	sadd.s32 $0x13600, s8;
	s7 =	smul.u32 $0x4E2, s1  }
0x8: {  	s5 =	sadd.s32 $0x3A800, s8;
	s14 =	sand.u32 $0x1, s9;
	s31 =	sshll.u32 s1, $0x6  }
0x9: {  	_ =	strace $0x80000056;
	s9 =	ssub.s32 $0x2, s14;
	p0 =	sne.s32 s14, $0x0  }
0xa: {  	s10 =	smin.u32 s6, $0x2490;
	s12 =	sadd.s32 s7, s8;
	s7 =	sadd.s32 $0xD7000, s8  }
.Ltmp0:
0xb: {  	s13 =	sshrl.u32 s9, $0x1;
	s6 =	sshll.u32 s10, $0x4;
	(pc) =	sbr.rel .LBB2_1-.Ltmp0, $4  }
0xc: {  	s13 =	ssub.s32 s9, s13;
	s30 =	sshll.u32 s10, $0x7;
	s10 =	sor.u32 $0x1C02, s31  }
0xd: {  	s11 =	sadd.s32 s6, s8;
	s8 =	sadd.s32 $0xFE200, s8;
	s15 =	sadd.s32 s30, s2  }
0xe: {  	s13 =	smax.u32 s13, $0x1;
	s9 =	sadd.s32 $0x61A00, s11;
	s11 =	sadd.s32 $0x9600, s12  }
0xf: {  	s12 =	sadd.s32 $0xE600, s12;
	s14 =	sshrl.u32 s15, $0x3;
	s15 =	simm.s32 $0x2  }
.LBB2_7:
0x10: {  	s21 =	sshra.s32 s21, $0x2;
	[sflag:s15] =	ssyncadd.s32 $0xFFFFD800  }
0x11: {  	[tilespmem:s18], [sflag:$0x1] =	stream.indirect.gather [hbm4b:s5+s17], $0x80, s21, s17, $0xb8;
	[tilespmem:$0x1AEA0] =	vst v63  }
0x12: {  	_ =	swait.ge [sflag:s19], $0x2800  }
0x13: {  	[sflag:s19] =	ssyncset.done $0x0  }
0x14: {  	s21 =	sadd.s32 $0x2710, s21;
	[sflag:s19] =	ssyncadd.s32 $0xFFFFD800  }
0x15: {  	[spmem:s2] =	stream.indirect.scatter.add.f32 [tilespmem:s18], [sflag:$0x2], $0x80, s21, s17, $0xb8;
	[tilespmem:$0x1AEA0] =	vst v63  }
0x16: {  	_ =	swait.ge [sflag:s15], $0x2800  }
0x17: {  	[sflag:s15] =	ssyncset.done $0x0  }
0x18: {  	s21 =	smov.u32 s8;
	[sflag:s15] =	ssyncadd.s32 $0xFFFFD800  }
.LBB2_8:
0x19: {  	s20 =	sadd.s32 $0x1, s20  }
0x1a: {  	p1 =	sne.s32 s20, s13  }
.Ltmp1:
0x1b: {  	s21 =	sadd.s32 s21, s6;
	[bflag:$0x0] =	sbarrier.arrive $0xFFFF;
	(pc) =	sbr.rel @!p1 .LBB2_9-.Ltmp1, $4  }
0x1c: {  	[hbm:s21], [sflag:s10] =	dma.local [spmem:s14], $0x2800  }
0x1d: {  	_ =	swait.ge [sflag:s15], $0x2800  }
0x1e: {  	[sflag:s15] =	ssyncset.done $0x0  }
0x1f: {  	[sflag:s15] =	ssyncadd.s32 $0xFFFFD800  }
.LBB2_1:
0x20: {  	[spmem:s14], [sflag:s10] =	dma.local [hbm:s9], $0x2800  }
0x21: {  	_ =	swait.ge [sflag:s15], $0x2800  }
0x22: {  	[sflag:s15] =	ssyncset.done $0x0  }
0x23: {  	[sflag:s15] =	ssyncadd.s32 $0xFFFFD800  }
0x24: {  	[tilespmem:s3], [sflag:$0x2] =	stream.linear.gather [hbm4b:s11+s3], $0x2710, $0x38;
	[tilespmem:$0x1AEA0] =	vst v63  }
0x25: {  	_ =	swait.ge [sflag:s15], $0x2710  }
0x26: {  	[sflag:s15] =	ssyncset.done $0x0  }
0x27: {  	[sflag:s15] =	ssyncadd.s32 $0xFFFFD8F0  }
0x28: {  	[tilespmem:s16], [sflag:$0x2] =	stream.linear.gather [hbm4b:s12+s3], $0x2710, $0x38;
	[tilespmem:$0x1AEA0] =	vst v63  }
.Ltmp2:
0x29: {  	_ =	swait.ge [sflag:s15], $0x2710;
	(pc) =	sbr.rel @p0 .LBB2_5-.Ltmp2, $4  }
0x2a: {  	[sflag:s15] =	ssyncset.done $0x0  }
0x2b: {  	[sflag:s15] =	ssyncadd.s32 $0xFFFFD8F0  }
0x2c: {  	[bflag:$0x0] =	sbarrier.arrive $0xFFFF  }
0x2d: {  	s21 =	simm.s32 $0x0  }
0x2e: {  	[tilespmem:s18], [sflag:$0x1] =	stream.indirect.gather [hbm4b:s4+s17], $0x80, s21, s17, $0xb8;
	[tilespmem:$0x1AEA0] =	vst v63  }
0x2f: {  	_ =	swait.ge [sflag:s19], $0x2800  }
0x30: {  	[sflag:s19] =	ssyncset.done $0x0  }
0x31: {  	s31 =	simm.s32 $0x2710;
	[sflag:s19] =	ssyncadd.s32 $0xFFFFD800  }
0x32: {  	[spmem:s2] =	stream.indirect.scatter.add.f32 [tilespmem:s18], [sflag:$0x2], $0x80, s31, s17, $0xb8;
	[tilespmem:$0x1AEA0] =	vst v63  }
0x33: {  	_ =	swait.ge [sflag:s15], $0x2800  }
0x34: {  	s21 =	simm.s32 $0x140;
	s22 =	simm.s32 $0x280;
	[sflag:s15] =	ssyncset.done $0x0  }
.LBB2_3:
0x35: {  	s23 =	sshra.s32 s21, $0x2  }
0x36: {  	[sflag:s15] =	ssyncadd.s32 $0xFFFFD800;
	s21 =	smov.u32 s22;
	s24 =	sadd.s32 $0x140, s22  }
0x37: {  	[tilespmem:s18], [sflag:$0x1] =	stream.indirect.gather [hbm4b:s4+s17], $0x80, s23, s17, $0xb8;
	[tilespmem:$0x1AEA0] =	vst v63  }
0x38: {  	p1 =	seq.s32 s22, $0x9B00;
	_ =	swait.ge [sflag:s19], $0x2800  }
.Ltmp3:
0x39: {  	[sflag:s19] =	ssyncset.done $0x0;
	(pc) =	sbr.rel @!p1 .LBB2_3-.Ltmp3, $4  }
0x3a: {  	s22 =	sadd.s32 $0x2710, s23;
	[sflag:s19] =	ssyncadd.s32 $0xFFFFD800  }
0x3b: {  	[spmem:s2] =	stream.indirect.scatter.add.f32 [tilespmem:s18], [sflag:$0x2], $0x80, s22, s17, $0xb8;
	[tilespmem:$0x1AEA0] =	vst v63  }
0x3c: {  	_ =	swait.ge [sflag:s15], $0x2800  }
0x3d: {  	s22 =	smov.u32 s24;
	[sflag:s15] =	ssyncset.done $0x0  }
0x3e: {  	s21 =	sshra.s32 s21, $0x2;
	[sflag:s15] =	ssyncadd.s32 $0xFFFFD800  }
0x3f: {  	[tilespmem:s18], [sflag:$0x1] =	stream.indirect.gather [hbm4b:s4+s17], $0x80, s21, s17, $0xb8;
	[tilespmem:$0x1AEA0] =	vst v63  }
0x40: {  	_ =	swait.ge [sflag:s19], $0x2800  }
0x41: {  	[sflag:s19] =	ssyncset.done $0x0  }
.Ltmp4:
0x42: {  	s21 =	sadd.s32 $0x2710, s21;
	[sflag:s19] =	ssyncadd.s32 $0xFFFFD800;
	(pc) =	sbr.rel .LBB2_8-.Ltmp4, $4  }
0x43: {  	[spmem:s2] =	stream.indirect.scatter.add.f32 [tilespmem:s18], [sflag:$0x2], $0x80, s21, s17, $0xb8;
	[tilespmem:$0x1AEA0] =	vst v63  }
0x44: {  	_ =	swait.ge [sflag:s15], $0x2800  }
0x45: {  	[sflag:s15] =	ssyncset.done $0x0  }
0x46: {  	s21 =	smov.u32 s7;
	[sflag:s15] =	ssyncadd.s32 $0xFFFFD800  }
.LBB2_5:
0x47: {  	[tilespmem:s18], [sflag:$0x1] =	stream.indirect.gather [hbm4b:s5+s17], $0x80, s21, s17, $0xb8;
	[tilespmem:$0x1AEA0] =	vst v63  }
0x48: {  	_ =	swait.ge [sflag:s19], $0x2800  }
0x49: {  	[sflag:s19] =	ssyncset.done $0x0  }
0x4a: {  	s31 =	simm.s32 $0x2710;
	[sflag:s19] =	ssyncadd.s32 $0xFFFFD800  }
0x4b: {  	[spmem:s2] =	stream.indirect.scatter.add.f32 [tilespmem:s18], [sflag:$0x2], $0x80, s31, s17, $0xb8;
	[tilespmem:$0x1AEA0] =	vst v63  }
0x4c: {  	_ =	swait.ge [sflag:s15], $0x2800  }
0x4d: {  	s21 =	simm.s32 $0x140;
	s22 =	simm.s32 $0x280;
	[sflag:s15] =	ssyncset.done $0x0  }
.LBB2_6:
0x4e: {  	s23 =	sshra.s32 s21, $0x2  }
0x4f: {  	[sflag:s15] =	ssyncadd.s32 $0xFFFFD800;
	s21 =	smov.u32 s22;
	s24 =	sadd.s32 $0x140, s22  }
0x50: {  	[tilespmem:s18], [sflag:$0x1] =	stream.indirect.gather [hbm4b:s5+s17], $0x80, s23, s17, $0xb8;
	[tilespmem:$0x1AEA0] =	vst v63  }
0x51: {  	p1 =	sne.s32 s22, $0x9B00;
	_ =	swait.ge [sflag:s19], $0x2800  }
.Ltmp5:
0x52: {  	[sflag:s19] =	ssyncset.done $0x0;
	(pc) =	sbr.rel @p1 .LBB2_6-.Ltmp5, $4  }
0x53: {  	s22 =	sadd.s32 $0x2710, s23;
	[sflag:s19] =	ssyncadd.s32 $0xFFFFD800  }
0x54: {  	[spmem:s2] =	stream.indirect.scatter.add.f32 [tilespmem:s18], [sflag:$0x2], $0x80, s22, s17, $0xb8;
	[tilespmem:$0x1AEA0] =	vst v63  }
0x55: {  	_ =	swait.ge [sflag:s15], $0x2800  }
0x56: {  	s22 =	smov.u32 s24;
	[sflag:s15] =	ssyncset.done $0x0  }
.Ltmp6:
0x57: {  	_ = 	snop;
	(pc) =	sbr.rel .LBB2_7-.Ltmp6, $1  }
0x58: {  	_ =	sdelay $0x3  }
.LBB2_9:
0x59: {  	_ =	sfence.sel $0x180000  }
0x5a: {  	[bflag:$0x0] =	sbarrier.arrive $0xFFFF  }
0x5b: {  	p0 =	sne.s32 s1, $0x0;
	_ =	strace $0x90000056  }
0x5c: {  	s0 =	sadd.s32 @!p0 $0x100000, s0;
	[bflag:$0x2] =	sbarrier.arrive $0xFFFF  }
0x5d: {  	[sflag:s0] =	ssyncadd.tile.s32 @!p0 $0x1;
	_ =	shalt  }
.Lfunc_end2:
_tile_overlayer_lowered:
.L_overlay_start_2:
0x5e: {  	(tag) =	ssettag $0x2  }
0x5f: {  	s0 =	rddreg [dreg:$0x0];
	s2 =	stileid.u32  }
0x60: {  	s1 =	rddreg [dreg:$0x1];
	p0 =	sne.s32 s2, $0x0  }
0x61: {  	s3 =	rddreg [dreg:$0x2];
	[bflag:$0x3] =	sbarrier.arrive $0xFFFF;
	s2 =	simm.s32 @!p0 $0x1C02  }
0x62: {  	[timem:s3], [sflag:s2] =	dma.local @!p0 [hbm:s0], s1  }
0x63: {  	s0 =	simm.s32 @!p0 $0x2  }
0x64: {  	_ =	swait.ge @!p0 [sflag:s0], s1  }
0x65: {  	s1 =	ssub.s32 @!p0 $0x0, s1;
	[sflag:s0] =	ssyncset.done @!p0 $0x0  }
0x66: {  	[sflag:s0] =	ssyncadd.s32 @!p0 s1  }
0x67: {  	[bflag:$0x3] =	sbarrier.arrive $0xFFFF  }
0x68: {  	_ =	shalt  }

// kernel: kernel.46.cloned.1.call-start
scs
__scs_entry_jumppad:
0x0: {  	(pc) =	sbr.rel $0x88, $3  }
0x1: {  	(tag) =	ssettag $0x0;
	lr =	simm.s32 $0x1  }
0x2: {  	[smem:$0x3F82] =	sst lr;
	_ =	strace $0xD0000000  }
0x3: {  	_ = 	snop  }
0x4: {  	_ = 	snop  }
0x5: {  	_ = 	snop  }
0x6: {  	_ = 	snop  }
0x7: {  	_ = 	snop  }
__scs_overlays_trampoline_lowered:
0x8: {  	[smem:$0x3F91] =	sst s0  }
0x9: {  	[smem:$0x3F92] =	sst s1  }
0xa: {  	[smem:$0x3F93] =	sst s2  }
0xb: {  	[smem:$0x3F94] =	sst s3  }
0xc: {  	[smem:$0x3F95] =	sst s4  }
0xd: {  	[smem:$0x3F96] =	sst s5  }
0xe: {  	[smem:$0x3F97] =	sst s6  }
0xf: {  	[smem:$0x3F98] =	sst s7  }
0x10: {  	[smem:$0x3F99] =	sst s8  }
0x11: {  	[smem:$0x3F9A] =	sst s9;
	s0 =	simm.s32 @!p0 $0x0  }
0x12: {  	s1 =	sld [smem:$0x3F80];
	s0 =	simm.s32 @p0 $0x1  }
0x13: {  	[smem:$0x3F9B] =	sst s0;
	s0 =	simm.s32 @!p1 $0x0  }
0x14: {  	s2 =	sld [smem:$0x3F7F];
	s0 =	simm.s32 @p1 $0x1  }
0x15: {  	[smem:$0x3F9C] =	sst s0;
	s0 =	simm.s32 @!p2 $0x0  }
0x16: {  	s3 =	sld [smem:$0x3FDB];
	s0 =	simm.s32 @p2 $0x1  }
0x17: {  	s4 =	simm.s32 $0x1BF5;
	[smem:$0x3F9E] =	sst s0  }
0x18: {  	s0 =	sld [smem:$0x3F81];
	_ =	swait.ge [sflag:s4], $0x0  }
0x19: {  	s7 =	sld [smem:$0x3F82]  }
0x1a: {  	s8 =	sadd.s32 $0xFFFFE003, lr  }
0x1b: {  	s9 =	sadd.s32 $0xFFFFFEF7, lr;
	s5 =	simm.s32 $0xFFFFFFFF;
	p2 =	slt.u32 s8, $0xFFFFF086  }
0x1c: {  	p1 =	slt.u32 s9, $0xF7A;
	s5 =	simm.s32 @!p2 $0x0  }
0x1d: {  	s5 =	simm.s32 @p1 $0x1;
	p0 =	seq.s32 s7, s2  }
0x1e: {  	s7 =	smul.u32 @!p0 $0xF7A, s2;
	p2 =	seq.s32 @!p0 s5, $0x0  }
0x1f: {  	s9 =	smul.u32 $0xF7A, s1;
	s8 =	simm.s32 @!p0 $0x1BF5;
	p2 =	por !p2, p0  }
0x20: {  	[sflag:s8] =	ssyncset.s32 @!p0 $0xFFFFF086;
	s6 =	sadd.s32 @!p0 s3, s7;
	s7 =	simm.s32 @!p0 $0x108  }
0x21: {  	s3 =	sadd.s32 s3, s9;
	s6 =	sadd.s32 @!p0 $0x88, s6;
	s7 =	simm.s32 @p2 $0x1082  }
0x22: {  	[simem:s7], [sflag:s8] =	dma.local @!p0 [hbm:s6], $0xF7A  }
0x23: {  	s9 =	sor.u32 $0xD0000000, s2;
	s6 =	simm.s32 $0x108;
	_ =	swait.ge @!p0 [sflag:s8], $0x0  }
0x24: {  	s3 =	sadd.s32 $0x88, s3;
	s6 =	simm.s32 @!p1 $0x1082;
	[sflag:s4] =	ssyncset.s32 $0xFFFFF086  }
0x25: {  	[simem:s6], [sflag:s4] =	dma.local [hbm:s3], $0xF7A  }
0x26: {  	[smem:$0x3F82] =	sst s1;
	(tag) =	ssettag s2;
	_ =	strace s9  }
0x27: {  	s1 =	sld [smem:$0x3F92]  }
0x28: {  	s2 =	sld [smem:$0x3F93]  }
0x29: {  	s4 =	sld [smem:$0x3F95]  }
0x2a: {  	p0 =	seq.s32 s5, $0x0;
	s5 =	sld [smem:$0x3F96]  }
0x2b: {  	s6 =	sld [smem:$0x3F97]  }
0x2c: {  	s7 =	sld [smem:$0x3F98]  }
0x2d: {  	s3 =	simm.s32 $0x108;
	s8 =	sld [smem:$0x3F99]  }
0x2e: {  	s3 =	simm.s32 @!p0 $0x1082;
	s9 =	sld [smem:$0x3F9A]  }
0x2f: {  	lr =	sadd.s32 s0, s3;
	s0 =	sld [smem:$0x3F91]  }
0x30: {  	s3 =	sld [smem:$0x3F94]  }
0x31: {  	[smem:$0x3F9D] =	sst s10  }
0x32: {  	s10 =	sld [smem:$0x3F9B];
	_ =	sdelay $0x3  }
0x33: {  	p0 =	seq.s32 s10, $0x1;
	s10 =	sld [smem:$0x3F9D];
	_ =	sdelay $0x3  }
0x34: {  	[smem:$0x3F9D] =	sst s10  }
0x35: {  	s10 =	sld [smem:$0x3F9C];
	_ =	sdelay $0x3  }
0x36: {  	p1 =	seq.s32 s10, $0x1;
	s10 =	sld [smem:$0x3F9D];
	_ =	sdelay $0x3  }
0x37: {  	[smem:$0x3F9D] =	sst s10  }
0x38: {  	s10 =	sld [smem:$0x3F9E]  }
0x39: {  	_ = 	snop;
	(pc) =	sbr.ind lr, $3  }
0x3a: {  	_ = 	snop  }
0x3b: {  	_ = 	snop  }
0x3c: {  	p2 =	seq.s32 s10, $0x1;
	s10 =	sld [smem:$0x3F9D]  }
0x3d: {  	_ =	shalt  }
0x3e: {  	_ =	shalt  }
0x3f: {  	_ =	shalt  }
0x40: {  	_ =	shalt  }
0x41: {  	_ =	shalt  }
0x42: {  	_ =	shalt  }
0x43: {  	_ =	shalt  }
0x44: {  	_ =	shalt  }
0x45: {  	_ =	shalt  }
0x46: {  	_ =	shalt  }
0x47: {  	_ =	shalt  }
0x48: {  	_ =	shalt  }
0x49: {  	_ =	shalt  }
0x4a: {  	_ =	shalt  }
0x4b: {  	_ =	shalt  }
0x4c: {  	_ =	shalt  }
0x4d: {  	_ =	shalt  }
0x4e: {  	_ =	shalt  }
0x4f: {  	_ =	shalt  }
0x50: {  	_ =	shalt  }
0x51: {  	_ =	shalt  }
0x52: {  	_ =	shalt  }
0x53: {  	_ =	shalt  }
0x54: {  	_ =	shalt  }
0x55: {  	_ =	shalt  }
0x56: {  	_ =	shalt  }
0x57: {  	_ =	shalt  }
0x58: {  	_ =	shalt  }
0x59: {  	_ =	shalt  }
0x5a: {  	_ =	shalt  }
0x5b: {  	_ =	shalt  }
0x5c: {  	_ =	shalt  }
0x5d: {  	_ =	shalt  }
0x5e: {  	_ =	shalt  }
0x5f: {  	_ =	shalt  }
0x60: {  	_ =	shalt  }
0x61: {  	_ =	shalt  }
0x62: {  	_ =	shalt  }
0x63: {  	_ =	shalt  }
0x64: {  	_ =	shalt  }
0x65: {  	_ =	shalt  }
0x66: {  	_ =	shalt  }
0x67: {  	_ =	shalt  }
0x68: {  	_ =	shalt  }
0x69: {  	_ =	shalt  }
0x6a: {  	_ =	shalt  }
0x6b: {  	_ =	shalt  }
0x6c: {  	_ =	shalt  }
0x6d: {  	_ =	shalt  }
0x6e: {  	_ =	shalt  }
0x6f: {  	_ =	shalt  }
0x70: {  	_ =	shalt  }
0x71: {  	_ =	shalt  }
0x72: {  	_ =	shalt  }
0x73: {  	_ =	shalt  }
0x74: {  	_ =	shalt  }
0x75: {  	_ =	shalt  }
0x76: {  	_ =	shalt  }
0x77: {  	_ =	shalt  }
0x78: {  	_ =	shalt  }
0x79: {  	_ =	shalt  }
0x7a: {  	_ =	shalt  }
0x7b: {  	_ =	shalt  }
0x7c: {  	_ =	shalt  }
0x7d: {  	_ =	shalt  }
0x7e: {  	_ =	shalt  }
0x7f: {  	_ =	shalt  }
0x80: {  	_ =	shalt  }
0x81: {  	_ =	shalt  }
0x82: {  	_ =	shalt  }
0x83: {  	_ =	shalt  }
0x84: {  	_ =	shalt  }
0x85: {  	_ =	shalt  }
0x86: {  	_ =	shalt  }
0x87: {  	_ =	shalt  }
.Lfunc_end0:
.L_simem_size_0:
called_computation.6_lowered:
.L_overlay_start_0:
0x88: {  	s2 =	sld [smem:$0x3FD9]  }
0x89: {  	s3 =	sld [smem:$0x3FFE];
	_ =	sdelay $0x1  }
0x8a: {  	s1 =	srdreg.scid  }
0x8b: {  	s0 =	sand.u32 $0x1, s1  }
0x8c: {  	s17 =	sshll.u32 s0, $0xA;
	s2 =	sadd.s32 s3, s2  }
0x8d: {  	s2 =	sadd.s32 s2, s17  }
0x8e: {  	[smem:$0x3FA9] =	sst s2  }
0x8f: {  	_ = 	snop  }
0x90: {  	(tm) =	ssettm $0x1  }
0x91: {  	s18 =	sld [smem:$0x3FFB];
	_ =	sdelay $0x3  }
0x92: {  	_ =	strace s18  }
0x93: {  	s2 =	sld [smem:$0x3FFC];
	_ =	sdelay $0x3  }
0x94: {  	_ =	strace s2  }
0x95: {  	s2 =	sld [smem:$0x3FFD];
	_ =	sdelay $0x3  }
0x96: {  	_ =	strace s2  }
0x97: {  	_ =	strace $0x8FFFFFFF  }
0x98: {  	s19 =	sld [smem:$0x3FDB];
	_ =	sdelay $0x1  }
0x99: {  	s20 =	simm.s32 $_scs_section_size  }
0x9a: {  	s4 =	simm.s32 $_size__tile_overlayer_lowered;
	s5 =	simm.s32 $_tile_overlayer_lowered  }
0x9b: {  	s6 =	simm.s32 $0x1BFF;
	s21 =	sshll.u32 s5, $0x1;
	s3 =	sadd.s32 s20, s19  }
0x9c: {  	s22 =	simm.s32 $0x0;
	s4 =	sshll.u32 s4, $0x1;
	s5 =	sadd.s32 s21, s3  }
0x9d: {  	[timem:s22], [sflag:s6] =	dma.local [hbm:s5], s4  }
0x9e: {  	_ =	swait.ge [sflag:s6], s4  }
0x9f: {  	s4 =	ssub.s32 $0x0, s4;
	[sflag:s6] =	ssyncset.done $0x0  }
0xa0: {  	[sflag:s6] =	ssyncadd.s32 s4;
	_ =	sdelay $0x1  }
0xa1: {  	s23 =	simm.s32 $0x1B8B  }
0xa2: {  	_ =	swait.ge [sflag:s23], $0x1  }
0xa3: {  	[sflag:s23] =	ssyncset.done $0x0  }
0xa4: {  	[sflag:s23] =	ssyncadd.s32 $0xFFFFFFFF  }
0xa5: {  	s4 =	sld [smem:$0x0]  }
0xa6: {  	s5 =	sand.u32 $0xFFFFFFFE, s1  }
0xa7: {  	p0 =	sne.s32 s1, s5  }
0xa8: {  	s5 =	sshll.u32 @p0 s5, $0xE  }
0xa9: {  	s5 =	sadd.s32 @p0 $0x11B8D, s5;
	s6 =	sshll.u32 @p0 s4, $0x11  }
0xaa: {  	s5 =	sor.u32 @p0 s6, s5  }
0xab: {  	[sflag:s5] =	ssyncadd.remote.s32 @p0 $0x1;
	_ =	sdelay $0x1  }
0xac: {  	s5 =	simm.s32 @p0 $0x1B8D  }
0xad: {  	_ =	swait.eq @p0 [sflag:s5], $0x1  }
0xae: {  	[sflag:s5] =	ssyncadd.s32 @p0 $0xFFFFFFFF  }
0xaf: {  	s6 =	sshll.u32 @!p0 s1, $0xE  }
0xb0: {  	s6 =	sor.u32 @!p0 $0x4000, s6;
	s5 =	simm.s32 @!p0 $0x1B8D  }
0xb1: {  	s4 =	sshll.u32 @!p0 s4, $0x11;
	s6 =	sadd.s32 @!p0 $0x11B8D, s6;
	_ =	swait.eq @!p0 [sflag:s5], $0x1  }
0xb2: {  	s4 =	sor.u32 @!p0 s4, s6;
	[sflag:s5] =	ssyncadd.s32 @!p0 $0xFFFFFFFF  }
0xb3: {  	s25 =	simm.s32 $0x1B8E;
	s24 =	sld [smem:$0x3FFE];
	[sflag:s4] =	ssyncadd.remote.s32 @!p0 $0x1  }
0xb4: {  	s26 =	simm.s32 $execute0_lowered;
	[smem:$0x3FD2] =	sst s25  }
0xb5: {  	s5 =	sshll.u32 s26, $0x1;
	_ =	strace $0x80000058;
	[dreg:$0x1] =	wrdreg $0xFFFFFFFF  }
0xb6: {  	s28 =	simm.s32 $_size_execute0_lowered;
	s3 =	sadd.s32 s3, s5;
	[dreg:$0x0] =	wrdreg $0x0  }
0xb7: {  	s5 =	sshll.u32 s28, $0x1;
	[dreg:$0x2] =	wrdreg s3  }
0xb8: {  	[dreg:$0x3] =	wrdreg s5  }
0xb9: {  	[dreg:$0x4] =	wrdreg $0xC0  }
0xba: {  	_ =	task [dreg:s22], $0x5FFFF  }
0xbb: {  	[dreg:$0x1] =	wrdreg $0xFFFFFFFF  }
0xbc: {  	[dreg:$0x0] =	wrdreg $0x60  }
0xbd: {  	[dreg:$0x2] =	wrdreg s24  }
0xbe: {  	[dreg:$0x3] =	wrdreg $0x76200  }
0xbf: {  	[dreg:$0x4] =	wrdreg $0xA  }
0xc0: {  	_ =	task.clear_ibuf [dreg:s22], $0x5FFFF;
	_ =	strace $0x90000058  }
0xc1: {  	s29 =	simm.s32 $0xA;
	_ =	strace $0x8000005A  }
0xc2: {  	_ =	swait.ge [sflag:s29], $0x1  }
0xc3: {  	[sflag:s29] =	ssyncadd.s32 $0xFFFFFFFF  }
0xc4: {  	_ =	strace $0x9000005A  }
0xc5: {  	_ =	sfence  }
0xc6: {  	s30 =	sld [smem:$0x0];
	_ =	sdelay $0x2  }
0xc7: {  	s31 =	sshll.u32 s1, $0xD;
	s1 =	sshrl.u32 s1, $0x2  }
0xc8: {  	s4 =	sand.u32 $0x4000, s31;
	s1 =	sadd.s32 s1, s30  }
0xc9: {  	s0 =	sor.u32 s4, s0;
	s1 =	sshll.u32 s1, $0x11  }
0xca: {  	s0 =	sor.u32 s1, s0  }
0xcb: {  	s0 =	sadd.s32 $0x8F2B, s0  }
0xcc: {  	[sflag:s0] =	ssyncadd.remote.s32 $0x1  }
0xcd: {  	_ =	sfence.sel $0xFFFF  }
0xce: {  	[dreg:$0x0] =	wrdreg $0xFFFFFFFF;
	(pc) =	sbr.abs _section_cstart, $3  }
0xcf: {  	[dreg:$0x1] =	wrdreg $0xFFFFFFFF  }
0xd0: {  	_ =	task.clear_ibuf [dreg:s22], $0x2FFFF;
	_ =	strace $0x9FFFFFFF  }
0xd1: {  	(tm) =	ssettm $0x7FFFFFFF  }
tec
execute0_lowered:
.L_overlay_start_1:
0x0: {  	(tag) =	ssettag $0x1  }
0x1: {  	s8 =	rddreg [dreg:$0x0]  }
0x2: {  	s2 =	rddreg [dreg:$0x1]  }
0x3: {  	s0 =	rddreg [dreg:$0x2]  }
0x4: {  	s3 =	simm.s32 $0x0;
	s1 =	stileid.u32;
	s9 =	srdreg.scid  }
0x5: {  	s16 =	simm.s32 $0x2710;
	s17 =	simm.s32 $0x50;
	s18 =	simm.s32 $0x4E20  }
0x6: {  	s19 =	simm.s32 $0x1;
	s20 =	simm.s32 $0x0;
	s6 =	smul.u32 $0x280, s1  }
0x7: {  	[smem:$0x7FF] =	sst s3;
	s4 =	sadd.s32 $0x88C00, s8;
	s7 =	smul.u32 $0x4E2, s1  }
0x8: {  	s5 =	sadd.s32 $0xAFE00, s8;
	s14 =	sand.u32 $0x1, s9;
	s31 =	sshll.u32 s1, $0x6  }
0x9: {  	_ =	strace $0x80000059;
	s9 =	ssub.s32 $0x2, s14;
	p0 =	sne.s32 s14, $0x0  }
0xa: {  	s10 =	smin.u32 s6, $0x2490;
	s12 =	sadd.s32 s7, s8;
	s7 =	sadd.s32 $0x125400, s8  }
.Ltmp0:
0xb: {  	s13 =	sshrl.u32 s9, $0x1;
	s6 =	sshll.u32 s10, $0x4;
	(pc) =	sbr.rel .LBB2_1-.Ltmp0, $4  }
0xc: {  	s13 =	ssub.s32 s9, s13;
	s30 =	sshll.u32 s10, $0x7;
	s10 =	sor.u32 $0x1C02, s31  }
0xd: {  	s11 =	sadd.s32 s6, s8;
	s8 =	sadd.s32 $0x14C600, s8;
	s15 =	sadd.s32 s30, s2  }
0xe: {  	s13 =	smax.u32 s13, $0x1;
	s9 =	sadd.s32 $0x61A00, s11;
	s11 =	sadd.s32 $0x9600, s12  }
0xf: {  	s12 =	sadd.s32 $0xE600, s12;
	s14 =	sshrl.u32 s15, $0x3;
	s15 =	simm.s32 $0x2  }
.LBB2_7:
0x10: {  	s21 =	sshra.s32 s21, $0x2;
	[sflag:s15] =	ssyncadd.s32 $0xFFFFD800  }
0x11: {  	[tilespmem:s18], [sflag:$0x1] =	stream.indirect.gather [hbm4b:s5+s17], $0x80, s21, s17, $0xb8;
	[tilespmem:$0x1AEA0] =	vst v63  }
0x12: {  	_ =	swait.ge [sflag:s19], $0x2800  }
0x13: {  	[sflag:s19] =	ssyncset.done $0x0  }
0x14: {  	s21 =	sadd.s32 $0x2710, s21;
	[sflag:s19] =	ssyncadd.s32 $0xFFFFD800  }
0x15: {  	[spmem:s2] =	stream.indirect.scatter.add.f32 [tilespmem:s18], [sflag:$0x2], $0x80, s21, s17, $0xb8;
	[tilespmem:$0x1AEA0] =	vst v63  }
0x16: {  	_ =	swait.ge [sflag:s15], $0x2800  }
0x17: {  	[sflag:s15] =	ssyncset.done $0x0  }
0x18: {  	s21 =	smov.u32 s8;
	[sflag:s15] =	ssyncadd.s32 $0xFFFFD800  }
.LBB2_8:
0x19: {  	s20 =	sadd.s32 $0x1, s20  }
0x1a: {  	p1 =	sne.s32 s20, s13  }
.Ltmp1:
0x1b: {  	s21 =	sadd.s32 s21, s6;
	[bflag:$0x0] =	sbarrier.arrive $0xFFFF;
	(pc) =	sbr.rel @!p1 .LBB2_9-.Ltmp1, $4  }
0x1c: {  	[hbm:s21], [sflag:s10] =	dma.local [spmem:s14], $0x2800  }
0x1d: {  	_ =	swait.ge [sflag:s15], $0x2800  }
0x1e: {  	[sflag:s15] =	ssyncset.done $0x0  }
0x1f: {  	[sflag:s15] =	ssyncadd.s32 $0xFFFFD800  }
.LBB2_1:
0x20: {  	[spmem:s14], [sflag:s10] =	dma.local [hbm:s9], $0x2800  }
0x21: {  	_ =	swait.ge [sflag:s15], $0x2800  }
0x22: {  	[sflag:s15] =	ssyncset.done $0x0  }
0x23: {  	[sflag:s15] =	ssyncadd.s32 $0xFFFFD800  }
0x24: {  	[tilespmem:s3], [sflag:$0x2] =	stream.linear.gather [hbm4b:s11+s3], $0x2710, $0x38;
	[tilespmem:$0x1AEA0] =	vst v63  }
0x25: {  	_ =	swait.ge [sflag:s15], $0x2710  }
0x26: {  	[sflag:s15] =	ssyncset.done $0x0  }
0x27: {  	[sflag:s15] =	ssyncadd.s32 $0xFFFFD8F0  }
0x28: {  	[tilespmem:s16], [sflag:$0x2] =	stream.linear.gather [hbm4b:s12+s3], $0x2710, $0x38;
	[tilespmem:$0x1AEA0] =	vst v63  }
.Ltmp2:
0x29: {  	_ =	swait.ge [sflag:s15], $0x2710;
	(pc) =	sbr.rel @p0 .LBB2_5-.Ltmp2, $4  }
0x2a: {  	[sflag:s15] =	ssyncset.done $0x0  }
0x2b: {  	[sflag:s15] =	ssyncadd.s32 $0xFFFFD8F0  }
0x2c: {  	[bflag:$0x0] =	sbarrier.arrive $0xFFFF  }
0x2d: {  	s21 =	simm.s32 $0x0  }
0x2e: {  	[tilespmem:s18], [sflag:$0x1] =	stream.indirect.gather [hbm4b:s4+s17], $0x80, s21, s17, $0xb8;
	[tilespmem:$0x1AEA0] =	vst v63  }
0x2f: {  	_ =	swait.ge [sflag:s19], $0x2800  }
0x30: {  	[sflag:s19] =	ssyncset.done $0x0  }
0x31: {  	s31 =	simm.s32 $0x2710;
	[sflag:s19] =	ssyncadd.s32 $0xFFFFD800  }
0x32: {  	[spmem:s2] =	stream.indirect.scatter.add.f32 [tilespmem:s18], [sflag:$0x2], $0x80, s31, s17, $0xb8;
	[tilespmem:$0x1AEA0] =	vst v63  }
0x33: {  	_ =	swait.ge [sflag:s15], $0x2800  }
0x34: {  	s21 =	simm.s32 $0x140;
	s22 =	simm.s32 $0x280;
	[sflag:s15] =	ssyncset.done $0x0  }
.LBB2_3:
0x35: {  	s23 =	sshra.s32 s21, $0x2  }
0x36: {  	[sflag:s15] =	ssyncadd.s32 $0xFFFFD800;
	s21 =	smov.u32 s22;
	s24 =	sadd.s32 $0x140, s22  }
0x37: {  	[tilespmem:s18], [sflag:$0x1] =	stream.indirect.gather [hbm4b:s4+s17], $0x80, s23, s17, $0xb8;
	[tilespmem:$0x1AEA0] =	vst v63  }
0x38: {  	p1 =	seq.s32 s22, $0x9B00;
	_ =	swait.ge [sflag:s19], $0x2800  }
.Ltmp3:
0x39: {  	[sflag:s19] =	ssyncset.done $0x0;
	(pc) =	sbr.rel @!p1 .LBB2_3-.Ltmp3, $4  }
0x3a: {  	s22 =	sadd.s32 $0x2710, s23;
	[sflag:s19] =	ssyncadd.s32 $0xFFFFD800  }
0x3b: {  	[spmem:s2] =	stream.indirect.scatter.add.f32 [tilespmem:s18], [sflag:$0x2], $0x80, s22, s17, $0xb8;
	[tilespmem:$0x1AEA0] =	vst v63  }
0x3c: {  	_ =	swait.ge [sflag:s15], $0x2800  }
0x3d: {  	s22 =	smov.u32 s24;
	[sflag:s15] =	ssyncset.done $0x0  }
0x3e: {  	s21 =	sshra.s32 s21, $0x2;
	[sflag:s15] =	ssyncadd.s32 $0xFFFFD800  }
0x3f: {  	[tilespmem:s18], [sflag:$0x1] =	stream.indirect.gather [hbm4b:s4+s17], $0x80, s21, s17, $0xb8;
	[tilespmem:$0x1AEA0] =	vst v63  }
0x40: {  	_ =	swait.ge [sflag:s19], $0x2800  }
0x41: {  	[sflag:s19] =	ssyncset.done $0x0  }
.Ltmp4:
0x42: {  	s21 =	sadd.s32 $0x2710, s21;
	[sflag:s19] =	ssyncadd.s32 $0xFFFFD800;
	(pc) =	sbr.rel .LBB2_8-.Ltmp4, $4  }
0x43: {  	[spmem:s2] =	stream.indirect.scatter.add.f32 [tilespmem:s18], [sflag:$0x2], $0x80, s21, s17, $0xb8;
	[tilespmem:$0x1AEA0] =	vst v63  }
0x44: {  	_ =	swait.ge [sflag:s15], $0x2800  }
0x45: {  	[sflag:s15] =	ssyncset.done $0x0  }
0x46: {  	s21 =	smov.u32 s7;
	[sflag:s15] =	ssyncadd.s32 $0xFFFFD800  }
.LBB2_5:
0x47: {  	[tilespmem:s18], [sflag:$0x1] =	stream.indirect.gather [hbm4b:s5+s17], $0x80, s21, s17, $0xb8;
	[tilespmem:$0x1AEA0] =	vst v63  }
0x48: {  	_ =	swait.ge [sflag:s19], $0x2800  }
0x49: {  	[sflag:s19] =	ssyncset.done $0x0  }
0x4a: {  	s31 =	simm.s32 $0x2710;
	[sflag:s19] =	ssyncadd.s32 $0xFFFFD800  }
0x4b: {  	[spmem:s2] =	stream.indirect.scatter.add.f32 [tilespmem:s18], [sflag:$0x2], $0x80, s31, s17, $0xb8;
	[tilespmem:$0x1AEA0] =	vst v63  }
0x4c: {  	_ =	swait.ge [sflag:s15], $0x2800  }
0x4d: {  	s21 =	simm.s32 $0x140;
	s22 =	simm.s32 $0x280;
	[sflag:s15] =	ssyncset.done $0x0  }
.LBB2_6:
0x4e: {  	s23 =	sshra.s32 s21, $0x2  }
0x4f: {  	[sflag:s15] =	ssyncadd.s32 $0xFFFFD800;
	s21 =	smov.u32 s22;
	s24 =	sadd.s32 $0x140, s22  }
0x50: {  	[tilespmem:s18], [sflag:$0x1] =	stream.indirect.gather [hbm4b:s5+s17], $0x80, s23, s17, $0xb8;
	[tilespmem:$0x1AEA0] =	vst v63  }
0x51: {  	p1 =	sne.s32 s22, $0x9B00;
	_ =	swait.ge [sflag:s19], $0x2800  }
.Ltmp5:
0x52: {  	[sflag:s19] =	ssyncset.done $0x0;
	(pc) =	sbr.rel @p1 .LBB2_6-.Ltmp5, $4  }
0x53: {  	s22 =	sadd.s32 $0x2710, s23;
	[sflag:s19] =	ssyncadd.s32 $0xFFFFD800  }
0x54: {  	[spmem:s2] =	stream.indirect.scatter.add.f32 [tilespmem:s18], [sflag:$0x2], $0x80, s22, s17, $0xb8;
	[tilespmem:$0x1AEA0] =	vst v63  }
0x55: {  	_ =	swait.ge [sflag:s15], $0x2800  }
0x56: {  	s22 =	smov.u32 s24;
	[sflag:s15] =	ssyncset.done $0x0  }
.Ltmp6:
0x57: {  	_ = 	snop;
	(pc) =	sbr.rel .LBB2_7-.Ltmp6, $1  }
0x58: {  	_ =	sdelay $0x3  }
.LBB2_9:
0x59: {  	_ =	sfence.sel $0x180000  }
0x5a: {  	[bflag:$0x0] =	sbarrier.arrive $0xFFFF  }
0x5b: {  	p0 =	sne.s32 s1, $0x0;
	_ =	strace $0x90000059  }
0x5c: {  	s0 =	sadd.s32 @!p0 $0x100000, s0;
	[bflag:$0x2] =	sbarrier.arrive $0xFFFF  }
0x5d: {  	[sflag:s0] =	ssyncadd.tile.s32 @!p0 $0x1;
	_ =	shalt  }
.Lfunc_end2:
_tile_overlayer_lowered:
.L_overlay_start_2:
0x5e: {  	(tag) =	ssettag $0x2  }
0x5f: {  	s0 =	rddreg [dreg:$0x0];
	s2 =	stileid.u32  }
0x60: {  	s1 =	rddreg [dreg:$0x1];
	p0 =	sne.s32 s2, $0x0  }
0x61: {  	s3 =	rddreg [dreg:$0x2];
	[bflag:$0x3] =	sbarrier.arrive $0xFFFF;
	s2 =	simm.s32 @!p0 $0x1C02  }
0x62: {  	[timem:s3], [sflag:s2] =	dma.local @!p0 [hbm:s0], s1  }
0x63: {  	s0 =	simm.s32 @!p0 $0x2  }
0x64: {  	_ =	swait.ge @!p0 [sflag:s0], s1  }
0x65: {  	s1 =	ssub.s32 @!p0 $0x0, s1;
	[sflag:s0] =	ssyncset.done @!p0 $0x0  }
0x66: {  	[sflag:s0] =	ssyncadd.s32 @!p0 s1  }
0x67: {  	[bflag:$0x3] =	sbarrier.arrive $0xFFFF  }
0x68: {  	_ =	shalt  }

</sc_bundles>
